<compile_context>
chip_gen: v7x
topology: tpu7x:2x2x1
jax: 0.10.2.dev20260603
libtpu: 0.0.44.dev20260713+nightly
codegen_flags: <defaults>
</compile_context>

<pallas_src>
import functools

import jax
import jax.numpy as jnp
from jax import lax
from jax.experimental import pallas as pl
from jax.experimental.pallas import tpu as pltpu
from jax.experimental.pallas import tpu_sc as plsc

N = 10000
D = 128
H = 16
C = 10

NC = 2
NS = 16
NW = NC * NS
BATCH = 128
NPAD = 10240
CHUNK = NPAD // NS

_MESH = plsc.VectorSubcoreMesh(core_axis_name="c", subcore_axis_name="s")
_SC_PARAMS = pltpu.CompilerParams(
    use_tc_tiling_on_sc=False, needs_layout_passes=False
)


EXTRA = 4


def _rsqrt16(v):
    i = plsc.bitcast(v, jnp.int32)
    i = jnp.int32(0x5F3759DF) - (i >> 1)
    y = plsc.bitcast(i, jnp.float32)
    for _ in range(3):
        y = y * (1.5 - 0.5 * v * y * y)
    return y


def _zero_acc_slice(zbuf, acc, s):
    def zrow(i, _):
        zbuf[i, :] = jnp.zeros((16,), jnp.float32)
        return 0

    lax.fori_loop(0, CHUNK, zrow, 0)
    pltpu.sync_copy(zbuf, acc.at[pl.ds(s * CHUNK, CHUNK)])


def _edge_pass(ev_v, g_sh, acc, bufs, gsems, ssems, nb):

    def fire_g(j, b):
        pltpu.async_copy(g_sh.at[ev_v.at[j, 0]], bufs[b], gsems[b])

    def wait_g(j, b):
        pltpu.make_async_copy(
            g_sh.at[ev_v.at[j, 0]], bufs[b], gsems[b]
        ).wait()

    def fire_s(j, b):
        pltpu.async_copy(bufs[b], acc.at[ev_v.at[j, 1]], ssems[b], add=True)

    def wait_s(j, b):
        pltpu.make_async_copy(
            bufs[b], acc.at[ev_v.at[j, 1]], ssems[b]
        ).wait()

    def step(j, b, do_wait_s, do_fire_g):
        b2 = (b + 2) % 4
        if do_wait_s:
            wait_s(j - 2, b2)
        if do_fire_g:
            fire_g(j + 2, b2)
        wait_g(j, b)
        fire_s(j, b)

    fire_g(0, 0)
    fire_g(1, 1)
    step(0, 0, False, True)
    step(1, 1, False, True)

    def body(q, _):
        j0 = 2 + q * 4
        for r in range(4):
            step(j0 + r, (2 + r) % 4, True, True)
        return 0

    nq = (nb - 6) // 4
    lax.fori_loop(0, nq, body, 0)
    for j in range(2 + 4 * nq, nb - 2):
        step(j, j % 4, True, True)
    for j in (nb - 2, nb - 1):
        step(j, j % 4, True, False)
    wait_s(nb - 2, (nb - 2) % 4)
    wait_s(nb - 1, (nb - 1) % 4)


def _make_sc_layer1(nb):
    @functools.partial(
        pl.kernel,
        out_type=(
            jax.ShapeDtypeStruct((NC, NPAD, 16), jnp.float32),
            jax.ShapeDtypeStruct((NPAD, 16), jnp.float32),
            jax.ShapeDtypeStruct((NPAD, 16), jnp.float32),
        ),
        mesh=_MESH,
        compiler_params=_SC_PARAMS,
        scratch_types=[
            pltpu.VMEM((nb + 1, 2, BATCH), jnp.int32),
            pltpu.VMEM((nb + 1, 2, BATCH), jnp.int32),
            pltpu.VMEM((BATCH,), jnp.float32),
            pltpu.VMEM((CHUNK,), jnp.float32),
            pltpu.VMEM((CHUNK,), jnp.float32),
            pltpu.VMEM((CHUNK, 16), jnp.float32),
            pltpu.VMEM((CHUNK, 16), jnp.float32),
            pltpu.VMEM((CHUNK, 16), jnp.float32),
            pltpu.VMEM((CHUNK, 16), jnp.float32),
            [pltpu.VMEM((BATCH, 16), jnp.float32) for _ in range(4)],
            pltpu.VMEM_SHARED((NPAD,), jnp.float32),
            pltpu.VMEM_SHARED((NPAD, 16), jnp.float32),
            pltpu.VMEM_SHARED((NPAD, 16), jnp.float32),
            [pltpu.SemaphoreType.DMA for _ in range(4)],
            [pltpu.SemaphoreType.DMA for _ in range(4)],
            pltpu.SemaphoreType.DMA,
        ],
    )
    def sc_layer1(
        ev_hbm, h_hbm, out_hbm, g_hbm, dinv_hbm,
        ev_v, ev2_v, ones_v, degc, dinvc, zbuf, hc, gc, dc,
        bufs, deg_sh, g_sh, acc, gsems, ssems, semc,
    ):
        c = lax.axis_index("c")
        s = lax.axis_index("s")
        wid = c * NS + s
        wid2 = (1 - c) * NS + s

        for k in range(CHUNK // 16):
            degc[pl.ds(k * 16, 16)] = jnp.zeros((16,), jnp.float32)
        for k in range(BATCH // 16):
            ones_v[pl.ds(k * 16, 16)] = jnp.ones((16,), jnp.float32)
        pltpu.sync_copy(degc, deg_sh.at[pl.ds(s * CHUNK, CHUNK)])
        _zero_acc_slice(zbuf, acc, s)
        pltpu.sync_copy(ev_hbm.at[pl.ds(wid * nb, nb)], ev_v.at[pl.ds(0, nb)])
        pltpu.sync_copy(
            ev_hbm.at[pl.ds(wid2 * nb, nb)], ev2_v.at[pl.ds(0, nb)]
        )

        @pl.when(wid < EXTRA)
        def _():
            pltpu.sync_copy(ev_hbm.at[NW * nb + wid], ev_v.at[nb])

        @pl.when(wid2 < EXTRA)
        def _():
            pltpu.sync_copy(ev_hbm.at[NW * nb + wid2], ev2_v.at[nb])

        pltpu.sync_copy(
            h_hbm.at[pl.ds(s * CHUNK, CHUNK), pl.ds(0, 16)], hc
        )
        plsc.subcore_barrier()

        def count_slab(evv, has_extra):
            def fire(j):
                pltpu.async_copy(
                    ones_v, deg_sh.at[evv.at[j, 1]], semc, add=True
                )

            def drain():
                pltpu.make_async_copy(
                    ones_v, deg_sh.at[evv.at[0, 1]], semc
                ).wait()

            for j in range(8):
                fire(j)

            def cnt(j, _):
                drain()
                fire(j)
                return 0

            lax.fori_loop(8, nb, cnt, 0)

            @pl.when(has_extra)
            def _():
                fire(nb)

            for _ in range(8):
                drain()

            @pl.when(has_extra)
            def _():
                drain()

        count_slab(ev_v, wid < EXTRA)
        count_slab(ev2_v, wid2 < EXTRA)
        plsc.subcore_barrier()

        pltpu.sync_copy(deg_sh.at[pl.ds(s * CHUNK, CHUNK)], degc)
        for k in range(CHUNK // 16):
            v = degc[pl.ds(k * 16, 16)] + 1.0
            dinvc[pl.ds(k * 16, 16)] = _rsqrt16(v)

        def brow(q, _):
            r0 = q * 4
            for k in range(4):
                r = r0 + k
                dsp = plsc.load_gather(
                    dinvc, [jnp.full((16,), r, jnp.int32)]
                )
                gc[r, :] = hc[r, :] * dsp
                dc[r, :] = dsp
            return 0

        lax.fori_loop(0, CHUNK // 4, brow, 0)
        pltpu.sync_copy(gc, g_sh.at[pl.ds(s * CHUNK, CHUNK)])

        @pl.when(c == 0)
        def _():
            pltpu.sync_copy(gc, g_hbm.at[pl.ds(s * CHUNK, CHUNK)])
            pltpu.sync_copy(dc, dinv_hbm.at[pl.ds(s * CHUNK, CHUNK)])

        plsc.subcore_barrier()

        _edge_pass(ev_v, g_sh, acc, bufs, gsems, ssems, nb)

        @pl.when(wid < EXTRA)
        def _():
            pltpu.sync_copy(g_sh.at[ev_v.at[nb, 0]], bufs[0])
            pltpu.sync_copy(bufs[0], acc.at[ev_v.at[nb, 1]], add=True)

        plsc.subcore_barrier()
        pltpu.sync_copy(
            acc.at[pl.ds(s * CHUNK, CHUNK)],
            out_hbm.at[c, pl.ds(s * CHUNK, CHUNK)],
        )

    return sc_layer1


def _make_sc_layer2(nb):
    @functools.partial(
        pl.kernel,
        out_type=jax.ShapeDtypeStruct((NC, NPAD, 16), jnp.float32),
        mesh=_MESH,
        compiler_params=_SC_PARAMS,
        scratch_types=[
            pltpu.VMEM((nb + 1, 2, BATCH), jnp.int32),
            [pltpu.VMEM((BATCH, 16), jnp.float32) for _ in range(4)],
            pltpu.VMEM((CHUNK, 16), jnp.float32),
            pltpu.VMEM_SHARED((NPAD, 16), jnp.float32),
            pltpu.VMEM_SHARED((NPAD, 16), jnp.float32),
            [pltpu.SemaphoreType.DMA for _ in range(4)],
            [pltpu.SemaphoreType.DMA for _ in range(4)],
        ],
    )
    def sc_layer2(
        ev_hbm, g_hbm, out_hbm,
        ev_v, bufs, zbuf, g_sh, acc, gsems, ssems,
    ):
        c = lax.axis_index("c")
        s = lax.axis_index("s")
        wid = c * NS + s

        _zero_acc_slice(zbuf, acc, s)
        pltpu.sync_copy(ev_hbm.at[pl.ds(wid * nb, nb)], ev_v.at[pl.ds(0, nb)])

        @pl.when(wid < EXTRA)
        def _():
            pltpu.sync_copy(ev_hbm.at[NW * nb + wid], ev_v.at[nb])

        pltpu.sync_copy(
            g_hbm.at[pl.ds(s * CHUNK, CHUNK)],
            g_sh.at[pl.ds(s * CHUNK, CHUNK)],
        )
        plsc.subcore_barrier()
        _edge_pass(ev_v, g_sh, acc, bufs, gsems, ssems, nb)

        @pl.when(wid < EXTRA)
        def _():
            pltpu.sync_copy(g_sh.at[ev_v.at[nb, 0]], bufs[0])
            pltpu.sync_copy(bufs[0], acc.at[ev_v.at[nb, 1]], add=True)

        plsc.subcore_barrier()
        pltpu.sync_copy(
            acc.at[pl.ds(s * CHUNK, CHUNK)],
            out_hbm.at[c, pl.ds(s * CHUNK, CHUNK)],
        )

    return sc_layer2


NF = NPAD * 16 // 128


def _tc1_body(x_ref, w_ref, h_ref):
    h = jnp.dot(
        x_ref[...], w_ref[...],
        preferred_element_type=jnp.float32,
        precision=lax.Precision.HIGHEST,
    )
    h_ref[pl.ds(0, N), :] = h
    h_ref[pl.ds(N, NPAD - N), :] = jnp.zeros((NPAD - N, 128), jnp.float32)


def _tc2_body(s_ref, g_ref, dinv_ref, b_ref, w_ref, o_ref):
    tot = s_ref[:NF] + s_ref[NF:] + g_ref[...]
    h2 = jnp.maximum(dinv_ref[...] * tot + b_ref[...], 0.0)
    o_ref[...] = (
        jnp.dot(h2, w_ref[...], preferred_element_type=jnp.float32, precision=lax.Precision.HIGHEST)
        * dinv_ref[...]
    )


def _tc3_body(s_ref, g_ref, dinv_ref, b_ref, ones_ref, o_ref):
    o = dinv_ref[...] * (s_ref[:NF] + s_ref[NF:] + g_ref[...]) + b_ref[...]
    col = lax.broadcasted_iota(jnp.int32, o.shape, 1) % 16
    valid = col < C
    m = jnp.max(jnp.where(valid, o, -jnp.inf), axis=1, keepdims=True)
    om = o - m
    e = jnp.where(valid, jnp.exp(om), 0.0)
    ssum = jnp.dot(e, ones_ref[...], preferred_element_type=jnp.float32, precision=lax.Precision.HIGHEST)
    o_ref[...] = om - jnp.log(ssum)


def _flat_spec(rows):
    return pl.BlockSpec((rows, 128), lambda: (0, 0))


_tc1 = pl.pallas_call(
    _tc1_body,
    in_specs=[_flat_spec(N), _flat_spec(D)],
    out_specs=_flat_spec(NPAD),
    out_shape=jax.ShapeDtypeStruct((NPAD, 128), jnp.float32),
)

_tc2 = pl.pallas_call(
    _tc2_body,
    in_specs=[
        _flat_spec(2 * NF),
        _flat_spec(NF),
        _flat_spec(NF),
        pl.BlockSpec((1, 128), lambda: (0, 0)),
        _flat_spec(128),
    ],
    out_specs=_flat_spec(NF),
    out_shape=jax.ShapeDtypeStruct((NF, 128), jnp.float32),
)

_tc3 = pl.pallas_call(
    _tc3_body,
    in_specs=[
        _flat_spec(2 * NF),
        _flat_spec(NF),
        _flat_spec(NF),
        pl.BlockSpec((1, 128), lambda: (0, 0)),
        _flat_spec(128),
    ],
    out_specs=_flat_spec(NF),
    out_shape=jax.ShapeDtypeStruct((NF, 128), jnp.float32),
)


def kernel(x, edge_index, W1, b1, W2, b2):
    e = edge_index.shape[1]
    ebat = e // BATCH
    nb = ebat // NW
    eview = jnp.transpose(edge_index.reshape(2, ebat, BATCH), (1, 0, 2))

    eye8 = jnp.eye(8, dtype=jnp.float32)
    w2p = jnp.pad(W2, ((0, 0), (0, 16 - C)))
    w2blk = jnp.kron(eye8, w2p)
    onesblk = jnp.kron(eye8, jnp.ones((16, 16), jnp.float32))
    b1t = jnp.tile(b1, 8).reshape(1, 128)
    b2t = jnp.tile(jnp.pad(b2, (0, 16 - C)), 8).reshape(1, 128)

    w1p = jnp.pad(W1, ((0, 0), (0, 128 - H)))
    y1 = _tc1(x, w1p)
    s1, g1, dinv = _make_sc_layer1(nb)(eview, y1)

    s1f = s1.reshape(2 * NF, 128)
    g1f = g1.reshape(NF, 128)
    dinvf = dinv.reshape(NF, 128)
    g2f = _tc2(s1f, g1f, dinvf, b1t, w2blk)

    s2 = _make_sc_layer2(nb)(eview, g2f.reshape(NPAD, 16))
    of = _tc3(s2.reshape(2 * NF, 128), g2f, dinvf, b2t, onesblk)
    return of.reshape(NPAD, 16)[:N, :C]

# --- scband reference (transcript-rebuilt; emitter-appended) ---
"""Pipeline reference for scband-gcn-34677565948890 (READ-ONLY COPY).

The authoritative reference and input builder live on the scoring server;
editing this copy changes nothing except your own understanding.
"""

import jax, jax.numpy as jnp
import numpy as np

N = 10000
E = 320000
D = 128
H = 16
C = 10


def gcn_conv(x, edge_index, W, b):
    n = x.shape[0]
    self_loops = jnp.arange(n, dtype=edge_index.dtype)
    src = jnp.concatenate([edge_index[0], self_loops])
    dst = jnp.concatenate([edge_index[1], self_loops])
    deg = jnp.zeros((n,), dtype=x.dtype).at[dst].add(1.0)
    dinv = jnp.where(deg > 0, deg ** -0.5, 0.0)
    norm = dinv[src] * dinv[dst]
    h = x @ W
    msg = h[src] * norm[:, None]
    out = jnp.zeros((n, h.shape[1]), dtype=h.dtype).at[dst].add(msg)
    return out + b


def setup_inputs(seed: int = 0) -> dict:
    key = jax.random.key(seed)
    k1, k2, k3, k4, k5, k6 = jax.random.split(key, 6)
    x = jax.random.normal(k1, (N, D), dtype=jnp.float32)
    edge_index = jax.random.randint(k2, (2, E), 0, N, dtype=jnp.int32)
    W1 = jax.random.normal(k3, (D, H), dtype=jnp.float32) * (1.0 / np.sqrt(D))
    b1 = jnp.zeros((H,), dtype=jnp.float32)
    W2 = jax.random.normal(k4, (H, C), dtype=jnp.float32) * (1.0 / np.sqrt(H))
    b2 = jnp.zeros((C,), dtype=jnp.float32)
    return {"x": x, "edge_index": edge_index, "W1": W1, "b1": b1, "W2": W2, "b2": b2}


def reference(x, edge_index, W1, b1, W2, b2):
    h = gcn_conv(x, edge_index, W1, b1)
    h = jax.nn.relu(h)
    # F.dropout(training=self.training): evaluated in eval mode -> identity
    o = gcn_conv(h, edge_index, W2, b2)
    return jax.nn.log_softmax(o, axis=1)

if __name__ == "__main__":
    import jax
    _d = setup_inputs()
    print(jax.jit(kernel)(*tuple(_d.values())))

</pallas_src>

<mosaic_0001>
#map = affine_map<(d0, d1) -> (0, 0, 0)>
#map1 = affine_map<(d0, d1) -> (0, 0)>
module attributes {stable_mosaic.version = 14 : i64} {
  func.func @sc_layer2(%arg0: i32, %arg1: i32, %arg2: memref<2500x2x128xi32, #tpu.memory_space<hbm>>, %arg3: memref<10240x16xf32, #tpu.memory_space<hbm>>, %arg4: memref<2x10240x16xf32, #tpu.memory_space<hbm>>, %arg5: memref<79x2x128xi32, #tpu.memory_space<vmem>>, %arg6: memref<128x16xf32, #tpu.memory_space<vmem>>, %arg7: memref<128x16xf32, #tpu.memory_space<vmem>>, %arg8: memref<128x16xf32, #tpu.memory_space<vmem>>, %arg9: memref<128x16xf32, #tpu.memory_space<vmem>>, %arg10: memref<640x16xf32, #tpu.memory_space<vmem>>, %arg11: memref<10240x16xf32, #tpu.memory_space<vmem_shared>>, %arg12: memref<10240x16xf32, #tpu.memory_space<vmem_shared>>, %arg13: memref<!tpu.dma_semaphore, #tpu.memory_space<semaphore_mem>>, %arg14: memref<!tpu.dma_semaphore, #tpu.memory_space<semaphore_mem>>, %arg15: memref<!tpu.dma_semaphore, #tpu.memory_space<semaphore_mem>>, %arg16: memref<!tpu.dma_semaphore, #tpu.memory_space<semaphore_mem>>, %arg17: memref<!tpu.dma_semaphore, #tpu.memory_space<semaphore_mem>>, %arg18: memref<!tpu.dma_semaphore, #tpu.memory_space<semaphore_mem>>, %arg19: memref<!tpu.dma_semaphore, #tpu.memory_space<semaphore_mem>>, %arg20: memref<!tpu.dma_semaphore, #tpu.memory_space<semaphore_mem>>) attributes {dimension_semantics = [#tpu.dimension_semantics<core_parallel>, #tpu.dimension_semantics<subcore_parallel>], iteration_bounds = array<i64: 2, 16>, scalar_prefetch = 0 : i64, scratch_operands = 16 : i64, tpu.core_type = #tpu.core_type<sc_vector_subcore>, window_params = [{transform_indices = #map}, {transform_indices = #map1}, {transform_indices = #map}]} {
    %mul3A = arith.constant 16 : i32
    %mul3A_0 = arith.muli %arg0, %mul3A : i32
    %add3A = arith.addi %mul3A_0, %arg1 : i32
    %scan3A = arith.constant 0 : i32
    %scan3A_1 = arith.constant 0 : i32
    %scan3A_2 = arith.constant 640 : i32
    %scan3A_3 = arith.addi %scan3A_1, %scan3A_2 : i32
    %scan3A_4 = arith.constant 1 : i32
    %scan3A_5 = scf.for %scan3A_224 = %scan3A_1 to %scan3A_3 step %scan3A_4 iter_args(%scan3A_225 = %scan3A) -> (i32)  : i32 {
      %broadcast_in_dim3A = arith.constant 0.000000e+00 : f32
      %broadcast_in_dim3A_226 = vector.broadcast %broadcast_in_dim3A : f32 to vector<16xf32>
      %swap3A = arith.index_cast %scan3A_224 : i32 to index
      %swap3A_227 = arith.constant 0 : index
      %swap3A_228 = tpu.vector_load %arg10[%swap3A, %swap3A_227] {strides = array<i32>} : memref<640x16xf32, #tpu.memory_space<vmem>>, vector<16xf32>,
      tpu.vector_store %arg10[%swap3A, %swap3A_227], %broadcast_in_dim3A_226 {strides = array<i32>} : memref<640x16xf32, #tpu.memory_space<vmem>>, vector<16xf32>,
      %scan3A_229 = arith.constant 0 : i32
      scf.yield %scan3A_229 : i32
    }
    %scan3A_6 = arith.constant 640 : i32
    %mul3A_7 = arith.constant 640 : i32
    %mul3A_8 = arith.muli %arg1, %mul3A_7 : i32
    "tpu.region"() ({
      %run_scoped3A = tpu.sem_alloc : memref<!tpu.dma_semaphore, #tpu.memory_space<semaphore_mem>>
      %dma_start3A_224 = arith.constant 0 : i32
      %dma_start3A_225 = tpu.memref_slice %arg12[%mul3A_8, %dma_start3A_224] : memref<10240x16xf32, #tpu.memory_space<vmem_shared>> -> memref<640x16xf32, #tpu.memory_space<vmem_shared>>
      %dma_start3A_226 = arith.constant 0 : i32
      %dma_start3A_227 = tpu.memref_slice %arg12[%mul3A_8, %dma_start3A_226] : memref<10240x16xf32, #tpu.memory_space<vmem_shared>> -> memref<640x16xf32, #tpu.memory_space<vmem_shared>>
      tpu.enqueue_dma source(%arg10 : memref<640x16xf32, #tpu.memory_space<vmem>>) target(%dma_start3A_227 : memref<640x16xf32, #tpu.memory_space<vmem_shared>>) target_semaphore(%run_scoped3A : memref<!tpu.dma_semaphore, #tpu.memory_space<semaphore_mem>>)
      %dma_wait3A_228 = arith.constant 0 : i32
      %dma_wait3A_229 = tpu.memref_slice %arg12[%mul3A_8, %dma_wait3A_228] : memref<10240x16xf32, #tpu.memory_space<vmem_shared>> -> memref<640x16xf32, #tpu.memory_space<vmem_shared>>
      %dma_wait3A_230 = arith.constant 0 : i32
      %dma_wait3A_231 = tpu.memref_slice %arg12[%mul3A_8, %dma_wait3A_230] : memref<10240x16xf32, #tpu.memory_space<vmem_shared>> -> memref<640x16xf32, #tpu.memory_space<vmem_shared>>
      tpu.wait_dma2 semaphore(%run_scoped3A : memref<!tpu.dma_semaphore, #tpu.memory_space<semaphore_mem>>) src(%arg10 : memref<640x16xf32, #tpu.memory_space<vmem>>) dst(%dma_wait3A_231 : memref<640x16xf32, #tpu.memory_space<vmem_shared>>)
      tpu.yield
    }) : () -> ()
    %mul3A_9 = arith.constant 78 : i32
    %mul3A_10 = arith.muli %add3A, %mul3A_9 : i32
    "tpu.region"() ({
      %run_scoped3A = tpu.sem_alloc : memref<!tpu.dma_semaphore, #tpu.memory_space<semaphore_mem>>
      %dma_start3A_224 = arith.constant 0 : i32
      %dma_start3A_225 = arith.constant 0 : i32
      %dma_start3A_226 = arith.constant 0 : i32
      %dma_start3A_227 = tpu.memref_slice %arg5[%dma_start3A_224, %dma_start3A_225, %dma_start3A_226] : memref<79x2x128xi32, #tpu.memory_space<vmem>> -> memref<78x2x128xi32, #tpu.memory_space<vmem>>
      %dma_start3A_228 = arith.constant 0 : i32
      %dma_start3A_229 = arith.constant 0 : i32
      %dma_start3A_230 = tpu.memref_slice %arg2[%mul3A_10, %dma_start3A_228, %dma_start3A_229] : memref<2500x2x128xi32, #tpu.memory_space<hbm>> -> memref<78x2x128xi32, #tpu.memory_space<hbm>>
      %dma_start3A_231 = arith.constant 0 : i32
      %dma_start3A_232 = arith.constant 0 : i32
      %dma_start3A_233 = arith.constant 0 : i32
      %dma_start3A_234 = tpu.memref_slice %arg5[%dma_start3A_231, %dma_start3A_232, %dma_start3A_233] : memref<79x2x128xi32, #tpu.memory_space<vmem>> -> memref<78x2x128xi32, #tpu.memory_space<vmem>>
      %dma_start3A_235 = arith.constant 0 : i32
      %dma_start3A_236 = arith.constant 0 : i32
      %dma_start3A_237 = tpu.memref_slice %arg2[%mul3A_10, %dma_start3A_235, %dma_start3A_236] : memref<2500x2x128xi32, #tpu.memory_space<hbm>> -> memref<78x2x128xi32, #tpu.memory_space<hbm>>
      tpu.enqueue_dma source(%dma_start3A_237 : memref<78x2x128xi32, #tpu.memory_space<hbm>>) target(%dma_start3A_234 : memref<78x2x128xi32, #tpu.memory_space<vmem>>) target_semaphore(%run_scoped3A : memref<!tpu.dma_semaphore, #tpu.memory_space<semaphore_mem>>)
      %dma_wait3A_238 = arith.constant 0 : i32
      %dma_wait3A_239 = arith.constant 0 : i32
      %dma_wait3A_240 = arith.constant 0 : i32
      %dma_wait3A_241 = tpu.memref_slice %arg5[%dma_wait3A_238, %dma_wait3A_239, %dma_wait3A_240] : memref<79x2x128xi32, #tpu.memory_space<vmem>> -> memref<78x2x128xi32, #tpu.memory_space<vmem>>
      %dma_wait3A_242 = arith.constant 0 : i32
      %dma_wait3A_243 = arith.constant 0 : i32
      %dma_wait3A_244 = tpu.memref_slice %arg2[%mul3A_10, %dma_wait3A_242, %dma_wait3A_243] : memref<2500x2x128xi32, #tpu.memory_space<hbm>> -> memref<78x2x128xi32, #tpu.memory_space<hbm>>
      %dma_wait3A_245 = arith.constant 0 : i32
      %dma_wait3A_246 = arith.constant 0 : i32
      %dma_wait3A_247 = arith.constant 0 : i32
      %dma_wait3A_248 = tpu.memref_slice %arg5[%dma_wait3A_245, %dma_wait3A_246, %dma_wait3A_247] : memref<79x2x128xi32, #tpu.memory_space<vmem>> -> memref<78x2x128xi32, #tpu.memory_space<vmem>>
      %dma_wait3A_249 = arith.constant 0 : i32
      %dma_wait3A_250 = arith.constant 0 : i32
      %dma_wait3A_251 = tpu.memref_slice %arg2[%mul3A_10, %dma_wait3A_249, %dma_wait3A_250] : memref<2500x2x128xi32, #tpu.memory_space<hbm>> -> memref<78x2x128xi32, #tpu.memory_space<hbm>>
      tpu.wait_dma2 semaphore(%run_scoped3A : memref<!tpu.dma_semaphore, #tpu.memory_space<semaphore_mem>>) src(%dma_wait3A_251 : memref<78x2x128xi32, #tpu.memory_space<hbm>>) dst(%dma_wait3A_248 : memref<78x2x128xi32, #tpu.memory_space<vmem>>)
      tpu.yield
    }) : () -> ()
    %lt3A = arith.constant 4 : i32
    %lt3A_11 = arith.cmpi slt, %add3A, %lt3A : i32
    %convert_element_type3A = arith.extui %lt3A_11 : i1 to i32
    %cond3A = arith.constant 0 : i32
    %cond3A_12 = arith.cmpi ne, %convert_element_type3A, %cond3A : i32
    scf.if %cond3A_12 {
      %add3A_224 = arith.constant 2496 : i32
      %add3A_225 = arith.addi %add3A_224, %add3A : i32
      %run_scoped3A = arith.constant 78 : i32
      "tpu.region"() ({
        %run_scoped3A_226 = tpu.sem_alloc : memref<!tpu.dma_semaphore, #tpu.memory_space<semaphore_mem>>
        %dma_start3A_227 = arith.constant 0 : i32
        %dma_start3A_228 = arith.constant 0 : i32
        %dma_start3A_229 = tpu.memref_slice %arg5[%run_scoped3A, %dma_start3A_227, %dma_start3A_228] : memref<79x2x128xi32, #tpu.memory_space<vmem>> -> memref<1x2x128xi32, #tpu.memory_space<vmem>>
        %dma_start3A_230 = tpu.memref_squeeze %dma_start3A_229 : memref<1x2x128xi32, #tpu.memory_space<vmem>> -> memref<2x128xi32, #tpu.memory_space<vmem>>
        %dma_start3A_231 = arith.constant 0 : i32
        %dma_start3A_232 = arith.constant 0 : i32
        %dma_start3A_233 = tpu.memref_slice %arg2[%add3A_225, %dma_start3A_231, %dma_start3A_232] : memref<2500x2x128xi32, #tpu.memory_space<hbm>> -> memref<1x2x128xi32, #tpu.memory_space<hbm>>
        %dma_start3A_234 = tpu.memref_squeeze %dma_start3A_233 : memref<1x2x128xi32, #tpu.memory_space<hbm>> -> memref<2x128xi32, #tpu.memory_space<hbm>>
        %dma_start3A_235 = arith.constant 0 : i32
        %dma_start3A_236 = arith.constant 0 : i32
        %dma_start3A_237 = tpu.memref_slice %arg5[%run_scoped3A, %dma_start3A_235, %dma_start3A_236] : memref<79x2x128xi32, #tpu.memory_space<vmem>> -> memref<1x2x128xi32, #tpu.memory_space<vmem>>
        %dma_start3A_238 = tpu.memref_squeeze %dma_start3A_237 : memref<1x2x128xi32, #tpu.memory_space<vmem>> -> memref<2x128xi32, #tpu.memory_space<vmem>>
        %dma_start3A_239 = arith.constant 0 : i32
        %dma_start3A_240 = arith.constant 0 : i32
        %dma_start3A_241 = tpu.memref_slice %arg2[%add3A_225, %dma_start3A_239, %dma_start3A_240] : memref<2500x2x128xi32, #tpu.memory_space<hbm>> -> memref<1x2x128xi32, #tpu.memory_space<hbm>>
        %dma_start3A_242 = tpu.memref_squeeze %dma_start3A_241 : memref<1x2x128xi32, #tpu.memory_space<hbm>> -> memref<2x128xi32, #tpu.memory_space<hbm>>
        tpu.enqueue_dma source(%dma_start3A_242 : memref<2x128xi32, #tpu.memory_space<hbm>>) target(%dma_start3A_238 : memref<2x128xi32, #tpu.memory_space<vmem>>) target_semaphore(%run_scoped3A_226 : memref<!tpu.dma_semaphore, #tpu.memory_space<semaphore_mem>>)
        %dma_wait3A_243 = arith.constant 0 : i32
        %dma_wait3A_244 = arith.constant 0 : i32
        %dma_wait3A_245 = tpu.memref_slice %arg5[%run_scoped3A, %dma_wait3A_243, %dma_wait3A_244] : memref<79x2x128xi32, #tpu.memory_space<vmem>> -> memref<1x2x128xi32, #tpu.memory_space<vmem>>
        %dma_wait3A_246 = tpu.memref_squeeze %dma_wait3A_245 : memref<1x2x128xi32, #tpu.memory_space<vmem>> -> memref<2x128xi32, #tpu.memory_space<vmem>>
        %dma_wait3A_247 = arith.constant 0 : i32
        %dma_wait3A_248 = arith.constant 0 : i32
        %dma_wait3A_249 = tpu.memref_slice %arg2[%add3A_225, %dma_wait3A_247, %dma_wait3A_248] : memref<2500x2x128xi32, #tpu.memory_space<hbm>> -> memref<1x2x128xi32, #tpu.memory_space<hbm>>
        %dma_wait3A_250 = tpu.memref_squeeze %dma_wait3A_249 : memref<1x2x128xi32, #tpu.memory_space<hbm>> -> memref<2x128xi32, #tpu.memory_space<hbm>>
        %dma_wait3A_251 = arith.constant 0 : i32
        %dma_wait3A_252 = arith.constant 0 : i32
        %dma_wait3A_253 = tpu.memref_slice %arg5[%run_scoped3A, %dma_wait3A_251, %dma_wait3A_252] : memref<79x2x128xi32, #tpu.memory_space<vmem>> -> memref<1x2x128xi32, #tpu.memory_space<vmem>>
        %dma_wait3A_254 = tpu.memref_squeeze %dma_wait3A_253 : memref<1x2x128xi32, #tpu.memory_space<vmem>> -> memref<2x128xi32, #tpu.memory_space<vmem>>
        %dma_wait3A_255 = arith.constant 0 : i32
        %dma_wait3A_256 = arith.constant 0 : i32
        %dma_wait3A_257 = tpu.memref_slice %arg2[%add3A_225, %dma_wait3A_255, %dma_wait3A_256] : memref<2500x2x128xi32, #tpu.memory_space<hbm>> -> memref<1x2x128xi32, #tpu.memory_space<hbm>>
        %dma_wait3A_258 = tpu.memref_squeeze %dma_wait3A_257 : memref<1x2x128xi32, #tpu.memory_space<hbm>> -> memref<2x128xi32, #tpu.memory_space<hbm>>
        tpu.wait_dma2 semaphore(%run_scoped3A_226 : memref<!tpu.dma_semaphore, #tpu.memory_space<semaphore_mem>>) src(%dma_wait3A_258 : memref<2x128xi32, #tpu.memory_space<hbm>>) dst(%dma_wait3A_254 : memref<2x128xi32, #tpu.memory_space<vmem>>)
        tpu.yield
      }) : () -> ()
    } else {
    }
    %mul3A_13 = arith.constant 640 : i32
    %mul3A_14 = arith.muli %arg1, %mul3A_13 : i32
    %mul3A_15 = arith.constant 640 : i32
    %mul3A_16 = arith.muli %arg1, %mul3A_15 : i32
    "tpu.region"() ({
      %run_scoped3A = tpu.sem_alloc : memref<!tpu.dma_semaphore, #tpu.memory_space<semaphore_mem>>
      %dma_start3A_224 = arith.constant 0 : i32
      %dma_start3A_225 = tpu.memref_slice %arg11[%mul3A_16, %dma_start3A_224] : memref<10240x16xf32, #tpu.memory_space<vmem_shared>> -> memref<640x16xf32, #tpu.memory_space<vmem_shared>>
      %dma_start3A_226 = arith.constant 0 : i32
      %dma_start3A_227 = tpu.memref_slice %arg3[%mul3A_14, %dma_start3A_226] : memref<10240x16xf32, #tpu.memory_space<hbm>> -> memref<640x16xf32, #tpu.memory_space<hbm>>
      tpu.enqueue_dma source(%dma_start3A_227 : memref<640x16xf32, #tpu.memory_space<hbm>>) target(%dma_start3A_225 : memref<640x16xf32, #tpu.memory_space<vmem_shared>>) target_semaphore(%run_scoped3A : memref<!tpu.dma_semaphore, #tpu.memory_space<semaphore_mem>>)
      %dma_wait3A_228 = arith.constant 0 : i32
      %dma_wait3A_229 = tpu.memref_slice %arg11[%mul3A_16, %dma_wait3A_228] : memref<10240x16xf32, #tpu.memory_space<vmem_shared>> -> memref<640x16xf32, #tpu.memory_space<vmem_shared>>
      %dma_wait3A_230 = arith.constant 0 : i32
      %dma_wait3A_231 = tpu.memref_slice %arg3[%mul3A_14, %dma_wait3A_230] : memref<10240x16xf32, #tpu.memory_space<hbm>> -> memref<640x16xf32, #tpu.memory_space<hbm>>
      tpu.wait_dma2 semaphore(%run_scoped3A : memref<!tpu.dma_semaphore, #tpu.memory_space<semaphore_mem>>) src(%dma_wait3A_231 : memref<640x16xf32, #tpu.memory_space<hbm>>) dst(%dma_wait3A_229 : memref<640x16xf32, #tpu.memory_space<vmem_shared>>)
      tpu.yield
    }) : () -> ()
    %barrier3A = arith.constant 0 : index
    tpu.barrier barrier_id(%barrier3A)
    %dma_start3A = arith.constant 0 : i32
    %dma_start3A_17 = arith.constant 0 : i32
    %dma_start3A_18 = arith.constant 0 : i32
    %dma_start3A_19 = tpu.memref_slice %arg5[%dma_start3A, %dma_start3A_17, %dma_start3A_18] : memref<79x2x128xi32, #tpu.memory_space<vmem>> -> memref<1x1x128xi32, #tpu.memory_space<vmem>>
    %dma_start3A_20 = tpu.memref_squeeze %dma_start3A_19 : memref<1x1x128xi32, #tpu.memory_space<vmem>> -> memref<128xi32, #tpu.memory_space<vmem>>
    %dma_start3A_21 = arith.constant 0 : i32
    %dma_start3A_22 = arith.constant 0 : i32
    %dma_start3A_23 = tpu.memref_slice %arg11[%dma_start3A_21, %dma_start3A_22] : memref<10240x16xf32, #tpu.memory_space<vmem_shared>> -> memref<10240x16xf32, #tpu.memory_space<vmem_shared>>
    tpu.enqueue_indirect_dma source(%dma_start3A_23 : memref<10240x16xf32, #tpu.memory_space<vmem_shared>>) target(%arg6 : memref<128x16xf32, #tpu.memory_space<vmem>>) offsets(%dma_start3A_20 : memref<128xi32, #tpu.memory_space<vmem>>) semaphore(%arg13 : memref<!tpu.dma_semaphore, #tpu.memory_space<semaphore_mem>>)
    %dma_start3A_24 = arith.constant 1 : i32
    %dma_start3A_25 = arith.constant 0 : i32
    %dma_start3A_26 = arith.constant 0 : i32
    %dma_start3A_27 = tpu.memref_slice %arg5[%dma_start3A_24, %dma_start3A_25, %dma_start3A_26] : memref<79x2x128xi32, #tpu.memory_space<vmem>> -> memref<1x1x128xi32, #tpu.memory_space<vmem>>
    %dma_start3A_28 = tpu.memref_squeeze %dma_start3A_27 : memref<1x1x128xi32, #tpu.memory_space<vmem>> -> memref<128xi32, #tpu.memory_space<vmem>>
    %dma_start3A_29 = arith.constant 0 : i32
    %dma_start3A_30 = arith.constant 0 : i32
    %dma_start3A_31 = tpu.memref_slice %arg11[%dma_start3A_29, %dma_start3A_30] : memref<10240x16xf32, #tpu.memory_space<vmem_shared>> -> memref<10240x16xf32, #tpu.memory_space<vmem_shared>>
    tpu.enqueue_indirect_dma source(%dma_start3A_31 : memref<10240x16xf32, #tpu.memory_space<vmem_shared>>) target(%arg7 : memref<128x16xf32, #tpu.memory_space<vmem>>) offsets(%dma_start3A_28 : memref<128xi32, #tpu.memory_space<vmem>>) semaphore(%arg14 : memref<!tpu.dma_semaphore, #tpu.memory_space<semaphore_mem>>)
    %dma_start3A_32 = arith.constant 2 : i32
    %dma_start3A_33 = arith.constant 0 : i32
    %dma_start3A_34 = arith.constant 0 : i32
    %dma_start3A_35 = tpu.memref_slice %arg5[%dma_start3A_32, %dma_start3A_33, %dma_start3A_34] : memref<79x2x128xi32, #tpu.memory_space<vmem>> -> memref<1x1x128xi32, #tpu.memory_space<vmem>>
    %dma_start3A_36 = tpu.memref_squeeze %dma_start3A_35 : memref<1x1x128xi32, #tpu.memory_space<vmem>> -> memref<128xi32, #tpu.memory_space<vmem>>
    %dma_start3A_37 = arith.constant 0 : i32
    %dma_start3A_38 = arith.constant 0 : i32
    %dma_start3A_39 = tpu.memref_slice %arg11[%dma_start3A_37, %dma_start3A_38] : memref<10240x16xf32, #tpu.memory_space<vmem_shared>> -> memref<10240x16xf32, #tpu.memory_space<vmem_shared>>
    tpu.enqueue_indirect_dma source(%dma_start3A_39 : memref<10240x16xf32, #tpu.memory_space<vmem_shared>>) target(%arg8 : memref<128x16xf32, #tpu.memory_space<vmem>>) offsets(%dma_start3A_36 : memref<128xi32, #tpu.memory_space<vmem>>) semaphore(%arg15 : memref<!tpu.dma_semaphore, #tpu.memory_space<semaphore_mem>>)
    %dma_wait3A = arith.constant 0 : i32
    %dma_wait3A_40 = arith.constant 0 : i32
    %dma_wait3A_41 = arith.constant 0 : i32
    %dma_wait3A_42 = tpu.memref_slice %arg5[%dma_wait3A, %dma_wait3A_40, %dma_wait3A_41] : memref<79x2x128xi32, #tpu.memory_space<vmem>> -> memref<1x1x128xi32, #tpu.memory_space<vmem>>
    %dma_wait3A_43 = tpu.memref_squeeze %dma_wait3A_42 : memref<1x1x128xi32, #tpu.memory_space<vmem>> -> memref<128xi32, #tpu.memory_space<vmem>>
    %dma_wait3A_44 = arith.constant 0 : i32
    %dma_wait3A_45 = arith.constant 0 : i32
    %dma_wait3A_46 = tpu.memref_slice %arg11[%dma_wait3A_44, %dma_wait3A_45] : memref<10240x16xf32, #tpu.memory_space<vmem_shared>> -> memref<10240x16xf32, #tpu.memory_space<vmem_shared>>
    tpu.wait_indirect_dma semaphore(%arg13 : memref<!tpu.dma_semaphore, #tpu.memory_space<semaphore_mem>>) src(%dma_wait3A_46 : memref<10240x16xf32, #tpu.memory_space<vmem_shared>>) dst(%arg6 : memref<128x16xf32, #tpu.memory_space<vmem>>)
    %dma_start3A_47 = arith.constant 0 : i32
    %dma_start3A_48 = arith.constant 1 : i32
    %dma_start3A_49 = arith.constant 0 : i32
    %dma_start3A_50 = tpu.memref_slice %arg5[%dma_start3A_47, %dma_start3A_48, %dma_start3A_49] : memref<79x2x128xi32, #tpu.memory_space<vmem>> -> memref<1x1x128xi32, #tpu.memory_space<vmem>>
    %dma_start3A_51 = tpu.memref_squeeze %dma_start3A_50 : memref<1x1x128xi32, #tpu.memory_space<vmem>> -> memref<128xi32, #tpu.memory_space<vmem>>
    %dma_start3A_52 = arith.constant 0 : i32
    %dma_start3A_53 = arith.constant 0 : i32
    %dma_start3A_54 = tpu.memref_slice %arg12[%dma_start3A_52, %dma_start3A_53] : memref<10240x16xf32, #tpu.memory_space<vmem_shared>> -> memref<10240x16xf32, #tpu.memory_space<vmem_shared>>
    tpu.enqueue_indirect_dma source(%arg6 : memref<128x16xf32, #tpu.memory_space<vmem>>) target(%dma_start3A_54 : memref<10240x16xf32, #tpu.memory_space<vmem_shared>>) offsets(%dma_start3A_51 : memref<128xi32, #tpu.memory_space<vmem>>) semaphore(%arg17 : memref<!tpu.dma_semaphore, #tpu.memory_space<semaphore_mem>>) {add = true}
    %dma_start3A_55 = arith.constant 3 : i32
    %dma_start3A_56 = arith.constant 0 : i32
    %dma_start3A_57 = arith.constant 0 : i32
    %dma_start3A_58 = tpu.memref_slice %arg5[%dma_start3A_55, %dma_start3A_56, %dma_start3A_57] : memref<79x2x128xi32, #tpu.memory_space<vmem>> -> memref<1x1x128xi32, #tpu.memory_space<vmem>>
    %dma_start3A_59 = tpu.memref_squeeze %dma_start3A_58 : memref<1x1x128xi32, #tpu.memory_space<vmem>> -> memref<128xi32, #tpu.memory_space<vmem>>
    %dma_start3A_60 = arith.constant 0 : i32
    %dma_start3A_61 = arith.constant 0 : i32
    %dma_start3A_62 = tpu.memref_slice %arg11[%dma_start3A_60, %dma_start3A_61] : memref<10240x16xf32, #tpu.memory_space<vmem_shared>> -> memref<10240x16xf32, #tpu.memory_space<vmem_shared>>
    tpu.enqueue_indirect_dma source(%dma_start3A_62 : memref<10240x16xf32, #tpu.memory_space<vmem_shared>>) target(%arg9 : memref<128x16xf32, #tpu.memory_space<vmem>>) offsets(%dma_start3A_59 : memref<128xi32, #tpu.memory_space<vmem>>) semaphore(%arg16 : memref<!tpu.dma_semaphore, #tpu.memory_space<semaphore_mem>>)
    %dma_wait3A_63 = arith.constant 1 : i32
    %dma_wait3A_64 = arith.constant 0 : i32
    %dma_wait3A_65 = arith.constant 0 : i32
    %dma_wait3A_66 = tpu.memref_slice %arg5[%dma_wait3A_63, %dma_wait3A_64, %dma_wait3A_65] : memref<79x2x128xi32, #tpu.memory_space<vmem>> -> memref<1x1x128xi32, #tpu.memory_space<vmem>>
    %dma_wait3A_67 = tpu.memref_squeeze %dma_wait3A_66 : memref<1x1x128xi32, #tpu.memory_space<vmem>> -> memref<128xi32, #tpu.memory_space<vmem>>
    %dma_wait3A_68 = arith.constant 0 : i32
    %dma_wait3A_69 = arith.constant 0 : i32
    %dma_wait3A_70 = tpu.memref_slice %arg11[%dma_wait3A_68, %dma_wait3A_69] : memref<10240x16xf32, #tpu.memory_space<vmem_shared>> -> memref<10240x16xf32, #tpu.memory_space<vmem_shared>>
    tpu.wait_indirect_dma semaphore(%arg14 : memref<!tpu.dma_semaphore, #tpu.memory_space<semaphore_mem>>) src(%dma_wait3A_70 : memref<10240x16xf32, #tpu.memory_space<vmem_shared>>) dst(%arg7 : memref<128x16xf32, #tpu.memory_space<vmem>>)
    %dma_start3A_71 = arith.constant 1 : i32
    %dma_start3A_72 = arith.constant 1 : i32
    %dma_start3A_73 = arith.constant 0 : i32
    %dma_start3A_74 = tpu.memref_slice %arg5[%dma_start3A_71, %dma_start3A_72, %dma_start3A_73] : memref<79x2x128xi32, #tpu.memory_space<vmem>> -> memref<1x1x128xi32, #tpu.memory_space<vmem>>
    %dma_start3A_75 = tpu.memref_squeeze %dma_start3A_74 : memref<1x1x128xi32, #tpu.memory_space<vmem>> -> memref<128xi32, #tpu.memory_space<vmem>>
    %dma_start3A_76 = arith.constant 0 : i32
    %dma_start3A_77 = arith.constant 0 : i32
    %dma_start3A_78 = tpu.memref_slice %arg12[%dma_start3A_76, %dma_start3A_77] : memref<10240x16xf32, #tpu.memory_space<vmem_shared>> -> memref<10240x16xf32, #tpu.memory_space<vmem_shared>>
    tpu.enqueue_indirect_dma source(%arg7 : memref<128x16xf32, #tpu.memory_space<vmem>>) target(%dma_start3A_78 : memref<10240x16xf32, #tpu.memory_space<vmem_shared>>) offsets(%dma_start3A_75 : memref<128xi32, #tpu.memory_space<vmem>>) semaphore(%arg18 : memref<!tpu.dma_semaphore, #tpu.memory_space<semaphore_mem>>) {add = true}
    %scan3A_79 = arith.constant 0 : i32
    %scan3A_80 = arith.constant 0 : i32
    %scan3A_81 = arith.constant 18 : i32
    %scan3A_82 = arith.addi %scan3A_80, %scan3A_81 : i32
    %scan3A_83 = arith.constant 1 : i32
    %scan3A_84 = scf.for %scan3A_224 = %scan3A_80 to %scan3A_82 step %scan3A_83 iter_args(%scan3A_225 = %scan3A_79) -> (i32)  : i32 {
      %mul3A_226 = arith.constant 4 : i32
      %mul3A_227 = arith.muli %scan3A_224, %mul3A_226 : i32
      %add3A_228 = arith.constant 2 : i32
      %add3A_229 = arith.addi %add3A_228, %mul3A_227 : i32
      %add3A_230 = arith.constant 0 : i32
      %add3A_231 = arith.addi %add3A_229, %add3A_230 : i32
      %sub3A = arith.constant 2 : i32
      %sub3A_232 = arith.subi %add3A_231, %sub3A : i32
      %dma_wait3A_233 = arith.constant 1 : i32
      %dma_wait3A_234 = arith.constant 0 : i32
      %dma_wait3A_235 = tpu.memref_slice %arg5[%sub3A_232, %dma_wait3A_233, %dma_wait3A_234] : memref<79x2x128xi32, #tpu.memory_space<vmem>> -> memref<1x1x128xi32, #tpu.memory_space<vmem>>
      %dma_wait3A_236 = tpu.memref_squeeze %dma_wait3A_235 : memref<1x1x128xi32, #tpu.memory_space<vmem>> -> memref<128xi32, #tpu.memory_space<vmem>>
      %dma_wait3A_237 = arith.constant 0 : i32
      %dma_wait3A_238 = arith.constant 0 : i32
      %dma_wait3A_239 = tpu.memref_slice %arg12[%dma_wait3A_237, %dma_wait3A_238] : memref<10240x16xf32, #tpu.memory_space<vmem_shared>> -> memref<10240x16xf32, #tpu.memory_space<vmem_shared>>
      tpu.wait_indirect_dma semaphore(%arg17 : memref<!tpu.dma_semaphore, #tpu.memory_space<semaphore_mem>>) src(%arg6 : memref<128x16xf32, #tpu.memory_space<vmem>>) dst(%dma_wait3A_239 : memref<10240x16xf32, #tpu.memory_space<vmem_shared>>)
      %add3A_240 = arith.constant 2 : i32
      %add3A_241 = arith.addi %add3A_231, %add3A_240 : i32
      %dma_start3A_242 = arith.constant 0 : i32
      %dma_start3A_243 = arith.constant 0 : i32
      %dma_start3A_244 = tpu.memref_slice %arg5[%add3A_241, %dma_start3A_242, %dma_start3A_243] : memref<79x2x128xi32, #tpu.memory_space<vmem>> -> memref<1x1x128xi32, #tpu.memory_space<vmem>>
      %dma_start3A_245 = tpu.memref_squeeze %dma_start3A_244 : memref<1x1x128xi32, #tpu.memory_space<vmem>> -> memref<128xi32, #tpu.memory_space<vmem>>
      %dma_start3A_246 = arith.constant 0 : i32
      %dma_start3A_247 = arith.constant 0 : i32
      %dma_start3A_248 = tpu.memref_slice %arg11[%dma_start3A_246, %dma_start3A_247] : memref<10240x16xf32, #tpu.memory_space<vmem_shared>> -> memref<10240x16xf32, #tpu.memory_space<vmem_shared>>
      tpu.enqueue_indirect_dma source(%dma_start3A_248 : memref<10240x16xf32, #tpu.memory_space<vmem_shared>>) target(%arg6 : memref<128x16xf32, #tpu.memory_space<vmem>>) offsets(%dma_start3A_245 : memref<128xi32, #tpu.memory_space<vmem>>) semaphore(%arg13 : memref<!tpu.dma_semaphore, #tpu.memory_space<semaphore_mem>>)
      %dma_wait3A_249 = arith.constant 0 : i32
      %dma_wait3A_250 = arith.constant 0 : i32
      %dma_wait3A_251 = tpu.memref_slice %arg5[%add3A_231, %dma_wait3A_249, %dma_wait3A_250] : memref<79x2x128xi32, #tpu.memory_space<vmem>> -> memref<1x1x128xi32, #tpu.memory_space<vmem>>
      %dma_wait3A_252 = tpu.memref_squeeze %dma_wait3A_251 : memref<1x1x128xi32, #tpu.memory_space<vmem>> -> memref<128xi32, #tpu.memory_space<vmem>>
      %dma_wait3A_253 = arith.constant 0 : i32
      %dma_wait3A_254 = arith.constant 0 : i32
      %dma_wait3A_255 = tpu.memref_slice %arg11[%dma_wait3A_253, %dma_wait3A_254] : memref<10240x16xf32, #tpu.memory_space<vmem_shared>> -> memref<10240x16xf32, #tpu.memory_space<vmem_shared>>
      tpu.wait_indirect_dma semaphore(%arg15 : memref<!tpu.dma_semaphore, #tpu.memory_space<semaphore_mem>>) src(%dma_wait3A_255 : memref<10240x16xf32, #tpu.memory_space<vmem_shared>>) dst(%arg8 : memref<128x16xf32, #tpu.memory_space<vmem>>)
      %dma_start3A_256 = arith.constant 1 : i32
      %dma_start3A_257 = arith.constant 0 : i32
      %dma_start3A_258 = tpu.memref_slice %arg5[%add3A_231, %dma_start3A_256, %dma_start3A_257] : memref<79x2x128xi32, #tpu.memory_space<vmem>> -> memref<1x1x128xi32, #tpu.memory_space<vmem>>
      %dma_start3A_259 = tpu.memref_squeeze %dma_start3A_258 : memref<1x1x128xi32, #tpu.memory_space<vmem>> -> memref<128xi32, #tpu.memory_space<vmem>>
      %dma_start3A_260 = arith.constant 0 : i32
      %dma_start3A_261 = arith.constant 0 : i32
      %dma_start3A_262 = tpu.memref_slice %arg12[%dma_start3A_260, %dma_start3A_261] : memref<10240x16xf32, #tpu.memory_space<vmem_shared>> -> memref<10240x16xf32, #tpu.memory_space<vmem_shared>>
      tpu.enqueue_indirect_dma source(%arg8 : memref<128x16xf32, #tpu.memory_space<vmem>>) target(%dma_start3A_262 : memref<10240x16xf32, #tpu.memory_space<vmem_shared>>) offsets(%dma_start3A_259 : memref<128xi32, #tpu.memory_space<vmem>>) semaphore(%arg19 : memref<!tpu.dma_semaphore, #tpu.memory_space<semaphore_mem>>) {add = true}
      %add3A_263 = arith.constant 1 : i32
      %add3A_264 = arith.addi %add3A_229, %add3A_263 : i32
      %sub3A_265 = arith.constant 2 : i32
      %sub3A_266 = arith.subi %add3A_264, %sub3A_265 : i32
      %dma_wait3A_267 = arith.constant 1 : i32
      %dma_wait3A_268 = arith.constant 0 : i32
      %dma_wait3A_269 = tpu.memref_slice %arg5[%sub3A_266, %dma_wait3A_267, %dma_wait3A_268] : memref<79x2x128xi32, #tpu.memory_space<vmem>> -> memref<1x1x128xi32, #tpu.memory_space<vmem>>
      %dma_wait3A_270 = tpu.memref_squeeze %dma_wait3A_269 : memref<1x1x128xi32, #tpu.memory_space<vmem>> -> memref<128xi32, #tpu.memory_space<vmem>>
      %dma_wait3A_271 = arith.constant 0 : i32
      %dma_wait3A_272 = arith.constant 0 : i32
      %dma_wait3A_273 = tpu.memref_slice %arg12[%dma_wait3A_271, %dma_wait3A_272] : memref<10240x16xf32, #tpu.memory_space<vmem_shared>> -> memref<10240x16xf32, #tpu.memory_space<vmem_shared>>
      tpu.wait_indirect_dma semaphore(%arg18 : memref<!tpu.dma_semaphore, #tpu.memory_space<semaphore_mem>>) src(%arg7 : memref<128x16xf32, #tpu.memory_space<vmem>>) dst(%dma_wait3A_273 : memref<10240x16xf32, #tpu.memory_space<vmem_shared>>)
      %add3A_274 = arith.constant 2 : i32
      %add3A_275 = arith.addi %add3A_264, %add3A_274 : i32
      %dma_start3A_276 = arith.constant 0 : i32
      %dma_start3A_277 = arith.constant 0 : i32
      %dma_start3A_278 = tpu.memref_slice %arg5[%add3A_275, %dma_start3A_276, %dma_start3A_277] : memref<79x2x128xi32, #tpu.memory_space<vmem>> -> memref<1x1x128xi32, #tpu.memory_space<vmem>>
      %dma_start3A_279 = tpu.memref_squeeze %dma_start3A_278 : memref<1x1x128xi32, #tpu.memory_space<vmem>> -> memref<128xi32, #tpu.memory_space<vmem>>
      %dma_start3A_280 = arith.constant 0 : i32
      %dma_start3A_281 = arith.constant 0 : i32
      %dma_start3A_282 = tpu.memref_slice %arg11[%dma_start3A_280, %dma_start3A_281] : memref<10240x16xf32, #tpu.memory_space<vmem_shared>> -> memref<10240x16xf32, #tpu.memory_space<vmem_shared>>
      tpu.enqueue_indirect_dma source(%dma_start3A_282 : memref<10240x16xf32, #tpu.memory_space<vmem_shared>>) target(%arg7 : memref<128x16xf32, #tpu.memory_space<vmem>>) offsets(%dma_start3A_279 : memref<128xi32, #tpu.memory_space<vmem>>) semaphore(%arg14 : memref<!tpu.dma_semaphore, #tpu.memory_space<semaphore_mem>>)
      %dma_wait3A_283 = arith.constant 0 : i32
      %dma_wait3A_284 = arith.constant 0 : i32
      %dma_wait3A_285 = tpu.memref_slice %arg5[%add3A_264, %dma_wait3A_283, %dma_wait3A_284] : memref<79x2x128xi32, #tpu.memory_space<vmem>> -> memref<1x1x128xi32, #tpu.memory_space<vmem>>
      %dma_wait3A_286 = tpu.memref_squeeze %dma_wait3A_285 : memref<1x1x128xi32, #tpu.memory_space<vmem>> -> memref<128xi32, #tpu.memory_space<vmem>>
      %dma_wait3A_287 = arith.constant 0 : i32
      %dma_wait3A_288 = arith.constant 0 : i32
      %dma_wait3A_289 = tpu.memref_slice %arg11[%dma_wait3A_287, %dma_wait3A_288] : memref<10240x16xf32, #tpu.memory_space<vmem_shared>> -> memref<10240x16xf32, #tpu.memory_space<vmem_shared>>
      tpu.wait_indirect_dma semaphore(%arg16 : memref<!tpu.dma_semaphore, #tpu.memory_space<semaphore_mem>>) src(%dma_wait3A_289 : memref<10240x16xf32, #tpu.memory_space<vmem_shared>>) dst(%arg9 : memref<128x16xf32, #tpu.memory_space<vmem>>)
      %dma_start3A_290 = arith.constant 1 : i32
      %dma_start3A_291 = arith.constant 0 : i32
      %dma_start3A_292 = tpu.memref_slice %arg5[%add3A_264, %dma_start3A_290, %dma_start3A_291] : memref<79x2x128xi32, #tpu.memory_space<vmem>> -> memref<1x1x128xi32, #tpu.memory_space<vmem>>
      %dma_start3A_293 = tpu.memref_squeeze %dma_start3A_292 : memref<1x1x128xi32, #tpu.memory_space<vmem>> -> memref<128xi32, #tpu.memory_space<vmem>>
      %dma_start3A_294 = arith.constant 0 : i32
      %dma_start3A_295 = arith.constant 0 : i32
      %dma_start3A_296 = tpu.memref_slice %arg12[%dma_start3A_294, %dma_start3A_295] : memref<10240x16xf32, #tpu.memory_space<vmem_shared>> -> memref<10240x16xf32, #tpu.memory_space<vmem_shared>>
      tpu.enqueue_indirect_dma source(%arg9 : memref<128x16xf32, #tpu.memory_space<vmem>>) target(%dma_start3A_296 : memref<10240x16xf32, #tpu.memory_space<vmem_shared>>) offsets(%dma_start3A_293 : memref<128xi32, #tpu.memory_space<vmem>>) semaphore(%arg20 : memref<!tpu.dma_semaphore, #tpu.memory_space<semaphore_mem>>) {add = true}
      %add3A_297 = arith.constant 2 : i32
      %add3A_298 = arith.addi %add3A_229, %add3A_297 : i32
      %sub3A_299 = arith.constant 2 : i32
      %sub3A_300 = arith.subi %add3A_298, %sub3A_299 : i32
      %dma_wait3A_301 = arith.constant 1 : i32
      %dma_wait3A_302 = arith.constant 0 : i32
      %dma_wait3A_303 = tpu.memref_slice %arg5[%sub3A_300, %dma_wait3A_301, %dma_wait3A_302] : memref<79x2x128xi32, #tpu.memory_space<vmem>> -> memref<1x1x128xi32, #tpu.memory_space<vmem>>
      %dma_wait3A_304 = tpu.memref_squeeze %dma_wait3A_303 : memref<1x1x128xi32, #tpu.memory_space<vmem>> -> memref<128xi32, #tpu.memory_space<vmem>>
      %dma_wait3A_305 = arith.constant 0 : i32
      %dma_wait3A_306 = arith.constant 0 : i32
      %dma_wait3A_307 = tpu.memref_slice %arg12[%dma_wait3A_305, %dma_wait3A_306] : memref<10240x16xf32, #tpu.memory_space<vmem_shared>> -> memref<10240x16xf32, #tpu.memory_space<vmem_shared>>
      tpu.wait_indirect_dma semaphore(%arg19 : memref<!tpu.dma_semaphore, #tpu.memory_space<semaphore_mem>>) src(%arg8 : memref<128x16xf32, #tpu.memory_space<vmem>>) dst(%dma_wait3A_307 : memref<10240x16xf32, #tpu.memory_space<vmem_shared>>)
      %add3A_308 = arith.constant 2 : i32
      %add3A_309 = arith.addi %add3A_298, %add3A_308 : i32
      %dma_start3A_310 = arith.constant 0 : i32
      %dma_start3A_311 = arith.constant 0 : i32
      %dma_start3A_312 = tpu.memref_slice %arg5[%add3A_309, %dma_start3A_310, %dma_start3A_311] : memref<79x2x128xi32, #tpu.memory_space<vmem>> -> memref<1x1x128xi32, #tpu.memory_space<vmem>>
      %dma_start3A_313 = tpu.memref_squeeze %dma_start3A_312 : memref<1x1x128xi32, #tpu.memory_space<vmem>> -> memref<128xi32, #tpu.memory_space<vmem>>
      %dma_start3A_314 = arith.constant 0 : i32
      %dma_start3A_315 = arith.constant 0 : i32
      %dma_start3A_316 = tpu.memref_slice %arg11[%dma_start3A_314, %dma_start3A_315] : memref<10240x16xf32, #tpu.memory_space<vmem_shared>> -> memref<10240x16xf32, #tpu.memory_space<vmem_shared>>
      tpu.enqueue_indirect_dma source(%dma_start3A_316 : memref<10240x16xf32, #tpu.memory_space<vmem_shared>>) target(%arg8 : memref<128x16xf32, #tpu.memory_space<vmem>>) offsets(%dma_start3A_313 : memref<128xi32, #tpu.memory_space<vmem>>) semaphore(%arg15 : memref<!tpu.dma_semaphore, #tpu.memory_space<semaphore_mem>>)
      %dma_wait3A_317 = arith.constant 0 : i32
      %dma_wait3A_318 = arith.constant 0 : i32
      %dma_wait3A_319 = tpu.memref_slice %arg5[%add3A_298, %dma_wait3A_317, %dma_wait3A_318] : memref<79x2x128xi32, #tpu.memory_space<vmem>> -> memref<1x1x128xi32, #tpu.memory_space<vmem>>
      %dma_wait3A_320 = tpu.memref_squeeze %dma_wait3A_319 : memref<1x1x128xi32, #tpu.memory_space<vmem>> -> memref<128xi32, #tpu.memory_space<vmem>>
      %dma_wait3A_321 = arith.constant 0 : i32
      %dma_wait3A_322 = arith.constant 0 : i32
      %dma_wait3A_323 = tpu.memref_slice %arg11[%dma_wait3A_321, %dma_wait3A_322] : memref<10240x16xf32, #tpu.memory_space<vmem_shared>> -> memref<10240x16xf32, #tpu.memory_space<vmem_shared>>
      tpu.wait_indirect_dma semaphore(%arg13 : memref<!tpu.dma_semaphore, #tpu.memory_space<semaphore_mem>>) src(%dma_wait3A_323 : memref<10240x16xf32, #tpu.memory_space<vmem_shared>>) dst(%arg6 : memref<128x16xf32, #tpu.memory_space<vmem>>)
      %dma_start3A_324 = arith.constant 1 : i32
      %dma_start3A_325 = arith.constant 0 : i32
      %dma_start3A_326 = tpu.memref_slice %arg5[%add3A_298, %dma_start3A_324, %dma_start3A_325] : memref<79x2x128xi32, #tpu.memory_space<vmem>> -> memref<1x1x128xi32, #tpu.memory_space<vmem>>
      %dma_start3A_327 = tpu.memref_squeeze %dma_start3A_326 : memref<1x1x128xi32, #tpu.memory_space<vmem>> -> memref<128xi32, #tpu.memory_space<vmem>>
      %dma_start3A_328 = arith.constant 0 : i32
      %dma_start3A_329 = arith.constant 0 : i32
      %dma_start3A_330 = tpu.memref_slice %arg12[%dma_start3A_328, %dma_start3A_329] : memref<10240x16xf32, #tpu.memory_space<vmem_shared>> -> memref<10240x16xf32, #tpu.memory_space<vmem_shared>>
      tpu.enqueue_indirect_dma source(%arg6 : memref<128x16xf32, #tpu.memory_space<vmem>>) target(%dma_start3A_330 : memref<10240x16xf32, #tpu.memory_space<vmem_shared>>) offsets(%dma_start3A_327 : memref<128xi32, #tpu.memory_space<vmem>>) semaphore(%arg17 : memref<!tpu.dma_semaphore, #tpu.memory_space<semaphore_mem>>) {add = true}
      %add3A_331 = arith.constant 3 : i32
      %add3A_332 = arith.addi %add3A_229, %add3A_331 : i32
      %sub3A_333 = arith.constant 2 : i32
      %sub3A_334 = arith.subi %add3A_332, %sub3A_333 : i32
      %dma_wait3A_335 = arith.constant 1 : i32
      %dma_wait3A_336 = arith.constant 0 : i32
      %dma_wait3A_337 = tpu.memref_slice %arg5[%sub3A_334, %dma_wait3A_335, %dma_wait3A_336] : memref<79x2x128xi32, #tpu.memory_space<vmem>> -> memref<1x1x128xi32, #tpu.memory_space<vmem>>
      %dma_wait3A_338 = tpu.memref_squeeze %dma_wait3A_337 : memref<1x1x128xi32, #tpu.memory_space<vmem>> -> memref<128xi32, #tpu.memory_space<vmem>>
      %dma_wait3A_339 = arith.constant 0 : i32
      %dma_wait3A_340 = arith.constant 0 : i32
      %dma_wait3A_341 = tpu.memref_slice %arg12[%dma_wait3A_339, %dma_wait3A_340] : memref<10240x16xf32, #tpu.memory_space<vmem_shared>> -> memref<10240x16xf32, #tpu.memory_space<vmem_shared>>
      tpu.wait_indirect_dma semaphore(%arg20 : memref<!tpu.dma_semaphore, #tpu.memory_space<semaphore_mem>>) src(%arg9 : memref<128x16xf32, #tpu.memory_space<vmem>>) dst(%dma_wait3A_341 : memref<10240x16xf32, #tpu.memory_space<vmem_shared>>)
      %add3A_342 = arith.constant 2 : i32
      %add3A_343 = arith.addi %add3A_332, %add3A_342 : i32
      %dma_start3A_344 = arith.constant 0 : i32
      %dma_start3A_345 = arith.constant 0 : i32
      %dma_start3A_346 = tpu.memref_slice %arg5[%add3A_343, %dma_start3A_344, %dma_start3A_345] : memref<79x2x128xi32, #tpu.memory_space<vmem>> -> memref<1x1x128xi32, #tpu.memory_space<vmem>>
      %dma_start3A_347 = tpu.memref_squeeze %dma_start3A_346 : memref<1x1x128xi32, #tpu.memory_space<vmem>> -> memref<128xi32, #tpu.memory_space<vmem>>
      %dma_start3A_348 = arith.constant 0 : i32
      %dma_start3A_349 = arith.constant 0 : i32
      %dma_start3A_350 = tpu.memref_slice %arg11[%dma_start3A_348, %dma_start3A_349] : memref<10240x16xf32, #tpu.memory_space<vmem_shared>> -> memref<10240x16xf32, #tpu.memory_space<vmem_shared>>
      tpu.enqueue_indirect_dma source(%dma_start3A_350 : memref<10240x16xf32, #tpu.memory_space<vmem_shared>>) target(%arg9 : memref<128x16xf32, #tpu.memory_space<vmem>>) offsets(%dma_start3A_347 : memref<128xi32, #tpu.memory_space<vmem>>) semaphore(%arg16 : memref<!tpu.dma_semaphore, #tpu.memory_space<semaphore_mem>>)
      %dma_wait3A_351 = arith.constant 0 : i32
      %dma_wait3A_352 = arith.constant 0 : i32
      %dma_wait3A_353 = tpu.memref_slice %arg5[%add3A_332, %dma_wait3A_351, %dma_wait3A_352] : memref<79x2x128xi32, #tpu.memory_space<vmem>> -> memref<1x1x128xi32, #tpu.memory_space<vmem>>
      %dma_wait3A_354 = tpu.memref_squeeze %dma_wait3A_353 : memref<1x1x128xi32, #tpu.memory_space<vmem>> -> memref<128xi32, #tpu.memory_space<vmem>>
      %dma_wait3A_355 = arith.constant 0 : i32
      %dma_wait3A_356 = arith.constant 0 : i32
      %dma_wait3A_357 = tpu.memref_slice %arg11[%dma_wait3A_355, %dma_wait3A_356] : memref<10240x16xf32, #tpu.memory_space<vmem_shared>> -> memref<10240x16xf32, #tpu.memory_space<vmem_shared>>
      tpu.wait_indirect_dma semaphore(%arg14 : memref<!tpu.dma_semaphore, #tpu.memory_space<semaphore_mem>>) src(%dma_wait3A_357 : memref<10240x16xf32, #tpu.memory_space<vmem_shared>>) dst(%arg7 : memref<128x16xf32, #tpu.memory_space<vmem>>)
      %dma_start3A_358 = arith.constant 1 : i32
      %dma_start3A_359 = arith.constant 0 : i32
      %dma_start3A_360 = tpu.memref_slice %arg5[%add3A_332, %dma_start3A_358, %dma_start3A_359] : memref<79x2x128xi32, #tpu.memory_space<vmem>> -> memref<1x1x128xi32, #tpu.memory_space<vmem>>
      %dma_start3A_361 = tpu.memref_squeeze %dma_start3A_360 : memref<1x1x128xi32, #tpu.memory_space<vmem>> -> memref<128xi32, #tpu.memory_space<vmem>>
      %dma_start3A_362 = arith.constant 0 : i32
      %dma_start3A_363 = arith.constant 0 : i32
      %dma_start3A_364 = tpu.memref_slice %arg12[%dma_start3A_362, %dma_start3A_363] : memref<10240x16xf32, #tpu.memory_space<vmem_shared>> -> memref<10240x16xf32, #tpu.memory_space<vmem_shared>>
      tpu.enqueue_indirect_dma source(%arg7 : memref<128x16xf32, #tpu.memory_space<vmem>>) target(%dma_start3A_364 : memref<10240x16xf32, #tpu.memory_space<vmem_shared>>) offsets(%dma_start3A_361 : memref<128xi32, #tpu.memory_space<vmem>>) semaphore(%arg18 : memref<!tpu.dma_semaphore, #tpu.memory_space<semaphore_mem>>) {add = true}
      %scan3A_365 = arith.constant 0 : i32
      scf.yield %scan3A_365 : i32
    }
    %scan3A_85 = arith.constant 18 : i32
    %dma_wait3A_86 = arith.constant 72 : i32
    %dma_wait3A_87 = arith.constant 1 : i32
    %dma_wait3A_88 = arith.constant 0 : i32
    %dma_wait3A_89 = tpu.memref_slice %arg5[%dma_wait3A_86, %dma_wait3A_87, %dma_wait3A_88] : memref<79x2x128xi32, #tpu.memory_space<vmem>> -> memref<1x1x128xi32, #tpu.memory_space<vmem>>
    %dma_wait3A_90 = tpu.memref_squeeze %dma_wait3A_89 : memref<1x1x128xi32, #tpu.memory_space<vmem>> -> memref<128xi32, #tpu.memory_space<vmem>>
    %dma_wait3A_91 = arith.constant 0 : i32
    %dma_wait3A_92 = arith.constant 0 : i32
    %dma_wait3A_93 = tpu.memref_slice %arg12[%dma_wait3A_91, %dma_wait3A_92] : memref<10240x16xf32, #tpu.memory_space<vmem_shared>> -> memref<10240x16xf32, #tpu.memory_space<vmem_shared>>
    tpu.wait_indirect_dma semaphore(%arg17 : memref<!tpu.dma_semaphore, #tpu.memory_space<semaphore_mem>>) src(%arg6 : memref<128x16xf32, #tpu.memory_space<vmem>>) dst(%dma_wait3A_93 : memref<10240x16xf32, #tpu.memory_space<vmem_shared>>)
    %dma_start3A_94 = arith.constant 76 : i32
    %dma_start3A_95 = arith.constant 0 : i32
    %dma_start3A_96 = arith.constant 0 : i32
    %dma_start3A_97 = tpu.memref_slice %arg5[%dma_start3A_94, %dma_start3A_95, %dma_start3A_96] : memref<79x2x128xi32, #tpu.memory_space<vmem>> -> memref<1x1x128xi32, #tpu.memory_space<vmem>>
    %dma_start3A_98 = tpu.memref_squeeze %dma_start3A_97 : memref<1x1x128xi32, #tpu.memory_space<vmem>> -> memref<128xi32, #tpu.memory_space<vmem>>
    %dma_start3A_99 = arith.constant 0 : i32
    %dma_start3A_100 = arith.constant 0 : i32
    %dma_start3A_101 = tpu.memref_slice %arg11[%dma_start3A_99, %dma_start3A_100] : memref<10240x16xf32, #tpu.memory_space<vmem_shared>> -> memref<10240x16xf32, #tpu.memory_space<vmem_shared>>
    tpu.enqueue_indirect_dma source(%dma_start3A_101 : memref<10240x16xf32, #tpu.memory_space<vmem_shared>>) target(%arg6 : memref<128x16xf32, #tpu.memory_space<vmem>>) offsets(%dma_start3A_98 : memref<128xi32, #tpu.memory_space<vmem>>) semaphore(%arg13 : memref<!tpu.dma_semaphore, #tpu.memory_space<semaphore_mem>>)
    %dma_wait3A_102 = arith.constant 74 : i32
    %dma_wait3A_103 = arith.constant 0 : i32
    %dma_wait3A_104 = arith.constant 0 : i32
    %dma_wait3A_105 = tpu.memref_slice %arg5[%dma_wait3A_102, %dma_wait3A_103, %dma_wait3A_104] : memref<79x2x128xi32, #tpu.memory_space<vmem>> -> memref<1x1x128xi32, #tpu.memory_space<vmem>>
    %dma_wait3A_106 = tpu.memref_squeeze %dma_wait3A_105 : memref<1x1x128xi32, #tpu.memory_space<vmem>> -> memref<128xi32, #tpu.memory_space<vmem>>
    %dma_wait3A_107 = arith.constant 0 : i32
    %dma_wait3A_108 = arith.constant 0 : i32
    %dma_wait3A_109 = tpu.memref_slice %arg11[%dma_wait3A_107, %dma_wait3A_108] : memref<10240x16xf32, #tpu.memory_space<vmem_shared>> -> memref<10240x16xf32, #tpu.memory_space<vmem_shared>>
    tpu.wait_indirect_dma semaphore(%arg15 : memref<!tpu.dma_semaphore, #tpu.memory_space<semaphore_mem>>) src(%dma_wait3A_109 : memref<10240x16xf32, #tpu.memory_space<vmem_shared>>) dst(%arg8 : memref<128x16xf32, #tpu.memory_space<vmem>>)
    %dma_start3A_110 = arith.constant 74 : i32
    %dma_start3A_111 = arith.constant 1 : i32
    %dma_start3A_112 = arith.constant 0 : i32
    %dma_start3A_113 = tpu.memref_slice %arg5[%dma_start3A_110, %dma_start3A_111, %dma_start3A_112] : memref<79x2x128xi32, #tpu.memory_space<vmem>> -> memref<1x1x128xi32, #tpu.memory_space<vmem>>
    %dma_start3A_114 = tpu.memref_squeeze %dma_start3A_113 : memref<1x1x128xi32, #tpu.memory_space<vmem>> -> memref<128xi32, #tpu.memory_space<vmem>>
    %dma_start3A_115 = arith.constant 0 : i32
    %dma_start3A_116 = arith.constant 0 : i32
    %dma_start3A_117 = tpu.memref_slice %arg12[%dma_start3A_115, %dma_start3A_116] : memref<10240x16xf32, #tpu.memory_space<vmem_shared>> -> memref<10240x16xf32, #tpu.memory_space<vmem_shared>>
    tpu.enqueue_indirect_dma source(%arg8 : memref<128x16xf32, #tpu.memory_space<vmem>>) target(%dma_start3A_117 : memref<10240x16xf32, #tpu.memory_space<vmem_shared>>) offsets(%dma_start3A_114 : memref<128xi32, #tpu.memory_space<vmem>>) semaphore(%arg19 : memref<!tpu.dma_semaphore, #tpu.memory_space<semaphore_mem>>) {add = true}
    %dma_wait3A_118 = arith.constant 73 : i32
    %dma_wait3A_119 = arith.constant 1 : i32
    %dma_wait3A_120 = arith.constant 0 : i32
    %dma_wait3A_121 = tpu.memref_slice %arg5[%dma_wait3A_118, %dma_wait3A_119, %dma_wait3A_120] : memref<79x2x128xi32, #tpu.memory_space<vmem>> -> memref<1x1x128xi32, #tpu.memory_space<vmem>>
    %dma_wait3A_122 = tpu.memref_squeeze %dma_wait3A_121 : memref<1x1x128xi32, #tpu.memory_space<vmem>> -> memref<128xi32, #tpu.memory_space<vmem>>
    %dma_wait3A_123 = arith.constant 0 : i32
    %dma_wait3A_124 = arith.constant 0 : i32
    %dma_wait3A_125 = tpu.memref_slice %arg12[%dma_wait3A_123, %dma_wait3A_124] : memref<10240x16xf32, #tpu.memory_space<vmem_shared>> -> memref<10240x16xf32, #tpu.memory_space<vmem_shared>>
    tpu.wait_indirect_dma semaphore(%arg18 : memref<!tpu.dma_semaphore, #tpu.memory_space<semaphore_mem>>) src(%arg7 : memref<128x16xf32, #tpu.memory_space<vmem>>) dst(%dma_wait3A_125 : memref<10240x16xf32, #tpu.memory_space<vmem_shared>>)
    %dma_start3A_126 = arith.constant 77 : i32
    %dma_start3A_127 = arith.constant 0 : i32
    %dma_start3A_128 = arith.constant 0 : i32
    %dma_start3A_129 = tpu.memref_slice %arg5[%dma_start3A_126, %dma_start3A_127, %dma_start3A_128] : memref<79x2x128xi32, #tpu.memory_space<vmem>> -> memref<1x1x128xi32, #tpu.memory_space<vmem>>
    %dma_start3A_130 = tpu.memref_squeeze %dma_start3A_129 : memref<1x1x128xi32, #tpu.memory_space<vmem>> -> memref<128xi32, #tpu.memory_space<vmem>>
    %dma_start3A_131 = arith.constant 0 : i32
    %dma_start3A_132 = arith.constant 0 : i32
    %dma_start3A_133 = tpu.memref_slice %arg11[%dma_start3A_131, %dma_start3A_132] : memref<10240x16xf32, #tpu.memory_space<vmem_shared>> -> memref<10240x16xf32, #tpu.memory_space<vmem_shared>>
    tpu.enqueue_indirect_dma source(%dma_start3A_133 : memref<10240x16xf32, #tpu.memory_space<vmem_shared>>) target(%arg7 : memref<128x16xf32, #tpu.memory_space<vmem>>) offsets(%dma_start3A_130 : memref<128xi32, #tpu.memory_space<vmem>>) semaphore(%arg14 : memref<!tpu.dma_semaphore, #tpu.memory_space<semaphore_mem>>)
    %dma_wait3A_134 = arith.constant 75 : i32
    %dma_wait3A_135 = arith.constant 0 : i32
    %dma_wait3A_136 = arith.constant 0 : i32
    %dma_wait3A_137 = tpu.memref_slice %arg5[%dma_wait3A_134, %dma_wait3A_135, %dma_wait3A_136] : memref<79x2x128xi32, #tpu.memory_space<vmem>> -> memref<1x1x128xi32, #tpu.memory_space<vmem>>
    %dma_wait3A_138 = tpu.memref_squeeze %dma_wait3A_137 : memref<1x1x128xi32, #tpu.memory_space<vmem>> -> memref<128xi32, #tpu.memory_space<vmem>>
    %dma_wait3A_139 = arith.constant 0 : i32
    %dma_wait3A_140 = arith.constant 0 : i32
    %dma_wait3A_141 = tpu.memref_slice %arg11[%dma_wait3A_139, %dma_wait3A_140] : memref<10240x16xf32, #tpu.memory_space<vmem_shared>> -> memref<10240x16xf32, #tpu.memory_space<vmem_shared>>
    tpu.wait_indirect_dma semaphore(%arg16 : memref<!tpu.dma_semaphore, #tpu.memory_space<semaphore_mem>>) src(%dma_wait3A_141 : memref<10240x16xf32, #tpu.memory_space<vmem_shared>>) dst(%arg9 : memref<128x16xf32, #tpu.memory_space<vmem>>)
    %dma_start3A_142 = arith.constant 75 : i32
    %dma_start3A_143 = arith.constant 1 : i32
    %dma_start3A_144 = arith.constant 0 : i32
    %dma_start3A_145 = tpu.memref_slice %arg5[%dma_start3A_142, %dma_start3A_143, %dma_start3A_144] : memref<79x2x128xi32, #tpu.memory_space<vmem>> -> memref<1x1x128xi32, #tpu.memory_space<vmem>>
    %dma_start3A_146 = tpu.memref_squeeze %dma_start3A_145 : memref<1x1x128xi32, #tpu.memory_space<vmem>> -> memref<128xi32, #tpu.memory_space<vmem>>
    %dma_start3A_147 = arith.constant 0 : i32
    %dma_start3A_148 = arith.constant 0 : i32
    %dma_start3A_149 = tpu.memref_slice %arg12[%dma_start3A_147, %dma_start3A_148] : memref<10240x16xf32, #tpu.memory_space<vmem_shared>> -> memref<10240x16xf32, #tpu.memory_space<vmem_shared>>
    tpu.enqueue_indirect_dma source(%arg9 : memref<128x16xf32, #tpu.memory_space<vmem>>) target(%dma_start3A_149 : memref<10240x16xf32, #tpu.memory_space<vmem_shared>>) offsets(%dma_start3A_146 : memref<128xi32, #tpu.memory_space<vmem>>) semaphore(%arg20 : memref<!tpu.dma_semaphore, #tpu.memory_space<semaphore_mem>>) {add = true}
    %dma_wait3A_150 = arith.constant 74 : i32
    %dma_wait3A_151 = arith.constant 1 : i32
    %dma_wait3A_152 = arith.constant 0 : i32
    %dma_wait3A_153 = tpu.memref_slice %arg5[%dma_wait3A_150, %dma_wait3A_151, %dma_wait3A_152] : memref<79x2x128xi32, #tpu.memory_space<vmem>> -> memref<1x1x128xi32, #tpu.memory_space<vmem>>
    %dma_wait3A_154 = tpu.memref_squeeze %dma_wait3A_153 : memref<1x1x128xi32, #tpu.memory_space<vmem>> -> memref<128xi32, #tpu.memory_space<vmem>>
    %dma_wait3A_155 = arith.constant 0 : i32
    %dma_wait3A_156 = arith.constant 0 : i32
    %dma_wait3A_157 = tpu.memref_slice %arg12[%dma_wait3A_155, %dma_wait3A_156] : memref<10240x16xf32, #tpu.memory_space<vmem_shared>> -> memref<10240x16xf32, #tpu.memory_space<vmem_shared>>
    tpu.wait_indirect_dma semaphore(%arg19 : memref<!tpu.dma_semaphore, #tpu.memory_space<semaphore_mem>>) src(%arg8 : memref<128x16xf32, #tpu.memory_space<vmem>>) dst(%dma_wait3A_157 : memref<10240x16xf32, #tpu.memory_space<vmem_shared>>)
    %dma_wait3A_158 = arith.constant 76 : i32
    %dma_wait3A_159 = arith.constant 0 : i32
    %dma_wait3A_160 = arith.constant 0 : i32
    %dma_wait3A_161 = tpu.memref_slice %arg5[%dma_wait3A_158, %dma_wait3A_159, %dma_wait3A_160] : memref<79x2x128xi32, #tpu.memory_space<vmem>> -> memref<1x1x128xi32, #tpu.memory_space<vmem>>
    %dma_wait3A_162 = tpu.memref_squeeze %dma_wait3A_161 : memref<1x1x128xi32, #tpu.memory_space<vmem>> -> memref<128xi32, #tpu.memory_space<vmem>>
    %dma_wait3A_163 = arith.constant 0 : i32
    %dma_wait3A_164 = arith.constant 0 : i32
    %dma_wait3A_165 = tpu.memref_slice %arg11[%dma_wait3A_163, %dma_wait3A_164] : memref<10240x16xf32, #tpu.memory_space<vmem_shared>> -> memref<10240x16xf32, #tpu.memory_space<vmem_shared>>
    tpu.wait_indirect_dma semaphore(%arg13 : memref<!tpu.dma_semaphore, #tpu.memory_space<semaphore_mem>>) src(%dma_wait3A_165 : memref<10240x16xf32, #tpu.memory_space<vmem_shared>>) dst(%arg6 : memref<128x16xf32, #tpu.memory_space<vmem>>)
    %dma_start3A_166 = arith.constant 76 : i32
    %dma_start3A_167 = arith.constant 1 : i32
    %dma_start3A_168 = arith.constant 0 : i32
    %dma_start3A_169 = tpu.memref_slice %arg5[%dma_start3A_166, %dma_start3A_167, %dma_start3A_168] : memref<79x2x128xi32, #tpu.memory_space<vmem>> -> memref<1x1x128xi32, #tpu.memory_space<vmem>>
    %dma_start3A_170 = tpu.memref_squeeze %dma_start3A_169 : memref<1x1x128xi32, #tpu.memory_space<vmem>> -> memref<128xi32, #tpu.memory_space<vmem>>
    %dma_start3A_171 = arith.constant 0 : i32
    %dma_start3A_172 = arith.constant 0 : i32
    %dma_start3A_173 = tpu.memref_slice %arg12[%dma_start3A_171, %dma_start3A_172] : memref<10240x16xf32, #tpu.memory_space<vmem_shared>> -> memref<10240x16xf32, #tpu.memory_space<vmem_shared>>
    tpu.enqueue_indirect_dma source(%arg6 : memref<128x16xf32, #tpu.memory_space<vmem>>) target(%dma_start3A_173 : memref<10240x16xf32, #tpu.memory_space<vmem_shared>>) offsets(%dma_start3A_170 : memref<128xi32, #tpu.memory_space<vmem>>) semaphore(%arg17 : memref<!tpu.dma_semaphore, #tpu.memory_space<semaphore_mem>>) {add = true}
    %dma_wait3A_174 = arith.constant 75 : i32
    %dma_wait3A_175 = arith.constant 1 : i32
    %dma_wait3A_176 = arith.constant 0 : i32
    %dma_wait3A_177 = tpu.memref_slice %arg5[%dma_wait3A_174, %dma_wait3A_175, %dma_wait3A_176] : memref<79x2x128xi32, #tpu.memory_space<vmem>> -> memref<1x1x128xi32, #tpu.memory_space<vmem>>
    %dma_wait3A_178 = tpu.memref_squeeze %dma_wait3A_177 : memref<1x1x128xi32, #tpu.memory_space<vmem>> -> memref<128xi32, #tpu.memory_space<vmem>>
    %dma_wait3A_179 = arith.constant 0 : i32
    %dma_wait3A_180 = arith.constant 0 : i32
    %dma_wait3A_181 = tpu.memref_slice %arg12[%dma_wait3A_179, %dma_wait3A_180] : memref<10240x16xf32, #tpu.memory_space<vmem_shared>> -> memref<10240x16xf32, #tpu.memory_space<vmem_shared>>
    tpu.wait_indirect_dma semaphore(%arg20 : memref<!tpu.dma_semaphore, #tpu.memory_space<semaphore_mem>>) src(%arg9 : memref<128x16xf32, #tpu.memory_space<vmem>>) dst(%dma_wait3A_181 : memref<10240x16xf32, #tpu.memory_space<vmem_shared>>)
    %dma_wait3A_182 = arith.constant 77 : i32
    %dma_wait3A_183 = arith.constant 0 : i32
    %dma_wait3A_184 = arith.constant 0 : i32
    %dma_wait3A_185 = tpu.memref_slice %arg5[%dma_wait3A_182, %dma_wait3A_183, %dma_wait3A_184] : memref<79x2x128xi32, #tpu.memory_space<vmem>> -> memref<1x1x128xi32, #tpu.memory_space<vmem>>
    %dma_wait3A_186 = tpu.memref_squeeze %dma_wait3A_185 : memref<1x1x128xi32, #tpu.memory_space<vmem>> -> memref<128xi32, #tpu.memory_space<vmem>>
    %dma_wait3A_187 = arith.constant 0 : i32
    %dma_wait3A_188 = arith.constant 0 : i32
    %dma_wait3A_189 = tpu.memref_slice %arg11[%dma_wait3A_187, %dma_wait3A_188] : memref<10240x16xf32, #tpu.memory_space<vmem_shared>> -> memref<10240x16xf32, #tpu.memory_space<vmem_shared>>
    tpu.wait_indirect_dma semaphore(%arg14 : memref<!tpu.dma_semaphore, #tpu.memory_space<semaphore_mem>>) src(%dma_wait3A_189 : memref<10240x16xf32, #tpu.memory_space<vmem_shared>>) dst(%arg7 : memref<128x16xf32, #tpu.memory_space<vmem>>)
    %dma_start3A_190 = arith.constant 77 : i32
    %dma_start3A_191 = arith.constant 1 : i32
    %dma_start3A_192 = arith.constant 0 : i32
    %dma_start3A_193 = tpu.memref_slice %arg5[%dma_start3A_190, %dma_start3A_191, %dma_start3A_192] : memref<79x2x128xi32, #tpu.memory_space<vmem>> -> memref<1x1x128xi32, #tpu.memory_space<vmem>>
    %dma_start3A_194 = tpu.memref_squeeze %dma_start3A_193 : memref<1x1x128xi32, #tpu.memory_space<vmem>> -> memref<128xi32, #tpu.memory_space<vmem>>
    %dma_start3A_195 = arith.constant 0 : i32
    %dma_start3A_196 = arith.constant 0 : i32
    %dma_start3A_197 = tpu.memref_slice %arg12[%dma_start3A_195, %dma_start3A_196] : memref<10240x16xf32, #tpu.memory_space<vmem_shared>> -> memref<10240x16xf32, #tpu.memory_space<vmem_shared>>
    tpu.enqueue_indirect_dma source(%arg7 : memref<128x16xf32, #tpu.memory_space<vmem>>) target(%dma_start3A_197 : memref<10240x16xf32, #tpu.memory_space<vmem_shared>>) offsets(%dma_start3A_194 : memref<128xi32, #tpu.memory_space<vmem>>) semaphore(%arg18 : memref<!tpu.dma_semaphore, #tpu.memory_space<semaphore_mem>>) {add = true}
    %dma_wait3A_198 = arith.constant 76 : i32
    %dma_wait3A_199 = arith.constant 1 : i32
    %dma_wait3A_200 = arith.constant 0 : i32
    %dma_wait3A_201 = tpu.memref_slice %arg5[%dma_wait3A_198, %dma_wait3A_199, %dma_wait3A_200] : memref<79x2x128xi32, #tpu.memory_space<vmem>> -> memref<1x1x128xi32, #tpu.memory_space<vmem>>
    %dma_wait3A_202 = tpu.memref_squeeze %dma_wait3A_201 : memref<1x1x128xi32, #tpu.memory_space<vmem>> -> memref<128xi32, #tpu.memory_space<vmem>>
    %dma_wait3A_203 = arith.constant 0 : i32
    %dma_wait3A_204 = arith.constant 0 : i32
    %dma_wait3A_205 = tpu.memref_slice %arg12[%dma_wait3A_203, %dma_wait3A_204] : memref<10240x16xf32, #tpu.memory_space<vmem_shared>> -> memref<10240x16xf32, #tpu.memory_space<vmem_shared>>
    tpu.wait_indirect_dma semaphore(%arg17 : memref<!tpu.dma_semaphore, #tpu.memory_space<semaphore_mem>>) src(%arg6 : memref<128x16xf32, #tpu.memory_space<vmem>>) dst(%dma_wait3A_205 : memref<10240x16xf32, #tpu.memory_space<vmem_shared>>)
    %dma_wait3A_206 = arith.constant 77 : i32
    %dma_wait3A_207 = arith.constant 1 : i32
    %dma_wait3A_208 = arith.constant 0 : i32
    %dma_wait3A_209 = tpu.memref_slice %arg5[%dma_wait3A_206, %dma_wait3A_207, %dma_wait3A_208] : memref<79x2x128xi32, #tpu.memory_space<vmem>> -> memref<1x1x128xi32, #tpu.memory_space<vmem>>
    %dma_wait3A_210 = tpu.memref_squeeze %dma_wait3A_209 : memref<1x1x128xi32, #tpu.memory_space<vmem>> -> memref<128xi32, #tpu.memory_space<vmem>>
    %dma_wait3A_211 = arith.constant 0 : i32
    %dma_wait3A_212 = arith.constant 0 : i32
    %dma_wait3A_213 = tpu.memref_slice %arg12[%dma_wait3A_211, %dma_wait3A_212] : memref<10240x16xf32, #tpu.memory_space<vmem_shared>> -> memref<10240x16xf32, #tpu.memory_space<vmem_shared>>
    tpu.wait_indirect_dma semaphore(%arg18 : memref<!tpu.dma_semaphore, #tpu.memory_space<semaphore_mem>>) src(%arg7 : memref<128x16xf32, #tpu.memory_space<vmem>>) dst(%dma_wait3A_213 : memref<10240x16xf32, #tpu.memory_space<vmem_shared>>)
    %lt3A_214 = arith.constant 4 : i32
    %lt3A_215 = arith.cmpi slt, %add3A, %lt3A_214 : i32
    %convert_element_type3A_216 = arith.extui %lt3A_215 : i1 to i32
    %cond3A_217 = arith.constant 0 : i32
    %cond3A_218 = arith.cmpi ne, %convert_element_type3A_216, %cond3A_217 : i32
    scf.if %cond3A_218 {
      %run_scoped3A = arith.constant 78 : i32
      %run_scoped3A_224 = arith.constant 0 : i32
      "tpu.region"() ({
        %run_scoped3A_227 = tpu.sem_alloc : memref<!tpu.dma_semaphore, #tpu.memory_space<semaphore_mem>>
        %dma_start3A_228 = arith.constant 0 : i32
        %dma_start3A_229 = tpu.memref_slice %arg5[%run_scoped3A, %run_scoped3A_224, %dma_start3A_228] : memref<79x2x128xi32, #tpu.memory_space<vmem>> -> memref<1x1x128xi32, #tpu.memory_space<vmem>>
        %dma_start3A_230 = tpu.memref_squeeze %dma_start3A_229 : memref<1x1x128xi32, #tpu.memory_space<vmem>> -> memref<128xi32, #tpu.memory_space<vmem>>
        %dma_start3A_231 = arith.constant 0 : i32
        %dma_start3A_232 = arith.constant 0 : i32
        %dma_start3A_233 = tpu.memref_slice %arg11[%dma_start3A_231, %dma_start3A_232] : memref<10240x16xf32, #tpu.memory_space<vmem_shared>> -> memref<10240x16xf32, #tpu.memory_space<vmem_shared>>
        tpu.enqueue_indirect_dma source(%dma_start3A_233 : memref<10240x16xf32, #tpu.memory_space<vmem_shared>>) target(%arg6 : memref<128x16xf32, #tpu.memory_space<vmem>>) offsets(%dma_start3A_230 : memref<128xi32, #tpu.memory_space<vmem>>) semaphore(%run_scoped3A_227 : memref<!tpu.dma_semaphore, #tpu.memory_space<semaphore_mem>>)
        %dma_wait3A_234 = arith.constant 0 : i32
        %dma_wait3A_235 = tpu.memref_slice %arg5[%run_scoped3A, %run_scoped3A_224, %dma_wait3A_234] : memref<79x2x128xi32, #tpu.memory_space<vmem>> -> memref<1x1x128xi32, #tpu.memory_space<vmem>>
        %dma_wait3A_236 = tpu.memref_squeeze %dma_wait3A_235 : memref<1x1x128xi32, #tpu.memory_space<vmem>> -> memref<128xi32, #tpu.memory_space<vmem>>
        %dma_wait3A_237 = arith.constant 0 : i32
        %dma_wait3A_238 = arith.constant 0 : i32
        %dma_wait3A_239 = tpu.memref_slice %arg11[%dma_wait3A_237, %dma_wait3A_238] : memref<10240x16xf32, #tpu.memory_space<vmem_shared>> -> memref<10240x16xf32, #tpu.memory_space<vmem_shared>>
        tpu.wait_indirect_dma semaphore(%run_scoped3A_227 : memref<!tpu.dma_semaphore, #tpu.memory_space<semaphore_mem>>) src(%dma_wait3A_239 : memref<10240x16xf32, #tpu.memory_space<vmem_shared>>) dst(%arg6 : memref<128x16xf32, #tpu.memory_space<vmem>>)
        tpu.yield
      }) : () -> ()
      %run_scoped3A_225 = arith.constant 78 : i32
      %run_scoped3A_226 = arith.constant 1 : i32
      "tpu.region"() ({
        %run_scoped3A_227 = tpu.sem_alloc : memref<!tpu.dma_semaphore, #tpu.memory_space<semaphore_mem>>
        %dma_start3A_228 = arith.constant 0 : i32
        %dma_start3A_229 = tpu.memref_slice %arg5[%run_scoped3A_225, %run_scoped3A_226, %dma_start3A_228] : memref<79x2x128xi32, #tpu.memory_space<vmem>> -> memref<1x1x128xi32, #tpu.memory_space<vmem>>
        %dma_start3A_230 = tpu.memref_squeeze %dma_start3A_229 : memref<1x1x128xi32, #tpu.memory_space<vmem>> -> memref<128xi32, #tpu.memory_space<vmem>>
        %dma_start3A_231 = arith.constant 0 : i32
        %dma_start3A_232 = arith.constant 0 : i32
        %dma_start3A_233 = tpu.memref_slice %arg12[%dma_start3A_231, %dma_start3A_232] : memref<10240x16xf32, #tpu.memory_space<vmem_shared>> -> memref<10240x16xf32, #tpu.memory_space<vmem_shared>>
        tpu.enqueue_indirect_dma source(%arg6 : memref<128x16xf32, #tpu.memory_space<vmem>>) target(%dma_start3A_233 : memref<10240x16xf32, #tpu.memory_space<vmem_shared>>) offsets(%dma_start3A_230 : memref<128xi32, #tpu.memory_space<vmem>>) semaphore(%run_scoped3A_227 : memref<!tpu.dma_semaphore, #tpu.memory_space<semaphore_mem>>) {add = true}
        %dma_wait3A_234 = arith.constant 0 : i32
        %dma_wait3A_235 = tpu.memref_slice %arg5[%run_scoped3A_225, %run_scoped3A_226, %dma_wait3A_234] : memref<79x2x128xi32, #tpu.memory_space<vmem>> -> memref<1x1x128xi32, #tpu.memory_space<vmem>>
        %dma_wait3A_236 = tpu.memref_squeeze %dma_wait3A_235 : memref<1x1x128xi32, #tpu.memory_space<vmem>> -> memref<128xi32, #tpu.memory_space<vmem>>
        %dma_wait3A_237 = arith.constant 0 : i32
        %dma_wait3A_238 = arith.constant 0 : i32
        %dma_wait3A_239 = tpu.memref_slice %arg12[%dma_wait3A_237, %dma_wait3A_238] : memref<10240x16xf32, #tpu.memory_space<vmem_shared>> -> memref<10240x16xf32, #tpu.memory_space<vmem_shared>>
        tpu.wait_indirect_dma semaphore(%run_scoped3A_227 : memref<!tpu.dma_semaphore, #tpu.memory_space<semaphore_mem>>) src(%arg6 : memref<128x16xf32, #tpu.memory_space<vmem>>) dst(%dma_wait3A_239 : memref<10240x16xf32, #tpu.memory_space<vmem_shared>>)
        tpu.yield
      }) : () -> ()
    } else {
    }
    %barrier3A_219 = arith.constant 0 : index
    tpu.barrier barrier_id(%barrier3A_219)
    %mul3A_220 = arith.constant 640 : i32
    %mul3A_221 = arith.muli %arg1, %mul3A_220 : i32
    %mul3A_222 = arith.constant 640 : i32
    %mul3A_223 = arith.muli %arg1, %mul3A_222 : i32
    "tpu.region"() ({
      %run_scoped3A = tpu.sem_alloc : memref<!tpu.dma_semaphore, #tpu.memory_space<semaphore_mem>>
      %dma_start3A_224 = arith.constant 0 : i32
      %dma_start3A_225 = tpu.memref_slice %arg4[%arg0, %mul3A_223, %dma_start3A_224] : memref<2x10240x16xf32, #tpu.memory_space<hbm>> -> memref<1x640x16xf32, #tpu.memory_space<hbm>>
      %dma_start3A_226 = tpu.memref_squeeze %dma_start3A_225 : memref<1x640x16xf32, #tpu.memory_space<hbm>> -> memref<640x16xf32, #tpu.memory_space<hbm>>
      %dma_start3A_227 = arith.constant 0 : i32
      %dma_start3A_228 = tpu.memref_slice %arg12[%mul3A_221, %dma_start3A_227] : memref<10240x16xf32, #tpu.memory_space<vmem_shared>> -> memref<640x16xf32, #tpu.memory_space<vmem_shared>>
      tpu.enqueue_dma source(%dma_start3A_228 : memref<640x16xf32, #tpu.memory_space<vmem_shared>>) target(%dma_start3A_226 : memref<640x16xf32, #tpu.memory_space<hbm>>) target_semaphore(%run_scoped3A : memref<!tpu.dma_semaphore, #tpu.memory_space<semaphore_mem>>)
      %dma_wait3A_229 = arith.constant 0 : i32
      %dma_wait3A_230 = tpu.memref_slice %arg4[%arg0, %mul3A_223, %dma_wait3A_229] : memref<2x10240x16xf32, #tpu.memory_space<hbm>> -> memref<1x640x16xf32, #tpu.memory_space<hbm>>
      %dma_wait3A_231 = tpu.memref_squeeze %dma_wait3A_230 : memref<1x640x16xf32, #tpu.memory_space<hbm>> -> memref<640x16xf32, #tpu.memory_space<hbm>>
      %dma_wait3A_232 = arith.constant 0 : i32
      %dma_wait3A_233 = tpu.memref_slice %arg12[%mul3A_221, %dma_wait3A_232] : memref<10240x16xf32, #tpu.memory_space<vmem_shared>> -> memref<640x16xf32, #tpu.memory_space<vmem_shared>>
      tpu.wait_dma2 semaphore(%run_scoped3A : memref<!tpu.dma_semaphore, #tpu.memory_space<semaphore_mem>>) src(%dma_wait3A_233 : memref<640x16xf32, #tpu.memory_space<vmem_shared>>) dst(%dma_wait3A_231 : memref<640x16xf32, #tpu.memory_space<hbm>>)
      tpu.yield
    }) : () -> ()
    return
  }
}

#map = affine_map<(d0, d1) -> (0, 0, 0)>
#map1 = affine_map<(d0, d1) -> (0, 0)>
module attributes {stable_mosaic.version = 14 : i64} {
  func.func @sc_layer1(%arg0: i32, %arg1: i32, %arg2: memref<2500x2x128xi32, #tpu.memory_space<hbm>>, %arg3: memref<10240x128xf32, #tpu.memory_space<hbm>>, %arg4: memref<2x10240x16xf32, #tpu.memory_space<hbm>>, %arg5: memref<10240x16xf32, #tpu.memory_space<hbm>>, %arg6: memref<10240x16xf32, #tpu.memory_space<hbm>>, %arg7: memref<79x2x128xi32, #tpu.memory_space<vmem>>, %arg8: memref<79x2x128xi32, #tpu.memory_space<vmem>>, %arg9: memref<128xf32, #tpu.memory_space<vmem>>, %arg10: memref<640xf32, #tpu.memory_space<vmem>>, %arg11: memref<640xf32, #tpu.memory_space<vmem>>, %arg12: memref<640x16xf32, #tpu.memory_space<vmem>>, %arg13: memref<640x16xf32, #tpu.memory_space<vmem>>, %arg14: memref<640x16xf32, #tpu.memory_space<vmem>>, %arg15: memref<640x16xf32, #tpu.memory_space<vmem>>, %arg16: memref<128x16xf32, #tpu.memory_space<vmem>>, %arg17: memref<128x16xf32, #tpu.memory_space<vmem>>, %arg18: memref<128x16xf32, #tpu.memory_space<vmem>>, %arg19: memref<128x16xf32, #tpu.memory_space<vmem>>, %arg20: memref<10240xf32, #tpu.memory_space<vmem_shared>>, %arg21: memref<10240x16xf32, #tpu.memory_space<vmem_shared>>, %arg22: memref<10240x16xf32, #tpu.memory_space<vmem_shared>>, %arg23: memref<!tpu.dma_semaphore, #tpu.memory_space<semaphore_mem>>, %arg24: memref<!tpu.dma_semaphore, #tpu.memory_space<semaphore_mem>>, %arg25: memref<!tpu.dma_semaphore, #tpu.memory_space<semaphore_mem>>, %arg26: memref<!tpu.dma_semaphore, #tpu.memory_space<semaphore_mem>>, %arg27: memref<!tpu.dma_semaphore, #tpu.memory_space<semaphore_mem>>, %arg28: memref<!tpu.dma_semaphore, #tpu.memory_space<semaphore_mem>>, %arg29: memref<!tpu.dma_semaphore, #tpu.memory_space<semaphore_mem>>, %arg30: memref<!tpu.dma_semaphore, #tpu.memory_space<semaphore_mem>>, %arg31: memref<!tpu.dma_semaphore, #tpu.memory_space<semaphore_mem>>) attributes {dimension_semantics = [#tpu.dimension_semantics<core_parallel>, #tpu.dimension_semantics<subcore_parallel>], iteration_bounds = array<i64: 2, 16>, scalar_prefetch = 0 : i64, scratch_operands = 25 : i64, tpu.core_type = #tpu.core_type<sc_vector_subcore>, window_params = [{transform_indices = #map}, {transform_indices = #map1}, {transform_indices = #map}, {transform_indices = #map1}, {transform_indices = #map1}]} {
    %mul3A = arith.constant 16 : i32
    %mul3A_0 = arith.muli %arg0, %mul3A : i32
    %add3A = arith.addi %mul3A_0, %arg1 : i32
    %sub3A = arith.constant 1 : i32
    %sub3A_1 = arith.subi %sub3A, %arg0 : i32
    %mul3A_2 = arith.constant 16 : i32
    %mul3A_3 = arith.muli %sub3A_1, %mul3A_2 : i32
    %add3A_4 = arith.addi %mul3A_3, %arg1 : i32
    %broadcast_in_dim3A = arith.constant 0.000000e+00 : f32
    %broadcast_in_dim3A_5 = vector.broadcast %broadcast_in_dim3A : f32 to vector<16xf32>
    %swap3A = arith.constant 0 : index
    %swap3A_6 = tpu.vector_load %arg10[%swap3A] {strides = array<i32>} : memref<640xf32, #tpu.memory_space<vmem>>, vector<16xf32>,
    tpu.vector_store %arg10[%swap3A], %broadcast_in_dim3A_5 {strides = array<i32>} : memref<640xf32, #tpu.memory_space<vmem>>, vector<16xf32>,
    %broadcast_in_dim3A_7 = arith.constant 0.000000e+00 : f32
    %broadcast_in_dim3A_8 = vector.broadcast %broadcast_in_dim3A_7 : f32 to vector<16xf32>
    %swap3A_9 = arith.constant 16 : index
    %swap3A_10 = tpu.vector_load %arg10[%swap3A_9] {strides = array<i32>} : memref<640xf32, #tpu.memory_space<vmem>>, vector<16xf32>,
    tpu.vector_store %arg10[%swap3A_9], %broadcast_in_dim3A_8 {strides = array<i32>} : memref<640xf32, #tpu.memory_space<vmem>>, vector<16xf32>,
    %broadcast_in_dim3A_11 = arith.constant 0.000000e+00 : f32
    %broadcast_in_dim3A_12 = vector.broadcast %broadcast_in_dim3A_11 : f32 to vector<16xf32>
    %swap3A_13 = arith.constant 32 : index
    %swap3A_14 = tpu.vector_load %arg10[%swap3A_13] {strides = array<i32>} : memref<640xf32, #tpu.memory_space<vmem>>, vector<16xf32>,
    tpu.vector_store %arg10[%swap3A_13], %broadcast_in_dim3A_12 {strides = array<i32>} : memref<640xf32, #tpu.memory_space<vmem>>, vector<16xf32>,
    %broadcast_in_dim3A_15 = arith.constant 0.000000e+00 : f32
    %broadcast_in_dim3A_16 = vector.broadcast %broadcast_in_dim3A_15 : f32 to vector<16xf32>
    %swap3A_17 = arith.constant 48 : index
    %swap3A_18 = tpu.vector_load %arg10[%swap3A_17] {strides = array<i32>} : memref<640xf32, #tpu.memory_space<vmem>>, vector<16xf32>,
    tpu.vector_store %arg10[%swap3A_17], %broadcast_in_dim3A_16 {strides = array<i32>} : memref<640xf32, #tpu.memory_space<vmem>>, vector<16xf32>,
    %broadcast_in_dim3A_19 = arith.constant 0.000000e+00 : f32
    %broadcast_in_dim3A_20 = vector.broadcast %broadcast_in_dim3A_19 : f32 to vector<16xf32>
    %swap3A_21 = arith.constant 64 : index
    %swap3A_22 = tpu.vector_load %arg10[%swap3A_21] {strides = array<i32>} : memref<640xf32, #tpu.memory_space<vmem>>, vector<16xf32>,
    tpu.vector_store %arg10[%swap3A_21], %broadcast_in_dim3A_20 {strides = array<i32>} : memref<640xf32, #tpu.memory_space<vmem>>, vector<16xf32>,
    %broadcast_in_dim3A_23 = arith.constant 0.000000e+00 : f32
    %broadcast_in_dim3A_24 = vector.broadcast %broadcast_in_dim3A_23 : f32 to vector<16xf32>
    %swap3A_25 = arith.constant 80 : index
    %swap3A_26 = tpu.vector_load %arg10[%swap3A_25] {strides = array<i32>} : memref<640xf32, #tpu.memory_space<vmem>>, vector<16xf32>,
    tpu.vector_store %arg10[%swap3A_25], %broadcast_in_dim3A_24 {strides = array<i32>} : memref<640xf32, #tpu.memory_space<vmem>>, vector<16xf32>,
    %broadcast_in_dim3A_27 = arith.constant 0.000000e+00 : f32
    %broadcast_in_dim3A_28 = vector.broadcast %broadcast_in_dim3A_27 : f32 to vector<16xf32>
    %swap3A_29 = arith.constant 96 : index
    %swap3A_30 = tpu.vector_load %arg10[%swap3A_29] {strides = array<i32>} : memref<640xf32, #tpu.memory_space<vmem>>, vector<16xf32>,
    tpu.vector_store %arg10[%swap3A_29], %broadcast_in_dim3A_28 {strides = array<i32>} : memref<640xf32, #tpu.memory_space<vmem>>, vector<16xf32>,
    %broadcast_in_dim3A_31 = arith.constant 0.000000e+00 : f32
    %broadcast_in_dim3A_32 = vector.broadcast %broadcast_in_dim3A_31 : f32 to vector<16xf32>
    %swap3A_33 = arith.constant 112 : index
    %swap3A_34 = tpu.vector_load %arg10[%swap3A_33] {strides = array<i32>} : memref<640xf32, #tpu.memory_space<vmem>>, vector<16xf32>,
    tpu.vector_store %arg10[%swap3A_33], %broadcast_in_dim3A_32 {strides = array<i32>} : memref<640xf32, #tpu.memory_space<vmem>>, vector<16xf32>,
    %broadcast_in_dim3A_35 = arith.constant 0.000000e+00 : f32
    %broadcast_in_dim3A_36 = vector.broadcast %broadcast_in_dim3A_35 : f32 to vector<16xf32>
    %swap3A_37 = arith.constant 128 : index
    %swap3A_38 = tpu.vector_load %arg10[%swap3A_37] {strides = array<i32>} : memref<640xf32, #tpu.memory_space<vmem>>, vector<16xf32>,
    tpu.vector_store %arg10[%swap3A_37], %broadcast_in_dim3A_36 {strides = array<i32>} : memref<640xf32, #tpu.memory_space<vmem>>, vector<16xf32>,
    %broadcast_in_dim3A_39 = arith.constant 0.000000e+00 : f32
    %broadcast_in_dim3A_40 = vector.broadcast %broadcast_in_dim3A_39 : f32 to vector<16xf32>
    %swap3A_41 = arith.constant 144 : index
    %swap3A_42 = tpu.vector_load %arg10[%swap3A_41] {strides = array<i32>} : memref<640xf32, #tpu.memory_space<vmem>>, vector<16xf32>,
    tpu.vector_store %arg10[%swap3A_41], %broadcast_in_dim3A_40 {strides = array<i32>} : memref<640xf32, #tpu.memory_space<vmem>>, vector<16xf32>,
    %broadcast_in_dim3A_43 = arith.constant 0.000000e+00 : f32
    %broadcast_in_dim3A_44 = vector.broadcast %broadcast_in_dim3A_43 : f32 to vector<16xf32>
    %swap3A_45 = arith.constant 160 : index
    %swap3A_46 = tpu.vector_load %arg10[%swap3A_45] {strides = array<i32>} : memref<640xf32, #tpu.memory_space<vmem>>, vector<16xf32>,
    tpu.vector_store %arg10[%swap3A_45], %broadcast_in_dim3A_44 {strides = array<i32>} : memref<640xf32, #tpu.memory_space<vmem>>, vector<16xf32>,
    %broadcast_in_dim3A_47 = arith.constant 0.000000e+00 : f32
    %broadcast_in_dim3A_48 = vector.broadcast %broadcast_in_dim3A_47 : f32 to vector<16xf32>
    %swap3A_49 = arith.constant 176 : index
    %swap3A_50 = tpu.vector_load %arg10[%swap3A_49] {strides = array<i32>} : memref<640xf32, #tpu.memory_space<vmem>>, vector<16xf32>,
    tpu.vector_store %arg10[%swap3A_49], %broadcast_in_dim3A_48 {strides = array<i32>} : memref<640xf32, #tpu.memory_space<vmem>>, vector<16xf32>,
    %broadcast_in_dim3A_51 = arith.constant 0.000000e+00 : f32
    %broadcast_in_dim3A_52 = vector.broadcast %broadcast_in_dim3A_51 : f32 to vector<16xf32>
    %swap3A_53 = arith.constant 192 : index
    %swap3A_54 = tpu.vector_load %arg10[%swap3A_53] {strides = array<i32>} : memref<640xf32, #tpu.memory_space<vmem>>, vector<16xf32>,
    tpu.vector_store %arg10[%swap3A_53], %broadcast_in_dim3A_52 {strides = array<i32>} : memref<640xf32, #tpu.memory_space<vmem>>, vector<16xf32>,
    %broadcast_in_dim3A_55 = arith.constant 0.000000e+00 : f32
    %broadcast_in_dim3A_56 = vector.broadcast %broadcast_in_dim3A_55 : f32 to vector<16xf32>
    %swap3A_57 = arith.constant 208 : index
    %swap3A_58 = tpu.vector_load %arg10[%swap3A_57] {strides = array<i32>} : memref<640xf32, #tpu.memory_space<vmem>>, vector<16xf32>,
    tpu.vector_store %arg10[%swap3A_57], %broadcast_in_dim3A_56 {strides = array<i32>} : memref<640xf32, #tpu.memory_space<vmem>>, vector<16xf32>,
    %broadcast_in_dim3A_59 = arith.constant 0.000000e+00 : f32
    %broadcast_in_dim3A_60 = vector.broadcast %broadcast_in_dim3A_59 : f32 to vector<16xf32>
    %swap3A_61 = arith.constant 224 : index
    %swap3A_62 = tpu.vector_load %arg10[%swap3A_61] {strides = array<i32>} : memref<640xf32, #tpu.memory_space<vmem>>, vector<16xf32>,
    tpu.vector_store %arg10[%swap3A_61], %broadcast_in_dim3A_60 {strides = array<i32>} : memref<640xf32, #tpu.memory_space<vmem>>, vector<16xf32>,
    %broadcast_in_dim3A_63 = arith.constant 0.000000e+00 : f32
    %broadcast_in_dim3A_64 = vector.broadcast %broadcast_in_dim3A_63 : f32 to vector<16xf32>
    %swap3A_65 = arith.constant 240 : index
    %swap3A_66 = tpu.vector_load %arg10[%swap3A_65] {strides = array<i32>} : memref<640xf32, #tpu.memory_space<vmem>>, vector<16xf32>,
    tpu.vector_store %arg10[%swap3A_65], %broadcast_in_dim3A_64 {strides = array<i32>} : memref<640xf32, #tpu.memory_space<vmem>>, vector<16xf32>,
    %broadcast_in_dim3A_67 = arith.constant 0.000000e+00 : f32
    %broadcast_in_dim3A_68 = vector.broadcast %broadcast_in_dim3A_67 : f32 to vector<16xf32>
    %swap3A_69 = arith.constant 256 : index
    %swap3A_70 = tpu.vector_load %arg10[%swap3A_69] {strides = array<i32>} : memref<640xf32, #tpu.memory_space<vmem>>, vector<16xf32>,
    tpu.vector_store %arg10[%swap3A_69], %broadcast_in_dim3A_68 {strides = array<i32>} : memref<640xf32, #tpu.memory_space<vmem>>, vector<16xf32>,
    %broadcast_in_dim3A_71 = arith.constant 0.000000e+00 : f32
    %broadcast_in_dim3A_72 = vector.broadcast %broadcast_in_dim3A_71 : f32 to vector<16xf32>
    %swap3A_73 = arith.constant 272 : index
    %swap3A_74 = tpu.vector_load %arg10[%swap3A_73] {strides = array<i32>} : memref<640xf32, #tpu.memory_space<vmem>>, vector<16xf32>,
    tpu.vector_store %arg10[%swap3A_73], %broadcast_in_dim3A_72 {strides = array<i32>} : memref<640xf32, #tpu.memory_space<vmem>>, vector<16xf32>,
    %broadcast_in_dim3A_75 = arith.constant 0.000000e+00 : f32
    %broadcast_in_dim3A_76 = vector.broadcast %broadcast_in_dim3A_75 : f32 to vector<16xf32>
    %swap3A_77 = arith.constant 288 : index
    %swap3A_78 = tpu.vector_load %arg10[%swap3A_77] {strides = array<i32>} : memref<640xf32, #tpu.memory_space<vmem>>, vector<16xf32>,
    tpu.vector_store %arg10[%swap3A_77], %broadcast_in_dim3A_76 {strides = array<i32>} : memref<640xf32, #tpu.memory_space<vmem>>, vector<16xf32>,
    %broadcast_in_dim3A_79 = arith.constant 0.000000e+00 : f32
    %broadcast_in_dim3A_80 = vector.broadcast %broadcast_in_dim3A_79 : f32 to vector<16xf32>
    %swap3A_81 = arith.constant 304 : index
    %swap3A_82 = tpu.vector_load %arg10[%swap3A_81] {strides = array<i32>} : memref<640xf32, #tpu.memory_space<vmem>>, vector<16xf32>,
    tpu.vector_store %arg10[%swap3A_81], %broadcast_in_dim3A_80 {strides = array<i32>} : memref<640xf32, #tpu.memory_space<vmem>>, vector<16xf32>,
    %broadcast_in_dim3A_83 = arith.constant 0.000000e+00 : f32
    %broadcast_in_dim3A_84 = vector.broadcast %broadcast_in_dim3A_83 : f32 to vector<16xf32>
    %swap3A_85 = arith.constant 320 : index
    %swap3A_86 = tpu.vector_load %arg10[%swap3A_85] {strides = array<i32>} : memref<640xf32, #tpu.memory_space<vmem>>, vector<16xf32>,
    tpu.vector_store %arg10[%swap3A_85], %broadcast_in_dim3A_84 {strides = array<i32>} : memref<640xf32, #tpu.memory_space<vmem>>, vector<16xf32>,
    %broadcast_in_dim3A_87 = arith.constant 0.000000e+00 : f32
    %broadcast_in_dim3A_88 = vector.broadcast %broadcast_in_dim3A_87 : f32 to vector<16xf32>
    %swap3A_89 = arith.constant 336 : index
    %swap3A_90 = tpu.vector_load %arg10[%swap3A_89] {strides = array<i32>} : memref<640xf32, #tpu.memory_space<vmem>>, vector<16xf32>,
    tpu.vector_store %arg10[%swap3A_89], %broadcast_in_dim3A_88 {strides = array<i32>} : memref<640xf32, #tpu.memory_space<vmem>>, vector<16xf32>,
    %broadcast_in_dim3A_91 = arith.constant 0.000000e+00 : f32
    %broadcast_in_dim3A_92 = vector.broadcast %broadcast_in_dim3A_91 : f32 to vector<16xf32>
    %swap3A_93 = arith.constant 352 : index
    %swap3A_94 = tpu.vector_load %arg10[%swap3A_93] {strides = array<i32>} : memref<640xf32, #tpu.memory_space<vmem>>, vector<16xf32>,
    tpu.vector_store %arg10[%swap3A_93], %broadcast_in_dim3A_92 {strides = array<i32>} : memref<640xf32, #tpu.memory_space<vmem>>, vector<16xf32>,
    %broadcast_in_dim3A_95 = arith.constant 0.000000e+00 : f32
    %broadcast_in_dim3A_96 = vector.broadcast %broadcast_in_dim3A_95 : f32 to vector<16xf32>
    %swap3A_97 = arith.constant 368 : index
    %swap3A_98 = tpu.vector_load %arg10[%swap3A_97] {strides = array<i32>} : memref<640xf32, #tpu.memory_space<vmem>>, vector<16xf32>,
    tpu.vector_store %arg10[%swap3A_97], %broadcast_in_dim3A_96 {strides = array<i32>} : memref<640xf32, #tpu.memory_space<vmem>>, vector<16xf32>,
    %broadcast_in_dim3A_99 = arith.constant 0.000000e+00 : f32
    %broadcast_in_dim3A_100 = vector.broadcast %broadcast_in_dim3A_99 : f32 to vector<16xf32>
    %swap3A_101 = arith.constant 384 : index
    %swap3A_102 = tpu.vector_load %arg10[%swap3A_101] {strides = array<i32>} : memref<640xf32, #tpu.memory_space<vmem>>, vector<16xf32>,
    tpu.vector_store %arg10[%swap3A_101], %broadcast_in_dim3A_100 {strides = array<i32>} : memref<640xf32, #tpu.memory_space<vmem>>, vector<16xf32>,
    %broadcast_in_dim3A_103 = arith.constant 0.000000e+00 : f32
    %broadcast_in_dim3A_104 = vector.broadcast %broadcast_in_dim3A_103 : f32 to vector<16xf32>
    %swap3A_105 = arith.constant 400 : index
    %swap3A_106 = tpu.vector_load %arg10[%swap3A_105] {strides = array<i32>} : memref<640xf32, #tpu.memory_space<vmem>>, vector<16xf32>,
    tpu.vector_store %arg10[%swap3A_105], %broadcast_in_dim3A_104 {strides = array<i32>} : memref<640xf32, #tpu.memory_space<vmem>>, vector<16xf32>,
    %broadcast_in_dim3A_107 = arith.constant 0.000000e+00 : f32
    %broadcast_in_dim3A_108 = vector.broadcast %broadcast_in_dim3A_107 : f32 to vector<16xf32>
    %swap3A_109 = arith.constant 416 : index
    %swap3A_110 = tpu.vector_load %arg10[%swap3A_109] {strides = array<i32>} : memref<640xf32, #tpu.memory_space<vmem>>, vector<16xf32>,
    tpu.vector_store %arg10[%swap3A_109], %broadcast_in_dim3A_108 {strides = array<i32>} : memref<640xf32, #tpu.memory_space<vmem>>, vector<16xf32>,
    %broadcast_in_dim3A_111 = arith.constant 0.000000e+00 : f32
    %broadcast_in_dim3A_112 = vector.broadcast %broadcast_in_dim3A_111 : f32 to vector<16xf32>
    %swap3A_113 = arith.constant 432 : index
    %swap3A_114 = tpu.vector_load %arg10[%swap3A_113] {strides = array<i32>} : memref<640xf32, #tpu.memory_space<vmem>>, vector<16xf32>,
    tpu.vector_store %arg10[%swap3A_113], %broadcast_in_dim3A_112 {strides = array<i32>} : memref<640xf32, #tpu.memory_space<vmem>>, vector<16xf32>,
    %broadcast_in_dim3A_115 = arith.constant 0.000000e+00 : f32
    %broadcast_in_dim3A_116 = vector.broadcast %broadcast_in_dim3A_115 : f32 to vector<16xf32>
    %swap3A_117 = arith.constant 448 : index
    %swap3A_118 = tpu.vector_load %arg10[%swap3A_117] {strides = array<i32>} : memref<640xf32, #tpu.memory_space<vmem>>, vector<16xf32>,
    tpu.vector_store %arg10[%swap3A_117], %broadcast_in_dim3A_116 {strides = array<i32>} : memref<640xf32, #tpu.memory_space<vmem>>, vector<16xf32>,
    %broadcast_in_dim3A_119 = arith.constant 0.000000e+00 : f32
    %broadcast_in_dim3A_120 = vector.broadcast %broadcast_in_dim3A_119 : f32 to vector<16xf32>
    %swap3A_121 = arith.constant 464 : index
    %swap3A_122 = tpu.vector_load %arg10[%swap3A_121] {strides = array<i32>} : memref<640xf32, #tpu.memory_space<vmem>>, vector<16xf32>,
    tpu.vector_store %arg10[%swap3A_121], %broadcast_in_dim3A_120 {strides = array<i32>} : memref<640xf32, #tpu.memory_space<vmem>>, vector<16xf32>,
    %broadcast_in_dim3A_123 = arith.constant 0.000000e+00 : f32
    %broadcast_in_dim3A_124 = vector.broadcast %broadcast_in_dim3A_123 : f32 to vector<16xf32>
    %swap3A_125 = arith.constant 480 : index
    %swap3A_126 = tpu.vector_load %arg10[%swap3A_125] {strides = array<i32>} : memref<640xf32, #tpu.memory_space<vmem>>, vector<16xf32>,
    tpu.vector_store %arg10[%swap3A_125], %broadcast_in_dim3A_124 {strides = array<i32>} : memref<640xf32, #tpu.memory_space<vmem>>, vector<16xf32>,
    %broadcast_in_dim3A_127 = arith.constant 0.000000e+00 : f32
    %broadcast_in_dim3A_128 = vector.broadcast %broadcast_in_dim3A_127 : f32 to vector<16xf32>
    %swap3A_129 = arith.constant 496 : index
    %swap3A_130 = tpu.vector_load %arg10[%swap3A_129] {strides = array<i32>} : memref<640xf32, #tpu.memory_space<vmem>>, vector<16xf32>,
    tpu.vector_store %arg10[%swap3A_129], %broadcast_in_dim3A_128 {strides = array<i32>} : memref<640xf32, #tpu.memory_space<vmem>>, vector<16xf32>,
    %broadcast_in_dim3A_131 = arith.constant 0.000000e+00 : f32
    %broadcast_in_dim3A_132 = vector.broadcast %broadcast_in_dim3A_131 : f32 to vector<16xf32>
    %swap3A_133 = arith.constant 512 : index
    %swap3A_134 = tpu.vector_load %arg10[%swap3A_133] {strides = array<i32>} : memref<640xf32, #tpu.memory_space<vmem>>, vector<16xf32>,
    tpu.vector_store %arg10[%swap3A_133], %broadcast_in_dim3A_132 {strides = array<i32>} : memref<640xf32, #tpu.memory_space<vmem>>, vector<16xf32>,
    %broadcast_in_dim3A_135 = arith.constant 0.000000e+00 : f32
    %broadcast_in_dim3A_136 = vector.broadcast %broadcast_in_dim3A_135 : f32 to vector<16xf32>
    %swap3A_137 = arith.constant 528 : index
    %swap3A_138 = tpu.vector_load %arg10[%swap3A_137] {strides = array<i32>} : memref<640xf32, #tpu.memory_space<vmem>>, vector<16xf32>,
    tpu.vector_store %arg10[%swap3A_137], %broadcast_in_dim3A_136 {strides = array<i32>} : memref<640xf32, #tpu.memory_space<vmem>>, vector<16xf32>,
    %broadcast_in_dim3A_139 = arith.constant 0.000000e+00 : f32
    %broadcast_in_dim3A_140 = vector.broadcast %broadcast_in_dim3A_139 : f32 to vector<16xf32>
    %swap3A_141 = arith.constant 544 : index
    %swap3A_142 = tpu.vector_load %arg10[%swap3A_141] {strides = array<i32>} : memref<640xf32, #tpu.memory_space<vmem>>, vector<16xf32>,
    tpu.vector_store %arg10[%swap3A_141], %broadcast_in_dim3A_140 {strides = array<i32>} : memref<640xf32, #tpu.memory_space<vmem>>, vector<16xf32>,
    %broadcast_in_dim3A_143 = arith.constant 0.000000e+00 : f32
    %broadcast_in_dim3A_144 = vector.broadcast %broadcast_in_dim3A_143 : f32 to vector<16xf32>
    %swap3A_145 = arith.constant 560 : index
    %swap3A_146 = tpu.vector_load %arg10[%swap3A_145] {strides = array<i32>} : memref<640xf32, #tpu.memory_space<vmem>>, vector<16xf32>,
    tpu.vector_store %arg10[%swap3A_145], %broadcast_in_dim3A_144 {strides = array<i32>} : memref<640xf32, #tpu.memory_space<vmem>>, vector<16xf32>,
    %broadcast_in_dim3A_147 = arith.constant 0.000000e+00 : f32
    %broadcast_in_dim3A_148 = vector.broadcast %broadcast_in_dim3A_147 : f32 to vector<16xf32>
    %swap3A_149 = arith.constant 576 : index
    %swap3A_150 = tpu.vector_load %arg10[%swap3A_149] {strides = array<i32>} : memref<640xf32, #tpu.memory_space<vmem>>, vector<16xf32>,
    tpu.vector_store %arg10[%swap3A_149], %broadcast_in_dim3A_148 {strides = array<i32>} : memref<640xf32, #tpu.memory_space<vmem>>, vector<16xf32>,
    %broadcast_in_dim3A_151 = arith.constant 0.000000e+00 : f32
    %broadcast_in_dim3A_152 = vector.broadcast %broadcast_in_dim3A_151 : f32 to vector<16xf32>
    %swap3A_153 = arith.constant 592 : index
    %swap3A_154 = tpu.vector_load %arg10[%swap3A_153] {strides = array<i32>} : memref<640xf32, #tpu.memory_space<vmem>>, vector<16xf32>,
    tpu.vector_store %arg10[%swap3A_153], %broadcast_in_dim3A_152 {strides = array<i32>} : memref<640xf32, #tpu.memory_space<vmem>>, vector<16xf32>,
    %broadcast_in_dim3A_155 = arith.constant 0.000000e+00 : f32
    %broadcast_in_dim3A_156 = vector.broadcast %broadcast_in_dim3A_155 : f32 to vector<16xf32>
    %swap3A_157 = arith.constant 608 : index
    %swap3A_158 = tpu.vector_load %arg10[%swap3A_157] {strides = array<i32>} : memref<640xf32, #tpu.memory_space<vmem>>, vector<16xf32>,
    tpu.vector_store %arg10[%swap3A_157], %broadcast_in_dim3A_156 {strides = array<i32>} : memref<640xf32, #tpu.memory_space<vmem>>, vector<16xf32>,
    %broadcast_in_dim3A_159 = arith.constant 0.000000e+00 : f32
    %broadcast_in_dim3A_160 = vector.broadcast %broadcast_in_dim3A_159 : f32 to vector<16xf32>
    %swap3A_161 = arith.constant 624 : index
    %swap3A_162 = tpu.vector_load %arg10[%swap3A_161] {strides = array<i32>} : memref<640xf32, #tpu.memory_space<vmem>>, vector<16xf32>,
    tpu.vector_store %arg10[%swap3A_161], %broadcast_in_dim3A_160 {strides = array<i32>} : memref<640xf32, #tpu.memory_space<vmem>>, vector<16xf32>,
    %broadcast_in_dim3A_163 = arith.constant 1.000000e+00 : f32
    %broadcast_in_dim3A_164 = vector.broadcast %broadcast_in_dim3A_163 : f32 to vector<16xf32>
    %swap3A_165 = arith.constant 0 : index
    %swap3A_166 = tpu.vector_load %arg9[%swap3A_165] {strides = array<i32>} : memref<128xf32, #tpu.memory_space<vmem>>, vector<16xf32>,
    tpu.vector_store %arg9[%swap3A_165], %broadcast_in_dim3A_164 {strides = array<i32>} : memref<128xf32, #tpu.memory_space<vmem>>, vector<16xf32>,
    %broadcast_in_dim3A_167 = arith.constant 1.000000e+00 : f32
    %broadcast_in_dim3A_168 = vector.broadcast %broadcast_in_dim3A_167 : f32 to vector<16xf32>
    %swap3A_169 = arith.constant 16 : index
    %swap3A_170 = tpu.vector_load %arg9[%swap3A_169] {strides = array<i32>} : memref<128xf32, #tpu.memory_space<vmem>>, vector<16xf32>,
    tpu.vector_store %arg9[%swap3A_169], %broadcast_in_dim3A_168 {strides = array<i32>} : memref<128xf32, #tpu.memory_space<vmem>>, vector<16xf32>,
    %broadcast_in_dim3A_171 = arith.constant 1.000000e+00 : f32
    %broadcast_in_dim3A_172 = vector.broadcast %broadcast_in_dim3A_171 : f32 to vector<16xf32>
    %swap3A_173 = arith.constant 32 : index
    %swap3A_174 = tpu.vector_load %arg9[%swap3A_173] {strides = array<i32>} : memref<128xf32, #tpu.memory_space<vmem>>, vector<16xf32>,
    tpu.vector_store %arg9[%swap3A_173], %broadcast_in_dim3A_172 {strides = array<i32>} : memref<128xf32, #tpu.memory_space<vmem>>, vector<16xf32>,
    %broadcast_in_dim3A_175 = arith.constant 1.000000e+00 : f32
    %broadcast_in_dim3A_176 = vector.broadcast %broadcast_in_dim3A_175 : f32 to vector<16xf32>
    %swap3A_177 = arith.constant 48 : index
    %swap3A_178 = tpu.vector_load %arg9[%swap3A_177] {strides = array<i32>} : memref<128xf32, #tpu.memory_space<vmem>>, vector<16xf32>,
    tpu.vector_store %arg9[%swap3A_177], %broadcast_in_dim3A_176 {strides = array<i32>} : memref<128xf32, #tpu.memory_space<vmem>>, vector<16xf32>,
    %broadcast_in_dim3A_179 = arith.constant 1.000000e+00 : f32
    %broadcast_in_dim3A_180 = vector.broadcast %broadcast_in_dim3A_179 : f32 to vector<16xf32>
    %swap3A_181 = arith.constant 64 : index
    %swap3A_182 = tpu.vector_load %arg9[%swap3A_181] {strides = array<i32>} : memref<128xf32, #tpu.memory_space<vmem>>, vector<16xf32>,
    tpu.vector_store %arg9[%swap3A_181], %broadcast_in_dim3A_180 {strides = array<i32>} : memref<128xf32, #tpu.memory_space<vmem>>, vector<16xf32>,
    %broadcast_in_dim3A_183 = arith.constant 1.000000e+00 : f32
    %broadcast_in_dim3A_184 = vector.broadcast %broadcast_in_dim3A_183 : f32 to vector<16xf32>
    %swap3A_185 = arith.constant 80 : index
    %swap3A_186 = tpu.vector_load %arg9[%swap3A_185] {strides = array<i32>} : memref<128xf32, #tpu.memory_space<vmem>>, vector<16xf32>,
    tpu.vector_store %arg9[%swap3A_185], %broadcast_in_dim3A_184 {strides = array<i32>} : memref<128xf32, #tpu.memory_space<vmem>>, vector<16xf32>,
    %broadcast_in_dim3A_187 = arith.constant 1.000000e+00 : f32
    %broadcast_in_dim3A_188 = vector.broadcast %broadcast_in_dim3A_187 : f32 to vector<16xf32>
    %swap3A_189 = arith.constant 96 : index
    %swap3A_190 = tpu.vector_load %arg9[%swap3A_189] {strides = array<i32>} : memref<128xf32, #tpu.memory_space<vmem>>, vector<16xf32>,
    tpu.vector_store %arg9[%swap3A_189], %broadcast_in_dim3A_188 {strides = array<i32>} : memref<128xf32, #tpu.memory_space<vmem>>, vector<16xf32>,
    %broadcast_in_dim3A_191 = arith.constant 1.000000e+00 : f32
    %broadcast_in_dim3A_192 = vector.broadcast %broadcast_in_dim3A_191 : f32 to vector<16xf32>
    %swap3A_193 = arith.constant 112 : index
    %swap3A_194 = tpu.vector_load %arg9[%swap3A_193] {strides = array<i32>} : memref<128xf32, #tpu.memory_space<vmem>>, vector<16xf32>,
    tpu.vector_store %arg9[%swap3A_193], %broadcast_in_dim3A_192 {strides = array<i32>} : memref<128xf32, #tpu.memory_space<vmem>>, vector<16xf32>,
    %mul3A_195 = arith.constant 640 : i32
    %mul3A_196 = arith.muli %arg1, %mul3A_195 : i32
    "tpu.region"() ({
      %run_scoped3A = tpu.sem_alloc : memref<!tpu.dma_semaphore, #tpu.memory_space<semaphore_mem>>
      %dma_start3A_2373 = tpu.memref_slice %arg20[%mul3A_196] : memref<10240xf32, #tpu.memory_space<vmem_shared>> -> memref<640xf32, #tpu.memory_space<vmem_shared>>
      %dma_start3A_2374 = tpu.memref_slice %arg20[%mul3A_196] : memref<10240xf32, #tpu.memory_space<vmem_shared>> -> memref<640xf32, #tpu.memory_space<vmem_shared>>
      tpu.enqueue_dma source(%arg10 : memref<640xf32, #tpu.memory_space<vmem>>) target(%dma_start3A_2374 : memref<640xf32, #tpu.memory_space<vmem_shared>>) target_semaphore(%run_scoped3A : memref<!tpu.dma_semaphore, #tpu.memory_space<semaphore_mem>>)
      %dma_wait3A_2375 = tpu.memref_slice %arg20[%mul3A_196] : memref<10240xf32, #tpu.memory_space<vmem_shared>> -> memref<640xf32, #tpu.memory_space<vmem_shared>>
      %dma_wait3A_2376 = tpu.memref_slice %arg20[%mul3A_196] : memref<10240xf32, #tpu.memory_space<vmem_shared>> -> memref<640xf32, #tpu.memory_space<vmem_shared>>
      tpu.wait_dma2 semaphore(%run_scoped3A : memref<!tpu.dma_semaphore, #tpu.memory_space<semaphore_mem>>) src(%arg10 : memref<640xf32, #tpu.memory_space<vmem>>) dst(%dma_wait3A_2376 : memref<640xf32, #tpu.memory_space<vmem_shared>>)
      tpu.yield
    }) : () -> ()
    %scan3A = arith.constant 0 : i32
    %scan3A_197 = arith.constant 0 : i32
    %scan3A_198 = arith.constant 640 : i32
    %scan3A_199 = arith.addi %scan3A_197, %scan3A_198 : i32
    %scan3A_200 = arith.constant 1 : i32
    %scan3A_201 = scf.for %scan3A_2373 = %scan3A_197 to %scan3A_199 step %scan3A_200 iter_args(%scan3A_2374 = %scan3A) -> (i32)  : i32 {
      %broadcast_in_dim3A_2375 = arith.constant 0.000000e+00 : f32
      %broadcast_in_dim3A_2376 = vector.broadcast %broadcast_in_dim3A_2375 : f32 to vector<16xf32>
      %swap3A_2377 = arith.index_cast %scan3A_2373 : i32 to index
      %swap3A_2378 = arith.constant 0 : index
      %swap3A_2379 = tpu.vector_load %arg12[%swap3A_2377, %swap3A_2378] {strides = array<i32>} : memref<640x16xf32, #tpu.memory_space<vmem>>, vector<16xf32>,
      tpu.vector_store %arg12[%swap3A_2377, %swap3A_2378], %broadcast_in_dim3A_2376 {strides = array<i32>} : memref<640x16xf32, #tpu.memory_space<vmem>>, vector<16xf32>,
      %scan3A_2380 = arith.constant 0 : i32
      scf.yield %scan3A_2380 : i32
    }
    %scan3A_202 = arith.constant 640 : i32
    %mul3A_203 = arith.constant 640 : i32
    %mul3A_204 = arith.muli %arg1, %mul3A_203 : i32
    "tpu.region"() ({
      %run_scoped3A = tpu.sem_alloc : memref<!tpu.dma_semaphore, #tpu.memory_space<semaphore_mem>>
      %dma_start3A_2373 = arith.constant 0 : i32
      %dma_start3A_2374 = tpu.memref_slice %arg22[%mul3A_204, %dma_start3A_2373] : memref<10240x16xf32, #tpu.memory_space<vmem_shared>> -> memref<640x16xf32, #tpu.memory_space<vmem_shared>>
      %dma_start3A_2375 = arith.constant 0 : i32
      %dma_start3A_2376 = tpu.memref_slice %arg22[%mul3A_204, %dma_start3A_2375] : memref<10240x16xf32, #tpu.memory_space<vmem_shared>> -> memref<640x16xf32, #tpu.memory_space<vmem_shared>>
      tpu.enqueue_dma source(%arg12 : memref<640x16xf32, #tpu.memory_space<vmem>>) target(%dma_start3A_2376 : memref<640x16xf32, #tpu.memory_space<vmem_shared>>) target_semaphore(%run_scoped3A : memref<!tpu.dma_semaphore, #tpu.memory_space<semaphore_mem>>)
      %dma_wait3A_2377 = arith.constant 0 : i32
      %dma_wait3A_2378 = tpu.memref_slice %arg22[%mul3A_204, %dma_wait3A_2377] : memref<10240x16xf32, #tpu.memory_space<vmem_shared>> -> memref<640x16xf32, #tpu.memory_space<vmem_shared>>
      %dma_wait3A_2379 = arith.constant 0 : i32
      %dma_wait3A_2380 = tpu.memref_slice %arg22[%mul3A_204, %dma_wait3A_2379] : memref<10240x16xf32, #tpu.memory_space<vmem_shared>> -> memref<640x16xf32, #tpu.memory_space<vmem_shared>>
      tpu.wait_dma2 semaphore(%run_scoped3A : memref<!tpu.dma_semaphore, #tpu.memory_space<semaphore_mem>>) src(%arg12 : memref<640x16xf32, #tpu.memory_space<vmem>>) dst(%dma_wait3A_2380 : memref<640x16xf32, #tpu.memory_space<vmem_shared>>)
      tpu.yield
    }) : () -> ()
    %mul3A_205 = arith.constant 78 : i32
    %mul3A_206 = arith.muli %add3A, %mul3A_205 : i32
    "tpu.region"() ({
      %run_scoped3A = tpu.sem_alloc : memref<!tpu.dma_semaphore, #tpu.memory_space<semaphore_mem>>
      %dma_start3A_2373 = arith.constant 0 : i32
      %dma_start3A_2374 = arith.constant 0 : i32
      %dma_start3A_2375 = arith.constant 0 : i32
      %dma_start3A_2376 = tpu.memref_slice %arg7[%dma_start3A_2373, %dma_start3A_2374, %dma_start3A_2375] : memref<79x2x128xi32, #tpu.memory_space<vmem>> -> memref<78x2x128xi32, #tpu.memory_space<vmem>>
      %dma_start3A_2377 = arith.constant 0 : i32
      %dma_start3A_2378 = arith.constant 0 : i32
      %dma_start3A_2379 = tpu.memref_slice %arg2[%mul3A_206, %dma_start3A_2377, %dma_start3A_2378] : memref<2500x2x128xi32, #tpu.memory_space<hbm>> -> memref<78x2x128xi32, #tpu.memory_space<hbm>>
      %dma_start3A_2380 = arith.constant 0 : i32
      %dma_start3A_2381 = arith.constant 0 : i32
      %dma_start3A_2382 = arith.constant 0 : i32
      %dma_start3A_2383 = tpu.memref_slice %arg7[%dma_start3A_2380, %dma_start3A_2381, %dma_start3A_2382] : memref<79x2x128xi32, #tpu.memory_space<vmem>> -> memref<78x2x128xi32, #tpu.memory_space<vmem>>
      %dma_start3A_2384 = arith.constant 0 : i32
      %dma_start3A_2385 = arith.constant 0 : i32
      %dma_start3A_2386 = tpu.memref_slice %arg2[%mul3A_206, %dma_start3A_2384, %dma_start3A_2385] : memref<2500x2x128xi32, #tpu.memory_space<hbm>> -> memref<78x2x128xi32, #tpu.memory_space<hbm>>
      tpu.enqueue_dma source(%dma_start3A_2386 : memref<78x2x128xi32, #tpu.memory_space<hbm>>) target(%dma_start3A_2383 : memref<78x2x128xi32, #tpu.memory_space<vmem>>) target_semaphore(%run_scoped3A : memref<!tpu.dma_semaphore, #tpu.memory_space<semaphore_mem>>)
      %dma_wait3A_2387 = arith.constant 0 : i32
      %dma_wait3A_2388 = arith.constant 0 : i32
      %dma_wait3A_2389 = arith.constant 0 : i32
      %dma_wait3A_2390 = tpu.memref_slice %arg7[%dma_wait3A_2387, %dma_wait3A_2388, %dma_wait3A_2389] : memref<79x2x128xi32, #tpu.memory_space<vmem>> -> memref<78x2x128xi32, #tpu.memory_space<vmem>>
      %dma_wait3A_2391 = arith.constant 0 : i32
      %dma_wait3A_2392 = arith.constant 0 : i32
      %dma_wait3A_2393 = tpu.memref_slice %arg2[%mul3A_206, %dma_wait3A_2391, %dma_wait3A_2392] : memref<2500x2x128xi32, #tpu.memory_space<hbm>> -> memref<78x2x128xi32, #tpu.memory_space<hbm>>
      %dma_wait3A_2394 = arith.constant 0 : i32
      %dma_wait3A_2395 = arith.constant 0 : i32
      %dma_wait3A_2396 = arith.constant 0 : i32
      %dma_wait3A_2397 = tpu.memref_slice %arg7[%dma_wait3A_2394, %dma_wait3A_2395, %dma_wait3A_2396] : memref<79x2x128xi32, #tpu.memory_space<vmem>> -> memref<78x2x128xi32, #tpu.memory_space<vmem>>
      %dma_wait3A_2398 = arith.constant 0 : i32
      %dma_wait3A_2399 = arith.constant 0 : i32
      %dma_wait3A_2400 = tpu.memref_slice %arg2[%mul3A_206, %dma_wait3A_2398, %dma_wait3A_2399] : memref<2500x2x128xi32, #tpu.memory_space<hbm>> -> memref<78x2x128xi32, #tpu.memory_space<hbm>>
      tpu.wait_dma2 semaphore(%run_scoped3A : memref<!tpu.dma_semaphore, #tpu.memory_space<semaphore_mem>>) src(%dma_wait3A_2400 : memref<78x2x128xi32, #tpu.memory_space<hbm>>) dst(%dma_wait3A_2397 : memref<78x2x128xi32, #tpu.memory_space<vmem>>)
      tpu.yield
    }) : () -> ()
    %mul3A_207 = arith.constant 78 : i32
    %mul3A_208 = arith.muli %add3A_4, %mul3A_207 : i32
    "tpu.region"() ({
      %run_scoped3A = tpu.sem_alloc : memref<!tpu.dma_semaphore, #tpu.memory_space<semaphore_mem>>
      %dma_start3A_2373 = arith.constant 0 : i32
      %dma_start3A_2374 = arith.constant 0 : i32
      %dma_start3A_2375 = arith.constant 0 : i32
      %dma_start3A_2376 = tpu.memref_slice %arg8[%dma_start3A_2373, %dma_start3A_2374, %dma_start3A_2375] : memref<79x2x128xi32, #tpu.memory_space<vmem>> -> memref<78x2x128xi32, #tpu.memory_space<vmem>>
      %dma_start3A_2377 = arith.constant 0 : i32
      %dma_start3A_2378 = arith.constant 0 : i32
      %dma_start3A_2379 = tpu.memref_slice %arg2[%mul3A_208, %dma_start3A_2377, %dma_start3A_2378] : memref<2500x2x128xi32, #tpu.memory_space<hbm>> -> memref<78x2x128xi32, #tpu.memory_space<hbm>>
      %dma_start3A_2380 = arith.constant 0 : i32
      %dma_start3A_2381 = arith.constant 0 : i32
      %dma_start3A_2382 = arith.constant 0 : i32
      %dma_start3A_2383 = tpu.memref_slice %arg8[%dma_start3A_2380, %dma_start3A_2381, %dma_start3A_2382] : memref<79x2x128xi32, #tpu.memory_space<vmem>> -> memref<78x2x128xi32, #tpu.memory_space<vmem>>
      %dma_start3A_2384 = arith.constant 0 : i32
      %dma_start3A_2385 = arith.constant 0 : i32
      %dma_start3A_2386 = tpu.memref_slice %arg2[%mul3A_208, %dma_start3A_2384, %dma_start3A_2385] : memref<2500x2x128xi32, #tpu.memory_space<hbm>> -> memref<78x2x128xi32, #tpu.memory_space<hbm>>
      tpu.enqueue_dma source(%dma_start3A_2386 : memref<78x2x128xi32, #tpu.memory_space<hbm>>) target(%dma_start3A_2383 : memref<78x2x128xi32, #tpu.memory_space<vmem>>) target_semaphore(%run_scoped3A : memref<!tpu.dma_semaphore, #tpu.memory_space<semaphore_mem>>)
      %dma_wait3A_2387 = arith.constant 0 : i32
      %dma_wait3A_2388 = arith.constant 0 : i32
      %dma_wait3A_2389 = arith.constant 0 : i32
      %dma_wait3A_2390 = tpu.memref_slice %arg8[%dma_wait3A_2387, %dma_wait3A_2388, %dma_wait3A_2389] : memref<79x2x128xi32, #tpu.memory_space<vmem>> -> memref<78x2x128xi32, #tpu.memory_space<vmem>>
      %dma_wait3A_2391 = arith.constant 0 : i32
      %dma_wait3A_2392 = arith.constant 0 : i32
      %dma_wait3A_2393 = tpu.memref_slice %arg2[%mul3A_208, %dma_wait3A_2391, %dma_wait3A_2392] : memref<2500x2x128xi32, #tpu.memory_space<hbm>> -> memref<78x2x128xi32, #tpu.memory_space<hbm>>
      %dma_wait3A_2394 = arith.constant 0 : i32
      %dma_wait3A_2395 = arith.constant 0 : i32
      %dma_wait3A_2396 = arith.constant 0 : i32
      %dma_wait3A_2397 = tpu.memref_slice %arg8[%dma_wait3A_2394, %dma_wait3A_2395, %dma_wait3A_2396] : memref<79x2x128xi32, #tpu.memory_space<vmem>> -> memref<78x2x128xi32, #tpu.memory_space<vmem>>
      %dma_wait3A_2398 = arith.constant 0 : i32
      %dma_wait3A_2399 = arith.constant 0 : i32
      %dma_wait3A_2400 = tpu.memref_slice %arg2[%mul3A_208, %dma_wait3A_2398, %dma_wait3A_2399] : memref<2500x2x128xi32, #tpu.memory_space<hbm>> -> memref<78x2x128xi32, #tpu.memory_space<hbm>>
      tpu.wait_dma2 semaphore(%run_scoped3A : memref<!tpu.dma_semaphore, #tpu.memory_space<semaphore_mem>>) src(%dma_wait3A_2400 : memref<78x2x128xi32, #tpu.memory_space<hbm>>) dst(%dma_wait3A_2397 : memref<78x2x128xi32, #tpu.memory_space<vmem>>)
      tpu.yield
    }) : () -> ()
    %lt3A = arith.constant 4 : i32
    %lt3A_209 = arith.cmpi slt, %add3A, %lt3A : i32
    %convert_element_type3A = arith.extui %lt3A_209 : i1 to i32
    %cond3A = arith.constant 0 : i32
    %cond3A_210 = arith.cmpi ne, %convert_element_type3A, %cond3A : i32
    scf.if %cond3A_210 {
      %add3A_2373 = arith.constant 2496 : i32
      %add3A_2374 = arith.addi %add3A_2373, %add3A : i32
      %run_scoped3A = arith.constant 78 : i32
      "tpu.region"() ({
        %run_scoped3A_2375 = tpu.sem_alloc : memref<!tpu.dma_semaphore, #tpu.memory_space<semaphore_mem>>
        %dma_start3A_2376 = arith.constant 0 : i32
        %dma_start3A_2377 = arith.constant 0 : i32
        %dma_start3A_2378 = tpu.memref_slice %arg7[%run_scoped3A, %dma_start3A_2376, %dma_start3A_2377] : memref<79x2x128xi32, #tpu.memory_space<vmem>> -> memref<1x2x128xi32, #tpu.memory_space<vmem>>
        %dma_start3A_2379 = tpu.memref_squeeze %dma_start3A_2378 : memref<1x2x128xi32, #tpu.memory_space<vmem>> -> memref<2x128xi32, #tpu.memory_space<vmem>>
        %dma_start3A_2380 = arith.constant 0 : i32
        %dma_start3A_2381 = arith.constant 0 : i32
        %dma_start3A_2382 = tpu.memref_slice %arg2[%add3A_2374, %dma_start3A_2380, %dma_start3A_2381] : memref<2500x2x128xi32, #tpu.memory_space<hbm>> -> memref<1x2x128xi32, #tpu.memory_space<hbm>>
        %dma_start3A_2383 = tpu.memref_squeeze %dma_start3A_2382 : memref<1x2x128xi32, #tpu.memory_space<hbm>> -> memref<2x128xi32, #tpu.memory_space<hbm>>
        %dma_start3A_2384 = arith.constant 0 : i32
        %dma_start3A_2385 = arith.constant 0 : i32
        %dma_start3A_2386 = tpu.memref_slice %arg7[%run_scoped3A, %dma_start3A_2384, %dma_start3A_2385] : memref<79x2x128xi32, #tpu.memory_space<vmem>> -> memref<1x2x128xi32, #tpu.memory_space<vmem>>
        %dma_start3A_2387 = tpu.memref_squeeze %dma_start3A_2386 : memref<1x2x128xi32, #tpu.memory_space<vmem>> -> memref<2x128xi32, #tpu.memory_space<vmem>>
        %dma_start3A_2388 = arith.constant 0 : i32
        %dma_start3A_2389 = arith.constant 0 : i32
        %dma_start3A_2390 = tpu.memref_slice %arg2[%add3A_2374, %dma_start3A_2388, %dma_start3A_2389] : memref<2500x2x128xi32, #tpu.memory_space<hbm>> -> memref<1x2x128xi32, #tpu.memory_space<hbm>>
        %dma_start3A_2391 = tpu.memref_squeeze %dma_start3A_2390 : memref<1x2x128xi32, #tpu.memory_space<hbm>> -> memref<2x128xi32, #tpu.memory_space<hbm>>
        tpu.enqueue_dma source(%dma_start3A_2391 : memref<2x128xi32, #tpu.memory_space<hbm>>) target(%dma_start3A_2387 : memref<2x128xi32, #tpu.memory_space<vmem>>) target_semaphore(%run_scoped3A_2375 : memref<!tpu.dma_semaphore, #tpu.memory_space<semaphore_mem>>)
        %dma_wait3A_2392 = arith.constant 0 : i32
        %dma_wait3A_2393 = arith.constant 0 : i32
        %dma_wait3A_2394 = tpu.memref_slice %arg7[%run_scoped3A, %dma_wait3A_2392, %dma_wait3A_2393] : memref<79x2x128xi32, #tpu.memory_space<vmem>> -> memref<1x2x128xi32, #tpu.memory_space<vmem>>
        %dma_wait3A_2395 = tpu.memref_squeeze %dma_wait3A_2394 : memref<1x2x128xi32, #tpu.memory_space<vmem>> -> memref<2x128xi32, #tpu.memory_space<vmem>>
        %dma_wait3A_2396 = arith.constant 0 : i32
        %dma_wait3A_2397 = arith.constant 0 : i32
        %dma_wait3A_2398 = tpu.memref_slice %arg2[%add3A_2374, %dma_wait3A_2396, %dma_wait3A_2397] : memref<2500x2x128xi32, #tpu.memory_space<hbm>> -> memref<1x2x128xi32, #tpu.memory_space<hbm>>
        %dma_wait3A_2399 = tpu.memref_squeeze %dma_wait3A_2398 : memref<1x2x128xi32, #tpu.memory_space<hbm>> -> memref<2x128xi32, #tpu.memory_space<hbm>>
        %dma_wait3A_2400 = arith.constant 0 : i32
        %dma_wait3A_2401 = arith.constant 0 : i32
        %dma_wait3A_2402 = tpu.memref_slice %arg7[%run_scoped3A, %dma_wait3A_2400, %dma_wait3A_2401] : memref<79x2x128xi32, #tpu.memory_space<vmem>> -> memref<1x2x128xi32, #tpu.memory_space<vmem>>
        %dma_wait3A_2403 = tpu.memref_squeeze %dma_wait3A_2402 : memref<1x2x128xi32, #tpu.memory_space<vmem>> -> memref<2x128xi32, #tpu.memory_space<vmem>>
        %dma_wait3A_2404 = arith.constant 0 : i32
        %dma_wait3A_2405 = arith.constant 0 : i32
        %dma_wait3A_2406 = tpu.memref_slice %arg2[%add3A_2374, %dma_wait3A_2404, %dma_wait3A_2405] : memref<2500x2x128xi32, #tpu.memory_space<hbm>> -> memref<1x2x128xi32, #tpu.memory_space<hbm>>
        %dma_wait3A_2407 = tpu.memref_squeeze %dma_wait3A_2406 : memref<1x2x128xi32, #tpu.memory_space<hbm>> -> memref<2x128xi32, #tpu.memory_space<hbm>>
        tpu.wait_dma2 semaphore(%run_scoped3A_2375 : memref<!tpu.dma_semaphore, #tpu.memory_space<semaphore_mem>>) src(%dma_wait3A_2407 : memref<2x128xi32, #tpu.memory_space<hbm>>) dst(%dma_wait3A_2403 : memref<2x128xi32, #tpu.memory_space<vmem>>)
        tpu.yield
      }) : () -> ()
    } else {
    }
    %lt3A_211 = arith.constant 4 : i32
    %lt3A_212 = arith.cmpi slt, %add3A_4, %lt3A_211 : i32
    %convert_element_type3A_213 = arith.extui %lt3A_212 : i1 to i32
    %cond3A_214 = arith.constant 0 : i32
    %cond3A_215 = arith.cmpi ne, %convert_element_type3A_213, %cond3A_214 : i32
    scf.if %cond3A_215 {
      %add3A_2373 = arith.constant 2496 : i32
      %add3A_2374 = arith.addi %add3A_2373, %add3A_4 : i32
      %run_scoped3A = arith.constant 78 : i32
      "tpu.region"() ({
        %run_scoped3A_2375 = tpu.sem_alloc : memref<!tpu.dma_semaphore, #tpu.memory_space<semaphore_mem>>
        %dma_start3A_2376 = arith.constant 0 : i32
        %dma_start3A_2377 = arith.constant 0 : i32
        %dma_start3A_2378 = tpu.memref_slice %arg8[%run_scoped3A, %dma_start3A_2376, %dma_start3A_2377] : memref<79x2x128xi32, #tpu.memory_space<vmem>> -> memref<1x2x128xi32, #tpu.memory_space<vmem>>
        %dma_start3A_2379 = tpu.memref_squeeze %dma_start3A_2378 : memref<1x2x128xi32, #tpu.memory_space<vmem>> -> memref<2x128xi32, #tpu.memory_space<vmem>>
        %dma_start3A_2380 = arith.constant 0 : i32
        %dma_start3A_2381 = arith.constant 0 : i32
        %dma_start3A_2382 = tpu.memref_slice %arg2[%add3A_2374, %dma_start3A_2380, %dma_start3A_2381] : memref<2500x2x128xi32, #tpu.memory_space<hbm>> -> memref<1x2x128xi32, #tpu.memory_space<hbm>>
        %dma_start3A_2383 = tpu.memref_squeeze %dma_start3A_2382 : memref<1x2x128xi32, #tpu.memory_space<hbm>> -> memref<2x128xi32, #tpu.memory_space<hbm>>
        %dma_start3A_2384 = arith.constant 0 : i32
        %dma_start3A_2385 = arith.constant 0 : i32
        %dma_start3A_2386 = tpu.memref_slice %arg8[%run_scoped3A, %dma_start3A_2384, %dma_start3A_2385] : memref<79x2x128xi32, #tpu.memory_space<vmem>> -> memref<1x2x128xi32, #tpu.memory_space<vmem>>
        %dma_start3A_2387 = tpu.memref_squeeze %dma_start3A_2386 : memref<1x2x128xi32, #tpu.memory_space<vmem>> -> memref<2x128xi32, #tpu.memory_space<vmem>>
        %dma_start3A_2388 = arith.constant 0 : i32
        %dma_start3A_2389 = arith.constant 0 : i32
        %dma_start3A_2390 = tpu.memref_slice %arg2[%add3A_2374, %dma_start3A_2388, %dma_start3A_2389] : memref<2500x2x128xi32, #tpu.memory_space<hbm>> -> memref<1x2x128xi32, #tpu.memory_space<hbm>>
        %dma_start3A_2391 = tpu.memref_squeeze %dma_start3A_2390 : memref<1x2x128xi32, #tpu.memory_space<hbm>> -> memref<2x128xi32, #tpu.memory_space<hbm>>
        tpu.enqueue_dma source(%dma_start3A_2391 : memref<2x128xi32, #tpu.memory_space<hbm>>) target(%dma_start3A_2387 : memref<2x128xi32, #tpu.memory_space<vmem>>) target_semaphore(%run_scoped3A_2375 : memref<!tpu.dma_semaphore, #tpu.memory_space<semaphore_mem>>)
        %dma_wait3A_2392 = arith.constant 0 : i32
        %dma_wait3A_2393 = arith.constant 0 : i32
        %dma_wait3A_2394 = tpu.memref_slice %arg8[%run_scoped3A, %dma_wait3A_2392, %dma_wait3A_2393] : memref<79x2x128xi32, #tpu.memory_space<vmem>> -> memref<1x2x128xi32, #tpu.memory_space<vmem>>
        %dma_wait3A_2395 = tpu.memref_squeeze %dma_wait3A_2394 : memref<1x2x128xi32, #tpu.memory_space<vmem>> -> memref<2x128xi32, #tpu.memory_space<vmem>>
        %dma_wait3A_2396 = arith.constant 0 : i32
        %dma_wait3A_2397 = arith.constant 0 : i32
        %dma_wait3A_2398 = tpu.memref_slice %arg2[%add3A_2374, %dma_wait3A_2396, %dma_wait3A_2397] : memref<2500x2x128xi32, #tpu.memory_space<hbm>> -> memref<1x2x128xi32, #tpu.memory_space<hbm>>
        %dma_wait3A_2399 = tpu.memref_squeeze %dma_wait3A_2398 : memref<1x2x128xi32, #tpu.memory_space<hbm>> -> memref<2x128xi32, #tpu.memory_space<hbm>>
        %dma_wait3A_2400 = arith.constant 0 : i32
        %dma_wait3A_2401 = arith.constant 0 : i32
        %dma_wait3A_2402 = tpu.memref_slice %arg8[%run_scoped3A, %dma_wait3A_2400, %dma_wait3A_2401] : memref<79x2x128xi32, #tpu.memory_space<vmem>> -> memref<1x2x128xi32, #tpu.memory_space<vmem>>
        %dma_wait3A_2403 = tpu.memref_squeeze %dma_wait3A_2402 : memref<1x2x128xi32, #tpu.memory_space<vmem>> -> memref<2x128xi32, #tpu.memory_space<vmem>>
        %dma_wait3A_2404 = arith.constant 0 : i32
        %dma_wait3A_2405 = arith.constant 0 : i32
        %dma_wait3A_2406 = tpu.memref_slice %arg2[%add3A_2374, %dma_wait3A_2404, %dma_wait3A_2405] : memref<2500x2x128xi32, #tpu.memory_space<hbm>> -> memref<1x2x128xi32, #tpu.memory_space<hbm>>
        %dma_wait3A_2407 = tpu.memref_squeeze %dma_wait3A_2406 : memref<1x2x128xi32, #tpu.memory_space<hbm>> -> memref<2x128xi32, #tpu.memory_space<hbm>>
        tpu.wait_dma2 semaphore(%run_scoped3A_2375 : memref<!tpu.dma_semaphore, #tpu.memory_space<semaphore_mem>>) src(%dma_wait3A_2407 : memref<2x128xi32, #tpu.memory_space<hbm>>) dst(%dma_wait3A_2403 : memref<2x128xi32, #tpu.memory_space<vmem>>)
        tpu.yield
      }) : () -> ()
    } else {
    }
    %mul3A_216 = arith.constant 640 : i32
    %mul3A_217 = arith.muli %arg1, %mul3A_216 : i32
    "tpu.region"() ({
      %run_scoped3A = tpu.sem_alloc : memref<!tpu.dma_semaphore, #tpu.memory_space<semaphore_mem>>
      %dma_start3A_2373 = arith.constant 0 : i32
      %dma_start3A_2374 = tpu.memref_slice %arg3[%mul3A_217, %dma_start3A_2373] : memref<10240x128xf32, #tpu.memory_space<hbm>> -> memref<640x16xf32, #tpu.memory_space<hbm>>
      %dma_start3A_2375 = arith.constant 0 : i32
      %dma_start3A_2376 = tpu.memref_slice %arg3[%mul3A_217, %dma_start3A_2375] : memref<10240x128xf32, #tpu.memory_space<hbm>> -> memref<640x16xf32, #tpu.memory_space<hbm>>
      tpu.enqueue_dma source(%dma_start3A_2376 : memref<640x16xf32, #tpu.memory_space<hbm>>) target(%arg13 : memref<640x16xf32, #tpu.memory_space<vmem>>) target_semaphore(%run_scoped3A : memref<!tpu.dma_semaphore, #tpu.memory_space<semaphore_mem>>)
      %dma_wait3A_2377 = arith.constant 0 : i32
      %dma_wait3A_2378 = tpu.memref_slice %arg3[%mul3A_217, %dma_wait3A_2377] : memref<10240x128xf32, #tpu.memory_space<hbm>> -> memref<640x16xf32, #tpu.memory_space<hbm>>
      %dma_wait3A_2379 = arith.constant 0 : i32
      %dma_wait3A_2380 = tpu.memref_slice %arg3[%mul3A_217, %dma_wait3A_2379] : memref<10240x128xf32, #tpu.memory_space<hbm>> -> memref<640x16xf32, #tpu.memory_space<hbm>>
      tpu.wait_dma2 semaphore(%run_scoped3A : memref<!tpu.dma_semaphore, #tpu.memory_space<semaphore_mem>>) src(%dma_wait3A_2380 : memref<640x16xf32, #tpu.memory_space<hbm>>) dst(%arg13 : memref<640x16xf32, #tpu.memory_space<vmem>>)
      tpu.yield
    }) : () -> ()
    %barrier3A = arith.constant 0 : index
    tpu.barrier barrier_id(%barrier3A)
    %lt3A_218 = arith.constant 4 : i32
    %lt3A_219 = arith.cmpi slt, %add3A, %lt3A_218 : i32
    %dma_start3A = arith.constant 0 : i32
    %dma_start3A_220 = arith.constant 1 : i32
    %dma_start3A_221 = arith.constant 0 : i32
    %dma_start3A_222 = tpu.memref_slice %arg7[%dma_start3A, %dma_start3A_220, %dma_start3A_221] : memref<79x2x128xi32, #tpu.memory_space<vmem>> -> memref<1x1x128xi32, #tpu.memory_space<vmem>>
    %dma_start3A_223 = tpu.memref_squeeze %dma_start3A_222 : memref<1x1x128xi32, #tpu.memory_space<vmem>> -> memref<128xi32, #tpu.memory_space<vmem>>
    %dma_start3A_224 = arith.constant 0 : i32
    %dma_start3A_225 = tpu.memref_slice %arg20[%dma_start3A_224] : memref<10240xf32, #tpu.memory_space<vmem_shared>> -> memref<10240xf32, #tpu.memory_space<vmem_shared>>
    tpu.enqueue_indirect_dma source(%arg9 : memref<128xf32, #tpu.memory_space<vmem>>) target(%dma_start3A_225 : memref<10240xf32, #tpu.memory_space<vmem_shared>>) offsets(%dma_start3A_223 : memref<128xi32, #tpu.memory_space<vmem>>) semaphore(%arg31 : memref<!tpu.dma_semaphore, #tpu.memory_space<semaphore_mem>>) {add = true}
    %dma_start3A_226 = arith.constant 1 : i32
    %dma_start3A_227 = arith.constant 1 : i32
    %dma_start3A_228 = arith.constant 0 : i32
    %dma_start3A_229 = tpu.memref_slice %arg7[%dma_start3A_226, %dma_start3A_227, %dma_start3A_228] : memref<79x2x128xi32, #tpu.memory_space<vmem>> -> memref<1x1x128xi32, #tpu.memory_space<vmem>>
    %dma_start3A_230 = tpu.memref_squeeze %dma_start3A_229 : memref<1x1x128xi32, #tpu.memory_space<vmem>> -> memref<128xi32, #tpu.memory_space<vmem>>
    %dma_start3A_231 = arith.constant 0 : i32
    %dma_start3A_232 = tpu.memref_slice %arg20[%dma_start3A_231] : memref<10240xf32, #tpu.memory_space<vmem_shared>> -> memref<10240xf32, #tpu.memory_space<vmem_shared>>
    tpu.enqueue_indirect_dma source(%arg9 : memref<128xf32, #tpu.memory_space<vmem>>) target(%dma_start3A_232 : memref<10240xf32, #tpu.memory_space<vmem_shared>>) offsets(%dma_start3A_230 : memref<128xi32, #tpu.memory_space<vmem>>) semaphore(%arg31 : memref<!tpu.dma_semaphore, #tpu.memory_space<semaphore_mem>>) {add = true}
    %dma_start3A_233 = arith.constant 2 : i32
    %dma_start3A_234 = arith.constant 1 : i32
    %dma_start3A_235 = arith.constant 0 : i32
    %dma_start3A_236 = tpu.memref_slice %arg7[%dma_start3A_233, %dma_start3A_234, %dma_start3A_235] : memref<79x2x128xi32, #tpu.memory_space<vmem>> -> memref<1x1x128xi32, #tpu.memory_space<vmem>>
    %dma_start3A_237 = tpu.memref_squeeze %dma_start3A_236 : memref<1x1x128xi32, #tpu.memory_space<vmem>> -> memref<128xi32, #tpu.memory_space<vmem>>
    %dma_start3A_238 = arith.constant 0 : i32
    %dma_start3A_239 = tpu.memref_slice %arg20[%dma_start3A_238] : memref<10240xf32, #tpu.memory_space<vmem_shared>> -> memref<10240xf32, #tpu.memory_space<vmem_shared>>
    tpu.enqueue_indirect_dma source(%arg9 : memref<128xf32, #tpu.memory_space<vmem>>) target(%dma_start3A_239 : memref<10240xf32, #tpu.memory_space<vmem_shared>>) offsets(%dma_start3A_237 : memref<128xi32, #tpu.memory_space<vmem>>) semaphore(%arg31 : memref<!tpu.dma_semaphore, #tpu.memory_space<semaphore_mem>>) {add = true}
    %dma_start3A_240 = arith.constant 3 : i32
    %dma_start3A_241 = arith.constant 1 : i32
    %dma_start3A_242 = arith.constant 0 : i32
    %dma_start3A_243 = tpu.memref_slice %arg7[%dma_start3A_240, %dma_start3A_241, %dma_start3A_242] : memref<79x2x128xi32, #tpu.memory_space<vmem>> -> memref<1x1x128xi32, #tpu.memory_space<vmem>>
    %dma_start3A_244 = tpu.memref_squeeze %dma_start3A_243 : memref<1x1x128xi32, #tpu.memory_space<vmem>> -> memref<128xi32, #tpu.memory_space<vmem>>
    %dma_start3A_245 = arith.constant 0 : i32
    %dma_start3A_246 = tpu.memref_slice %arg20[%dma_start3A_245] : memref<10240xf32, #tpu.memory_space<vmem_shared>> -> memref<10240xf32, #tpu.memory_space<vmem_shared>>
    tpu.enqueue_indirect_dma source(%arg9 : memref<128xf32, #tpu.memory_space<vmem>>) target(%dma_start3A_246 : memref<10240xf32, #tpu.memory_space<vmem_shared>>) offsets(%dma_start3A_244 : memref<128xi32, #tpu.memory_space<vmem>>) semaphore(%arg31 : memref<!tpu.dma_semaphore, #tpu.memory_space<semaphore_mem>>) {add = true}
    %dma_start3A_247 = arith.constant 4 : i32
    %dma_start3A_248 = arith.constant 1 : i32
    %dma_start3A_249 = arith.constant 0 : i32
    %dma_start3A_250 = tpu.memref_slice %arg7[%dma_start3A_247, %dma_start3A_248, %dma_start3A_249] : memref<79x2x128xi32, #tpu.memory_space<vmem>> -> memref<1x1x128xi32, #tpu.memory_space<vmem>>
    %dma_start3A_251 = tpu.memref_squeeze %dma_start3A_250 : memref<1x1x128xi32, #tpu.memory_space<vmem>> -> memref<128xi32, #tpu.memory_space<vmem>>
    %dma_start3A_252 = arith.constant 0 : i32
    %dma_start3A_253 = tpu.memref_slice %arg20[%dma_start3A_252] : memref<10240xf32, #tpu.memory_space<vmem_shared>> -> memref<10240xf32, #tpu.memory_space<vmem_shared>>
    tpu.enqueue_indirect_dma source(%arg9 : memref<128xf32, #tpu.memory_space<vmem>>) target(%dma_start3A_253 : memref<10240xf32, #tpu.memory_space<vmem_shared>>) offsets(%dma_start3A_251 : memref<128xi32, #tpu.memory_space<vmem>>) semaphore(%arg31 : memref<!tpu.dma_semaphore, #tpu.memory_space<semaphore_mem>>) {add = true}
    %dma_start3A_254 = arith.constant 5 : i32
    %dma_start3A_255 = arith.constant 1 : i32
    %dma_start3A_256 = arith.constant 0 : i32
    %dma_start3A_257 = tpu.memref_slice %arg7[%dma_start3A_254, %dma_start3A_255, %dma_start3A_256] : memref<79x2x128xi32, #tpu.memory_space<vmem>> -> memref<1x1x128xi32, #tpu.memory_space<vmem>>
    %dma_start3A_258 = tpu.memref_squeeze %dma_start3A_257 : memref<1x1x128xi32, #tpu.memory_space<vmem>> -> memref<128xi32, #tpu.memory_space<vmem>>
    %dma_start3A_259 = arith.constant 0 : i32
    %dma_start3A_260 = tpu.memref_slice %arg20[%dma_start3A_259] : memref<10240xf32, #tpu.memory_space<vmem_shared>> -> memref<10240xf32, #tpu.memory_space<vmem_shared>>
    tpu.enqueue_indirect_dma source(%arg9 : memref<128xf32, #tpu.memory_space<vmem>>) target(%dma_start3A_260 : memref<10240xf32, #tpu.memory_space<vmem_shared>>) offsets(%dma_start3A_258 : memref<128xi32, #tpu.memory_space<vmem>>) semaphore(%arg31 : memref<!tpu.dma_semaphore, #tpu.memory_space<semaphore_mem>>) {add = true}
    %dma_start3A_261 = arith.constant 6 : i32
    %dma_start3A_262 = arith.constant 1 : i32
    %dma_start3A_263 = arith.constant 0 : i32
    %dma_start3A_264 = tpu.memref_slice %arg7[%dma_start3A_261, %dma_start3A_262, %dma_start3A_263] : memref<79x2x128xi32, #tpu.memory_space<vmem>> -> memref<1x1x128xi32, #tpu.memory_space<vmem>>
    %dma_start3A_265 = tpu.memref_squeeze %dma_start3A_264 : memref<1x1x128xi32, #tpu.memory_space<vmem>> -> memref<128xi32, #tpu.memory_space<vmem>>
    %dma_start3A_266 = arith.constant 0 : i32
    %dma_start3A_267 = tpu.memref_slice %arg20[%dma_start3A_266] : memref<10240xf32, #tpu.memory_space<vmem_shared>> -> memref<10240xf32, #tpu.memory_space<vmem_shared>>
    tpu.enqueue_indirect_dma source(%arg9 : memref<128xf32, #tpu.memory_space<vmem>>) target(%dma_start3A_267 : memref<10240xf32, #tpu.memory_space<vmem_shared>>) offsets(%dma_start3A_265 : memref<128xi32, #tpu.memory_space<vmem>>) semaphore(%arg31 : memref<!tpu.dma_semaphore, #tpu.memory_space<semaphore_mem>>) {add = true}
    %dma_start3A_268 = arith.constant 7 : i32
    %dma_start3A_269 = arith.constant 1 : i32
    %dma_start3A_270 = arith.constant 0 : i32
    %dma_start3A_271 = tpu.memref_slice %arg7[%dma_start3A_268, %dma_start3A_269, %dma_start3A_270] : memref<79x2x128xi32, #tpu.memory_space<vmem>> -> memref<1x1x128xi32, #tpu.memory_space<vmem>>
    %dma_start3A_272 = tpu.memref_squeeze %dma_start3A_271 : memref<1x1x128xi32, #tpu.memory_space<vmem>> -> memref<128xi32, #tpu.memory_space<vmem>>
    %dma_start3A_273 = arith.constant 0 : i32
    %dma_start3A_274 = tpu.memref_slice %arg20[%dma_start3A_273] : memref<10240xf32, #tpu.memory_space<vmem_shared>> -> memref<10240xf32, #tpu.memory_space<vmem_shared>>
    tpu.enqueue_indirect_dma source(%arg9 : memref<128xf32, #tpu.memory_space<vmem>>) target(%dma_start3A_274 : memref<10240xf32, #tpu.memory_space<vmem_shared>>) offsets(%dma_start3A_272 : memref<128xi32, #tpu.memory_space<vmem>>) semaphore(%arg31 : memref<!tpu.dma_semaphore, #tpu.memory_space<semaphore_mem>>) {add = true}
    %scan3A_275 = arith.constant 0 : i32
    %scan3A_276 = arith.constant 8 : i32
    %scan3A_277 = arith.constant 70 : i32
    %scan3A_278 = arith.addi %scan3A_276, %scan3A_277 : i32
    %scan3A_279 = arith.constant 1 : i32
    %scan3A_280 = scf.for %scan3A_2373 = %scan3A_276 to %scan3A_278 step %scan3A_279 iter_args(%scan3A_2374 = %scan3A_275) -> (i32)  : i32 {
      %dma_wait3A_2375 = arith.constant 0 : i32
      %dma_wait3A_2376 = arith.constant 1 : i32
      %dma_wait3A_2377 = arith.constant 0 : i32
      %dma_wait3A_2378 = tpu.memref_slice %arg7[%dma_wait3A_2375, %dma_wait3A_2376, %dma_wait3A_2377] : memref<79x2x128xi32, #tpu.memory_space<vmem>> -> memref<1x1x128xi32, #tpu.memory_space<vmem>>
      %dma_wait3A_2379 = tpu.memref_squeeze %dma_wait3A_2378 : memref<1x1x128xi32, #tpu.memory_space<vmem>> -> memref<128xi32, #tpu.memory_space<vmem>>
      %dma_wait3A_2380 = arith.constant 0 : i32
      %dma_wait3A_2381 = tpu.memref_slice %arg20[%dma_wait3A_2380] : memref<10240xf32, #tpu.memory_space<vmem_shared>> -> memref<10240xf32, #tpu.memory_space<vmem_shared>>
      tpu.wait_indirect_dma semaphore(%arg31 : memref<!tpu.dma_semaphore, #tpu.memory_space<semaphore_mem>>) src(%arg9 : memref<128xf32, #tpu.memory_space<vmem>>) dst(%dma_wait3A_2381 : memref<10240xf32, #tpu.memory_space<vmem_shared>>)
      %dma_start3A_2382 = arith.constant 1 : i32
      %dma_start3A_2383 = arith.constant 0 : i32
      %dma_start3A_2384 = tpu.memref_slice %arg7[%scan3A_2373, %dma_start3A_2382, %dma_start3A_2383] : memref<79x2x128xi32, #tpu.memory_space<vmem>> -> memref<1x1x128xi32, #tpu.memory_space<vmem>>
      %dma_start3A_2385 = tpu.memref_squeeze %dma_start3A_2384 : memref<1x1x128xi32, #tpu.memory_space<vmem>> -> memref<128xi32, #tpu.memory_space<vmem>>
      %dma_start3A_2386 = arith.constant 0 : i32
      %dma_start3A_2387 = tpu.memref_slice %arg20[%dma_start3A_2386] : memref<10240xf32, #tpu.memory_space<vmem_shared>> -> memref<10240xf32, #tpu.memory_space<vmem_shared>>
      tpu.enqueue_indirect_dma source(%arg9 : memref<128xf32, #tpu.memory_space<vmem>>) target(%dma_start3A_2387 : memref<10240xf32, #tpu.memory_space<vmem_shared>>) offsets(%dma_start3A_2385 : memref<128xi32, #tpu.memory_space<vmem>>) semaphore(%arg31 : memref<!tpu.dma_semaphore, #tpu.memory_space<semaphore_mem>>) {add = true}
      %scan3A_2388 = arith.constant 0 : i32
      scf.yield %scan3A_2388 : i32
    }
    %scan3A_281 = arith.constant 70 : i32
    %convert_element_type3A_282 = arith.extui %lt3A_219 : i1 to i32
    %cond3A_283 = arith.constant 0 : i32
    %cond3A_284 = arith.cmpi ne, %convert_element_type3A_282, %cond3A_283 : i32
    scf.if %cond3A_284 {
      %dma_start3A_2373 = arith.constant 78 : i32
      %dma_start3A_2374 = arith.constant 1 : i32
      %dma_start3A_2375 = arith.constant 0 : i32
      %dma_start3A_2376 = tpu.memref_slice %arg7[%dma_start3A_2373, %dma_start3A_2374, %dma_start3A_2375] : memref<79x2x128xi32, #tpu.memory_space<vmem>> -> memref<1x1x128xi32, #tpu.memory_space<vmem>>
      %dma_start3A_2377 = tpu.memref_squeeze %dma_start3A_2376 : memref<1x1x128xi32, #tpu.memory_space<vmem>> -> memref<128xi32, #tpu.memory_space<vmem>>
      %dma_start3A_2378 = arith.constant 0 : i32
      %dma_start3A_2379 = tpu.memref_slice %arg20[%dma_start3A_2378] : memref<10240xf32, #tpu.memory_space<vmem_shared>> -> memref<10240xf32, #tpu.memory_space<vmem_shared>>
      tpu.enqueue_indirect_dma source(%arg9 : memref<128xf32, #tpu.memory_space<vmem>>) target(%dma_start3A_2379 : memref<10240xf32, #tpu.memory_space<vmem_shared>>) offsets(%dma_start3A_2377 : memref<128xi32, #tpu.memory_space<vmem>>) semaphore(%arg31 : memref<!tpu.dma_semaphore, #tpu.memory_space<semaphore_mem>>) {add = true}
    } else {
    }
    %dma_wait3A = arith.constant 0 : i32
    %dma_wait3A_285 = arith.constant 1 : i32
    %dma_wait3A_286 = arith.constant 0 : i32
    %dma_wait3A_287 = tpu.memref_slice %arg7[%dma_wait3A, %dma_wait3A_285, %dma_wait3A_286] : memref<79x2x128xi32, #tpu.memory_space<vmem>> -> memref<1x1x128xi32, #tpu.memory_space<vmem>>
    %dma_wait3A_288 = tpu.memref_squeeze %dma_wait3A_287 : memref<1x1x128xi32, #tpu.memory_space<vmem>> -> memref<128xi32, #tpu.memory_space<vmem>>
    %dma_wait3A_289 = arith.constant 0 : i32
    %dma_wait3A_290 = tpu.memref_slice %arg20[%dma_wait3A_289] : memref<10240xf32, #tpu.memory_space<vmem_shared>> -> memref<10240xf32, #tpu.memory_space<vmem_shared>>
    tpu.wait_indirect_dma semaphore(%arg31 : memref<!tpu.dma_semaphore, #tpu.memory_space<semaphore_mem>>) src(%arg9 : memref<128xf32, #tpu.memory_space<vmem>>) dst(%dma_wait3A_290 : memref<10240xf32, #tpu.memory_space<vmem_shared>>)
    %dma_wait3A_291 = arith.constant 0 : i32
    %dma_wait3A_292 = arith.constant 1 : i32
    %dma_wait3A_293 = arith.constant 0 : i32
    %dma_wait3A_294 = tpu.memref_slice %arg7[%dma_wait3A_291, %dma_wait3A_292, %dma_wait3A_293] : memref<79x2x128xi32, #tpu.memory_space<vmem>> -> memref<1x1x128xi32, #tpu.memory_space<vmem>>
    %dma_wait3A_295 = tpu.memref_squeeze %dma_wait3A_294 : memref<1x1x128xi32, #tpu.memory_space<vmem>> -> memref<128xi32, #tpu.memory_space<vmem>>
    %dma_wait3A_296 = arith.constant 0 : i32
    %dma_wait3A_297 = tpu.memref_slice %arg20[%dma_wait3A_296] : memref<10240xf32, #tpu.memory_space<vmem_shared>> -> memref<10240xf32, #tpu.memory_space<vmem_shared>>
    tpu.wait_indirect_dma semaphore(%arg31 : memref<!tpu.dma_semaphore, #tpu.memory_space<semaphore_mem>>) src(%arg9 : memref<128xf32, #tpu.memory_space<vmem>>) dst(%dma_wait3A_297 : memref<10240xf32, #tpu.memory_space<vmem_shared>>)
    %dma_wait3A_298 = arith.constant 0 : i32
    %dma_wait3A_299 = arith.constant 1 : i32
    %dma_wait3A_300 = arith.constant 0 : i32
    %dma_wait3A_301 = tpu.memref_slice %arg7[%dma_wait3A_298, %dma_wait3A_299, %dma_wait3A_300] : memref<79x2x128xi32, #tpu.memory_space<vmem>> -> memref<1x1x128xi32, #tpu.memory_space<vmem>>
    %dma_wait3A_302 = tpu.memref_squeeze %dma_wait3A_301 : memref<1x1x128xi32, #tpu.memory_space<vmem>> -> memref<128xi32, #tpu.memory_space<vmem>>
    %dma_wait3A_303 = arith.constant 0 : i32
    %dma_wait3A_304 = tpu.memref_slice %arg20[%dma_wait3A_303] : memref<10240xf32, #tpu.memory_space<vmem_shared>> -> memref<10240xf32, #tpu.memory_space<vmem_shared>>
    tpu.wait_indirect_dma semaphore(%arg31 : memref<!tpu.dma_semaphore, #tpu.memory_space<semaphore_mem>>) src(%arg9 : memref<128xf32, #tpu.memory_space<vmem>>) dst(%dma_wait3A_304 : memref<10240xf32, #tpu.memory_space<vmem_shared>>)
    %dma_wait3A_305 = arith.constant 0 : i32
    %dma_wait3A_306 = arith.constant 1 : i32
    %dma_wait3A_307 = arith.constant 0 : i32
    %dma_wait3A_308 = tpu.memref_slice %arg7[%dma_wait3A_305, %dma_wait3A_306, %dma_wait3A_307] : memref<79x2x128xi32, #tpu.memory_space<vmem>> -> memref<1x1x128xi32, #tpu.memory_space<vmem>>
    %dma_wait3A_309 = tpu.memref_squeeze %dma_wait3A_308 : memref<1x1x128xi32, #tpu.memory_space<vmem>> -> memref<128xi32, #tpu.memory_space<vmem>>
    %dma_wait3A_310 = arith.constant 0 : i32
    %dma_wait3A_311 = tpu.memref_slice %arg20[%dma_wait3A_310] : memref<10240xf32, #tpu.memory_space<vmem_shared>> -> memref<10240xf32, #tpu.memory_space<vmem_shared>>
    tpu.wait_indirect_dma semaphore(%arg31 : memref<!tpu.dma_semaphore, #tpu.memory_space<semaphore_mem>>) src(%arg9 : memref<128xf32, #tpu.memory_space<vmem>>) dst(%dma_wait3A_311 : memref<10240xf32, #tpu.memory_space<vmem_shared>>)
    %dma_wait3A_312 = arith.constant 0 : i32
    %dma_wait3A_313 = arith.constant 1 : i32
    %dma_wait3A_314 = arith.constant 0 : i32
    %dma_wait3A_315 = tpu.memref_slice %arg7[%dma_wait3A_312, %dma_wait3A_313, %dma_wait3A_314] : memref<79x2x128xi32, #tpu.memory_space<vmem>> -> memref<1x1x128xi32, #tpu.memory_space<vmem>>
    %dma_wait3A_316 = tpu.memref_squeeze %dma_wait3A_315 : memref<1x1x128xi32, #tpu.memory_space<vmem>> -> memref<128xi32, #tpu.memory_space<vmem>>
    %dma_wait3A_317 = arith.constant 0 : i32
    %dma_wait3A_318 = tpu.memref_slice %arg20[%dma_wait3A_317] : memref<10240xf32, #tpu.memory_space<vmem_shared>> -> memref<10240xf32, #tpu.memory_space<vmem_shared>>
    tpu.wait_indirect_dma semaphore(%arg31 : memref<!tpu.dma_semaphore, #tpu.memory_space<semaphore_mem>>) src(%arg9 : memref<128xf32, #tpu.memory_space<vmem>>) dst(%dma_wait3A_318 : memref<10240xf32, #tpu.memory_space<vmem_shared>>)
    %dma_wait3A_319 = arith.constant 0 : i32
    %dma_wait3A_320 = arith.constant 1 : i32
    %dma_wait3A_321 = arith.constant 0 : i32
    %dma_wait3A_322 = tpu.memref_slice %arg7[%dma_wait3A_319, %dma_wait3A_320, %dma_wait3A_321] : memref<79x2x128xi32, #tpu.memory_space<vmem>> -> memref<1x1x128xi32, #tpu.memory_space<vmem>>
    %dma_wait3A_323 = tpu.memref_squeeze %dma_wait3A_322 : memref<1x1x128xi32, #tpu.memory_space<vmem>> -> memref<128xi32, #tpu.memory_space<vmem>>
    %dma_wait3A_324 = arith.constant 0 : i32
    %dma_wait3A_325 = tpu.memref_slice %arg20[%dma_wait3A_324] : memref<10240xf32, #tpu.memory_space<vmem_shared>> -> memref<10240xf32, #tpu.memory_space<vmem_shared>>
    tpu.wait_indirect_dma semaphore(%arg31 : memref<!tpu.dma_semaphore, #tpu.memory_space<semaphore_mem>>) src(%arg9 : memref<128xf32, #tpu.memory_space<vmem>>) dst(%dma_wait3A_325 : memref<10240xf32, #tpu.memory_space<vmem_shared>>)
    %dma_wait3A_326 = arith.constant 0 : i32
    %dma_wait3A_327 = arith.constant 1 : i32
    %dma_wait3A_328 = arith.constant 0 : i32
    %dma_wait3A_329 = tpu.memref_slice %arg7[%dma_wait3A_326, %dma_wait3A_327, %dma_wait3A_328] : memref<79x2x128xi32, #tpu.memory_space<vmem>> -> memref<1x1x128xi32, #tpu.memory_space<vmem>>
    %dma_wait3A_330 = tpu.memref_squeeze %dma_wait3A_329 : memref<1x1x128xi32, #tpu.memory_space<vmem>> -> memref<128xi32, #tpu.memory_space<vmem>>
    %dma_wait3A_331 = arith.constant 0 : i32
    %dma_wait3A_332 = tpu.memref_slice %arg20[%dma_wait3A_331] : memref<10240xf32, #tpu.memory_space<vmem_shared>> -> memref<10240xf32, #tpu.memory_space<vmem_shared>>
    tpu.wait_indirect_dma semaphore(%arg31 : memref<!tpu.dma_semaphore, #tpu.memory_space<semaphore_mem>>) src(%arg9 : memref<128xf32, #tpu.memory_space<vmem>>) dst(%dma_wait3A_332 : memref<10240xf32, #tpu.memory_space<vmem_shared>>)
    %dma_wait3A_333 = arith.constant 0 : i32
    %dma_wait3A_334 = arith.constant 1 : i32
    %dma_wait3A_335 = arith.constant 0 : i32
    %dma_wait3A_336 = tpu.memref_slice %arg7[%dma_wait3A_333, %dma_wait3A_334, %dma_wait3A_335] : memref<79x2x128xi32, #tpu.memory_space<vmem>> -> memref<1x1x128xi32, #tpu.memory_space<vmem>>
    %dma_wait3A_337 = tpu.memref_squeeze %dma_wait3A_336 : memref<1x1x128xi32, #tpu.memory_space<vmem>> -> memref<128xi32, #tpu.memory_space<vmem>>
    %dma_wait3A_338 = arith.constant 0 : i32
    %dma_wait3A_339 = tpu.memref_slice %arg20[%dma_wait3A_338] : memref<10240xf32, #tpu.memory_space<vmem_shared>> -> memref<10240xf32, #tpu.memory_space<vmem_shared>>
    tpu.wait_indirect_dma semaphore(%arg31 : memref<!tpu.dma_semaphore, #tpu.memory_space<semaphore_mem>>) src(%arg9 : memref<128xf32, #tpu.memory_space<vmem>>) dst(%dma_wait3A_339 : memref<10240xf32, #tpu.memory_space<vmem_shared>>)
    %convert_element_type3A_340 = arith.extui %lt3A_219 : i1 to i32
    %cond3A_341 = arith.constant 0 : i32
    %cond3A_342 = arith.cmpi ne, %convert_element_type3A_340, %cond3A_341 : i32
    scf.if %cond3A_342 {
      %dma_wait3A_2373 = arith.constant 0 : i32
      %dma_wait3A_2374 = arith.constant 1 : i32
      %dma_wait3A_2375 = arith.constant 0 : i32
      %dma_wait3A_2376 = tpu.memref_slice %arg7[%dma_wait3A_2373, %dma_wait3A_2374, %dma_wait3A_2375] : memref<79x2x128xi32, #tpu.memory_space<vmem>> -> memref<1x1x128xi32, #tpu.memory_space<vmem>>
      %dma_wait3A_2377 = tpu.memref_squeeze %dma_wait3A_2376 : memref<1x1x128xi32, #tpu.memory_space<vmem>> -> memref<128xi32, #tpu.memory_space<vmem>>
      %dma_wait3A_2378 = arith.constant 0 : i32
      %dma_wait3A_2379 = tpu.memref_slice %arg20[%dma_wait3A_2378] : memref<10240xf32, #tpu.memory_space<vmem_shared>> -> memref<10240xf32, #tpu.memory_space<vmem_shared>>
      tpu.wait_indirect_dma semaphore(%arg31 : memref<!tpu.dma_semaphore, #tpu.memory_space<semaphore_mem>>) src(%arg9 : memref<128xf32, #tpu.memory_space<vmem>>) dst(%dma_wait3A_2379 : memref<10240xf32, #tpu.memory_space<vmem_shared>>)
    } else {
    }
    %lt3A_343 = arith.constant 4 : i32
    %lt3A_344 = arith.cmpi slt, %add3A_4, %lt3A_343 : i32
    %dma_start3A_345 = arith.constant 0 : i32
    %dma_start3A_346 = arith.constant 1 : i32
    %dma_start3A_347 = arith.constant 0 : i32
    %dma_start3A_348 = tpu.memref_slice %arg8[%dma_start3A_345, %dma_start3A_346, %dma_start3A_347] : memref<79x2x128xi32, #tpu.memory_space<vmem>> -> memref<1x1x128xi32, #tpu.memory_space<vmem>>
    %dma_start3A_349 = tpu.memref_squeeze %dma_start3A_348 : memref<1x1x128xi32, #tpu.memory_space<vmem>> -> memref<128xi32, #tpu.memory_space<vmem>>
    %dma_start3A_350 = arith.constant 0 : i32
    %dma_start3A_351 = tpu.memref_slice %arg20[%dma_start3A_350] : memref<10240xf32, #tpu.memory_space<vmem_shared>> -> memref<10240xf32, #tpu.memory_space<vmem_shared>>
    tpu.enqueue_indirect_dma source(%arg9 : memref<128xf32, #tpu.memory_space<vmem>>) target(%dma_start3A_351 : memref<10240xf32, #tpu.memory_space<vmem_shared>>) offsets(%dma_start3A_349 : memref<128xi32, #tpu.memory_space<vmem>>) semaphore(%arg31 : memref<!tpu.dma_semaphore, #tpu.memory_space<semaphore_mem>>) {add = true}
    %dma_start3A_352 = arith.constant 1 : i32
    %dma_start3A_353 = arith.constant 1 : i32
    %dma_start3A_354 = arith.constant 0 : i32
    %dma_start3A_355 = tpu.memref_slice %arg8[%dma_start3A_352, %dma_start3A_353, %dma_start3A_354] : memref<79x2x128xi32, #tpu.memory_space<vmem>> -> memref<1x1x128xi32, #tpu.memory_space<vmem>>
    %dma_start3A_356 = tpu.memref_squeeze %dma_start3A_355 : memref<1x1x128xi32, #tpu.memory_space<vmem>> -> memref<128xi32, #tpu.memory_space<vmem>>
    %dma_start3A_357 = arith.constant 0 : i32
    %dma_start3A_358 = tpu.memref_slice %arg20[%dma_start3A_357] : memref<10240xf32, #tpu.memory_space<vmem_shared>> -> memref<10240xf32, #tpu.memory_space<vmem_shared>>
    tpu.enqueue_indirect_dma source(%arg9 : memref<128xf32, #tpu.memory_space<vmem>>) target(%dma_start3A_358 : memref<10240xf32, #tpu.memory_space<vmem_shared>>) offsets(%dma_start3A_356 : memref<128xi32, #tpu.memory_space<vmem>>) semaphore(%arg31 : memref<!tpu.dma_semaphore, #tpu.memory_space<semaphore_mem>>) {add = true}
    %dma_start3A_359 = arith.constant 2 : i32
    %dma_start3A_360 = arith.constant 1 : i32
    %dma_start3A_361 = arith.constant 0 : i32
    %dma_start3A_362 = tpu.memref_slice %arg8[%dma_start3A_359, %dma_start3A_360, %dma_start3A_361] : memref<79x2x128xi32, #tpu.memory_space<vmem>> -> memref<1x1x128xi32, #tpu.memory_space<vmem>>
    %dma_start3A_363 = tpu.memref_squeeze %dma_start3A_362 : memref<1x1x128xi32, #tpu.memory_space<vmem>> -> memref<128xi32, #tpu.memory_space<vmem>>
    %dma_start3A_364 = arith.constant 0 : i32
    %dma_start3A_365 = tpu.memref_slice %arg20[%dma_start3A_364] : memref<10240xf32, #tpu.memory_space<vmem_shared>> -> memref<10240xf32, #tpu.memory_space<vmem_shared>>
    tpu.enqueue_indirect_dma source(%arg9 : memref<128xf32, #tpu.memory_space<vmem>>) target(%dma_start3A_365 : memref<10240xf32, #tpu.memory_space<vmem_shared>>) offsets(%dma_start3A_363 : memref<128xi32, #tpu.memory_space<vmem>>) semaphore(%arg31 : memref<!tpu.dma_semaphore, #tpu.memory_space<semaphore_mem>>) {add = true}
    %dma_start3A_366 = arith.constant 3 : i32
    %dma_start3A_367 = arith.constant 1 : i32
    %dma_start3A_368 = arith.constant 0 : i32
    %dma_start3A_369 = tpu.memref_slice %arg8[%dma_start3A_366, %dma_start3A_367, %dma_start3A_368] : memref<79x2x128xi32, #tpu.memory_space<vmem>> -> memref<1x1x128xi32, #tpu.memory_space<vmem>>
    %dma_start3A_370 = tpu.memref_squeeze %dma_start3A_369 : memref<1x1x128xi32, #tpu.memory_space<vmem>> -> memref<128xi32, #tpu.memory_space<vmem>>
    %dma_start3A_371 = arith.constant 0 : i32
    %dma_start3A_372 = tpu.memref_slice %arg20[%dma_start3A_371] : memref<10240xf32, #tpu.memory_space<vmem_shared>> -> memref<10240xf32, #tpu.memory_space<vmem_shared>>
    tpu.enqueue_indirect_dma source(%arg9 : memref<128xf32, #tpu.memory_space<vmem>>) target(%dma_start3A_372 : memref<10240xf32, #tpu.memory_space<vmem_shared>>) offsets(%dma_start3A_370 : memref<128xi32, #tpu.memory_space<vmem>>) semaphore(%arg31 : memref<!tpu.dma_semaphore, #tpu.memory_space<semaphore_mem>>) {add = true}
    %dma_start3A_373 = arith.constant 4 : i32
    %dma_start3A_374 = arith.constant 1 : i32
    %dma_start3A_375 = arith.constant 0 : i32
    %dma_start3A_376 = tpu.memref_slice %arg8[%dma_start3A_373, %dma_start3A_374, %dma_start3A_375] : memref<79x2x128xi32, #tpu.memory_space<vmem>> -> memref<1x1x128xi32, #tpu.memory_space<vmem>>
    %dma_start3A_377 = tpu.memref_squeeze %dma_start3A_376 : memref<1x1x128xi32, #tpu.memory_space<vmem>> -> memref<128xi32, #tpu.memory_space<vmem>>
    %dma_start3A_378 = arith.constant 0 : i32
    %dma_start3A_379 = tpu.memref_slice %arg20[%dma_start3A_378] : memref<10240xf32, #tpu.memory_space<vmem_shared>> -> memref<10240xf32, #tpu.memory_space<vmem_shared>>
    tpu.enqueue_indirect_dma source(%arg9 : memref<128xf32, #tpu.memory_space<vmem>>) target(%dma_start3A_379 : memref<10240xf32, #tpu.memory_space<vmem_shared>>) offsets(%dma_start3A_377 : memref<128xi32, #tpu.memory_space<vmem>>) semaphore(%arg31 : memref<!tpu.dma_semaphore, #tpu.memory_space<semaphore_mem>>) {add = true}
    %dma_start3A_380 = arith.constant 5 : i32
    %dma_start3A_381 = arith.constant 1 : i32
    %dma_start3A_382 = arith.constant 0 : i32
    %dma_start3A_383 = tpu.memref_slice %arg8[%dma_start3A_380, %dma_start3A_381, %dma_start3A_382] : memref<79x2x128xi32, #tpu.memory_space<vmem>> -> memref<1x1x128xi32, #tpu.memory_space<vmem>>
    %dma_start3A_384 = tpu.memref_squeeze %dma_start3A_383 : memref<1x1x128xi32, #tpu.memory_space<vmem>> -> memref<128xi32, #tpu.memory_space<vmem>>
    %dma_start3A_385 = arith.constant 0 : i32
    %dma_start3A_386 = tpu.memref_slice %arg20[%dma_start3A_385] : memref<10240xf32, #tpu.memory_space<vmem_shared>> -> memref<10240xf32, #tpu.memory_space<vmem_shared>>
    tpu.enqueue_indirect_dma source(%arg9 : memref<128xf32, #tpu.memory_space<vmem>>) target(%dma_start3A_386 : memref<10240xf32, #tpu.memory_space<vmem_shared>>) offsets(%dma_start3A_384 : memref<128xi32, #tpu.memory_space<vmem>>) semaphore(%arg31 : memref<!tpu.dma_semaphore, #tpu.memory_space<semaphore_mem>>) {add = true}
    %dma_start3A_387 = arith.constant 6 : i32
    %dma_start3A_388 = arith.constant 1 : i32
    %dma_start3A_389 = arith.constant 0 : i32
    %dma_start3A_390 = tpu.memref_slice %arg8[%dma_start3A_387, %dma_start3A_388, %dma_start3A_389] : memref<79x2x128xi32, #tpu.memory_space<vmem>> -> memref<1x1x128xi32, #tpu.memory_space<vmem>>
    %dma_start3A_391 = tpu.memref_squeeze %dma_start3A_390 : memref<1x1x128xi32, #tpu.memory_space<vmem>> -> memref<128xi32, #tpu.memory_space<vmem>>
    %dma_start3A_392 = arith.constant 0 : i32
    %dma_start3A_393 = tpu.memref_slice %arg20[%dma_start3A_392] : memref<10240xf32, #tpu.memory_space<vmem_shared>> -> memref<10240xf32, #tpu.memory_space<vmem_shared>>
    tpu.enqueue_indirect_dma source(%arg9 : memref<128xf32, #tpu.memory_space<vmem>>) target(%dma_start3A_393 : memref<10240xf32, #tpu.memory_space<vmem_shared>>) offsets(%dma_start3A_391 : memref<128xi32, #tpu.memory_space<vmem>>) semaphore(%arg31 : memref<!tpu.dma_semaphore, #tpu.memory_space<semaphore_mem>>) {add = true}
    %dma_start3A_394 = arith.constant 7 : i32
    %dma_start3A_395 = arith.constant 1 : i32
    %dma_start3A_396 = arith.constant 0 : i32
    %dma_start3A_397 = tpu.memref_slice %arg8[%dma_start3A_394, %dma_start3A_395, %dma_start3A_396] : memref<79x2x128xi32, #tpu.memory_space<vmem>> -> memref<1x1x128xi32, #tpu.memory_space<vmem>>
    %dma_start3A_398 = tpu.memref_squeeze %dma_start3A_397 : memref<1x1x128xi32, #tpu.memory_space<vmem>> -> memref<128xi32, #tpu.memory_space<vmem>>
    %dma_start3A_399 = arith.constant 0 : i32
    %dma_start3A_400 = tpu.memref_slice %arg20[%dma_start3A_399] : memref<10240xf32, #tpu.memory_space<vmem_shared>> -> memref<10240xf32, #tpu.memory_space<vmem_shared>>
    tpu.enqueue_indirect_dma source(%arg9 : memref<128xf32, #tpu.memory_space<vmem>>) target(%dma_start3A_400 : memref<10240xf32, #tpu.memory_space<vmem_shared>>) offsets(%dma_start3A_398 : memref<128xi32, #tpu.memory_space<vmem>>) semaphore(%arg31 : memref<!tpu.dma_semaphore, #tpu.memory_space<semaphore_mem>>) {add = true}
    %scan3A_401 = arith.constant 0 : i32
    %scan3A_402 = arith.constant 8 : i32
    %scan3A_403 = arith.constant 70 : i32
    %scan3A_404 = arith.addi %scan3A_402, %scan3A_403 : i32
    %scan3A_405 = arith.constant 1 : i32
    %scan3A_406 = scf.for %scan3A_2373 = %scan3A_402 to %scan3A_404 step %scan3A_405 iter_args(%scan3A_2374 = %scan3A_401) -> (i32)  : i32 {
      %dma_wait3A_2375 = arith.constant 0 : i32
      %dma_wait3A_2376 = arith.constant 1 : i32
      %dma_wait3A_2377 = arith.constant 0 : i32
      %dma_wait3A_2378 = tpu.memref_slice %arg8[%dma_wait3A_2375, %dma_wait3A_2376, %dma_wait3A_2377] : memref<79x2x128xi32, #tpu.memory_space<vmem>> -> memref<1x1x128xi32, #tpu.memory_space<vmem>>
      %dma_wait3A_2379 = tpu.memref_squeeze %dma_wait3A_2378 : memref<1x1x128xi32, #tpu.memory_space<vmem>> -> memref<128xi32, #tpu.memory_space<vmem>>
      %dma_wait3A_2380 = arith.constant 0 : i32
      %dma_wait3A_2381 = tpu.memref_slice %arg20[%dma_wait3A_2380] : memref<10240xf32, #tpu.memory_space<vmem_shared>> -> memref<10240xf32, #tpu.memory_space<vmem_shared>>
      tpu.wait_indirect_dma semaphore(%arg31 : memref<!tpu.dma_semaphore, #tpu.memory_space<semaphore_mem>>) src(%arg9 : memref<128xf32, #tpu.memory_space<vmem>>) dst(%dma_wait3A_2381 : memref<10240xf32, #tpu.memory_space<vmem_shared>>)
      %dma_start3A_2382 = arith.constant 1 : i32
      %dma_start3A_2383 = arith.constant 0 : i32
      %dma_start3A_2384 = tpu.memref_slice %arg8[%scan3A_2373, %dma_start3A_2382, %dma_start3A_2383] : memref<79x2x128xi32, #tpu.memory_space<vmem>> -> memref<1x1x128xi32, #tpu.memory_space<vmem>>
      %dma_start3A_2385 = tpu.memref_squeeze %dma_start3A_2384 : memref<1x1x128xi32, #tpu.memory_space<vmem>> -> memref<128xi32, #tpu.memory_space<vmem>>
      %dma_start3A_2386 = arith.constant 0 : i32
      %dma_start3A_2387 = tpu.memref_slice %arg20[%dma_start3A_2386] : memref<10240xf32, #tpu.memory_space<vmem_shared>> -> memref<10240xf32, #tpu.memory_space<vmem_shared>>
      tpu.enqueue_indirect_dma source(%arg9 : memref<128xf32, #tpu.memory_space<vmem>>) target(%dma_start3A_2387 : memref<10240xf32, #tpu.memory_space<vmem_shared>>) offsets(%dma_start3A_2385 : memref<128xi32, #tpu.memory_space<vmem>>) semaphore(%arg31 : memref<!tpu.dma_semaphore, #tpu.memory_space<semaphore_mem>>) {add = true}
      %scan3A_2388 = arith.constant 0 : i32
      scf.yield %scan3A_2388 : i32
    }
    %scan3A_407 = arith.constant 70 : i32
    %convert_element_type3A_408 = arith.extui %lt3A_344 : i1 to i32
    %cond3A_409 = arith.constant 0 : i32
    %cond3A_410 = arith.cmpi ne, %convert_element_type3A_408, %cond3A_409 : i32
    scf.if %cond3A_410 {
      %dma_start3A_2373 = arith.constant 78 : i32
      %dma_start3A_2374 = arith.constant 1 : i32
      %dma_start3A_2375 = arith.constant 0 : i32
      %dma_start3A_2376 = tpu.memref_slice %arg8[%dma_start3A_2373, %dma_start3A_2374, %dma_start3A_2375] : memref<79x2x128xi32, #tpu.memory_space<vmem>> -> memref<1x1x128xi32, #tpu.memory_space<vmem>>
      %dma_start3A_2377 = tpu.memref_squeeze %dma_start3A_2376 : memref<1x1x128xi32, #tpu.memory_space<vmem>> -> memref<128xi32, #tpu.memory_space<vmem>>
      %dma_start3A_2378 = arith.constant 0 : i32
      %dma_start3A_2379 = tpu.memref_slice %arg20[%dma_start3A_2378] : memref<10240xf32, #tpu.memory_space<vmem_shared>> -> memref<10240xf32, #tpu.memory_space<vmem_shared>>
      tpu.enqueue_indirect_dma source(%arg9 : memref<128xf32, #tpu.memory_space<vmem>>) target(%dma_start3A_2379 : memref<10240xf32, #tpu.memory_space<vmem_shared>>) offsets(%dma_start3A_2377 : memref<128xi32, #tpu.memory_space<vmem>>) semaphore(%arg31 : memref<!tpu.dma_semaphore, #tpu.memory_space<semaphore_mem>>) {add = true}
    } else {
    }
    %dma_wait3A_411 = arith.constant 0 : i32
    %dma_wait3A_412 = arith.constant 1 : i32
    %dma_wait3A_413 = arith.constant 0 : i32
    %dma_wait3A_414 = tpu.memref_slice %arg8[%dma_wait3A_411, %dma_wait3A_412, %dma_wait3A_413] : memref<79x2x128xi32, #tpu.memory_space<vmem>> -> memref<1x1x128xi32, #tpu.memory_space<vmem>>
    %dma_wait3A_415 = tpu.memref_squeeze %dma_wait3A_414 : memref<1x1x128xi32, #tpu.memory_space<vmem>> -> memref<128xi32, #tpu.memory_space<vmem>>
    %dma_wait3A_416 = arith.constant 0 : i32
    %dma_wait3A_417 = tpu.memref_slice %arg20[%dma_wait3A_416] : memref<10240xf32, #tpu.memory_space<vmem_shared>> -> memref<10240xf32, #tpu.memory_space<vmem_shared>>
    tpu.wait_indirect_dma semaphore(%arg31 : memref<!tpu.dma_semaphore, #tpu.memory_space<semaphore_mem>>) src(%arg9 : memref<128xf32, #tpu.memory_space<vmem>>) dst(%dma_wait3A_417 : memref<10240xf32, #tpu.memory_space<vmem_shared>>)
    %dma_wait3A_418 = arith.constant 0 : i32
    %dma_wait3A_419 = arith.constant 1 : i32
    %dma_wait3A_420 = arith.constant 0 : i32
    %dma_wait3A_421 = tpu.memref_slice %arg8[%dma_wait3A_418, %dma_wait3A_419, %dma_wait3A_420] : memref<79x2x128xi32, #tpu.memory_space<vmem>> -> memref<1x1x128xi32, #tpu.memory_space<vmem>>
    %dma_wait3A_422 = tpu.memref_squeeze %dma_wait3A_421 : memref<1x1x128xi32, #tpu.memory_space<vmem>> -> memref<128xi32, #tpu.memory_space<vmem>>
    %dma_wait3A_423 = arith.constant 0 : i32
    %dma_wait3A_424 = tpu.memref_slice %arg20[%dma_wait3A_423] : memref<10240xf32, #tpu.memory_space<vmem_shared>> -> memref<10240xf32, #tpu.memory_space<vmem_shared>>
    tpu.wait_indirect_dma semaphore(%arg31 : memref<!tpu.dma_semaphore, #tpu.memory_space<semaphore_mem>>) src(%arg9 : memref<128xf32, #tpu.memory_space<vmem>>) dst(%dma_wait3A_424 : memref<10240xf32, #tpu.memory_space<vmem_shared>>)
    %dma_wait3A_425 = arith.constant 0 : i32
    %dma_wait3A_426 = arith.constant 1 : i32
    %dma_wait3A_427 = arith.constant 0 : i32
    %dma_wait3A_428 = tpu.memref_slice %arg8[%dma_wait3A_425, %dma_wait3A_426, %dma_wait3A_427] : memref<79x2x128xi32, #tpu.memory_space<vmem>> -> memref<1x1x128xi32, #tpu.memory_space<vmem>>
    %dma_wait3A_429 = tpu.memref_squeeze %dma_wait3A_428 : memref<1x1x128xi32, #tpu.memory_space<vmem>> -> memref<128xi32, #tpu.memory_space<vmem>>
    %dma_wait3A_430 = arith.constant 0 : i32
    %dma_wait3A_431 = tpu.memref_slice %arg20[%dma_wait3A_430] : memref<10240xf32, #tpu.memory_space<vmem_shared>> -> memref<10240xf32, #tpu.memory_space<vmem_shared>>
    tpu.wait_indirect_dma semaphore(%arg31 : memref<!tpu.dma_semaphore, #tpu.memory_space<semaphore_mem>>) src(%arg9 : memref<128xf32, #tpu.memory_space<vmem>>) dst(%dma_wait3A_431 : memref<10240xf32, #tpu.memory_space<vmem_shared>>)
    %dma_wait3A_432 = arith.constant 0 : i32
    %dma_wait3A_433 = arith.constant 1 : i32
    %dma_wait3A_434 = arith.constant 0 : i32
    %dma_wait3A_435 = tpu.memref_slice %arg8[%dma_wait3A_432, %dma_wait3A_433, %dma_wait3A_434] : memref<79x2x128xi32, #tpu.memory_space<vmem>> -> memref<1x1x128xi32, #tpu.memory_space<vmem>>
    %dma_wait3A_436 = tpu.memref_squeeze %dma_wait3A_435 : memref<1x1x128xi32, #tpu.memory_space<vmem>> -> memref<128xi32, #tpu.memory_space<vmem>>
    %dma_wait3A_437 = arith.constant 0 : i32
    %dma_wait3A_438 = tpu.memref_slice %arg20[%dma_wait3A_437] : memref<10240xf32, #tpu.memory_space<vmem_shared>> -> memref<10240xf32, #tpu.memory_space<vmem_shared>>
    tpu.wait_indirect_dma semaphore(%arg31 : memref<!tpu.dma_semaphore, #tpu.memory_space<semaphore_mem>>) src(%arg9 : memref<128xf32, #tpu.memory_space<vmem>>) dst(%dma_wait3A_438 : memref<10240xf32, #tpu.memory_space<vmem_shared>>)
    %dma_wait3A_439 = arith.constant 0 : i32
    %dma_wait3A_440 = arith.constant 1 : i32
    %dma_wait3A_441 = arith.constant 0 : i32
    %dma_wait3A_442 = tpu.memref_slice %arg8[%dma_wait3A_439, %dma_wait3A_440, %dma_wait3A_441] : memref<79x2x128xi32, #tpu.memory_space<vmem>> -> memref<1x1x128xi32, #tpu.memory_space<vmem>>
    %dma_wait3A_443 = tpu.memref_squeeze %dma_wait3A_442 : memref<1x1x128xi32, #tpu.memory_space<vmem>> -> memref<128xi32, #tpu.memory_space<vmem>>
    %dma_wait3A_444 = arith.constant 0 : i32
    %dma_wait3A_445 = tpu.memref_slice %arg20[%dma_wait3A_444] : memref<10240xf32, #tpu.memory_space<vmem_shared>> -> memref<10240xf32, #tpu.memory_space<vmem_shared>>
    tpu.wait_indirect_dma semaphore(%arg31 : memref<!tpu.dma_semaphore, #tpu.memory_space<semaphore_mem>>) src(%arg9 : memref<128xf32, #tpu.memory_space<vmem>>) dst(%dma_wait3A_445 : memref<10240xf32, #tpu.memory_space<vmem_shared>>)
    %dma_wait3A_446 = arith.constant 0 : i32
    %dma_wait3A_447 = arith.constant 1 : i32
    %dma_wait3A_448 = arith.constant 0 : i32
    %dma_wait3A_449 = tpu.memref_slice %arg8[%dma_wait3A_446, %dma_wait3A_447, %dma_wait3A_448] : memref<79x2x128xi32, #tpu.memory_space<vmem>> -> memref<1x1x128xi32, #tpu.memory_space<vmem>>
    %dma_wait3A_450 = tpu.memref_squeeze %dma_wait3A_449 : memref<1x1x128xi32, #tpu.memory_space<vmem>> -> memref<128xi32, #tpu.memory_space<vmem>>
    %dma_wait3A_451 = arith.constant 0 : i32
    %dma_wait3A_452 = tpu.memref_slice %arg20[%dma_wait3A_451] : memref<10240xf32, #tpu.memory_space<vmem_shared>> -> memref<10240xf32, #tpu.memory_space<vmem_shared>>
    tpu.wait_indirect_dma semaphore(%arg31 : memref<!tpu.dma_semaphore, #tpu.memory_space<semaphore_mem>>) src(%arg9 : memref<128xf32, #tpu.memory_space<vmem>>) dst(%dma_wait3A_452 : memref<10240xf32, #tpu.memory_space<vmem_shared>>)
    %dma_wait3A_453 = arith.constant 0 : i32
    %dma_wait3A_454 = arith.constant 1 : i32
    %dma_wait3A_455 = arith.constant 0 : i32
    %dma_wait3A_456 = tpu.memref_slice %arg8[%dma_wait3A_453, %dma_wait3A_454, %dma_wait3A_455] : memref<79x2x128xi32, #tpu.memory_space<vmem>> -> memref<1x1x128xi32, #tpu.memory_space<vmem>>
    %dma_wait3A_457 = tpu.memref_squeeze %dma_wait3A_456 : memref<1x1x128xi32, #tpu.memory_space<vmem>> -> memref<128xi32, #tpu.memory_space<vmem>>
    %dma_wait3A_458 = arith.constant 0 : i32
    %dma_wait3A_459 = tpu.memref_slice %arg20[%dma_wait3A_458] : memref<10240xf32, #tpu.memory_space<vmem_shared>> -> memref<10240xf32, #tpu.memory_space<vmem_shared>>
    tpu.wait_indirect_dma semaphore(%arg31 : memref<!tpu.dma_semaphore, #tpu.memory_space<semaphore_mem>>) src(%arg9 : memref<128xf32, #tpu.memory_space<vmem>>) dst(%dma_wait3A_459 : memref<10240xf32, #tpu.memory_space<vmem_shared>>)
    %dma_wait3A_460 = arith.constant 0 : i32
    %dma_wait3A_461 = arith.constant 1 : i32
    %dma_wait3A_462 = arith.constant 0 : i32
    %dma_wait3A_463 = tpu.memref_slice %arg8[%dma_wait3A_460, %dma_wait3A_461, %dma_wait3A_462] : memref<79x2x128xi32, #tpu.memory_space<vmem>> -> memref<1x1x128xi32, #tpu.memory_space<vmem>>
    %dma_wait3A_464 = tpu.memref_squeeze %dma_wait3A_463 : memref<1x1x128xi32, #tpu.memory_space<vmem>> -> memref<128xi32, #tpu.memory_space<vmem>>
    %dma_wait3A_465 = arith.constant 0 : i32
    %dma_wait3A_466 = tpu.memref_slice %arg20[%dma_wait3A_465] : memref<10240xf32, #tpu.memory_space<vmem_shared>> -> memref<10240xf32, #tpu.memory_space<vmem_shared>>
    tpu.wait_indirect_dma semaphore(%arg31 : memref<!tpu.dma_semaphore, #tpu.memory_space<semaphore_mem>>) src(%arg9 : memref<128xf32, #tpu.memory_space<vmem>>) dst(%dma_wait3A_466 : memref<10240xf32, #tpu.memory_space<vmem_shared>>)
    %convert_element_type3A_467 = arith.extui %lt3A_344 : i1 to i32
    %cond3A_468 = arith.constant 0 : i32
    %cond3A_469 = arith.cmpi ne, %convert_element_type3A_467, %cond3A_468 : i32
    scf.if %cond3A_469 {
      %dma_wait3A_2373 = arith.constant 0 : i32
      %dma_wait3A_2374 = arith.constant 1 : i32
      %dma_wait3A_2375 = arith.constant 0 : i32
      %dma_wait3A_2376 = tpu.memref_slice %arg8[%dma_wait3A_2373, %dma_wait3A_2374, %dma_wait3A_2375] : memref<79x2x128xi32, #tpu.memory_space<vmem>> -> memref<1x1x128xi32, #tpu.memory_space<vmem>>
      %dma_wait3A_2377 = tpu.memref_squeeze %dma_wait3A_2376 : memref<1x1x128xi32, #tpu.memory_space<vmem>> -> memref<128xi32, #tpu.memory_space<vmem>>
      %dma_wait3A_2378 = arith.constant 0 : i32
      %dma_wait3A_2379 = tpu.memref_slice %arg20[%dma_wait3A_2378] : memref<10240xf32, #tpu.memory_space<vmem_shared>> -> memref<10240xf32, #tpu.memory_space<vmem_shared>>
      tpu.wait_indirect_dma semaphore(%arg31 : memref<!tpu.dma_semaphore, #tpu.memory_space<semaphore_mem>>) src(%arg9 : memref<128xf32, #tpu.memory_space<vmem>>) dst(%dma_wait3A_2379 : memref<10240xf32, #tpu.memory_space<vmem_shared>>)
    } else {
    }
    %barrier3A_470 = arith.constant 0 : index
    tpu.barrier barrier_id(%barrier3A_470)
    %mul3A_471 = arith.constant 640 : i32
    %mul3A_472 = arith.muli %arg1, %mul3A_471 : i32
    "tpu.region"() ({
      %run_scoped3A = tpu.sem_alloc : memref<!tpu.dma_semaphore, #tpu.memory_space<semaphore_mem>>
      %dma_start3A_2373 = tpu.memref_slice %arg20[%mul3A_472] : memref<10240xf32, #tpu.memory_space<vmem_shared>> -> memref<640xf32, #tpu.memory_space<vmem_shared>>
      %dma_start3A_2374 = tpu.memref_slice %arg20[%mul3A_472] : memref<10240xf32, #tpu.memory_space<vmem_shared>> -> memref<640xf32, #tpu.memory_space<vmem_shared>>
      tpu.enqueue_dma source(%dma_start3A_2374 : memref<640xf32, #tpu.memory_space<vmem_shared>>) target(%arg10 : memref<640xf32, #tpu.memory_space<vmem>>) target_semaphore(%run_scoped3A : memref<!tpu.dma_semaphore, #tpu.memory_space<semaphore_mem>>)
      %dma_wait3A_2375 = tpu.memref_slice %arg20[%mul3A_472] : memref<10240xf32, #tpu.memory_space<vmem_shared>> -> memref<640xf32, #tpu.memory_space<vmem_shared>>
      %dma_wait3A_2376 = tpu.memref_slice %arg20[%mul3A_472] : memref<10240xf32, #tpu.memory_space<vmem_shared>> -> memref<640xf32, #tpu.memory_space<vmem_shared>>
      tpu.wait_dma2 semaphore(%run_scoped3A : memref<!tpu.dma_semaphore, #tpu.memory_space<semaphore_mem>>) src(%dma_wait3A_2376 : memref<640xf32, #tpu.memory_space<vmem_shared>>) dst(%arg10 : memref<640xf32, #tpu.memory_space<vmem>>)
      tpu.yield
    }) : () -> ()
    %get3A = arith.constant 0 : index
    %get3A_473 = tpu.vector_load %arg10[%get3A] {strides = array<i32>} : memref<640xf32, #tpu.memory_space<vmem>>, vector<16xf32>,
    %add3A_474 = arith.constant 1.000000e+00 : f32
    %add3A_475 = vector.broadcast %add3A_474 : f32 to vector<16xf32>
    %add3A_476 = arith.addf %get3A_473, %add3A_475 : vector<16xf32>
    %bitcast3A = vector.bitcast %add3A_476 : vector<16xf32> to vector<16xi32>
    %shift_right_arithmetic3A = arith.constant 1 : i32
    %shift_right_arithmetic3A_477 = vector.broadcast %shift_right_arithmetic3A : i32 to vector<16xi32>
    %shift_right_arithmetic3A_478 = arith.shrsi %bitcast3A, %shift_right_arithmetic3A_477 : vector<16xi32>
    %sub3A_479 = arith.constant 1597463007 : i32
    %sub3A_480 = vector.broadcast %sub3A_479 : i32 to vector<16xi32>
    %sub3A_481 = arith.subi %sub3A_480, %shift_right_arithmetic3A_478 : vector<16xi32>
    %bitcast3A_482 = vector.bitcast %sub3A_481 : vector<16xi32> to vector<16xf32>
    %mul3A_483 = arith.constant 5.000000e-01 : f32
    %mul3A_484 = vector.broadcast %mul3A_483 : f32 to vector<16xf32>
    %mul3A_485 = arith.mulf %mul3A_484, %add3A_476 : vector<16xf32>
    %mul3A_486 = arith.mulf %mul3A_485, %bitcast3A_482 : vector<16xf32>
    %mul3A_487 = arith.mulf %mul3A_486, %bitcast3A_482 : vector<16xf32>
    %sub3A_488 = arith.constant 1.500000e+00 : f32
    %sub3A_489 = vector.broadcast %sub3A_488 : f32 to vector<16xf32>
    %sub3A_490 = arith.subf %sub3A_489, %mul3A_487 : vector<16xf32>
    %mul3A_491 = arith.mulf %bitcast3A_482, %sub3A_490 : vector<16xf32>
    %mul3A_492 = arith.constant 5.000000e-01 : f32
    %mul3A_493 = vector.broadcast %mul3A_492 : f32 to vector<16xf32>
    %mul3A_494 = arith.mulf %mul3A_493, %add3A_476 : vector<16xf32>
    %mul3A_495 = arith.mulf %mul3A_494, %mul3A_491 : vector<16xf32>
    %mul3A_496 = arith.mulf %mul3A_495, %mul3A_491 : vector<16xf32>
    %sub3A_497 = arith.constant 1.500000e+00 : f32
    %sub3A_498 = vector.broadcast %sub3A_497 : f32 to vector<16xf32>
    %sub3A_499 = arith.subf %sub3A_498, %mul3A_496 : vector<16xf32>
    %mul3A_500 = arith.mulf %mul3A_491, %sub3A_499 : vector<16xf32>
    %mul3A_501 = arith.constant 5.000000e-01 : f32
    %mul3A_502 = vector.broadcast %mul3A_501 : f32 to vector<16xf32>
    %mul3A_503 = arith.mulf %mul3A_502, %add3A_476 : vector<16xf32>
    %mul3A_504 = arith.mulf %mul3A_503, %mul3A_500 : vector<16xf32>
    %mul3A_505 = arith.mulf %mul3A_504, %mul3A_500 : vector<16xf32>
    %sub3A_506 = arith.constant 1.500000e+00 : f32
    %sub3A_507 = vector.broadcast %sub3A_506 : f32 to vector<16xf32>
    %sub3A_508 = arith.subf %sub3A_507, %mul3A_505 : vector<16xf32>
    %mul3A_509 = arith.mulf %mul3A_500, %sub3A_508 : vector<16xf32>
    %swap3A_510 = arith.constant 0 : index
    %swap3A_511 = tpu.vector_load %arg11[%swap3A_510] {strides = array<i32>} : memref<640xf32, #tpu.memory_space<vmem>>, vector<16xf32>,
    tpu.vector_store %arg11[%swap3A_510], %mul3A_509 {strides = array<i32>} : memref<640xf32, #tpu.memory_space<vmem>>, vector<16xf32>,
    %get3A_512 = arith.constant 16 : index
    %get3A_513 = tpu.vector_load %arg10[%get3A_512] {strides = array<i32>} : memref<640xf32, #tpu.memory_space<vmem>>, vector<16xf32>,
    %add3A_514 = arith.constant 1.000000e+00 : f32
    %add3A_515 = vector.broadcast %add3A_514 : f32 to vector<16xf32>
    %add3A_516 = arith.addf %get3A_513, %add3A_515 : vector<16xf32>
    %bitcast3A_517 = vector.bitcast %add3A_516 : vector<16xf32> to vector<16xi32>
    %shift_right_arithmetic3A_518 = arith.constant 1 : i32
    %shift_right_arithmetic3A_519 = vector.broadcast %shift_right_arithmetic3A_518 : i32 to vector<16xi32>
    %shift_right_arithmetic3A_520 = arith.shrsi %bitcast3A_517, %shift_right_arithmetic3A_519 : vector<16xi32>
    %sub3A_521 = arith.constant 1597463007 : i32
    %sub3A_522 = vector.broadcast %sub3A_521 : i32 to vector<16xi32>
    %sub3A_523 = arith.subi %sub3A_522, %shift_right_arithmetic3A_520 : vector<16xi32>
    %bitcast3A_524 = vector.bitcast %sub3A_523 : vector<16xi32> to vector<16xf32>
    %mul3A_525 = arith.constant 5.000000e-01 : f32
    %mul3A_526 = vector.broadcast %mul3A_525 : f32 to vector<16xf32>
    %mul3A_527 = arith.mulf %mul3A_526, %add3A_516 : vector<16xf32>
    %mul3A_528 = arith.mulf %mul3A_527, %bitcast3A_524 : vector<16xf32>
    %mul3A_529 = arith.mulf %mul3A_528, %bitcast3A_524 : vector<16xf32>
    %sub3A_530 = arith.constant 1.500000e+00 : f32
    %sub3A_531 = vector.broadcast %sub3A_530 : f32 to vector<16xf32>
    %sub3A_532 = arith.subf %sub3A_531, %mul3A_529 : vector<16xf32>
    %mul3A_533 = arith.mulf %bitcast3A_524, %sub3A_532 : vector<16xf32>
    %mul3A_534 = arith.constant 5.000000e-01 : f32
    %mul3A_535 = vector.broadcast %mul3A_534 : f32 to vector<16xf32>
    %mul3A_536 = arith.mulf %mul3A_535, %add3A_516 : vector<16xf32>
    %mul3A_537 = arith.mulf %mul3A_536, %mul3A_533 : vector<16xf32>
    %mul3A_538 = arith.mulf %mul3A_537, %mul3A_533 : vector<16xf32>
    %sub3A_539 = arith.constant 1.500000e+00 : f32
    %sub3A_540 = vector.broadcast %sub3A_539 : f32 to vector<16xf32>
    %sub3A_541 = arith.subf %sub3A_540, %mul3A_538 : vector<16xf32>
    %mul3A_542 = arith.mulf %mul3A_533, %sub3A_541 : vector<16xf32>
    %mul3A_543 = arith.constant 5.000000e-01 : f32
    %mul3A_544 = vector.broadcast %mul3A_543 : f32 to vector<16xf32>
    %mul3A_545 = arith.mulf %mul3A_544, %add3A_516 : vector<16xf32>
    %mul3A_546 = arith.mulf %mul3A_545, %mul3A_542 : vector<16xf32>
    %mul3A_547 = arith.mulf %mul3A_546, %mul3A_542 : vector<16xf32>
    %sub3A_548 = arith.constant 1.500000e+00 : f32
    %sub3A_549 = vector.broadcast %sub3A_548 : f32 to vector<16xf32>
    %sub3A_550 = arith.subf %sub3A_549, %mul3A_547 : vector<16xf32>
    %mul3A_551 = arith.mulf %mul3A_542, %sub3A_550 : vector<16xf32>
    %swap3A_552 = arith.constant 16 : index
    %swap3A_553 = tpu.vector_load %arg11[%swap3A_552] {strides = array<i32>} : memref<640xf32, #tpu.memory_space<vmem>>, vector<16xf32>,
    tpu.vector_store %arg11[%swap3A_552], %mul3A_551 {strides = array<i32>} : memref<640xf32, #tpu.memory_space<vmem>>, vector<16xf32>,
    %get3A_554 = arith.constant 32 : index
    %get3A_555 = tpu.vector_load %arg10[%get3A_554] {strides = array<i32>} : memref<640xf32, #tpu.memory_space<vmem>>, vector<16xf32>,
    %add3A_556 = arith.constant 1.000000e+00 : f32
    %add3A_557 = vector.broadcast %add3A_556 : f32 to vector<16xf32>
    %add3A_558 = arith.addf %get3A_555, %add3A_557 : vector<16xf32>
    %bitcast3A_559 = vector.bitcast %add3A_558 : vector<16xf32> to vector<16xi32>
    %shift_right_arithmetic3A_560 = arith.constant 1 : i32
    %shift_right_arithmetic3A_561 = vector.broadcast %shift_right_arithmetic3A_560 : i32 to vector<16xi32>
    %shift_right_arithmetic3A_562 = arith.shrsi %bitcast3A_559, %shift_right_arithmetic3A_561 : vector<16xi32>
    %sub3A_563 = arith.constant 1597463007 : i32
    %sub3A_564 = vector.broadcast %sub3A_563 : i32 to vector<16xi32>
    %sub3A_565 = arith.subi %sub3A_564, %shift_right_arithmetic3A_562 : vector<16xi32>
    %bitcast3A_566 = vector.bitcast %sub3A_565 : vector<16xi32> to vector<16xf32>
    %mul3A_567 = arith.constant 5.000000e-01 : f32
    %mul3A_568 = vector.broadcast %mul3A_567 : f32 to vector<16xf32>
    %mul3A_569 = arith.mulf %mul3A_568, %add3A_558 : vector<16xf32>
    %mul3A_570 = arith.mulf %mul3A_569, %bitcast3A_566 : vector<16xf32>
    %mul3A_571 = arith.mulf %mul3A_570, %bitcast3A_566 : vector<16xf32>
    %sub3A_572 = arith.constant 1.500000e+00 : f32
    %sub3A_573 = vector.broadcast %sub3A_572 : f32 to vector<16xf32>
    %sub3A_574 = arith.subf %sub3A_573, %mul3A_571 : vector<16xf32>
    %mul3A_575 = arith.mulf %bitcast3A_566, %sub3A_574 : vector<16xf32>
    %mul3A_576 = arith.constant 5.000000e-01 : f32
    %mul3A_577 = vector.broadcast %mul3A_576 : f32 to vector<16xf32>
    %mul3A_578 = arith.mulf %mul3A_577, %add3A_558 : vector<16xf32>
    %mul3A_579 = arith.mulf %mul3A_578, %mul3A_575 : vector<16xf32>
    %mul3A_580 = arith.mulf %mul3A_579, %mul3A_575 : vector<16xf32>
    %sub3A_581 = arith.constant 1.500000e+00 : f32
    %sub3A_582 = vector.broadcast %sub3A_581 : f32 to vector<16xf32>
    %sub3A_583 = arith.subf %sub3A_582, %mul3A_580 : vector<16xf32>
    %mul3A_584 = arith.mulf %mul3A_575, %sub3A_583 : vector<16xf32>
    %mul3A_585 = arith.constant 5.000000e-01 : f32
    %mul3A_586 = vector.broadcast %mul3A_585 : f32 to vector<16xf32>
    %mul3A_587 = arith.mulf %mul3A_586, %add3A_558 : vector<16xf32>
    %mul3A_588 = arith.mulf %mul3A_587, %mul3A_584 : vector<16xf32>
    %mul3A_589 = arith.mulf %mul3A_588, %mul3A_584 : vector<16xf32>
    %sub3A_590 = arith.constant 1.500000e+00 : f32
    %sub3A_591 = vector.broadcast %sub3A_590 : f32 to vector<16xf32>
    %sub3A_592 = arith.subf %sub3A_591, %mul3A_589 : vector<16xf32>
    %mul3A_593 = arith.mulf %mul3A_584, %sub3A_592 : vector<16xf32>
    %swap3A_594 = arith.constant 32 : index
    %swap3A_595 = tpu.vector_load %arg11[%swap3A_594] {strides = array<i32>} : memref<640xf32, #tpu.memory_space<vmem>>, vector<16xf32>,
    tpu.vector_store %arg11[%swap3A_594], %mul3A_593 {strides = array<i32>} : memref<640xf32, #tpu.memory_space<vmem>>, vector<16xf32>,
    %get3A_596 = arith.constant 48 : index
    %get3A_597 = tpu.vector_load %arg10[%get3A_596] {strides = array<i32>} : memref<640xf32, #tpu.memory_space<vmem>>, vector<16xf32>,
    %add3A_598 = arith.constant 1.000000e+00 : f32
    %add3A_599 = vector.broadcast %add3A_598 : f32 to vector<16xf32>
    %add3A_600 = arith.addf %get3A_597, %add3A_599 : vector<16xf32>
    %bitcast3A_601 = vector.bitcast %add3A_600 : vector<16xf32> to vector<16xi32>
    %shift_right_arithmetic3A_602 = arith.constant 1 : i32
    %shift_right_arithmetic3A_603 = vector.broadcast %shift_right_arithmetic3A_602 : i32 to vector<16xi32>
    %shift_right_arithmetic3A_604 = arith.shrsi %bitcast3A_601, %shift_right_arithmetic3A_603 : vector<16xi32>
    %sub3A_605 = arith.constant 1597463007 : i32
    %sub3A_606 = vector.broadcast %sub3A_605 : i32 to vector<16xi32>
    %sub3A_607 = arith.subi %sub3A_606, %shift_right_arithmetic3A_604 : vector<16xi32>
    %bitcast3A_608 = vector.bitcast %sub3A_607 : vector<16xi32> to vector<16xf32>
    %mul3A_609 = arith.constant 5.000000e-01 : f32
    %mul3A_610 = vector.broadcast %mul3A_609 : f32 to vector<16xf32>
    %mul3A_611 = arith.mulf %mul3A_610, %add3A_600 : vector<16xf32>
    %mul3A_612 = arith.mulf %mul3A_611, %bitcast3A_608 : vector<16xf32>
    %mul3A_613 = arith.mulf %mul3A_612, %bitcast3A_608 : vector<16xf32>
    %sub3A_614 = arith.constant 1.500000e+00 : f32
    %sub3A_615 = vector.broadcast %sub3A_614 : f32 to vector<16xf32>
    %sub3A_616 = arith.subf %sub3A_615, %mul3A_613 : vector<16xf32>
    %mul3A_617 = arith.mulf %bitcast3A_608, %sub3A_616 : vector<16xf32>
    %mul3A_618 = arith.constant 5.000000e-01 : f32
    %mul3A_619 = vector.broadcast %mul3A_618 : f32 to vector<16xf32>
    %mul3A_620 = arith.mulf %mul3A_619, %add3A_600 : vector<16xf32>
    %mul3A_621 = arith.mulf %mul3A_620, %mul3A_617 : vector<16xf32>
    %mul3A_622 = arith.mulf %mul3A_621, %mul3A_617 : vector<16xf32>
    %sub3A_623 = arith.constant 1.500000e+00 : f32
    %sub3A_624 = vector.broadcast %sub3A_623 : f32 to vector<16xf32>
    %sub3A_625 = arith.subf %sub3A_624, %mul3A_622 : vector<16xf32>
    %mul3A_626 = arith.mulf %mul3A_617, %sub3A_625 : vector<16xf32>
    %mul3A_627 = arith.constant 5.000000e-01 : f32
    %mul3A_628 = vector.broadcast %mul3A_627 : f32 to vector<16xf32>
    %mul3A_629 = arith.mulf %mul3A_628, %add3A_600 : vector<16xf32>
    %mul3A_630 = arith.mulf %mul3A_629, %mul3A_626 : vector<16xf32>
    %mul3A_631 = arith.mulf %mul3A_630, %mul3A_626 : vector<16xf32>
    %sub3A_632 = arith.constant 1.500000e+00 : f32
    %sub3A_633 = vector.broadcast %sub3A_632 : f32 to vector<16xf32>
    %sub3A_634 = arith.subf %sub3A_633, %mul3A_631 : vector<16xf32>
    %mul3A_635 = arith.mulf %mul3A_626, %sub3A_634 : vector<16xf32>
    %swap3A_636 = arith.constant 48 : index
    %swap3A_637 = tpu.vector_load %arg11[%swap3A_636] {strides = array<i32>} : memref<640xf32, #tpu.memory_space<vmem>>, vector<16xf32>,
    tpu.vector_store %arg11[%swap3A_636], %mul3A_635 {strides = array<i32>} : memref<640xf32, #tpu.memory_space<vmem>>, vector<16xf32>,
    %get3A_638 = arith.constant 64 : index
    %get3A_639 = tpu.vector_load %arg10[%get3A_638] {strides = array<i32>} : memref<640xf32, #tpu.memory_space<vmem>>, vector<16xf32>,
    %add3A_640 = arith.constant 1.000000e+00 : f32
    %add3A_641 = vector.broadcast %add3A_640 : f32 to vector<16xf32>
    %add3A_642 = arith.addf %get3A_639, %add3A_641 : vector<16xf32>
    %bitcast3A_643 = vector.bitcast %add3A_642 : vector<16xf32> to vector<16xi32>
    %shift_right_arithmetic3A_644 = arith.constant 1 : i32
    %shift_right_arithmetic3A_645 = vector.broadcast %shift_right_arithmetic3A_644 : i32 to vector<16xi32>
    %shift_right_arithmetic3A_646 = arith.shrsi %bitcast3A_643, %shift_right_arithmetic3A_645 : vector<16xi32>
    %sub3A_647 = arith.constant 1597463007 : i32
    %sub3A_648 = vector.broadcast %sub3A_647 : i32 to vector<16xi32>
    %sub3A_649 = arith.subi %sub3A_648, %shift_right_arithmetic3A_646 : vector<16xi32>
    %bitcast3A_650 = vector.bitcast %sub3A_649 : vector<16xi32> to vector<16xf32>
    %mul3A_651 = arith.constant 5.000000e-01 : f32
    %mul3A_652 = vector.broadcast %mul3A_651 : f32 to vector<16xf32>
    %mul3A_653 = arith.mulf %mul3A_652, %add3A_642 : vector<16xf32>
    %mul3A_654 = arith.mulf %mul3A_653, %bitcast3A_650 : vector<16xf32>
    %mul3A_655 = arith.mulf %mul3A_654, %bitcast3A_650 : vector<16xf32>
    %sub3A_656 = arith.constant 1.500000e+00 : f32
    %sub3A_657 = vector.broadcast %sub3A_656 : f32 to vector<16xf32>
    %sub3A_658 = arith.subf %sub3A_657, %mul3A_655 : vector<16xf32>
    %mul3A_659 = arith.mulf %bitcast3A_650, %sub3A_658 : vector<16xf32>
    %mul3A_660 = arith.constant 5.000000e-01 : f32
    %mul3A_661 = vector.broadcast %mul3A_660 : f32 to vector<16xf32>
    %mul3A_662 = arith.mulf %mul3A_661, %add3A_642 : vector<16xf32>
    %mul3A_663 = arith.mulf %mul3A_662, %mul3A_659 : vector<16xf32>
    %mul3A_664 = arith.mulf %mul3A_663, %mul3A_659 : vector<16xf32>
    %sub3A_665 = arith.constant 1.500000e+00 : f32
    %sub3A_666 = vector.broadcast %sub3A_665 : f32 to vector<16xf32>
    %sub3A_667 = arith.subf %sub3A_666, %mul3A_664 : vector<16xf32>
    %mul3A_668 = arith.mulf %mul3A_659, %sub3A_667 : vector<16xf32>
    %mul3A_669 = arith.constant 5.000000e-01 : f32
    %mul3A_670 = vector.broadcast %mul3A_669 : f32 to vector<16xf32>
    %mul3A_671 = arith.mulf %mul3A_670, %add3A_642 : vector<16xf32>
    %mul3A_672 = arith.mulf %mul3A_671, %mul3A_668 : vector<16xf32>
    %mul3A_673 = arith.mulf %mul3A_672, %mul3A_668 : vector<16xf32>
    %sub3A_674 = arith.constant 1.500000e+00 : f32
    %sub3A_675 = vector.broadcast %sub3A_674 : f32 to vector<16xf32>
    %sub3A_676 = arith.subf %sub3A_675, %mul3A_673 : vector<16xf32>
    %mul3A_677 = arith.mulf %mul3A_668, %sub3A_676 : vector<16xf32>
    %swap3A_678 = arith.constant 64 : index
    %swap3A_679 = tpu.vector_load %arg11[%swap3A_678] {strides = array<i32>} : memref<640xf32, #tpu.memory_space<vmem>>, vector<16xf32>,
    tpu.vector_store %arg11[%swap3A_678], %mul3A_677 {strides = array<i32>} : memref<640xf32, #tpu.memory_space<vmem>>, vector<16xf32>,
    %get3A_680 = arith.constant 80 : index
    %get3A_681 = tpu.vector_load %arg10[%get3A_680] {strides = array<i32>} : memref<640xf32, #tpu.memory_space<vmem>>, vector<16xf32>,
    %add3A_682 = arith.constant 1.000000e+00 : f32
    %add3A_683 = vector.broadcast %add3A_682 : f32 to vector<16xf32>
    %add3A_684 = arith.addf %get3A_681, %add3A_683 : vector<16xf32>
    %bitcast3A_685 = vector.bitcast %add3A_684 : vector<16xf32> to vector<16xi32>
    %shift_right_arithmetic3A_686 = arith.constant 1 : i32
    %shift_right_arithmetic3A_687 = vector.broadcast %shift_right_arithmetic3A_686 : i32 to vector<16xi32>
    %shift_right_arithmetic3A_688 = arith.shrsi %bitcast3A_685, %shift_right_arithmetic3A_687 : vector<16xi32>
    %sub3A_689 = arith.constant 1597463007 : i32
    %sub3A_690 = vector.broadcast %sub3A_689 : i32 to vector<16xi32>
    %sub3A_691 = arith.subi %sub3A_690, %shift_right_arithmetic3A_688 : vector<16xi32>
    %bitcast3A_692 = vector.bitcast %sub3A_691 : vector<16xi32> to vector<16xf32>
    %mul3A_693 = arith.constant 5.000000e-01 : f32
    %mul3A_694 = vector.broadcast %mul3A_693 : f32 to vector<16xf32>
    %mul3A_695 = arith.mulf %mul3A_694, %add3A_684 : vector<16xf32>
    %mul3A_696 = arith.mulf %mul3A_695, %bitcast3A_692 : vector<16xf32>
    %mul3A_697 = arith.mulf %mul3A_696, %bitcast3A_692 : vector<16xf32>
    %sub3A_698 = arith.constant 1.500000e+00 : f32
    %sub3A_699 = vector.broadcast %sub3A_698 : f32 to vector<16xf32>
    %sub3A_700 = arith.subf %sub3A_699, %mul3A_697 : vector<16xf32>
    %mul3A_701 = arith.mulf %bitcast3A_692, %sub3A_700 : vector<16xf32>
    %mul3A_702 = arith.constant 5.000000e-01 : f32
    %mul3A_703 = vector.broadcast %mul3A_702 : f32 to vector<16xf32>
    %mul3A_704 = arith.mulf %mul3A_703, %add3A_684 : vector<16xf32>
    %mul3A_705 = arith.mulf %mul3A_704, %mul3A_701 : vector<16xf32>
    %mul3A_706 = arith.mulf %mul3A_705, %mul3A_701 : vector<16xf32>
    %sub3A_707 = arith.constant 1.500000e+00 : f32
    %sub3A_708 = vector.broadcast %sub3A_707 : f32 to vector<16xf32>
    %sub3A_709 = arith.subf %sub3A_708, %mul3A_706 : vector<16xf32>
    %mul3A_710 = arith.mulf %mul3A_701, %sub3A_709 : vector<16xf32>
    %mul3A_711 = arith.constant 5.000000e-01 : f32
    %mul3A_712 = vector.broadcast %mul3A_711 : f32 to vector<16xf32>
    %mul3A_713 = arith.mulf %mul3A_712, %add3A_684 : vector<16xf32>
    %mul3A_714 = arith.mulf %mul3A_713, %mul3A_710 : vector<16xf32>
    %mul3A_715 = arith.mulf %mul3A_714, %mul3A_710 : vector<16xf32>
    %sub3A_716 = arith.constant 1.500000e+00 : f32
    %sub3A_717 = vector.broadcast %sub3A_716 : f32 to vector<16xf32>
    %sub3A_718 = arith.subf %sub3A_717, %mul3A_715 : vector<16xf32>
    %mul3A_719 = arith.mulf %mul3A_710, %sub3A_718 : vector<16xf32>
    %swap3A_720 = arith.constant 80 : index
    %swap3A_721 = tpu.vector_load %arg11[%swap3A_720] {strides = array<i32>} : memref<640xf32, #tpu.memory_space<vmem>>, vector<16xf32>,
    tpu.vector_store %arg11[%swap3A_720], %mul3A_719 {strides = array<i32>} : memref<640xf32, #tpu.memory_space<vmem>>, vector<16xf32>,
    %get3A_722 = arith.constant 96 : index
    %get3A_723 = tpu.vector_load %arg10[%get3A_722] {strides = array<i32>} : memref<640xf32, #tpu.memory_space<vmem>>, vector<16xf32>,
    %add3A_724 = arith.constant 1.000000e+00 : f32
    %add3A_725 = vector.broadcast %add3A_724 : f32 to vector<16xf32>
    %add3A_726 = arith.addf %get3A_723, %add3A_725 : vector<16xf32>
    %bitcast3A_727 = vector.bitcast %add3A_726 : vector<16xf32> to vector<16xi32>
    %shift_right_arithmetic3A_728 = arith.constant 1 : i32
    %shift_right_arithmetic3A_729 = vector.broadcast %shift_right_arithmetic3A_728 : i32 to vector<16xi32>
    %shift_right_arithmetic3A_730 = arith.shrsi %bitcast3A_727, %shift_right_arithmetic3A_729 : vector<16xi32>
    %sub3A_731 = arith.constant 1597463007 : i32
    %sub3A_732 = vector.broadcast %sub3A_731 : i32 to vector<16xi32>
    %sub3A_733 = arith.subi %sub3A_732, %shift_right_arithmetic3A_730 : vector<16xi32>
    %bitcast3A_734 = vector.bitcast %sub3A_733 : vector<16xi32> to vector<16xf32>
    %mul3A_735 = arith.constant 5.000000e-01 : f32
    %mul3A_736 = vector.broadcast %mul3A_735 : f32 to vector<16xf32>
    %mul3A_737 = arith.mulf %mul3A_736, %add3A_726 : vector<16xf32>
    %mul3A_738 = arith.mulf %mul3A_737, %bitcast3A_734 : vector<16xf32>
    %mul3A_739 = arith.mulf %mul3A_738, %bitcast3A_734 : vector<16xf32>
    %sub3A_740 = arith.constant 1.500000e+00 : f32
    %sub3A_741 = vector.broadcast %sub3A_740 : f32 to vector<16xf32>
    %sub3A_742 = arith.subf %sub3A_741, %mul3A_739 : vector<16xf32>
    %mul3A_743 = arith.mulf %bitcast3A_734, %sub3A_742 : vector<16xf32>
    %mul3A_744 = arith.constant 5.000000e-01 : f32
    %mul3A_745 = vector.broadcast %mul3A_744 : f32 to vector<16xf32>
    %mul3A_746 = arith.mulf %mul3A_745, %add3A_726 : vector<16xf32>
    %mul3A_747 = arith.mulf %mul3A_746, %mul3A_743 : vector<16xf32>
    %mul3A_748 = arith.mulf %mul3A_747, %mul3A_743 : vector<16xf32>
    %sub3A_749 = arith.constant 1.500000e+00 : f32
    %sub3A_750 = vector.broadcast %sub3A_749 : f32 to vector<16xf32>
    %sub3A_751 = arith.subf %sub3A_750, %mul3A_748 : vector<16xf32>
    %mul3A_752 = arith.mulf %mul3A_743, %sub3A_751 : vector<16xf32>
    %mul3A_753 = arith.constant 5.000000e-01 : f32
    %mul3A_754 = vector.broadcast %mul3A_753 : f32 to vector<16xf32>
    %mul3A_755 = arith.mulf %mul3A_754, %add3A_726 : vector<16xf32>
    %mul3A_756 = arith.mulf %mul3A_755, %mul3A_752 : vector<16xf32>
    %mul3A_757 = arith.mulf %mul3A_756, %mul3A_752 : vector<16xf32>
    %sub3A_758 = arith.constant 1.500000e+00 : f32
    %sub3A_759 = vector.broadcast %sub3A_758 : f32 to vector<16xf32>
    %sub3A_760 = arith.subf %sub3A_759, %mul3A_757 : vector<16xf32>
    %mul3A_761 = arith.mulf %mul3A_752, %sub3A_760 : vector<16xf32>
    %swap3A_762 = arith.constant 96 : index
    %swap3A_763 = tpu.vector_load %arg11[%swap3A_762] {strides = array<i32>} : memref<640xf32, #tpu.memory_space<vmem>>, vector<16xf32>,
    tpu.vector_store %arg11[%swap3A_762], %mul3A_761 {strides = array<i32>} : memref<640xf32, #tpu.memory_space<vmem>>, vector<16xf32>,
    %get3A_764 = arith.constant 112 : index
    %get3A_765 = tpu.vector_load %arg10[%get3A_764] {strides = array<i32>} : memref<640xf32, #tpu.memory_space<vmem>>, vector<16xf32>,
    %add3A_766 = arith.constant 1.000000e+00 : f32
    %add3A_767 = vector.broadcast %add3A_766 : f32 to vector<16xf32>
    %add3A_768 = arith.addf %get3A_765, %add3A_767 : vector<16xf32>
    %bitcast3A_769 = vector.bitcast %add3A_768 : vector<16xf32> to vector<16xi32>
    %shift_right_arithmetic3A_770 = arith.constant 1 : i32
    %shift_right_arithmetic3A_771 = vector.broadcast %shift_right_arithmetic3A_770 : i32 to vector<16xi32>
    %shift_right_arithmetic3A_772 = arith.shrsi %bitcast3A_769, %shift_right_arithmetic3A_771 : vector<16xi32>
    %sub3A_773 = arith.constant 1597463007 : i32
    %sub3A_774 = vector.broadcast %sub3A_773 : i32 to vector<16xi32>
    %sub3A_775 = arith.subi %sub3A_774, %shift_right_arithmetic3A_772 : vector<16xi32>
    %bitcast3A_776 = vector.bitcast %sub3A_775 : vector<16xi32> to vector<16xf32>
    %mul3A_777 = arith.constant 5.000000e-01 : f32
    %mul3A_778 = vector.broadcast %mul3A_777 : f32 to vector<16xf32>
    %mul3A_779 = arith.mulf %mul3A_778, %add3A_768 : vector<16xf32>
    %mul3A_780 = arith.mulf %mul3A_779, %bitcast3A_776 : vector<16xf32>
    %mul3A_781 = arith.mulf %mul3A_780, %bitcast3A_776 : vector<16xf32>
    %sub3A_782 = arith.constant 1.500000e+00 : f32
    %sub3A_783 = vector.broadcast %sub3A_782 : f32 to vector<16xf32>
    %sub3A_784 = arith.subf %sub3A_783, %mul3A_781 : vector<16xf32>
    %mul3A_785 = arith.mulf %bitcast3A_776, %sub3A_784 : vector<16xf32>
    %mul3A_786 = arith.constant 5.000000e-01 : f32
    %mul3A_787 = vector.broadcast %mul3A_786 : f32 to vector<16xf32>
    %mul3A_788 = arith.mulf %mul3A_787, %add3A_768 : vector<16xf32>
    %mul3A_789 = arith.mulf %mul3A_788, %mul3A_785 : vector<16xf32>
    %mul3A_790 = arith.mulf %mul3A_789, %mul3A_785 : vector<16xf32>
    %sub3A_791 = arith.constant 1.500000e+00 : f32
    %sub3A_792 = vector.broadcast %sub3A_791 : f32 to vector<16xf32>
    %sub3A_793 = arith.subf %sub3A_792, %mul3A_790 : vector<16xf32>
    %mul3A_794 = arith.mulf %mul3A_785, %sub3A_793 : vector<16xf32>
    %mul3A_795 = arith.constant 5.000000e-01 : f32
    %mul3A_796 = vector.broadcast %mul3A_795 : f32 to vector<16xf32>
    %mul3A_797 = arith.mulf %mul3A_796, %add3A_768 : vector<16xf32>
    %mul3A_798 = arith.mulf %mul3A_797, %mul3A_794 : vector<16xf32>
    %mul3A_799 = arith.mulf %mul3A_798, %mul3A_794 : vector<16xf32>
    %sub3A_800 = arith.constant 1.500000e+00 : f32
    %sub3A_801 = vector.broadcast %sub3A_800 : f32 to vector<16xf32>
    %sub3A_802 = arith.subf %sub3A_801, %mul3A_799 : vector<16xf32>
    %mul3A_803 = arith.mulf %mul3A_794, %sub3A_802 : vector<16xf32>
    %swap3A_804 = arith.constant 112 : index
    %swap3A_805 = tpu.vector_load %arg11[%swap3A_804] {strides = array<i32>} : memref<640xf32, #tpu.memory_space<vmem>>, vector<16xf32>,
    tpu.vector_store %arg11[%swap3A_804], %mul3A_803 {strides = array<i32>} : memref<640xf32, #tpu.memory_space<vmem>>, vector<16xf32>,
    %get3A_806 = arith.constant 128 : index
    %get3A_807 = tpu.vector_load %arg10[%get3A_806] {strides = array<i32>} : memref<640xf32, #tpu.memory_space<vmem>>, vector<16xf32>,
    %add3A_808 = arith.constant 1.000000e+00 : f32
    %add3A_809 = vector.broadcast %add3A_808 : f32 to vector<16xf32>
    %add3A_810 = arith.addf %get3A_807, %add3A_809 : vector<16xf32>
    %bitcast3A_811 = vector.bitcast %add3A_810 : vector<16xf32> to vector<16xi32>
    %shift_right_arithmetic3A_812 = arith.constant 1 : i32
    %shift_right_arithmetic3A_813 = vector.broadcast %shift_right_arithmetic3A_812 : i32 to vector<16xi32>
    %shift_right_arithmetic3A_814 = arith.shrsi %bitcast3A_811, %shift_right_arithmetic3A_813 : vector<16xi32>
    %sub3A_815 = arith.constant 1597463007 : i32
    %sub3A_816 = vector.broadcast %sub3A_815 : i32 to vector<16xi32>
    %sub3A_817 = arith.subi %sub3A_816, %shift_right_arithmetic3A_814 : vector<16xi32>
    %bitcast3A_818 = vector.bitcast %sub3A_817 : vector<16xi32> to vector<16xf32>
    %mul3A_819 = arith.constant 5.000000e-01 : f32
    %mul3A_820 = vector.broadcast %mul3A_819 : f32 to vector<16xf32>
    %mul3A_821 = arith.mulf %mul3A_820, %add3A_810 : vector<16xf32>
    %mul3A_822 = arith.mulf %mul3A_821, %bitcast3A_818 : vector<16xf32>
    %mul3A_823 = arith.mulf %mul3A_822, %bitcast3A_818 : vector<16xf32>
    %sub3A_824 = arith.constant 1.500000e+00 : f32
    %sub3A_825 = vector.broadcast %sub3A_824 : f32 to vector<16xf32>
    %sub3A_826 = arith.subf %sub3A_825, %mul3A_823 : vector<16xf32>
    %mul3A_827 = arith.mulf %bitcast3A_818, %sub3A_826 : vector<16xf32>
    %mul3A_828 = arith.constant 5.000000e-01 : f32
    %mul3A_829 = vector.broadcast %mul3A_828 : f32 to vector<16xf32>
    %mul3A_830 = arith.mulf %mul3A_829, %add3A_810 : vector<16xf32>
    %mul3A_831 = arith.mulf %mul3A_830, %mul3A_827 : vector<16xf32>
    %mul3A_832 = arith.mulf %mul3A_831, %mul3A_827 : vector<16xf32>
    %sub3A_833 = arith.constant 1.500000e+00 : f32
    %sub3A_834 = vector.broadcast %sub3A_833 : f32 to vector<16xf32>
    %sub3A_835 = arith.subf %sub3A_834, %mul3A_832 : vector<16xf32>
    %mul3A_836 = arith.mulf %mul3A_827, %sub3A_835 : vector<16xf32>
    %mul3A_837 = arith.constant 5.000000e-01 : f32
    %mul3A_838 = vector.broadcast %mul3A_837 : f32 to vector<16xf32>
    %mul3A_839 = arith.mulf %mul3A_838, %add3A_810 : vector<16xf32>
    %mul3A_840 = arith.mulf %mul3A_839, %mul3A_836 : vector<16xf32>
    %mul3A_841 = arith.mulf %mul3A_840, %mul3A_836 : vector<16xf32>
    %sub3A_842 = arith.constant 1.500000e+00 : f32
    %sub3A_843 = vector.broadcast %sub3A_842 : f32 to vector<16xf32>
    %sub3A_844 = arith.subf %sub3A_843, %mul3A_841 : vector<16xf32>
    %mul3A_845 = arith.mulf %mul3A_836, %sub3A_844 : vector<16xf32>
    %swap3A_846 = arith.constant 128 : index
    %swap3A_847 = tpu.vector_load %arg11[%swap3A_846] {strides = array<i32>} : memref<640xf32, #tpu.memory_space<vmem>>, vector<16xf32>,
    tpu.vector_store %arg11[%swap3A_846], %mul3A_845 {strides = array<i32>} : memref<640xf32, #tpu.memory_space<vmem>>, vector<16xf32>,
    %get3A_848 = arith.constant 144 : index
    %get3A_849 = tpu.vector_load %arg10[%get3A_848] {strides = array<i32>} : memref<640xf32, #tpu.memory_space<vmem>>, vector<16xf32>,
    %add3A_850 = arith.constant 1.000000e+00 : f32
    %add3A_851 = vector.broadcast %add3A_850 : f32 to vector<16xf32>
    %add3A_852 = arith.addf %get3A_849, %add3A_851 : vector<16xf32>
    %bitcast3A_853 = vector.bitcast %add3A_852 : vector<16xf32> to vector<16xi32>
    %shift_right_arithmetic3A_854 = arith.constant 1 : i32
    %shift_right_arithmetic3A_855 = vector.broadcast %shift_right_arithmetic3A_854 : i32 to vector<16xi32>
    %shift_right_arithmetic3A_856 = arith.shrsi %bitcast3A_853, %shift_right_arithmetic3A_855 : vector<16xi32>
    %sub3A_857 = arith.constant 1597463007 : i32
    %sub3A_858 = vector.broadcast %sub3A_857 : i32 to vector<16xi32>
    %sub3A_859 = arith.subi %sub3A_858, %shift_right_arithmetic3A_856 : vector<16xi32>
    %bitcast3A_860 = vector.bitcast %sub3A_859 : vector<16xi32> to vector<16xf32>
    %mul3A_861 = arith.constant 5.000000e-01 : f32
    %mul3A_862 = vector.broadcast %mul3A_861 : f32 to vector<16xf32>
    %mul3A_863 = arith.mulf %mul3A_862, %add3A_852 : vector<16xf32>
    %mul3A_864 = arith.mulf %mul3A_863, %bitcast3A_860 : vector<16xf32>
    %mul3A_865 = arith.mulf %mul3A_864, %bitcast3A_860 : vector<16xf32>
    %sub3A_866 = arith.constant 1.500000e+00 : f32
    %sub3A_867 = vector.broadcast %sub3A_866 : f32 to vector<16xf32>
    %sub3A_868 = arith.subf %sub3A_867, %mul3A_865 : vector<16xf32>
    %mul3A_869 = arith.mulf %bitcast3A_860, %sub3A_868 : vector<16xf32>
    %mul3A_870 = arith.constant 5.000000e-01 : f32
    %mul3A_871 = vector.broadcast %mul3A_870 : f32 to vector<16xf32>
    %mul3A_872 = arith.mulf %mul3A_871, %add3A_852 : vector<16xf32>
    %mul3A_873 = arith.mulf %mul3A_872, %mul3A_869 : vector<16xf32>
    %mul3A_874 = arith.mulf %mul3A_873, %mul3A_869 : vector<16xf32>
    %sub3A_875 = arith.constant 1.500000e+00 : f32
    %sub3A_876 = vector.broadcast %sub3A_875 : f32 to vector<16xf32>
    %sub3A_877 = arith.subf %sub3A_876, %mul3A_874 : vector<16xf32>
    %mul3A_878 = arith.mulf %mul3A_869, %sub3A_877 : vector<16xf32>
    %mul3A_879 = arith.constant 5.000000e-01 : f32
    %mul3A_880 = vector.broadcast %mul3A_879 : f32 to vector<16xf32>
    %mul3A_881 = arith.mulf %mul3A_880, %add3A_852 : vector<16xf32>
    %mul3A_882 = arith.mulf %mul3A_881, %mul3A_878 : vector<16xf32>
    %mul3A_883 = arith.mulf %mul3A_882, %mul3A_878 : vector<16xf32>
    %sub3A_884 = arith.constant 1.500000e+00 : f32
    %sub3A_885 = vector.broadcast %sub3A_884 : f32 to vector<16xf32>
    %sub3A_886 = arith.subf %sub3A_885, %mul3A_883 : vector<16xf32>
    %mul3A_887 = arith.mulf %mul3A_878, %sub3A_886 : vector<16xf32>
    %swap3A_888 = arith.constant 144 : index
    %swap3A_889 = tpu.vector_load %arg11[%swap3A_888] {strides = array<i32>} : memref<640xf32, #tpu.memory_space<vmem>>, vector<16xf32>,
    tpu.vector_store %arg11[%swap3A_888], %mul3A_887 {strides = array<i32>} : memref<640xf32, #tpu.memory_space<vmem>>, vector<16xf32>,
    %get3A_890 = arith.constant 160 : index
    %get3A_891 = tpu.vector_load %arg10[%get3A_890] {strides = array<i32>} : memref<640xf32, #tpu.memory_space<vmem>>, vector<16xf32>,
    %add3A_892 = arith.constant 1.000000e+00 : f32
    %add3A_893 = vector.broadcast %add3A_892 : f32 to vector<16xf32>
    %add3A_894 = arith.addf %get3A_891, %add3A_893 : vector<16xf32>
    %bitcast3A_895 = vector.bitcast %add3A_894 : vector<16xf32> to vector<16xi32>
    %shift_right_arithmetic3A_896 = arith.constant 1 : i32
    %shift_right_arithmetic3A_897 = vector.broadcast %shift_right_arithmetic3A_896 : i32 to vector<16xi32>
    %shift_right_arithmetic3A_898 = arith.shrsi %bitcast3A_895, %shift_right_arithmetic3A_897 : vector<16xi32>
    %sub3A_899 = arith.constant 1597463007 : i32
    %sub3A_900 = vector.broadcast %sub3A_899 : i32 to vector<16xi32>
    %sub3A_901 = arith.subi %sub3A_900, %shift_right_arithmetic3A_898 : vector<16xi32>
    %bitcast3A_902 = vector.bitcast %sub3A_901 : vector<16xi32> to vector<16xf32>
    %mul3A_903 = arith.constant 5.000000e-01 : f32
    %mul3A_904 = vector.broadcast %mul3A_903 : f32 to vector<16xf32>
    %mul3A_905 = arith.mulf %mul3A_904, %add3A_894 : vector<16xf32>
    %mul3A_906 = arith.mulf %mul3A_905, %bitcast3A_902 : vector<16xf32>
    %mul3A_907 = arith.mulf %mul3A_906, %bitcast3A_902 : vector<16xf32>
    %sub3A_908 = arith.constant 1.500000e+00 : f32
    %sub3A_909 = vector.broadcast %sub3A_908 : f32 to vector<16xf32>
    %sub3A_910 = arith.subf %sub3A_909, %mul3A_907 : vector<16xf32>
    %mul3A_911 = arith.mulf %bitcast3A_902, %sub3A_910 : vector<16xf32>
    %mul3A_912 = arith.constant 5.000000e-01 : f32
    %mul3A_913 = vector.broadcast %mul3A_912 : f32 to vector<16xf32>
    %mul3A_914 = arith.mulf %mul3A_913, %add3A_894 : vector<16xf32>
    %mul3A_915 = arith.mulf %mul3A_914, %mul3A_911 : vector<16xf32>
    %mul3A_916 = arith.mulf %mul3A_915, %mul3A_911 : vector<16xf32>
    %sub3A_917 = arith.constant 1.500000e+00 : f32
    %sub3A_918 = vector.broadcast %sub3A_917 : f32 to vector<16xf32>
    %sub3A_919 = arith.subf %sub3A_918, %mul3A_916 : vector<16xf32>
    %mul3A_920 = arith.mulf %mul3A_911, %sub3A_919 : vector<16xf32>
    %mul3A_921 = arith.constant 5.000000e-01 : f32
    %mul3A_922 = vector.broadcast %mul3A_921 : f32 to vector<16xf32>
    %mul3A_923 = arith.mulf %mul3A_922, %add3A_894 : vector<16xf32>
    %mul3A_924 = arith.mulf %mul3A_923, %mul3A_920 : vector<16xf32>
    %mul3A_925 = arith.mulf %mul3A_924, %mul3A_920 : vector<16xf32>
    %sub3A_926 = arith.constant 1.500000e+00 : f32
    %sub3A_927 = vector.broadcast %sub3A_926 : f32 to vector<16xf32>
    %sub3A_928 = arith.subf %sub3A_927, %mul3A_925 : vector<16xf32>
    %mul3A_929 = arith.mulf %mul3A_920, %sub3A_928 : vector<16xf32>
    %swap3A_930 = arith.constant 160 : index
    %swap3A_931 = tpu.vector_load %arg11[%swap3A_930] {strides = array<i32>} : memref<640xf32, #tpu.memory_space<vmem>>, vector<16xf32>,
    tpu.vector_store %arg11[%swap3A_930], %mul3A_929 {strides = array<i32>} : memref<640xf32, #tpu.memory_space<vmem>>, vector<16xf32>,
    %get3A_932 = arith.constant 176 : index
    %get3A_933 = tpu.vector_load %arg10[%get3A_932] {strides = array<i32>} : memref<640xf32, #tpu.memory_space<vmem>>, vector<16xf32>,
    %add3A_934 = arith.constant 1.000000e+00 : f32
    %add3A_935 = vector.broadcast %add3A_934 : f32 to vector<16xf32>
    %add3A_936 = arith.addf %get3A_933, %add3A_935 : vector<16xf32>
    %bitcast3A_937 = vector.bitcast %add3A_936 : vector<16xf32> to vector<16xi32>
    %shift_right_arithmetic3A_938 = arith.constant 1 : i32
    %shift_right_arithmetic3A_939 = vector.broadcast %shift_right_arithmetic3A_938 : i32 to vector<16xi32>
    %shift_right_arithmetic3A_940 = arith.shrsi %bitcast3A_937, %shift_right_arithmetic3A_939 : vector<16xi32>
    %sub3A_941 = arith.constant 1597463007 : i32
    %sub3A_942 = vector.broadcast %sub3A_941 : i32 to vector<16xi32>
    %sub3A_943 = arith.subi %sub3A_942, %shift_right_arithmetic3A_940 : vector<16xi32>
    %bitcast3A_944 = vector.bitcast %sub3A_943 : vector<16xi32> to vector<16xf32>
    %mul3A_945 = arith.constant 5.000000e-01 : f32
    %mul3A_946 = vector.broadcast %mul3A_945 : f32 to vector<16xf32>
    %mul3A_947 = arith.mulf %mul3A_946, %add3A_936 : vector<16xf32>
    %mul3A_948 = arith.mulf %mul3A_947, %bitcast3A_944 : vector<16xf32>
    %mul3A_949 = arith.mulf %mul3A_948, %bitcast3A_944 : vector<16xf32>
    %sub3A_950 = arith.constant 1.500000e+00 : f32
    %sub3A_951 = vector.broadcast %sub3A_950 : f32 to vector<16xf32>
    %sub3A_952 = arith.subf %sub3A_951, %mul3A_949 : vector<16xf32>
    %mul3A_953 = arith.mulf %bitcast3A_944, %sub3A_952 : vector<16xf32>
    %mul3A_954 = arith.constant 5.000000e-01 : f32
    %mul3A_955 = vector.broadcast %mul3A_954 : f32 to vector<16xf32>
    %mul3A_956 = arith.mulf %mul3A_955, %add3A_936 : vector<16xf32>
    %mul3A_957 = arith.mulf %mul3A_956, %mul3A_953 : vector<16xf32>
    %mul3A_958 = arith.mulf %mul3A_957, %mul3A_953 : vector<16xf32>
    %sub3A_959 = arith.constant 1.500000e+00 : f32
    %sub3A_960 = vector.broadcast %sub3A_959 : f32 to vector<16xf32>
    %sub3A_961 = arith.subf %sub3A_960, %mul3A_958 : vector<16xf32>
    %mul3A_962 = arith.mulf %mul3A_953, %sub3A_961 : vector<16xf32>
    %mul3A_963 = arith.constant 5.000000e-01 : f32
    %mul3A_964 = vector.broadcast %mul3A_963 : f32 to vector<16xf32>
    %mul3A_965 = arith.mulf %mul3A_964, %add3A_936 : vector<16xf32>
    %mul3A_966 = arith.mulf %mul3A_965, %mul3A_962 : vector<16xf32>
    %mul3A_967 = arith.mulf %mul3A_966, %mul3A_962 : vector<16xf32>
    %sub3A_968 = arith.constant 1.500000e+00 : f32
    %sub3A_969 = vector.broadcast %sub3A_968 : f32 to vector<16xf32>
    %sub3A_970 = arith.subf %sub3A_969, %mul3A_967 : vector<16xf32>
    %mul3A_971 = arith.mulf %mul3A_962, %sub3A_970 : vector<16xf32>
    %swap3A_972 = arith.constant 176 : index
    %swap3A_973 = tpu.vector_load %arg11[%swap3A_972] {strides = array<i32>} : memref<640xf32, #tpu.memory_space<vmem>>, vector<16xf32>,
    tpu.vector_store %arg11[%swap3A_972], %mul3A_971 {strides = array<i32>} : memref<640xf32, #tpu.memory_space<vmem>>, vector<16xf32>,
    %get3A_974 = arith.constant 192 : index
    %get3A_975 = tpu.vector_load %arg10[%get3A_974] {strides = array<i32>} : memref<640xf32, #tpu.memory_space<vmem>>, vector<16xf32>,
    %add3A_976 = arith.constant 1.000000e+00 : f32
    %add3A_977 = vector.broadcast %add3A_976 : f32 to vector<16xf32>
    %add3A_978 = arith.addf %get3A_975, %add3A_977 : vector<16xf32>
    %bitcast3A_979 = vector.bitcast %add3A_978 : vector<16xf32> to vector<16xi32>
    %shift_right_arithmetic3A_980 = arith.constant 1 : i32
    %shift_right_arithmetic3A_981 = vector.broadcast %shift_right_arithmetic3A_980 : i32 to vector<16xi32>
    %shift_right_arithmetic3A_982 = arith.shrsi %bitcast3A_979, %shift_right_arithmetic3A_981 : vector<16xi32>
    %sub3A_983 = arith.constant 1597463007 : i32
    %sub3A_984 = vector.broadcast %sub3A_983 : i32 to vector<16xi32>
    %sub3A_985 = arith.subi %sub3A_984, %shift_right_arithmetic3A_982 : vector<16xi32>
    %bitcast3A_986 = vector.bitcast %sub3A_985 : vector<16xi32> to vector<16xf32>
    %mul3A_987 = arith.constant 5.000000e-01 : f32
    %mul3A_988 = vector.broadcast %mul3A_987 : f32 to vector<16xf32>
    %mul3A_989 = arith.mulf %mul3A_988, %add3A_978 : vector<16xf32>
    %mul3A_990 = arith.mulf %mul3A_989, %bitcast3A_986 : vector<16xf32>
    %mul3A_991 = arith.mulf %mul3A_990, %bitcast3A_986 : vector<16xf32>
    %sub3A_992 = arith.constant 1.500000e+00 : f32
    %sub3A_993 = vector.broadcast %sub3A_992 : f32 to vector<16xf32>
    %sub3A_994 = arith.subf %sub3A_993, %mul3A_991 : vector<16xf32>
    %mul3A_995 = arith.mulf %bitcast3A_986, %sub3A_994 : vector<16xf32>
    %mul3A_996 = arith.constant 5.000000e-01 : f32
    %mul3A_997 = vector.broadcast %mul3A_996 : f32 to vector<16xf32>
    %mul3A_998 = arith.mulf %mul3A_997, %add3A_978 : vector<16xf32>
    %mul3A_999 = arith.mulf %mul3A_998, %mul3A_995 : vector<16xf32>
    %mul3A_1000 = arith.mulf %mul3A_999, %mul3A_995 : vector<16xf32>
    %sub3A_1001 = arith.constant 1.500000e+00 : f32
    %sub3A_1002 = vector.broadcast %sub3A_1001 : f32 to vector<16xf32>
    %sub3A_1003 = arith.subf %sub3A_1002, %mul3A_1000 : vector<16xf32>
    %mul3A_1004 = arith.mulf %mul3A_995, %sub3A_1003 : vector<16xf32>
    %mul3A_1005 = arith.constant 5.000000e-01 : f32
    %mul3A_1006 = vector.broadcast %mul3A_1005 : f32 to vector<16xf32>
    %mul3A_1007 = arith.mulf %mul3A_1006, %add3A_978 : vector<16xf32>
    %mul3A_1008 = arith.mulf %mul3A_1007, %mul3A_1004 : vector<16xf32>
    %mul3A_1009 = arith.mulf %mul3A_1008, %mul3A_1004 : vector<16xf32>
    %sub3A_1010 = arith.constant 1.500000e+00 : f32
    %sub3A_1011 = vector.broadcast %sub3A_1010 : f32 to vector<16xf32>
    %sub3A_1012 = arith.subf %sub3A_1011, %mul3A_1009 : vector<16xf32>
    %mul3A_1013 = arith.mulf %mul3A_1004, %sub3A_1012 : vector<16xf32>
    %swap3A_1014 = arith.constant 192 : index
    %swap3A_1015 = tpu.vector_load %arg11[%swap3A_1014] {strides = array<i32>} : memref<640xf32, #tpu.memory_space<vmem>>, vector<16xf32>,
    tpu.vector_store %arg11[%swap3A_1014], %mul3A_1013 {strides = array<i32>} : memref<640xf32, #tpu.memory_space<vmem>>, vector<16xf32>,
    %get3A_1016 = arith.constant 208 : index
    %get3A_1017 = tpu.vector_load %arg10[%get3A_1016] {strides = array<i32>} : memref<640xf32, #tpu.memory_space<vmem>>, vector<16xf32>,
    %add3A_1018 = arith.constant 1.000000e+00 : f32
    %add3A_1019 = vector.broadcast %add3A_1018 : f32 to vector<16xf32>
    %add3A_1020 = arith.addf %get3A_1017, %add3A_1019 : vector<16xf32>
    %bitcast3A_1021 = vector.bitcast %add3A_1020 : vector<16xf32> to vector<16xi32>
    %shift_right_arithmetic3A_1022 = arith.constant 1 : i32
    %shift_right_arithmetic3A_1023 = vector.broadcast %shift_right_arithmetic3A_1022 : i32 to vector<16xi32>
    %shift_right_arithmetic3A_1024 = arith.shrsi %bitcast3A_1021, %shift_right_arithmetic3A_1023 : vector<16xi32>
    %sub3A_1025 = arith.constant 1597463007 : i32
    %sub3A_1026 = vector.broadcast %sub3A_1025 : i32 to vector<16xi32>
    %sub3A_1027 = arith.subi %sub3A_1026, %shift_right_arithmetic3A_1024 : vector<16xi32>
    %bitcast3A_1028 = vector.bitcast %sub3A_1027 : vector<16xi32> to vector<16xf32>
    %mul3A_1029 = arith.constant 5.000000e-01 : f32
    %mul3A_1030 = vector.broadcast %mul3A_1029 : f32 to vector<16xf32>
    %mul3A_1031 = arith.mulf %mul3A_1030, %add3A_1020 : vector<16xf32>
    %mul3A_1032 = arith.mulf %mul3A_1031, %bitcast3A_1028 : vector<16xf32>
    %mul3A_1033 = arith.mulf %mul3A_1032, %bitcast3A_1028 : vector<16xf32>
    %sub3A_1034 = arith.constant 1.500000e+00 : f32
    %sub3A_1035 = vector.broadcast %sub3A_1034 : f32 to vector<16xf32>
    %sub3A_1036 = arith.subf %sub3A_1035, %mul3A_1033 : vector<16xf32>
    %mul3A_1037 = arith.mulf %bitcast3A_1028, %sub3A_1036 : vector<16xf32>
    %mul3A_1038 = arith.constant 5.000000e-01 : f32
    %mul3A_1039 = vector.broadcast %mul3A_1038 : f32 to vector<16xf32>
    %mul3A_1040 = arith.mulf %mul3A_1039, %add3A_1020 : vector<16xf32>
    %mul3A_1041 = arith.mulf %mul3A_1040, %mul3A_1037 : vector<16xf32>
    %mul3A_1042 = arith.mulf %mul3A_1041, %mul3A_1037 : vector<16xf32>
    %sub3A_1043 = arith.constant 1.500000e+00 : f32
    %sub3A_1044 = vector.broadcast %sub3A_1043 : f32 to vector<16xf32>
    %sub3A_1045 = arith.subf %sub3A_1044, %mul3A_1042 : vector<16xf32>
    %mul3A_1046 = arith.mulf %mul3A_1037, %sub3A_1045 : vector<16xf32>
    %mul3A_1047 = arith.constant 5.000000e-01 : f32
    %mul3A_1048 = vector.broadcast %mul3A_1047 : f32 to vector<16xf32>
    %mul3A_1049 = arith.mulf %mul3A_1048, %add3A_1020 : vector<16xf32>
    %mul3A_1050 = arith.mulf %mul3A_1049, %mul3A_1046 : vector<16xf32>
    %mul3A_1051 = arith.mulf %mul3A_1050, %mul3A_1046 : vector<16xf32>
    %sub3A_1052 = arith.constant 1.500000e+00 : f32
    %sub3A_1053 = vector.broadcast %sub3A_1052 : f32 to vector<16xf32>
    %sub3A_1054 = arith.subf %sub3A_1053, %mul3A_1051 : vector<16xf32>
    %mul3A_1055 = arith.mulf %mul3A_1046, %sub3A_1054 : vector<16xf32>
    %swap3A_1056 = arith.constant 208 : index
    %swap3A_1057 = tpu.vector_load %arg11[%swap3A_1056] {strides = array<i32>} : memref<640xf32, #tpu.memory_space<vmem>>, vector<16xf32>,
    tpu.vector_store %arg11[%swap3A_1056], %mul3A_1055 {strides = array<i32>} : memref<640xf32, #tpu.memory_space<vmem>>, vector<16xf32>,
    %get3A_1058 = arith.constant 224 : index
    %get3A_1059 = tpu.vector_load %arg10[%get3A_1058] {strides = array<i32>} : memref<640xf32, #tpu.memory_space<vmem>>, vector<16xf32>,
    %add3A_1060 = arith.constant 1.000000e+00 : f32
    %add3A_1061 = vector.broadcast %add3A_1060 : f32 to vector<16xf32>
    %add3A_1062 = arith.addf %get3A_1059, %add3A_1061 : vector<16xf32>
    %bitcast3A_1063 = vector.bitcast %add3A_1062 : vector<16xf32> to vector<16xi32>
    %shift_right_arithmetic3A_1064 = arith.constant 1 : i32
    %shift_right_arithmetic3A_1065 = vector.broadcast %shift_right_arithmetic3A_1064 : i32 to vector<16xi32>
    %shift_right_arithmetic3A_1066 = arith.shrsi %bitcast3A_1063, %shift_right_arithmetic3A_1065 : vector<16xi32>
    %sub3A_1067 = arith.constant 1597463007 : i32
    %sub3A_1068 = vector.broadcast %sub3A_1067 : i32 to vector<16xi32>
    %sub3A_1069 = arith.subi %sub3A_1068, %shift_right_arithmetic3A_1066 : vector<16xi32>
    %bitcast3A_1070 = vector.bitcast %sub3A_1069 : vector<16xi32> to vector<16xf32>
    %mul3A_1071 = arith.constant 5.000000e-01 : f32
    %mul3A_1072 = vector.broadcast %mul3A_1071 : f32 to vector<16xf32>
    %mul3A_1073 = arith.mulf %mul3A_1072, %add3A_1062 : vector<16xf32>
    %mul3A_1074 = arith.mulf %mul3A_1073, %bitcast3A_1070 : vector<16xf32>
    %mul3A_1075 = arith.mulf %mul3A_1074, %bitcast3A_1070 : vector<16xf32>
    %sub3A_1076 = arith.constant 1.500000e+00 : f32
    %sub3A_1077 = vector.broadcast %sub3A_1076 : f32 to vector<16xf32>
    %sub3A_1078 = arith.subf %sub3A_1077, %mul3A_1075 : vector<16xf32>
    %mul3A_1079 = arith.mulf %bitcast3A_1070, %sub3A_1078 : vector<16xf32>
    %mul3A_1080 = arith.constant 5.000000e-01 : f32
    %mul3A_1081 = vector.broadcast %mul3A_1080 : f32 to vector<16xf32>
    %mul3A_1082 = arith.mulf %mul3A_1081, %add3A_1062 : vector<16xf32>
    %mul3A_1083 = arith.mulf %mul3A_1082, %mul3A_1079 : vector<16xf32>
    %mul3A_1084 = arith.mulf %mul3A_1083, %mul3A_1079 : vector<16xf32>
    %sub3A_1085 = arith.constant 1.500000e+00 : f32
    %sub3A_1086 = vector.broadcast %sub3A_1085 : f32 to vector<16xf32>
    %sub3A_1087 = arith.subf %sub3A_1086, %mul3A_1084 : vector<16xf32>
    %mul3A_1088 = arith.mulf %mul3A_1079, %sub3A_1087 : vector<16xf32>
    %mul3A_1089 = arith.constant 5.000000e-01 : f32
    %mul3A_1090 = vector.broadcast %mul3A_1089 : f32 to vector<16xf32>
    %mul3A_1091 = arith.mulf %mul3A_1090, %add3A_1062 : vector<16xf32>
    %mul3A_1092 = arith.mulf %mul3A_1091, %mul3A_1088 : vector<16xf32>
    %mul3A_1093 = arith.mulf %mul3A_1092, %mul3A_1088 : vector<16xf32>
    %sub3A_1094 = arith.constant 1.500000e+00 : f32
    %sub3A_1095 = vector.broadcast %sub3A_1094 : f32 to vector<16xf32>
    %sub3A_1096 = arith.subf %sub3A_1095, %mul3A_1093 : vector<16xf32>
    %mul3A_1097 = arith.mulf %mul3A_1088, %sub3A_1096 : vector<16xf32>
    %swap3A_1098 = arith.constant 224 : index
    %swap3A_1099 = tpu.vector_load %arg11[%swap3A_1098] {strides = array<i32>} : memref<640xf32, #tpu.memory_space<vmem>>, vector<16xf32>,
    tpu.vector_store %arg11[%swap3A_1098], %mul3A_1097 {strides = array<i32>} : memref<640xf32, #tpu.memory_space<vmem>>, vector<16xf32>,
    %get3A_1100 = arith.constant 240 : index
    %get3A_1101 = tpu.vector_load %arg10[%get3A_1100] {strides = array<i32>} : memref<640xf32, #tpu.memory_space<vmem>>, vector<16xf32>,
    %add3A_1102 = arith.constant 1.000000e+00 : f32
    %add3A_1103 = vector.broadcast %add3A_1102 : f32 to vector<16xf32>
    %add3A_1104 = arith.addf %get3A_1101, %add3A_1103 : vector<16xf32>
    %bitcast3A_1105 = vector.bitcast %add3A_1104 : vector<16xf32> to vector<16xi32>
    %shift_right_arithmetic3A_1106 = arith.constant 1 : i32
    %shift_right_arithmetic3A_1107 = vector.broadcast %shift_right_arithmetic3A_1106 : i32 to vector<16xi32>
    %shift_right_arithmetic3A_1108 = arith.shrsi %bitcast3A_1105, %shift_right_arithmetic3A_1107 : vector<16xi32>
    %sub3A_1109 = arith.constant 1597463007 : i32
    %sub3A_1110 = vector.broadcast %sub3A_1109 : i32 to vector<16xi32>
    %sub3A_1111 = arith.subi %sub3A_1110, %shift_right_arithmetic3A_1108 : vector<16xi32>
    %bitcast3A_1112 = vector.bitcast %sub3A_1111 : vector<16xi32> to vector<16xf32>
    %mul3A_1113 = arith.constant 5.000000e-01 : f32
    %mul3A_1114 = vector.broadcast %mul3A_1113 : f32 to vector<16xf32>
    %mul3A_1115 = arith.mulf %mul3A_1114, %add3A_1104 : vector<16xf32>
    %mul3A_1116 = arith.mulf %mul3A_1115, %bitcast3A_1112 : vector<16xf32>
    %mul3A_1117 = arith.mulf %mul3A_1116, %bitcast3A_1112 : vector<16xf32>
    %sub3A_1118 = arith.constant 1.500000e+00 : f32
    %sub3A_1119 = vector.broadcast %sub3A_1118 : f32 to vector<16xf32>
    %sub3A_1120 = arith.subf %sub3A_1119, %mul3A_1117 : vector<16xf32>
    %mul3A_1121 = arith.mulf %bitcast3A_1112, %sub3A_1120 : vector<16xf32>
    %mul3A_1122 = arith.constant 5.000000e-01 : f32
    %mul3A_1123 = vector.broadcast %mul3A_1122 : f32 to vector<16xf32>
    %mul3A_1124 = arith.mulf %mul3A_1123, %add3A_1104 : vector<16xf32>
    %mul3A_1125 = arith.mulf %mul3A_1124, %mul3A_1121 : vector<16xf32>
    %mul3A_1126 = arith.mulf %mul3A_1125, %mul3A_1121 : vector<16xf32>
    %sub3A_1127 = arith.constant 1.500000e+00 : f32
    %sub3A_1128 = vector.broadcast %sub3A_1127 : f32 to vector<16xf32>
    %sub3A_1129 = arith.subf %sub3A_1128, %mul3A_1126 : vector<16xf32>
    %mul3A_1130 = arith.mulf %mul3A_1121, %sub3A_1129 : vector<16xf32>
    %mul3A_1131 = arith.constant 5.000000e-01 : f32
    %mul3A_1132 = vector.broadcast %mul3A_1131 : f32 to vector<16xf32>
    %mul3A_1133 = arith.mulf %mul3A_1132, %add3A_1104 : vector<16xf32>
    %mul3A_1134 = arith.mulf %mul3A_1133, %mul3A_1130 : vector<16xf32>
    %mul3A_1135 = arith.mulf %mul3A_1134, %mul3A_1130 : vector<16xf32>
    %sub3A_1136 = arith.constant 1.500000e+00 : f32
    %sub3A_1137 = vector.broadcast %sub3A_1136 : f32 to vector<16xf32>
    %sub3A_1138 = arith.subf %sub3A_1137, %mul3A_1135 : vector<16xf32>
    %mul3A_1139 = arith.mulf %mul3A_1130, %sub3A_1138 : vector<16xf32>
    %swap3A_1140 = arith.constant 240 : index
    %swap3A_1141 = tpu.vector_load %arg11[%swap3A_1140] {strides = array<i32>} : memref<640xf32, #tpu.memory_space<vmem>>, vector<16xf32>,
    tpu.vector_store %arg11[%swap3A_1140], %mul3A_1139 {strides = array<i32>} : memref<640xf32, #tpu.memory_space<vmem>>, vector<16xf32>,
    %get3A_1142 = arith.constant 256 : index
    %get3A_1143 = tpu.vector_load %arg10[%get3A_1142] {strides = array<i32>} : memref<640xf32, #tpu.memory_space<vmem>>, vector<16xf32>,
    %add3A_1144 = arith.constant 1.000000e+00 : f32
    %add3A_1145 = vector.broadcast %add3A_1144 : f32 to vector<16xf32>
    %add3A_1146 = arith.addf %get3A_1143, %add3A_1145 : vector<16xf32>
    %bitcast3A_1147 = vector.bitcast %add3A_1146 : vector<16xf32> to vector<16xi32>
    %shift_right_arithmetic3A_1148 = arith.constant 1 : i32
    %shift_right_arithmetic3A_1149 = vector.broadcast %shift_right_arithmetic3A_1148 : i32 to vector<16xi32>
    %shift_right_arithmetic3A_1150 = arith.shrsi %bitcast3A_1147, %shift_right_arithmetic3A_1149 : vector<16xi32>
    %sub3A_1151 = arith.constant 1597463007 : i32
    %sub3A_1152 = vector.broadcast %sub3A_1151 : i32 to vector<16xi32>
    %sub3A_1153 = arith.subi %sub3A_1152, %shift_right_arithmetic3A_1150 : vector<16xi32>
    %bitcast3A_1154 = vector.bitcast %sub3A_1153 : vector<16xi32> to vector<16xf32>
    %mul3A_1155 = arith.constant 5.000000e-01 : f32
    %mul3A_1156 = vector.broadcast %mul3A_1155 : f32 to vector<16xf32>
    %mul3A_1157 = arith.mulf %mul3A_1156, %add3A_1146 : vector<16xf32>
    %mul3A_1158 = arith.mulf %mul3A_1157, %bitcast3A_1154 : vector<16xf32>
    %mul3A_1159 = arith.mulf %mul3A_1158, %bitcast3A_1154 : vector<16xf32>
    %sub3A_1160 = arith.constant 1.500000e+00 : f32
    %sub3A_1161 = vector.broadcast %sub3A_1160 : f32 to vector<16xf32>
    %sub3A_1162 = arith.subf %sub3A_1161, %mul3A_1159 : vector<16xf32>
    %mul3A_1163 = arith.mulf %bitcast3A_1154, %sub3A_1162 : vector<16xf32>
    %mul3A_1164 = arith.constant 5.000000e-01 : f32
    %mul3A_1165 = vector.broadcast %mul3A_1164 : f32 to vector<16xf32>
    %mul3A_1166 = arith.mulf %mul3A_1165, %add3A_1146 : vector<16xf32>
    %mul3A_1167 = arith.mulf %mul3A_1166, %mul3A_1163 : vector<16xf32>
    %mul3A_1168 = arith.mulf %mul3A_1167, %mul3A_1163 : vector<16xf32>
    %sub3A_1169 = arith.constant 1.500000e+00 : f32
    %sub3A_1170 = vector.broadcast %sub3A_1169 : f32 to vector<16xf32>
    %sub3A_1171 = arith.subf %sub3A_1170, %mul3A_1168 : vector<16xf32>
    %mul3A_1172 = arith.mulf %mul3A_1163, %sub3A_1171 : vector<16xf32>
    %mul3A_1173 = arith.constant 5.000000e-01 : f32
    %mul3A_1174 = vector.broadcast %mul3A_1173 : f32 to vector<16xf32>
    %mul3A_1175 = arith.mulf %mul3A_1174, %add3A_1146 : vector<16xf32>
    %mul3A_1176 = arith.mulf %mul3A_1175, %mul3A_1172 : vector<16xf32>
    %mul3A_1177 = arith.mulf %mul3A_1176, %mul3A_1172 : vector<16xf32>
    %sub3A_1178 = arith.constant 1.500000e+00 : f32
    %sub3A_1179 = vector.broadcast %sub3A_1178 : f32 to vector<16xf32>
    %sub3A_1180 = arith.subf %sub3A_1179, %mul3A_1177 : vector<16xf32>
    %mul3A_1181 = arith.mulf %mul3A_1172, %sub3A_1180 : vector<16xf32>
    %swap3A_1182 = arith.constant 256 : index
    %swap3A_1183 = tpu.vector_load %arg11[%swap3A_1182] {strides = array<i32>} : memref<640xf32, #tpu.memory_space<vmem>>, vector<16xf32>,
    tpu.vector_store %arg11[%swap3A_1182], %mul3A_1181 {strides = array<i32>} : memref<640xf32, #tpu.memory_space<vmem>>, vector<16xf32>,
    %get3A_1184 = arith.constant 272 : index
    %get3A_1185 = tpu.vector_load %arg10[%get3A_1184] {strides = array<i32>} : memref<640xf32, #tpu.memory_space<vmem>>, vector<16xf32>,
    %add3A_1186 = arith.constant 1.000000e+00 : f32
    %add3A_1187 = vector.broadcast %add3A_1186 : f32 to vector<16xf32>
    %add3A_1188 = arith.addf %get3A_1185, %add3A_1187 : vector<16xf32>
    %bitcast3A_1189 = vector.bitcast %add3A_1188 : vector<16xf32> to vector<16xi32>
    %shift_right_arithmetic3A_1190 = arith.constant 1 : i32
    %shift_right_arithmetic3A_1191 = vector.broadcast %shift_right_arithmetic3A_1190 : i32 to vector<16xi32>
    %shift_right_arithmetic3A_1192 = arith.shrsi %bitcast3A_1189, %shift_right_arithmetic3A_1191 : vector<16xi32>
    %sub3A_1193 = arith.constant 1597463007 : i32
    %sub3A_1194 = vector.broadcast %sub3A_1193 : i32 to vector<16xi32>
    %sub3A_1195 = arith.subi %sub3A_1194, %shift_right_arithmetic3A_1192 : vector<16xi32>
    %bitcast3A_1196 = vector.bitcast %sub3A_1195 : vector<16xi32> to vector<16xf32>
    %mul3A_1197 = arith.constant 5.000000e-01 : f32
    %mul3A_1198 = vector.broadcast %mul3A_1197 : f32 to vector<16xf32>
    %mul3A_1199 = arith.mulf %mul3A_1198, %add3A_1188 : vector<16xf32>
    %mul3A_1200 = arith.mulf %mul3A_1199, %bitcast3A_1196 : vector<16xf32>
    %mul3A_1201 = arith.mulf %mul3A_1200, %bitcast3A_1196 : vector<16xf32>
    %sub3A_1202 = arith.constant 1.500000e+00 : f32
    %sub3A_1203 = vector.broadcast %sub3A_1202 : f32 to vector<16xf32>
    %sub3A_1204 = arith.subf %sub3A_1203, %mul3A_1201 : vector<16xf32>
    %mul3A_1205 = arith.mulf %bitcast3A_1196, %sub3A_1204 : vector<16xf32>
    %mul3A_1206 = arith.constant 5.000000e-01 : f32
    %mul3A_1207 = vector.broadcast %mul3A_1206 : f32 to vector<16xf32>
    %mul3A_1208 = arith.mulf %mul3A_1207, %add3A_1188 : vector<16xf32>
    %mul3A_1209 = arith.mulf %mul3A_1208, %mul3A_1205 : vector<16xf32>
    %mul3A_1210 = arith.mulf %mul3A_1209, %mul3A_1205 : vector<16xf32>
    %sub3A_1211 = arith.constant 1.500000e+00 : f32
    %sub3A_1212 = vector.broadcast %sub3A_1211 : f32 to vector<16xf32>
    %sub3A_1213 = arith.subf %sub3A_1212, %mul3A_1210 : vector<16xf32>
    %mul3A_1214 = arith.mulf %mul3A_1205, %sub3A_1213 : vector<16xf32>
    %mul3A_1215 = arith.constant 5.000000e-01 : f32
    %mul3A_1216 = vector.broadcast %mul3A_1215 : f32 to vector<16xf32>
    %mul3A_1217 = arith.mulf %mul3A_1216, %add3A_1188 : vector<16xf32>
    %mul3A_1218 = arith.mulf %mul3A_1217, %mul3A_1214 : vector<16xf32>
    %mul3A_1219 = arith.mulf %mul3A_1218, %mul3A_1214 : vector<16xf32>
    %sub3A_1220 = arith.constant 1.500000e+00 : f32
    %sub3A_1221 = vector.broadcast %sub3A_1220 : f32 to vector<16xf32>
    %sub3A_1222 = arith.subf %sub3A_1221, %mul3A_1219 : vector<16xf32>
    %mul3A_1223 = arith.mulf %mul3A_1214, %sub3A_1222 : vector<16xf32>
    %swap3A_1224 = arith.constant 272 : index
    %swap3A_1225 = tpu.vector_load %arg11[%swap3A_1224] {strides = array<i32>} : memref<640xf32, #tpu.memory_space<vmem>>, vector<16xf32>,
    tpu.vector_store %arg11[%swap3A_1224], %mul3A_1223 {strides = array<i32>} : memref<640xf32, #tpu.memory_space<vmem>>, vector<16xf32>,
    %get3A_1226 = arith.constant 288 : index
    %get3A_1227 = tpu.vector_load %arg10[%get3A_1226] {strides = array<i32>} : memref<640xf32, #tpu.memory_space<vmem>>, vector<16xf32>,
    %add3A_1228 = arith.constant 1.000000e+00 : f32
    %add3A_1229 = vector.broadcast %add3A_1228 : f32 to vector<16xf32>
    %add3A_1230 = arith.addf %get3A_1227, %add3A_1229 : vector<16xf32>
    %bitcast3A_1231 = vector.bitcast %add3A_1230 : vector<16xf32> to vector<16xi32>
    %shift_right_arithmetic3A_1232 = arith.constant 1 : i32
    %shift_right_arithmetic3A_1233 = vector.broadcast %shift_right_arithmetic3A_1232 : i32 to vector<16xi32>
    %shift_right_arithmetic3A_1234 = arith.shrsi %bitcast3A_1231, %shift_right_arithmetic3A_1233 : vector<16xi32>
    %sub3A_1235 = arith.constant 1597463007 : i32
    %sub3A_1236 = vector.broadcast %sub3A_1235 : i32 to vector<16xi32>
    %sub3A_1237 = arith.subi %sub3A_1236, %shift_right_arithmetic3A_1234 : vector<16xi32>
    %bitcast3A_1238 = vector.bitcast %sub3A_1237 : vector<16xi32> to vector<16xf32>
    %mul3A_1239 = arith.constant 5.000000e-01 : f32
    %mul3A_1240 = vector.broadcast %mul3A_1239 : f32 to vector<16xf32>
    %mul3A_1241 = arith.mulf %mul3A_1240, %add3A_1230 : vector<16xf32>
    %mul3A_1242 = arith.mulf %mul3A_1241, %bitcast3A_1238 : vector<16xf32>
    %mul3A_1243 = arith.mulf %mul3A_1242, %bitcast3A_1238 : vector<16xf32>
    %sub3A_1244 = arith.constant 1.500000e+00 : f32
    %sub3A_1245 = vector.broadcast %sub3A_1244 : f32 to vector<16xf32>
    %sub3A_1246 = arith.subf %sub3A_1245, %mul3A_1243 : vector<16xf32>
    %mul3A_1247 = arith.mulf %bitcast3A_1238, %sub3A_1246 : vector<16xf32>
    %mul3A_1248 = arith.constant 5.000000e-01 : f32
    %mul3A_1249 = vector.broadcast %mul3A_1248 : f32 to vector<16xf32>
    %mul3A_1250 = arith.mulf %mul3A_1249, %add3A_1230 : vector<16xf32>
    %mul3A_1251 = arith.mulf %mul3A_1250, %mul3A_1247 : vector<16xf32>
    %mul3A_1252 = arith.mulf %mul3A_1251, %mul3A_1247 : vector<16xf32>
    %sub3A_1253 = arith.constant 1.500000e+00 : f32
    %sub3A_1254 = vector.broadcast %sub3A_1253 : f32 to vector<16xf32>
    %sub3A_1255 = arith.subf %sub3A_1254, %mul3A_1252 : vector<16xf32>
    %mul3A_1256 = arith.mulf %mul3A_1247, %sub3A_1255 : vector<16xf32>
    %mul3A_1257 = arith.constant 5.000000e-01 : f32
    %mul3A_1258 = vector.broadcast %mul3A_1257 : f32 to vector<16xf32>
    %mul3A_1259 = arith.mulf %mul3A_1258, %add3A_1230 : vector<16xf32>
    %mul3A_1260 = arith.mulf %mul3A_1259, %mul3A_1256 : vector<16xf32>
    %mul3A_1261 = arith.mulf %mul3A_1260, %mul3A_1256 : vector<16xf32>
    %sub3A_1262 = arith.constant 1.500000e+00 : f32
    %sub3A_1263 = vector.broadcast %sub3A_1262 : f32 to vector<16xf32>
    %sub3A_1264 = arith.subf %sub3A_1263, %mul3A_1261 : vector<16xf32>
    %mul3A_1265 = arith.mulf %mul3A_1256, %sub3A_1264 : vector<16xf32>
    %swap3A_1266 = arith.constant 288 : index
    %swap3A_1267 = tpu.vector_load %arg11[%swap3A_1266] {strides = array<i32>} : memref<640xf32, #tpu.memory_space<vmem>>, vector<16xf32>,
    tpu.vector_store %arg11[%swap3A_1266], %mul3A_1265 {strides = array<i32>} : memref<640xf32, #tpu.memory_space<vmem>>, vector<16xf32>,
    %get3A_1268 = arith.constant 304 : index
    %get3A_1269 = tpu.vector_load %arg10[%get3A_1268] {strides = array<i32>} : memref<640xf32, #tpu.memory_space<vmem>>, vector<16xf32>,
    %add3A_1270 = arith.constant 1.000000e+00 : f32
    %add3A_1271 = vector.broadcast %add3A_1270 : f32 to vector<16xf32>
    %add3A_1272 = arith.addf %get3A_1269, %add3A_1271 : vector<16xf32>
    %bitcast3A_1273 = vector.bitcast %add3A_1272 : vector<16xf32> to vector<16xi32>
    %shift_right_arithmetic3A_1274 = arith.constant 1 : i32
    %shift_right_arithmetic3A_1275 = vector.broadcast %shift_right_arithmetic3A_1274 : i32 to vector<16xi32>
    %shift_right_arithmetic3A_1276 = arith.shrsi %bitcast3A_1273, %shift_right_arithmetic3A_1275 : vector<16xi32>
    %sub3A_1277 = arith.constant 1597463007 : i32
    %sub3A_1278 = vector.broadcast %sub3A_1277 : i32 to vector<16xi32>
    %sub3A_1279 = arith.subi %sub3A_1278, %shift_right_arithmetic3A_1276 : vector<16xi32>
    %bitcast3A_1280 = vector.bitcast %sub3A_1279 : vector<16xi32> to vector<16xf32>
    %mul3A_1281 = arith.constant 5.000000e-01 : f32
    %mul3A_1282 = vector.broadcast %mul3A_1281 : f32 to vector<16xf32>
    %mul3A_1283 = arith.mulf %mul3A_1282, %add3A_1272 : vector<16xf32>
    %mul3A_1284 = arith.mulf %mul3A_1283, %bitcast3A_1280 : vector<16xf32>
    %mul3A_1285 = arith.mulf %mul3A_1284, %bitcast3A_1280 : vector<16xf32>
    %sub3A_1286 = arith.constant 1.500000e+00 : f32
    %sub3A_1287 = vector.broadcast %sub3A_1286 : f32 to vector<16xf32>
    %sub3A_1288 = arith.subf %sub3A_1287, %mul3A_1285 : vector<16xf32>
    %mul3A_1289 = arith.mulf %bitcast3A_1280, %sub3A_1288 : vector<16xf32>
    %mul3A_1290 = arith.constant 5.000000e-01 : f32
    %mul3A_1291 = vector.broadcast %mul3A_1290 : f32 to vector<16xf32>
    %mul3A_1292 = arith.mulf %mul3A_1291, %add3A_1272 : vector<16xf32>
    %mul3A_1293 = arith.mulf %mul3A_1292, %mul3A_1289 : vector<16xf32>
    %mul3A_1294 = arith.mulf %mul3A_1293, %mul3A_1289 : vector<16xf32>
    %sub3A_1295 = arith.constant 1.500000e+00 : f32
    %sub3A_1296 = vector.broadcast %sub3A_1295 : f32 to vector<16xf32>
    %sub3A_1297 = arith.subf %sub3A_1296, %mul3A_1294 : vector<16xf32>
    %mul3A_1298 = arith.mulf %mul3A_1289, %sub3A_1297 : vector<16xf32>
    %mul3A_1299 = arith.constant 5.000000e-01 : f32
    %mul3A_1300 = vector.broadcast %mul3A_1299 : f32 to vector<16xf32>
    %mul3A_1301 = arith.mulf %mul3A_1300, %add3A_1272 : vector<16xf32>
    %mul3A_1302 = arith.mulf %mul3A_1301, %mul3A_1298 : vector<16xf32>
    %mul3A_1303 = arith.mulf %mul3A_1302, %mul3A_1298 : vector<16xf32>
    %sub3A_1304 = arith.constant 1.500000e+00 : f32
    %sub3A_1305 = vector.broadcast %sub3A_1304 : f32 to vector<16xf32>
    %sub3A_1306 = arith.subf %sub3A_1305, %mul3A_1303 : vector<16xf32>
    %mul3A_1307 = arith.mulf %mul3A_1298, %sub3A_1306 : vector<16xf32>
    %swap3A_1308 = arith.constant 304 : index
    %swap3A_1309 = tpu.vector_load %arg11[%swap3A_1308] {strides = array<i32>} : memref<640xf32, #tpu.memory_space<vmem>>, vector<16xf32>,
    tpu.vector_store %arg11[%swap3A_1308], %mul3A_1307 {strides = array<i32>} : memref<640xf32, #tpu.memory_space<vmem>>, vector<16xf32>,
    %get3A_1310 = arith.constant 320 : index
    %get3A_1311 = tpu.vector_load %arg10[%get3A_1310] {strides = array<i32>} : memref<640xf32, #tpu.memory_space<vmem>>, vector<16xf32>,
    %add3A_1312 = arith.constant 1.000000e+00 : f32
    %add3A_1313 = vector.broadcast %add3A_1312 : f32 to vector<16xf32>
    %add3A_1314 = arith.addf %get3A_1311, %add3A_1313 : vector<16xf32>
    %bitcast3A_1315 = vector.bitcast %add3A_1314 : vector<16xf32> to vector<16xi32>
    %shift_right_arithmetic3A_1316 = arith.constant 1 : i32
    %shift_right_arithmetic3A_1317 = vector.broadcast %shift_right_arithmetic3A_1316 : i32 to vector<16xi32>
    %shift_right_arithmetic3A_1318 = arith.shrsi %bitcast3A_1315, %shift_right_arithmetic3A_1317 : vector<16xi32>
    %sub3A_1319 = arith.constant 1597463007 : i32
    %sub3A_1320 = vector.broadcast %sub3A_1319 : i32 to vector<16xi32>
    %sub3A_1321 = arith.subi %sub3A_1320, %shift_right_arithmetic3A_1318 : vector<16xi32>
    %bitcast3A_1322 = vector.bitcast %sub3A_1321 : vector<16xi32> to vector<16xf32>
    %mul3A_1323 = arith.constant 5.000000e-01 : f32
    %mul3A_1324 = vector.broadcast %mul3A_1323 : f32 to vector<16xf32>
    %mul3A_1325 = arith.mulf %mul3A_1324, %add3A_1314 : vector<16xf32>
    %mul3A_1326 = arith.mulf %mul3A_1325, %bitcast3A_1322 : vector<16xf32>
    %mul3A_1327 = arith.mulf %mul3A_1326, %bitcast3A_1322 : vector<16xf32>
    %sub3A_1328 = arith.constant 1.500000e+00 : f32
    %sub3A_1329 = vector.broadcast %sub3A_1328 : f32 to vector<16xf32>
    %sub3A_1330 = arith.subf %sub3A_1329, %mul3A_1327 : vector<16xf32>
    %mul3A_1331 = arith.mulf %bitcast3A_1322, %sub3A_1330 : vector<16xf32>
    %mul3A_1332 = arith.constant 5.000000e-01 : f32
    %mul3A_1333 = vector.broadcast %mul3A_1332 : f32 to vector<16xf32>
    %mul3A_1334 = arith.mulf %mul3A_1333, %add3A_1314 : vector<16xf32>
    %mul3A_1335 = arith.mulf %mul3A_1334, %mul3A_1331 : vector<16xf32>
    %mul3A_1336 = arith.mulf %mul3A_1335, %mul3A_1331 : vector<16xf32>
    %sub3A_1337 = arith.constant 1.500000e+00 : f32
    %sub3A_1338 = vector.broadcast %sub3A_1337 : f32 to vector<16xf32>
    %sub3A_1339 = arith.subf %sub3A_1338, %mul3A_1336 : vector<16xf32>
    %mul3A_1340 = arith.mulf %mul3A_1331, %sub3A_1339 : vector<16xf32>
    %mul3A_1341 = arith.constant 5.000000e-01 : f32
    %mul3A_1342 = vector.broadcast %mul3A_1341 : f32 to vector<16xf32>
    %mul3A_1343 = arith.mulf %mul3A_1342, %add3A_1314 : vector<16xf32>
    %mul3A_1344 = arith.mulf %mul3A_1343, %mul3A_1340 : vector<16xf32>
    %mul3A_1345 = arith.mulf %mul3A_1344, %mul3A_1340 : vector<16xf32>
    %sub3A_1346 = arith.constant 1.500000e+00 : f32
    %sub3A_1347 = vector.broadcast %sub3A_1346 : f32 to vector<16xf32>
    %sub3A_1348 = arith.subf %sub3A_1347, %mul3A_1345 : vector<16xf32>
    %mul3A_1349 = arith.mulf %mul3A_1340, %sub3A_1348 : vector<16xf32>
    %swap3A_1350 = arith.constant 320 : index
    %swap3A_1351 = tpu.vector_load %arg11[%swap3A_1350] {strides = array<i32>} : memref<640xf32, #tpu.memory_space<vmem>>, vector<16xf32>,
    tpu.vector_store %arg11[%swap3A_1350], %mul3A_1349 {strides = array<i32>} : memref<640xf32, #tpu.memory_space<vmem>>, vector<16xf32>,
    %get3A_1352 = arith.constant 336 : index
    %get3A_1353 = tpu.vector_load %arg10[%get3A_1352] {strides = array<i32>} : memref<640xf32, #tpu.memory_space<vmem>>, vector<16xf32>,
    %add3A_1354 = arith.constant 1.000000e+00 : f32
    %add3A_1355 = vector.broadcast %add3A_1354 : f32 to vector<16xf32>
    %add3A_1356 = arith.addf %get3A_1353, %add3A_1355 : vector<16xf32>
    %bitcast3A_1357 = vector.bitcast %add3A_1356 : vector<16xf32> to vector<16xi32>
    %shift_right_arithmetic3A_1358 = arith.constant 1 : i32
    %shift_right_arithmetic3A_1359 = vector.broadcast %shift_right_arithmetic3A_1358 : i32 to vector<16xi32>
    %shift_right_arithmetic3A_1360 = arith.shrsi %bitcast3A_1357, %shift_right_arithmetic3A_1359 : vector<16xi32>
    %sub3A_1361 = arith.constant 1597463007 : i32
    %sub3A_1362 = vector.broadcast %sub3A_1361 : i32 to vector<16xi32>
    %sub3A_1363 = arith.subi %sub3A_1362, %shift_right_arithmetic3A_1360 : vector<16xi32>
    %bitcast3A_1364 = vector.bitcast %sub3A_1363 : vector<16xi32> to vector<16xf32>
    %mul3A_1365 = arith.constant 5.000000e-01 : f32
    %mul3A_1366 = vector.broadcast %mul3A_1365 : f32 to vector<16xf32>
    %mul3A_1367 = arith.mulf %mul3A_1366, %add3A_1356 : vector<16xf32>
    %mul3A_1368 = arith.mulf %mul3A_1367, %bitcast3A_1364 : vector<16xf32>
    %mul3A_1369 = arith.mulf %mul3A_1368, %bitcast3A_1364 : vector<16xf32>
    %sub3A_1370 = arith.constant 1.500000e+00 : f32
    %sub3A_1371 = vector.broadcast %sub3A_1370 : f32 to vector<16xf32>
    %sub3A_1372 = arith.subf %sub3A_1371, %mul3A_1369 : vector<16xf32>
    %mul3A_1373 = arith.mulf %bitcast3A_1364, %sub3A_1372 : vector<16xf32>
    %mul3A_1374 = arith.constant 5.000000e-01 : f32
    %mul3A_1375 = vector.broadcast %mul3A_1374 : f32 to vector<16xf32>
    %mul3A_1376 = arith.mulf %mul3A_1375, %add3A_1356 : vector<16xf32>
    %mul3A_1377 = arith.mulf %mul3A_1376, %mul3A_1373 : vector<16xf32>
    %mul3A_1378 = arith.mulf %mul3A_1377, %mul3A_1373 : vector<16xf32>
    %sub3A_1379 = arith.constant 1.500000e+00 : f32
    %sub3A_1380 = vector.broadcast %sub3A_1379 : f32 to vector<16xf32>
    %sub3A_1381 = arith.subf %sub3A_1380, %mul3A_1378 : vector<16xf32>
    %mul3A_1382 = arith.mulf %mul3A_1373, %sub3A_1381 : vector<16xf32>
    %mul3A_1383 = arith.constant 5.000000e-01 : f32
    %mul3A_1384 = vector.broadcast %mul3A_1383 : f32 to vector<16xf32>
    %mul3A_1385 = arith.mulf %mul3A_1384, %add3A_1356 : vector<16xf32>
    %mul3A_1386 = arith.mulf %mul3A_1385, %mul3A_1382 : vector<16xf32>
    %mul3A_1387 = arith.mulf %mul3A_1386, %mul3A_1382 : vector<16xf32>
    %sub3A_1388 = arith.constant 1.500000e+00 : f32
    %sub3A_1389 = vector.broadcast %sub3A_1388 : f32 to vector<16xf32>
    %sub3A_1390 = arith.subf %sub3A_1389, %mul3A_1387 : vector<16xf32>
    %mul3A_1391 = arith.mulf %mul3A_1382, %sub3A_1390 : vector<16xf32>
    %swap3A_1392 = arith.constant 336 : index
    %swap3A_1393 = tpu.vector_load %arg11[%swap3A_1392] {strides = array<i32>} : memref<640xf32, #tpu.memory_space<vmem>>, vector<16xf32>,
    tpu.vector_store %arg11[%swap3A_1392], %mul3A_1391 {strides = array<i32>} : memref<640xf32, #tpu.memory_space<vmem>>, vector<16xf32>,
    %get3A_1394 = arith.constant 352 : index
    %get3A_1395 = tpu.vector_load %arg10[%get3A_1394] {strides = array<i32>} : memref<640xf32, #tpu.memory_space<vmem>>, vector<16xf32>,
    %add3A_1396 = arith.constant 1.000000e+00 : f32
    %add3A_1397 = vector.broadcast %add3A_1396 : f32 to vector<16xf32>
    %add3A_1398 = arith.addf %get3A_1395, %add3A_1397 : vector<16xf32>
    %bitcast3A_1399 = vector.bitcast %add3A_1398 : vector<16xf32> to vector<16xi32>
    %shift_right_arithmetic3A_1400 = arith.constant 1 : i32
    %shift_right_arithmetic3A_1401 = vector.broadcast %shift_right_arithmetic3A_1400 : i32 to vector<16xi32>
    %shift_right_arithmetic3A_1402 = arith.shrsi %bitcast3A_1399, %shift_right_arithmetic3A_1401 : vector<16xi32>
    %sub3A_1403 = arith.constant 1597463007 : i32
    %sub3A_1404 = vector.broadcast %sub3A_1403 : i32 to vector<16xi32>
    %sub3A_1405 = arith.subi %sub3A_1404, %shift_right_arithmetic3A_1402 : vector<16xi32>
    %bitcast3A_1406 = vector.bitcast %sub3A_1405 : vector<16xi32> to vector<16xf32>
    %mul3A_1407 = arith.constant 5.000000e-01 : f32
    %mul3A_1408 = vector.broadcast %mul3A_1407 : f32 to vector<16xf32>
    %mul3A_1409 = arith.mulf %mul3A_1408, %add3A_1398 : vector<16xf32>
    %mul3A_1410 = arith.mulf %mul3A_1409, %bitcast3A_1406 : vector<16xf32>
    %mul3A_1411 = arith.mulf %mul3A_1410, %bitcast3A_1406 : vector<16xf32>
    %sub3A_1412 = arith.constant 1.500000e+00 : f32
    %sub3A_1413 = vector.broadcast %sub3A_1412 : f32 to vector<16xf32>
    %sub3A_1414 = arith.subf %sub3A_1413, %mul3A_1411 : vector<16xf32>
    %mul3A_1415 = arith.mulf %bitcast3A_1406, %sub3A_1414 : vector<16xf32>
    %mul3A_1416 = arith.constant 5.000000e-01 : f32
    %mul3A_1417 = vector.broadcast %mul3A_1416 : f32 to vector<16xf32>
    %mul3A_1418 = arith.mulf %mul3A_1417, %add3A_1398 : vector<16xf32>
    %mul3A_1419 = arith.mulf %mul3A_1418, %mul3A_1415 : vector<16xf32>
    %mul3A_1420 = arith.mulf %mul3A_1419, %mul3A_1415 : vector<16xf32>
    %sub3A_1421 = arith.constant 1.500000e+00 : f32
    %sub3A_1422 = vector.broadcast %sub3A_1421 : f32 to vector<16xf32>
    %sub3A_1423 = arith.subf %sub3A_1422, %mul3A_1420 : vector<16xf32>
    %mul3A_1424 = arith.mulf %mul3A_1415, %sub3A_1423 : vector<16xf32>
    %mul3A_1425 = arith.constant 5.000000e-01 : f32
    %mul3A_1426 = vector.broadcast %mul3A_1425 : f32 to vector<16xf32>
    %mul3A_1427 = arith.mulf %mul3A_1426, %add3A_1398 : vector<16xf32>
    %mul3A_1428 = arith.mulf %mul3A_1427, %mul3A_1424 : vector<16xf32>
    %mul3A_1429 = arith.mulf %mul3A_1428, %mul3A_1424 : vector<16xf32>
    %sub3A_1430 = arith.constant 1.500000e+00 : f32
    %sub3A_1431 = vector.broadcast %sub3A_1430 : f32 to vector<16xf32>
    %sub3A_1432 = arith.subf %sub3A_1431, %mul3A_1429 : vector<16xf32>
    %mul3A_1433 = arith.mulf %mul3A_1424, %sub3A_1432 : vector<16xf32>
    %swap3A_1434 = arith.constant 352 : index
    %swap3A_1435 = tpu.vector_load %arg11[%swap3A_1434] {strides = array<i32>} : memref<640xf32, #tpu.memory_space<vmem>>, vector<16xf32>,
    tpu.vector_store %arg11[%swap3A_1434], %mul3A_1433 {strides = array<i32>} : memref<640xf32, #tpu.memory_space<vmem>>, vector<16xf32>,
    %get3A_1436 = arith.constant 368 : index
    %get3A_1437 = tpu.vector_load %arg10[%get3A_1436] {strides = array<i32>} : memref<640xf32, #tpu.memory_space<vmem>>, vector<16xf32>,
    %add3A_1438 = arith.constant 1.000000e+00 : f32
    %add3A_1439 = vector.broadcast %add3A_1438 : f32 to vector<16xf32>
    %add3A_1440 = arith.addf %get3A_1437, %add3A_1439 : vector<16xf32>
    %bitcast3A_1441 = vector.bitcast %add3A_1440 : vector<16xf32> to vector<16xi32>
    %shift_right_arithmetic3A_1442 = arith.constant 1 : i32
    %shift_right_arithmetic3A_1443 = vector.broadcast %shift_right_arithmetic3A_1442 : i32 to vector<16xi32>
    %shift_right_arithmetic3A_1444 = arith.shrsi %bitcast3A_1441, %shift_right_arithmetic3A_1443 : vector<16xi32>
    %sub3A_1445 = arith.constant 1597463007 : i32
    %sub3A_1446 = vector.broadcast %sub3A_1445 : i32 to vector<16xi32>
    %sub3A_1447 = arith.subi %sub3A_1446, %shift_right_arithmetic3A_1444 : vector<16xi32>
    %bitcast3A_1448 = vector.bitcast %sub3A_1447 : vector<16xi32> to vector<16xf32>
    %mul3A_1449 = arith.constant 5.000000e-01 : f32
    %mul3A_1450 = vector.broadcast %mul3A_1449 : f32 to vector<16xf32>
    %mul3A_1451 = arith.mulf %mul3A_1450, %add3A_1440 : vector<16xf32>
    %mul3A_1452 = arith.mulf %mul3A_1451, %bitcast3A_1448 : vector<16xf32>
    %mul3A_1453 = arith.mulf %mul3A_1452, %bitcast3A_1448 : vector<16xf32>
    %sub3A_1454 = arith.constant 1.500000e+00 : f32
    %sub3A_1455 = vector.broadcast %sub3A_1454 : f32 to vector<16xf32>
    %sub3A_1456 = arith.subf %sub3A_1455, %mul3A_1453 : vector<16xf32>
    %mul3A_1457 = arith.mulf %bitcast3A_1448, %sub3A_1456 : vector<16xf32>
    %mul3A_1458 = arith.constant 5.000000e-01 : f32
    %mul3A_1459 = vector.broadcast %mul3A_1458 : f32 to vector<16xf32>
    %mul3A_1460 = arith.mulf %mul3A_1459, %add3A_1440 : vector<16xf32>
    %mul3A_1461 = arith.mulf %mul3A_1460, %mul3A_1457 : vector<16xf32>
    %mul3A_1462 = arith.mulf %mul3A_1461, %mul3A_1457 : vector<16xf32>
    %sub3A_1463 = arith.constant 1.500000e+00 : f32
    %sub3A_1464 = vector.broadcast %sub3A_1463 : f32 to vector<16xf32>
    %sub3A_1465 = arith.subf %sub3A_1464, %mul3A_1462 : vector<16xf32>
    %mul3A_1466 = arith.mulf %mul3A_1457, %sub3A_1465 : vector<16xf32>
    %mul3A_1467 = arith.constant 5.000000e-01 : f32
    %mul3A_1468 = vector.broadcast %mul3A_1467 : f32 to vector<16xf32>
    %mul3A_1469 = arith.mulf %mul3A_1468, %add3A_1440 : vector<16xf32>
    %mul3A_1470 = arith.mulf %mul3A_1469, %mul3A_1466 : vector<16xf32>
    %mul3A_1471 = arith.mulf %mul3A_1470, %mul3A_1466 : vector<16xf32>
    %sub3A_1472 = arith.constant 1.500000e+00 : f32
    %sub3A_1473 = vector.broadcast %sub3A_1472 : f32 to vector<16xf32>
    %sub3A_1474 = arith.subf %sub3A_1473, %mul3A_1471 : vector<16xf32>
    %mul3A_1475 = arith.mulf %mul3A_1466, %sub3A_1474 : vector<16xf32>
    %swap3A_1476 = arith.constant 368 : index
    %swap3A_1477 = tpu.vector_load %arg11[%swap3A_1476] {strides = array<i32>} : memref<640xf32, #tpu.memory_space<vmem>>, vector<16xf32>,
    tpu.vector_store %arg11[%swap3A_1476], %mul3A_1475 {strides = array<i32>} : memref<640xf32, #tpu.memory_space<vmem>>, vector<16xf32>,
    %get3A_1478 = arith.constant 384 : index
    %get3A_1479 = tpu.vector_load %arg10[%get3A_1478] {strides = array<i32>} : memref<640xf32, #tpu.memory_space<vmem>>, vector<16xf32>,
    %add3A_1480 = arith.constant 1.000000e+00 : f32
    %add3A_1481 = vector.broadcast %add3A_1480 : f32 to vector<16xf32>
    %add3A_1482 = arith.addf %get3A_1479, %add3A_1481 : vector<16xf32>
    %bitcast3A_1483 = vector.bitcast %add3A_1482 : vector<16xf32> to vector<16xi32>
    %shift_right_arithmetic3A_1484 = arith.constant 1 : i32
    %shift_right_arithmetic3A_1485 = vector.broadcast %shift_right_arithmetic3A_1484 : i32 to vector<16xi32>
    %shift_right_arithmetic3A_1486 = arith.shrsi %bitcast3A_1483, %shift_right_arithmetic3A_1485 : vector<16xi32>
    %sub3A_1487 = arith.constant 1597463007 : i32
    %sub3A_1488 = vector.broadcast %sub3A_1487 : i32 to vector<16xi32>
    %sub3A_1489 = arith.subi %sub3A_1488, %shift_right_arithmetic3A_1486 : vector<16xi32>
    %bitcast3A_1490 = vector.bitcast %sub3A_1489 : vector<16xi32> to vector<16xf32>
    %mul3A_1491 = arith.constant 5.000000e-01 : f32
    %mul3A_1492 = vector.broadcast %mul3A_1491 : f32 to vector<16xf32>
    %mul3A_1493 = arith.mulf %mul3A_1492, %add3A_1482 : vector<16xf32>
    %mul3A_1494 = arith.mulf %mul3A_1493, %bitcast3A_1490 : vector<16xf32>
    %mul3A_1495 = arith.mulf %mul3A_1494, %bitcast3A_1490 : vector<16xf32>
    %sub3A_1496 = arith.constant 1.500000e+00 : f32
    %sub3A_1497 = vector.broadcast %sub3A_1496 : f32 to vector<16xf32>
    %sub3A_1498 = arith.subf %sub3A_1497, %mul3A_1495 : vector<16xf32>
    %mul3A_1499 = arith.mulf %bitcast3A_1490, %sub3A_1498 : vector<16xf32>
    %mul3A_1500 = arith.constant 5.000000e-01 : f32
    %mul3A_1501 = vector.broadcast %mul3A_1500 : f32 to vector<16xf32>
    %mul3A_1502 = arith.mulf %mul3A_1501, %add3A_1482 : vector<16xf32>
    %mul3A_1503 = arith.mulf %mul3A_1502, %mul3A_1499 : vector<16xf32>
    %mul3A_1504 = arith.mulf %mul3A_1503, %mul3A_1499 : vector<16xf32>
    %sub3A_1505 = arith.constant 1.500000e+00 : f32
    %sub3A_1506 = vector.broadcast %sub3A_1505 : f32 to vector<16xf32>
    %sub3A_1507 = arith.subf %sub3A_1506, %mul3A_1504 : vector<16xf32>
    %mul3A_1508 = arith.mulf %mul3A_1499, %sub3A_1507 : vector<16xf32>
    %mul3A_1509 = arith.constant 5.000000e-01 : f32
    %mul3A_1510 = vector.broadcast %mul3A_1509 : f32 to vector<16xf32>
    %mul3A_1511 = arith.mulf %mul3A_1510, %add3A_1482 : vector<16xf32>
    %mul3A_1512 = arith.mulf %mul3A_1511, %mul3A_1508 : vector<16xf32>
    %mul3A_1513 = arith.mulf %mul3A_1512, %mul3A_1508 : vector<16xf32>
    %sub3A_1514 = arith.constant 1.500000e+00 : f32
    %sub3A_1515 = vector.broadcast %sub3A_1514 : f32 to vector<16xf32>
    %sub3A_1516 = arith.subf %sub3A_1515, %mul3A_1513 : vector<16xf32>
    %mul3A_1517 = arith.mulf %mul3A_1508, %sub3A_1516 : vector<16xf32>
    %swap3A_1518 = arith.constant 384 : index
    %swap3A_1519 = tpu.vector_load %arg11[%swap3A_1518] {strides = array<i32>} : memref<640xf32, #tpu.memory_space<vmem>>, vector<16xf32>,
    tpu.vector_store %arg11[%swap3A_1518], %mul3A_1517 {strides = array<i32>} : memref<640xf32, #tpu.memory_space<vmem>>, vector<16xf32>,
    %get3A_1520 = arith.constant 400 : index
    %get3A_1521 = tpu.vector_load %arg10[%get3A_1520] {strides = array<i32>} : memref<640xf32, #tpu.memory_space<vmem>>, vector<16xf32>,
    %add3A_1522 = arith.constant 1.000000e+00 : f32
    %add3A_1523 = vector.broadcast %add3A_1522 : f32 to vector<16xf32>
    %add3A_1524 = arith.addf %get3A_1521, %add3A_1523 : vector<16xf32>
    %bitcast3A_1525 = vector.bitcast %add3A_1524 : vector<16xf32> to vector<16xi32>
    %shift_right_arithmetic3A_1526 = arith.constant 1 : i32
    %shift_right_arithmetic3A_1527 = vector.broadcast %shift_right_arithmetic3A_1526 : i32 to vector<16xi32>
    %shift_right_arithmetic3A_1528 = arith.shrsi %bitcast3A_1525, %shift_right_arithmetic3A_1527 : vector<16xi32>
    %sub3A_1529 = arith.constant 1597463007 : i32
    %sub3A_1530 = vector.broadcast %sub3A_1529 : i32 to vector<16xi32>
    %sub3A_1531 = arith.subi %sub3A_1530, %shift_right_arithmetic3A_1528 : vector<16xi32>
    %bitcast3A_1532 = vector.bitcast %sub3A_1531 : vector<16xi32> to vector<16xf32>
    %mul3A_1533 = arith.constant 5.000000e-01 : f32
    %mul3A_1534 = vector.broadcast %mul3A_1533 : f32 to vector<16xf32>
    %mul3A_1535 = arith.mulf %mul3A_1534, %add3A_1524 : vector<16xf32>
    %mul3A_1536 = arith.mulf %mul3A_1535, %bitcast3A_1532 : vector<16xf32>
    %mul3A_1537 = arith.mulf %mul3A_1536, %bitcast3A_1532 : vector<16xf32>
    %sub3A_1538 = arith.constant 1.500000e+00 : f32
    %sub3A_1539 = vector.broadcast %sub3A_1538 : f32 to vector<16xf32>
    %sub3A_1540 = arith.subf %sub3A_1539, %mul3A_1537 : vector<16xf32>
    %mul3A_1541 = arith.mulf %bitcast3A_1532, %sub3A_1540 : vector<16xf32>
    %mul3A_1542 = arith.constant 5.000000e-01 : f32
    %mul3A_1543 = vector.broadcast %mul3A_1542 : f32 to vector<16xf32>
    %mul3A_1544 = arith.mulf %mul3A_1543, %add3A_1524 : vector<16xf32>
    %mul3A_1545 = arith.mulf %mul3A_1544, %mul3A_1541 : vector<16xf32>
    %mul3A_1546 = arith.mulf %mul3A_1545, %mul3A_1541 : vector<16xf32>
    %sub3A_1547 = arith.constant 1.500000e+00 : f32
    %sub3A_1548 = vector.broadcast %sub3A_1547 : f32 to vector<16xf32>
    %sub3A_1549 = arith.subf %sub3A_1548, %mul3A_1546 : vector<16xf32>
    %mul3A_1550 = arith.mulf %mul3A_1541, %sub3A_1549 : vector<16xf32>
    %mul3A_1551 = arith.constant 5.000000e-01 : f32
    %mul3A_1552 = vector.broadcast %mul3A_1551 : f32 to vector<16xf32>
    %mul3A_1553 = arith.mulf %mul3A_1552, %add3A_1524 : vector<16xf32>
    %mul3A_1554 = arith.mulf %mul3A_1553, %mul3A_1550 : vector<16xf32>
    %mul3A_1555 = arith.mulf %mul3A_1554, %mul3A_1550 : vector<16xf32>
    %sub3A_1556 = arith.constant 1.500000e+00 : f32
    %sub3A_1557 = vector.broadcast %sub3A_1556 : f32 to vector<16xf32>
    %sub3A_1558 = arith.subf %sub3A_1557, %mul3A_1555 : vector<16xf32>
    %mul3A_1559 = arith.mulf %mul3A_1550, %sub3A_1558 : vector<16xf32>
    %swap3A_1560 = arith.constant 400 : index
    %swap3A_1561 = tpu.vector_load %arg11[%swap3A_1560] {strides = array<i32>} : memref<640xf32, #tpu.memory_space<vmem>>, vector<16xf32>,
    tpu.vector_store %arg11[%swap3A_1560], %mul3A_1559 {strides = array<i32>} : memref<640xf32, #tpu.memory_space<vmem>>, vector<16xf32>,
    %get3A_1562 = arith.constant 416 : index
    %get3A_1563 = tpu.vector_load %arg10[%get3A_1562] {strides = array<i32>} : memref<640xf32, #tpu.memory_space<vmem>>, vector<16xf32>,
    %add3A_1564 = arith.constant 1.000000e+00 : f32
    %add3A_1565 = vector.broadcast %add3A_1564 : f32 to vector<16xf32>
    %add3A_1566 = arith.addf %get3A_1563, %add3A_1565 : vector<16xf32>
    %bitcast3A_1567 = vector.bitcast %add3A_1566 : vector<16xf32> to vector<16xi32>
    %shift_right_arithmetic3A_1568 = arith.constant 1 : i32
    %shift_right_arithmetic3A_1569 = vector.broadcast %shift_right_arithmetic3A_1568 : i32 to vector<16xi32>
    %shift_right_arithmetic3A_1570 = arith.shrsi %bitcast3A_1567, %shift_right_arithmetic3A_1569 : vector<16xi32>
    %sub3A_1571 = arith.constant 1597463007 : i32
    %sub3A_1572 = vector.broadcast %sub3A_1571 : i32 to vector<16xi32>
    %sub3A_1573 = arith.subi %sub3A_1572, %shift_right_arithmetic3A_1570 : vector<16xi32>
    %bitcast3A_1574 = vector.bitcast %sub3A_1573 : vector<16xi32> to vector<16xf32>
    %mul3A_1575 = arith.constant 5.000000e-01 : f32
    %mul3A_1576 = vector.broadcast %mul3A_1575 : f32 to vector<16xf32>
    %mul3A_1577 = arith.mulf %mul3A_1576, %add3A_1566 : vector<16xf32>
    %mul3A_1578 = arith.mulf %mul3A_1577, %bitcast3A_1574 : vector<16xf32>
    %mul3A_1579 = arith.mulf %mul3A_1578, %bitcast3A_1574 : vector<16xf32>
    %sub3A_1580 = arith.constant 1.500000e+00 : f32
    %sub3A_1581 = vector.broadcast %sub3A_1580 : f32 to vector<16xf32>
    %sub3A_1582 = arith.subf %sub3A_1581, %mul3A_1579 : vector<16xf32>
    %mul3A_1583 = arith.mulf %bitcast3A_1574, %sub3A_1582 : vector<16xf32>
    %mul3A_1584 = arith.constant 5.000000e-01 : f32
    %mul3A_1585 = vector.broadcast %mul3A_1584 : f32 to vector<16xf32>
    %mul3A_1586 = arith.mulf %mul3A_1585, %add3A_1566 : vector<16xf32>
    %mul3A_1587 = arith.mulf %mul3A_1586, %mul3A_1583 : vector<16xf32>
    %mul3A_1588 = arith.mulf %mul3A_1587, %mul3A_1583 : vector<16xf32>
    %sub3A_1589 = arith.constant 1.500000e+00 : f32
    %sub3A_1590 = vector.broadcast %sub3A_1589 : f32 to vector<16xf32>
    %sub3A_1591 = arith.subf %sub3A_1590, %mul3A_1588 : vector<16xf32>
    %mul3A_1592 = arith.mulf %mul3A_1583, %sub3A_1591 : vector<16xf32>
    %mul3A_1593 = arith.constant 5.000000e-01 : f32
    %mul3A_1594 = vector.broadcast %mul3A_1593 : f32 to vector<16xf32>
    %mul3A_1595 = arith.mulf %mul3A_1594, %add3A_1566 : vector<16xf32>
    %mul3A_1596 = arith.mulf %mul3A_1595, %mul3A_1592 : vector<16xf32>
    %mul3A_1597 = arith.mulf %mul3A_1596, %mul3A_1592 : vector<16xf32>
    %sub3A_1598 = arith.constant 1.500000e+00 : f32
    %sub3A_1599 = vector.broadcast %sub3A_1598 : f32 to vector<16xf32>
    %sub3A_1600 = arith.subf %sub3A_1599, %mul3A_1597 : vector<16xf32>
    %mul3A_1601 = arith.mulf %mul3A_1592, %sub3A_1600 : vector<16xf32>
    %swap3A_1602 = arith.constant 416 : index
    %swap3A_1603 = tpu.vector_load %arg11[%swap3A_1602] {strides = array<i32>} : memref<640xf32, #tpu.memory_space<vmem>>, vector<16xf32>,
    tpu.vector_store %arg11[%swap3A_1602], %mul3A_1601 {strides = array<i32>} : memref<640xf32, #tpu.memory_space<vmem>>, vector<16xf32>,
    %get3A_1604 = arith.constant 432 : index
    %get3A_1605 = tpu.vector_load %arg10[%get3A_1604] {strides = array<i32>} : memref<640xf32, #tpu.memory_space<vmem>>, vector<16xf32>,
    %add3A_1606 = arith.constant 1.000000e+00 : f32
    %add3A_1607 = vector.broadcast %add3A_1606 : f32 to vector<16xf32>
    %add3A_1608 = arith.addf %get3A_1605, %add3A_1607 : vector<16xf32>
    %bitcast3A_1609 = vector.bitcast %add3A_1608 : vector<16xf32> to vector<16xi32>
    %shift_right_arithmetic3A_1610 = arith.constant 1 : i32
    %shift_right_arithmetic3A_1611 = vector.broadcast %shift_right_arithmetic3A_1610 : i32 to vector<16xi32>
    %shift_right_arithmetic3A_1612 = arith.shrsi %bitcast3A_1609, %shift_right_arithmetic3A_1611 : vector<16xi32>
    %sub3A_1613 = arith.constant 1597463007 : i32
    %sub3A_1614 = vector.broadcast %sub3A_1613 : i32 to vector<16xi32>
    %sub3A_1615 = arith.subi %sub3A_1614, %shift_right_arithmetic3A_1612 : vector<16xi32>
    %bitcast3A_1616 = vector.bitcast %sub3A_1615 : vector<16xi32> to vector<16xf32>
    %mul3A_1617 = arith.constant 5.000000e-01 : f32
    %mul3A_1618 = vector.broadcast %mul3A_1617 : f32 to vector<16xf32>
    %mul3A_1619 = arith.mulf %mul3A_1618, %add3A_1608 : vector<16xf32>
    %mul3A_1620 = arith.mulf %mul3A_1619, %bitcast3A_1616 : vector<16xf32>
    %mul3A_1621 = arith.mulf %mul3A_1620, %bitcast3A_1616 : vector<16xf32>
    %sub3A_1622 = arith.constant 1.500000e+00 : f32
    %sub3A_1623 = vector.broadcast %sub3A_1622 : f32 to vector<16xf32>
    %sub3A_1624 = arith.subf %sub3A_1623, %mul3A_1621 : vector<16xf32>
    %mul3A_1625 = arith.mulf %bitcast3A_1616, %sub3A_1624 : vector<16xf32>
    %mul3A_1626 = arith.constant 5.000000e-01 : f32
    %mul3A_1627 = vector.broadcast %mul3A_1626 : f32 to vector<16xf32>
    %mul3A_1628 = arith.mulf %mul3A_1627, %add3A_1608 : vector<16xf32>
    %mul3A_1629 = arith.mulf %mul3A_1628, %mul3A_1625 : vector<16xf32>
    %mul3A_1630 = arith.mulf %mul3A_1629, %mul3A_1625 : vector<16xf32>
    %sub3A_1631 = arith.constant 1.500000e+00 : f32
    %sub3A_1632 = vector.broadcast %sub3A_1631 : f32 to vector<16xf32>
    %sub3A_1633 = arith.subf %sub3A_1632, %mul3A_1630 : vector<16xf32>
    %mul3A_1634 = arith.mulf %mul3A_1625, %sub3A_1633 : vector<16xf32>
    %mul3A_1635 = arith.constant 5.000000e-01 : f32
    %mul3A_1636 = vector.broadcast %mul3A_1635 : f32 to vector<16xf32>
    %mul3A_1637 = arith.mulf %mul3A_1636, %add3A_1608 : vector<16xf32>
    %mul3A_1638 = arith.mulf %mul3A_1637, %mul3A_1634 : vector<16xf32>
    %mul3A_1639 = arith.mulf %mul3A_1638, %mul3A_1634 : vector<16xf32>
    %sub3A_1640 = arith.constant 1.500000e+00 : f32
    %sub3A_1641 = vector.broadcast %sub3A_1640 : f32 to vector<16xf32>
    %sub3A_1642 = arith.subf %sub3A_1641, %mul3A_1639 : vector<16xf32>
    %mul3A_1643 = arith.mulf %mul3A_1634, %sub3A_1642 : vector<16xf32>
    %swap3A_1644 = arith.constant 432 : index
    %swap3A_1645 = tpu.vector_load %arg11[%swap3A_1644] {strides = array<i32>} : memref<640xf32, #tpu.memory_space<vmem>>, vector<16xf32>,
    tpu.vector_store %arg11[%swap3A_1644], %mul3A_1643 {strides = array<i32>} : memref<640xf32, #tpu.memory_space<vmem>>, vector<16xf32>,
    %get3A_1646 = arith.constant 448 : index
    %get3A_1647 = tpu.vector_load %arg10[%get3A_1646] {strides = array<i32>} : memref<640xf32, #tpu.memory_space<vmem>>, vector<16xf32>,
    %add3A_1648 = arith.constant 1.000000e+00 : f32
    %add3A_1649 = vector.broadcast %add3A_1648 : f32 to vector<16xf32>
    %add3A_1650 = arith.addf %get3A_1647, %add3A_1649 : vector<16xf32>
    %bitcast3A_1651 = vector.bitcast %add3A_1650 : vector<16xf32> to vector<16xi32>
    %shift_right_arithmetic3A_1652 = arith.constant 1 : i32
    %shift_right_arithmetic3A_1653 = vector.broadcast %shift_right_arithmetic3A_1652 : i32 to vector<16xi32>
    %shift_right_arithmetic3A_1654 = arith.shrsi %bitcast3A_1651, %shift_right_arithmetic3A_1653 : vector<16xi32>
    %sub3A_1655 = arith.constant 1597463007 : i32
    %sub3A_1656 = vector.broadcast %sub3A_1655 : i32 to vector<16xi32>
    %sub3A_1657 = arith.subi %sub3A_1656, %shift_right_arithmetic3A_1654 : vector<16xi32>
    %bitcast3A_1658 = vector.bitcast %sub3A_1657 : vector<16xi32> to vector<16xf32>
    %mul3A_1659 = arith.constant 5.000000e-01 : f32
    %mul3A_1660 = vector.broadcast %mul3A_1659 : f32 to vector<16xf32>
    %mul3A_1661 = arith.mulf %mul3A_1660, %add3A_1650 : vector<16xf32>
    %mul3A_1662 = arith.mulf %mul3A_1661, %bitcast3A_1658 : vector<16xf32>
    %mul3A_1663 = arith.mulf %mul3A_1662, %bitcast3A_1658 : vector<16xf32>
    %sub3A_1664 = arith.constant 1.500000e+00 : f32
    %sub3A_1665 = vector.broadcast %sub3A_1664 : f32 to vector<16xf32>
    %sub3A_1666 = arith.subf %sub3A_1665, %mul3A_1663 : vector<16xf32>
    %mul3A_1667 = arith.mulf %bitcast3A_1658, %sub3A_1666 : vector<16xf32>
    %mul3A_1668 = arith.constant 5.000000e-01 : f32
    %mul3A_1669 = vector.broadcast %mul3A_1668 : f32 to vector<16xf32>
    %mul3A_1670 = arith.mulf %mul3A_1669, %add3A_1650 : vector<16xf32>
    %mul3A_1671 = arith.mulf %mul3A_1670, %mul3A_1667 : vector<16xf32>
    %mul3A_1672 = arith.mulf %mul3A_1671, %mul3A_1667 : vector<16xf32>
    %sub3A_1673 = arith.constant 1.500000e+00 : f32
    %sub3A_1674 = vector.broadcast %sub3A_1673 : f32 to vector<16xf32>
    %sub3A_1675 = arith.subf %sub3A_1674, %mul3A_1672 : vector<16xf32>
    %mul3A_1676 = arith.mulf %mul3A_1667, %sub3A_1675 : vector<16xf32>
    %mul3A_1677 = arith.constant 5.000000e-01 : f32
    %mul3A_1678 = vector.broadcast %mul3A_1677 : f32 to vector<16xf32>
    %mul3A_1679 = arith.mulf %mul3A_1678, %add3A_1650 : vector<16xf32>
    %mul3A_1680 = arith.mulf %mul3A_1679, %mul3A_1676 : vector<16xf32>
    %mul3A_1681 = arith.mulf %mul3A_1680, %mul3A_1676 : vector<16xf32>
    %sub3A_1682 = arith.constant 1.500000e+00 : f32
    %sub3A_1683 = vector.broadcast %sub3A_1682 : f32 to vector<16xf32>
    %sub3A_1684 = arith.subf %sub3A_1683, %mul3A_1681 : vector<16xf32>
    %mul3A_1685 = arith.mulf %mul3A_1676, %sub3A_1684 : vector<16xf32>
    %swap3A_1686 = arith.constant 448 : index
    %swap3A_1687 = tpu.vector_load %arg11[%swap3A_1686] {strides = array<i32>} : memref<640xf32, #tpu.memory_space<vmem>>, vector<16xf32>,
    tpu.vector_store %arg11[%swap3A_1686], %mul3A_1685 {strides = array<i32>} : memref<640xf32, #tpu.memory_space<vmem>>, vector<16xf32>,
    %get3A_1688 = arith.constant 464 : index
    %get3A_1689 = tpu.vector_load %arg10[%get3A_1688] {strides = array<i32>} : memref<640xf32, #tpu.memory_space<vmem>>, vector<16xf32>,
    %add3A_1690 = arith.constant 1.000000e+00 : f32
    %add3A_1691 = vector.broadcast %add3A_1690 : f32 to vector<16xf32>
    %add3A_1692 = arith.addf %get3A_1689, %add3A_1691 : vector<16xf32>
    %bitcast3A_1693 = vector.bitcast %add3A_1692 : vector<16xf32> to vector<16xi32>
    %shift_right_arithmetic3A_1694 = arith.constant 1 : i32
    %shift_right_arithmetic3A_1695 = vector.broadcast %shift_right_arithmetic3A_1694 : i32 to vector<16xi32>
    %shift_right_arithmetic3A_1696 = arith.shrsi %bitcast3A_1693, %shift_right_arithmetic3A_1695 : vector<16xi32>
    %sub3A_1697 = arith.constant 1597463007 : i32
    %sub3A_1698 = vector.broadcast %sub3A_1697 : i32 to vector<16xi32>
    %sub3A_1699 = arith.subi %sub3A_1698, %shift_right_arithmetic3A_1696 : vector<16xi32>
    %bitcast3A_1700 = vector.bitcast %sub3A_1699 : vector<16xi32> to vector<16xf32>
    %mul3A_1701 = arith.constant 5.000000e-01 : f32
    %mul3A_1702 = vector.broadcast %mul3A_1701 : f32 to vector<16xf32>
    %mul3A_1703 = arith.mulf %mul3A_1702, %add3A_1692 : vector<16xf32>
    %mul3A_1704 = arith.mulf %mul3A_1703, %bitcast3A_1700 : vector<16xf32>
    %mul3A_1705 = arith.mulf %mul3A_1704, %bitcast3A_1700 : vector<16xf32>
    %sub3A_1706 = arith.constant 1.500000e+00 : f32
    %sub3A_1707 = vector.broadcast %sub3A_1706 : f32 to vector<16xf32>
    %sub3A_1708 = arith.subf %sub3A_1707, %mul3A_1705 : vector<16xf32>
    %mul3A_1709 = arith.mulf %bitcast3A_1700, %sub3A_1708 : vector<16xf32>
    %mul3A_1710 = arith.constant 5.000000e-01 : f32
    %mul3A_1711 = vector.broadcast %mul3A_1710 : f32 to vector<16xf32>
    %mul3A_1712 = arith.mulf %mul3A_1711, %add3A_1692 : vector<16xf32>
    %mul3A_1713 = arith.mulf %mul3A_1712, %mul3A_1709 : vector<16xf32>
    %mul3A_1714 = arith.mulf %mul3A_1713, %mul3A_1709 : vector<16xf32>
    %sub3A_1715 = arith.constant 1.500000e+00 : f32
    %sub3A_1716 = vector.broadcast %sub3A_1715 : f32 to vector<16xf32>
    %sub3A_1717 = arith.subf %sub3A_1716, %mul3A_1714 : vector<16xf32>
    %mul3A_1718 = arith.mulf %mul3A_1709, %sub3A_1717 : vector<16xf32>
    %mul3A_1719 = arith.constant 5.000000e-01 : f32
    %mul3A_1720 = vector.broadcast %mul3A_1719 : f32 to vector<16xf32>
    %mul3A_1721 = arith.mulf %mul3A_1720, %add3A_1692 : vector<16xf32>
    %mul3A_1722 = arith.mulf %mul3A_1721, %mul3A_1718 : vector<16xf32>
    %mul3A_1723 = arith.mulf %mul3A_1722, %mul3A_1718 : vector<16xf32>
    %sub3A_1724 = arith.constant 1.500000e+00 : f32
    %sub3A_1725 = vector.broadcast %sub3A_1724 : f32 to vector<16xf32>
    %sub3A_1726 = arith.subf %sub3A_1725, %mul3A_1723 : vector<16xf32>
    %mul3A_1727 = arith.mulf %mul3A_1718, %sub3A_1726 : vector<16xf32>
    %swap3A_1728 = arith.constant 464 : index
    %swap3A_1729 = tpu.vector_load %arg11[%swap3A_1728] {strides = array<i32>} : memref<640xf32, #tpu.memory_space<vmem>>, vector<16xf32>,
    tpu.vector_store %arg11[%swap3A_1728], %mul3A_1727 {strides = array<i32>} : memref<640xf32, #tpu.memory_space<vmem>>, vector<16xf32>,
    %get3A_1730 = arith.constant 480 : index
    %get3A_1731 = tpu.vector_load %arg10[%get3A_1730] {strides = array<i32>} : memref<640xf32, #tpu.memory_space<vmem>>, vector<16xf32>,
    %add3A_1732 = arith.constant 1.000000e+00 : f32
    %add3A_1733 = vector.broadcast %add3A_1732 : f32 to vector<16xf32>
    %add3A_1734 = arith.addf %get3A_1731, %add3A_1733 : vector<16xf32>
    %bitcast3A_1735 = vector.bitcast %add3A_1734 : vector<16xf32> to vector<16xi32>
    %shift_right_arithmetic3A_1736 = arith.constant 1 : i32
    %shift_right_arithmetic3A_1737 = vector.broadcast %shift_right_arithmetic3A_1736 : i32 to vector<16xi32>
    %shift_right_arithmetic3A_1738 = arith.shrsi %bitcast3A_1735, %shift_right_arithmetic3A_1737 : vector<16xi32>
    %sub3A_1739 = arith.constant 1597463007 : i32
    %sub3A_1740 = vector.broadcast %sub3A_1739 : i32 to vector<16xi32>
    %sub3A_1741 = arith.subi %sub3A_1740, %shift_right_arithmetic3A_1738 : vector<16xi32>
    %bitcast3A_1742 = vector.bitcast %sub3A_1741 : vector<16xi32> to vector<16xf32>
    %mul3A_1743 = arith.constant 5.000000e-01 : f32
    %mul3A_1744 = vector.broadcast %mul3A_1743 : f32 to vector<16xf32>
    %mul3A_1745 = arith.mulf %mul3A_1744, %add3A_1734 : vector<16xf32>
    %mul3A_1746 = arith.mulf %mul3A_1745, %bitcast3A_1742 : vector<16xf32>
    %mul3A_1747 = arith.mulf %mul3A_1746, %bitcast3A_1742 : vector<16xf32>
    %sub3A_1748 = arith.constant 1.500000e+00 : f32
    %sub3A_1749 = vector.broadcast %sub3A_1748 : f32 to vector<16xf32>
    %sub3A_1750 = arith.subf %sub3A_1749, %mul3A_1747 : vector<16xf32>
    %mul3A_1751 = arith.mulf %bitcast3A_1742, %sub3A_1750 : vector<16xf32>
    %mul3A_1752 = arith.constant 5.000000e-01 : f32
    %mul3A_1753 = vector.broadcast %mul3A_1752 : f32 to vector<16xf32>
    %mul3A_1754 = arith.mulf %mul3A_1753, %add3A_1734 : vector<16xf32>
    %mul3A_1755 = arith.mulf %mul3A_1754, %mul3A_1751 : vector<16xf32>
    %mul3A_1756 = arith.mulf %mul3A_1755, %mul3A_1751 : vector<16xf32>
    %sub3A_1757 = arith.constant 1.500000e+00 : f32
    %sub3A_1758 = vector.broadcast %sub3A_1757 : f32 to vector<16xf32>
    %sub3A_1759 = arith.subf %sub3A_1758, %mul3A_1756 : vector<16xf32>
    %mul3A_1760 = arith.mulf %mul3A_1751, %sub3A_1759 : vector<16xf32>
    %mul3A_1761 = arith.constant 5.000000e-01 : f32
    %mul3A_1762 = vector.broadcast %mul3A_1761 : f32 to vector<16xf32>
    %mul3A_1763 = arith.mulf %mul3A_1762, %add3A_1734 : vector<16xf32>
    %mul3A_1764 = arith.mulf %mul3A_1763, %mul3A_1760 : vector<16xf32>
    %mul3A_1765 = arith.mulf %mul3A_1764, %mul3A_1760 : vector<16xf32>
    %sub3A_1766 = arith.constant 1.500000e+00 : f32
    %sub3A_1767 = vector.broadcast %sub3A_1766 : f32 to vector<16xf32>
    %sub3A_1768 = arith.subf %sub3A_1767, %mul3A_1765 : vector<16xf32>
    %mul3A_1769 = arith.mulf %mul3A_1760, %sub3A_1768 : vector<16xf32>
    %swap3A_1770 = arith.constant 480 : index
    %swap3A_1771 = tpu.vector_load %arg11[%swap3A_1770] {strides = array<i32>} : memref<640xf32, #tpu.memory_space<vmem>>, vector<16xf32>,
    tpu.vector_store %arg11[%swap3A_1770], %mul3A_1769 {strides = array<i32>} : memref<640xf32, #tpu.memory_space<vmem>>, vector<16xf32>,
    %get3A_1772 = arith.constant 496 : index
    %get3A_1773 = tpu.vector_load %arg10[%get3A_1772] {strides = array<i32>} : memref<640xf32, #tpu.memory_space<vmem>>, vector<16xf32>,
    %add3A_1774 = arith.constant 1.000000e+00 : f32
    %add3A_1775 = vector.broadcast %add3A_1774 : f32 to vector<16xf32>
    %add3A_1776 = arith.addf %get3A_1773, %add3A_1775 : vector<16xf32>
    %bitcast3A_1777 = vector.bitcast %add3A_1776 : vector<16xf32> to vector<16xi32>
    %shift_right_arithmetic3A_1778 = arith.constant 1 : i32
    %shift_right_arithmetic3A_1779 = vector.broadcast %shift_right_arithmetic3A_1778 : i32 to vector<16xi32>
    %shift_right_arithmetic3A_1780 = arith.shrsi %bitcast3A_1777, %shift_right_arithmetic3A_1779 : vector<16xi32>
    %sub3A_1781 = arith.constant 1597463007 : i32
    %sub3A_1782 = vector.broadcast %sub3A_1781 : i32 to vector<16xi32>
    %sub3A_1783 = arith.subi %sub3A_1782, %shift_right_arithmetic3A_1780 : vector<16xi32>
    %bitcast3A_1784 = vector.bitcast %sub3A_1783 : vector<16xi32> to vector<16xf32>
    %mul3A_1785 = arith.constant 5.000000e-01 : f32
    %mul3A_1786 = vector.broadcast %mul3A_1785 : f32 to vector<16xf32>
    %mul3A_1787 = arith.mulf %mul3A_1786, %add3A_1776 : vector<16xf32>
    %mul3A_1788 = arith.mulf %mul3A_1787, %bitcast3A_1784 : vector<16xf32>
    %mul3A_1789 = arith.mulf %mul3A_1788, %bitcast3A_1784 : vector<16xf32>
    %sub3A_1790 = arith.constant 1.500000e+00 : f32
    %sub3A_1791 = vector.broadcast %sub3A_1790 : f32 to vector<16xf32>
    %sub3A_1792 = arith.subf %sub3A_1791, %mul3A_1789 : vector<16xf32>
    %mul3A_1793 = arith.mulf %bitcast3A_1784, %sub3A_1792 : vector<16xf32>
    %mul3A_1794 = arith.constant 5.000000e-01 : f32
    %mul3A_1795 = vector.broadcast %mul3A_1794 : f32 to vector<16xf32>
    %mul3A_1796 = arith.mulf %mul3A_1795, %add3A_1776 : vector<16xf32>
    %mul3A_1797 = arith.mulf %mul3A_1796, %mul3A_1793 : vector<16xf32>
    %mul3A_1798 = arith.mulf %mul3A_1797, %mul3A_1793 : vector<16xf32>
    %sub3A_1799 = arith.constant 1.500000e+00 : f32
    %sub3A_1800 = vector.broadcast %sub3A_1799 : f32 to vector<16xf32>
    %sub3A_1801 = arith.subf %sub3A_1800, %mul3A_1798 : vector<16xf32>
    %mul3A_1802 = arith.mulf %mul3A_1793, %sub3A_1801 : vector<16xf32>
    %mul3A_1803 = arith.constant 5.000000e-01 : f32
    %mul3A_1804 = vector.broadcast %mul3A_1803 : f32 to vector<16xf32>
    %mul3A_1805 = arith.mulf %mul3A_1804, %add3A_1776 : vector<16xf32>
    %mul3A_1806 = arith.mulf %mul3A_1805, %mul3A_1802 : vector<16xf32>
    %mul3A_1807 = arith.mulf %mul3A_1806, %mul3A_1802 : vector<16xf32>
    %sub3A_1808 = arith.constant 1.500000e+00 : f32
    %sub3A_1809 = vector.broadcast %sub3A_1808 : f32 to vector<16xf32>
    %sub3A_1810 = arith.subf %sub3A_1809, %mul3A_1807 : vector<16xf32>
    %mul3A_1811 = arith.mulf %mul3A_1802, %sub3A_1810 : vector<16xf32>
    %swap3A_1812 = arith.constant 496 : index
    %swap3A_1813 = tpu.vector_load %arg11[%swap3A_1812] {strides = array<i32>} : memref<640xf32, #tpu.memory_space<vmem>>, vector<16xf32>,
    tpu.vector_store %arg11[%swap3A_1812], %mul3A_1811 {strides = array<i32>} : memref<640xf32, #tpu.memory_space<vmem>>, vector<16xf32>,
    %get3A_1814 = arith.constant 512 : index
    %get3A_1815 = tpu.vector_load %arg10[%get3A_1814] {strides = array<i32>} : memref<640xf32, #tpu.memory_space<vmem>>, vector<16xf32>,
    %add3A_1816 = arith.constant 1.000000e+00 : f32
    %add3A_1817 = vector.broadcast %add3A_1816 : f32 to vector<16xf32>
    %add3A_1818 = arith.addf %get3A_1815, %add3A_1817 : vector<16xf32>
    %bitcast3A_1819 = vector.bitcast %add3A_1818 : vector<16xf32> to vector<16xi32>
    %shift_right_arithmetic3A_1820 = arith.constant 1 : i32
    %shift_right_arithmetic3A_1821 = vector.broadcast %shift_right_arithmetic3A_1820 : i32 to vector<16xi32>
    %shift_right_arithmetic3A_1822 = arith.shrsi %bitcast3A_1819, %shift_right_arithmetic3A_1821 : vector<16xi32>
    %sub3A_1823 = arith.constant 1597463007 : i32
    %sub3A_1824 = vector.broadcast %sub3A_1823 : i32 to vector<16xi32>
    %sub3A_1825 = arith.subi %sub3A_1824, %shift_right_arithmetic3A_1822 : vector<16xi32>
    %bitcast3A_1826 = vector.bitcast %sub3A_1825 : vector<16xi32> to vector<16xf32>
    %mul3A_1827 = arith.constant 5.000000e-01 : f32
    %mul3A_1828 = vector.broadcast %mul3A_1827 : f32 to vector<16xf32>
    %mul3A_1829 = arith.mulf %mul3A_1828, %add3A_1818 : vector<16xf32>
    %mul3A_1830 = arith.mulf %mul3A_1829, %bitcast3A_1826 : vector<16xf32>
    %mul3A_1831 = arith.mulf %mul3A_1830, %bitcast3A_1826 : vector<16xf32>
    %sub3A_1832 = arith.constant 1.500000e+00 : f32
    %sub3A_1833 = vector.broadcast %sub3A_1832 : f32 to vector<16xf32>
    %sub3A_1834 = arith.subf %sub3A_1833, %mul3A_1831 : vector<16xf32>
    %mul3A_1835 = arith.mulf %bitcast3A_1826, %sub3A_1834 : vector<16xf32>
    %mul3A_1836 = arith.constant 5.000000e-01 : f32
    %mul3A_1837 = vector.broadcast %mul3A_1836 : f32 to vector<16xf32>
    %mul3A_1838 = arith.mulf %mul3A_1837, %add3A_1818 : vector<16xf32>
    %mul3A_1839 = arith.mulf %mul3A_1838, %mul3A_1835 : vector<16xf32>
    %mul3A_1840 = arith.mulf %mul3A_1839, %mul3A_1835 : vector<16xf32>
    %sub3A_1841 = arith.constant 1.500000e+00 : f32
    %sub3A_1842 = vector.broadcast %sub3A_1841 : f32 to vector<16xf32>
    %sub3A_1843 = arith.subf %sub3A_1842, %mul3A_1840 : vector<16xf32>
    %mul3A_1844 = arith.mulf %mul3A_1835, %sub3A_1843 : vector<16xf32>
    %mul3A_1845 = arith.constant 5.000000e-01 : f32
    %mul3A_1846 = vector.broadcast %mul3A_1845 : f32 to vector<16xf32>
    %mul3A_1847 = arith.mulf %mul3A_1846, %add3A_1818 : vector<16xf32>
    %mul3A_1848 = arith.mulf %mul3A_1847, %mul3A_1844 : vector<16xf32>
    %mul3A_1849 = arith.mulf %mul3A_1848, %mul3A_1844 : vector<16xf32>
    %sub3A_1850 = arith.constant 1.500000e+00 : f32
    %sub3A_1851 = vector.broadcast %sub3A_1850 : f32 to vector<16xf32>
    %sub3A_1852 = arith.subf %sub3A_1851, %mul3A_1849 : vector<16xf32>
    %mul3A_1853 = arith.mulf %mul3A_1844, %sub3A_1852 : vector<16xf32>
    %swap3A_1854 = arith.constant 512 : index
    %swap3A_1855 = tpu.vector_load %arg11[%swap3A_1854] {strides = array<i32>} : memref<640xf32, #tpu.memory_space<vmem>>, vector<16xf32>,
    tpu.vector_store %arg11[%swap3A_1854], %mul3A_1853 {strides = array<i32>} : memref<640xf32, #tpu.memory_space<vmem>>, vector<16xf32>,
    %get3A_1856 = arith.constant 528 : index
    %get3A_1857 = tpu.vector_load %arg10[%get3A_1856] {strides = array<i32>} : memref<640xf32, #tpu.memory_space<vmem>>, vector<16xf32>,
    %add3A_1858 = arith.constant 1.000000e+00 : f32
    %add3A_1859 = vector.broadcast %add3A_1858 : f32 to vector<16xf32>
    %add3A_1860 = arith.addf %get3A_1857, %add3A_1859 : vector<16xf32>
    %bitcast3A_1861 = vector.bitcast %add3A_1860 : vector<16xf32> to vector<16xi32>
    %shift_right_arithmetic3A_1862 = arith.constant 1 : i32
    %shift_right_arithmetic3A_1863 = vector.broadcast %shift_right_arithmetic3A_1862 : i32 to vector<16xi32>
    %shift_right_arithmetic3A_1864 = arith.shrsi %bitcast3A_1861, %shift_right_arithmetic3A_1863 : vector<16xi32>
    %sub3A_1865 = arith.constant 1597463007 : i32
    %sub3A_1866 = vector.broadcast %sub3A_1865 : i32 to vector<16xi32>
    %sub3A_1867 = arith.subi %sub3A_1866, %shift_right_arithmetic3A_1864 : vector<16xi32>
    %bitcast3A_1868 = vector.bitcast %sub3A_1867 : vector<16xi32> to vector<16xf32>
    %mul3A_1869 = arith.constant 5.000000e-01 : f32
    %mul3A_1870 = vector.broadcast %mul3A_1869 : f32 to vector<16xf32>
    %mul3A_1871 = arith.mulf %mul3A_1870, %add3A_1860 : vector<16xf32>
    %mul3A_1872 = arith.mulf %mul3A_1871, %bitcast3A_1868 : vector<16xf32>
    %mul3A_1873 = arith.mulf %mul3A_1872, %bitcast3A_1868 : vector<16xf32>
    %sub3A_1874 = arith.constant 1.500000e+00 : f32
    %sub3A_1875 = vector.broadcast %sub3A_1874 : f32 to vector<16xf32>
    %sub3A_1876 = arith.subf %sub3A_1875, %mul3A_1873 : vector<16xf32>
    %mul3A_1877 = arith.mulf %bitcast3A_1868, %sub3A_1876 : vector<16xf32>
    %mul3A_1878 = arith.constant 5.000000e-01 : f32
    %mul3A_1879 = vector.broadcast %mul3A_1878 : f32 to vector<16xf32>
    %mul3A_1880 = arith.mulf %mul3A_1879, %add3A_1860 : vector<16xf32>
    %mul3A_1881 = arith.mulf %mul3A_1880, %mul3A_1877 : vector<16xf32>
    %mul3A_1882 = arith.mulf %mul3A_1881, %mul3A_1877 : vector<16xf32>
    %sub3A_1883 = arith.constant 1.500000e+00 : f32
    %sub3A_1884 = vector.broadcast %sub3A_1883 : f32 to vector<16xf32>
    %sub3A_1885 = arith.subf %sub3A_1884, %mul3A_1882 : vector<16xf32>
    %mul3A_1886 = arith.mulf %mul3A_1877, %sub3A_1885 : vector<16xf32>
    %mul3A_1887 = arith.constant 5.000000e-01 : f32
    %mul3A_1888 = vector.broadcast %mul3A_1887 : f32 to vector<16xf32>
    %mul3A_1889 = arith.mulf %mul3A_1888, %add3A_1860 : vector<16xf32>
    %mul3A_1890 = arith.mulf %mul3A_1889, %mul3A_1886 : vector<16xf32>
    %mul3A_1891 = arith.mulf %mul3A_1890, %mul3A_1886 : vector<16xf32>
    %sub3A_1892 = arith.constant 1.500000e+00 : f32
    %sub3A_1893 = vector.broadcast %sub3A_1892 : f32 to vector<16xf32>
    %sub3A_1894 = arith.subf %sub3A_1893, %mul3A_1891 : vector<16xf32>
    %mul3A_1895 = arith.mulf %mul3A_1886, %sub3A_1894 : vector<16xf32>
    %swap3A_1896 = arith.constant 528 : index
    %swap3A_1897 = tpu.vector_load %arg11[%swap3A_1896] {strides = array<i32>} : memref<640xf32, #tpu.memory_space<vmem>>, vector<16xf32>,
    tpu.vector_store %arg11[%swap3A_1896], %mul3A_1895 {strides = array<i32>} : memref<640xf32, #tpu.memory_space<vmem>>, vector<16xf32>,
    %get3A_1898 = arith.constant 544 : index
    %get3A_1899 = tpu.vector_load %arg10[%get3A_1898] {strides = array<i32>} : memref<640xf32, #tpu.memory_space<vmem>>, vector<16xf32>,
    %add3A_1900 = arith.constant 1.000000e+00 : f32
    %add3A_1901 = vector.broadcast %add3A_1900 : f32 to vector<16xf32>
    %add3A_1902 = arith.addf %get3A_1899, %add3A_1901 : vector<16xf32>
    %bitcast3A_1903 = vector.bitcast %add3A_1902 : vector<16xf32> to vector<16xi32>
    %shift_right_arithmetic3A_1904 = arith.constant 1 : i32
    %shift_right_arithmetic3A_1905 = vector.broadcast %shift_right_arithmetic3A_1904 : i32 to vector<16xi32>
    %shift_right_arithmetic3A_1906 = arith.shrsi %bitcast3A_1903, %shift_right_arithmetic3A_1905 : vector<16xi32>
    %sub3A_1907 = arith.constant 1597463007 : i32
    %sub3A_1908 = vector.broadcast %sub3A_1907 : i32 to vector<16xi32>
    %sub3A_1909 = arith.subi %sub3A_1908, %shift_right_arithmetic3A_1906 : vector<16xi32>
    %bitcast3A_1910 = vector.bitcast %sub3A_1909 : vector<16xi32> to vector<16xf32>
    %mul3A_1911 = arith.constant 5.000000e-01 : f32
    %mul3A_1912 = vector.broadcast %mul3A_1911 : f32 to vector<16xf32>
    %mul3A_1913 = arith.mulf %mul3A_1912, %add3A_1902 : vector<16xf32>
    %mul3A_1914 = arith.mulf %mul3A_1913, %bitcast3A_1910 : vector<16xf32>
    %mul3A_1915 = arith.mulf %mul3A_1914, %bitcast3A_1910 : vector<16xf32>
    %sub3A_1916 = arith.constant 1.500000e+00 : f32
    %sub3A_1917 = vector.broadcast %sub3A_1916 : f32 to vector<16xf32>
    %sub3A_1918 = arith.subf %sub3A_1917, %mul3A_1915 : vector<16xf32>
    %mul3A_1919 = arith.mulf %bitcast3A_1910, %sub3A_1918 : vector<16xf32>
    %mul3A_1920 = arith.constant 5.000000e-01 : f32
    %mul3A_1921 = vector.broadcast %mul3A_1920 : f32 to vector<16xf32>
    %mul3A_1922 = arith.mulf %mul3A_1921, %add3A_1902 : vector<16xf32>
    %mul3A_1923 = arith.mulf %mul3A_1922, %mul3A_1919 : vector<16xf32>
    %mul3A_1924 = arith.mulf %mul3A_1923, %mul3A_1919 : vector<16xf32>
    %sub3A_1925 = arith.constant 1.500000e+00 : f32
    %sub3A_1926 = vector.broadcast %sub3A_1925 : f32 to vector<16xf32>
    %sub3A_1927 = arith.subf %sub3A_1926, %mul3A_1924 : vector<16xf32>
    %mul3A_1928 = arith.mulf %mul3A_1919, %sub3A_1927 : vector<16xf32>
    %mul3A_1929 = arith.constant 5.000000e-01 : f32
    %mul3A_1930 = vector.broadcast %mul3A_1929 : f32 to vector<16xf32>
    %mul3A_1931 = arith.mulf %mul3A_1930, %add3A_1902 : vector<16xf32>
    %mul3A_1932 = arith.mulf %mul3A_1931, %mul3A_1928 : vector<16xf32>
    %mul3A_1933 = arith.mulf %mul3A_1932, %mul3A_1928 : vector<16xf32>
    %sub3A_1934 = arith.constant 1.500000e+00 : f32
    %sub3A_1935 = vector.broadcast %sub3A_1934 : f32 to vector<16xf32>
    %sub3A_1936 = arith.subf %sub3A_1935, %mul3A_1933 : vector<16xf32>
    %mul3A_1937 = arith.mulf %mul3A_1928, %sub3A_1936 : vector<16xf32>
    %swap3A_1938 = arith.constant 544 : index
    %swap3A_1939 = tpu.vector_load %arg11[%swap3A_1938] {strides = array<i32>} : memref<640xf32, #tpu.memory_space<vmem>>, vector<16xf32>,
    tpu.vector_store %arg11[%swap3A_1938], %mul3A_1937 {strides = array<i32>} : memref<640xf32, #tpu.memory_space<vmem>>, vector<16xf32>,
    %get3A_1940 = arith.constant 560 : index
    %get3A_1941 = tpu.vector_load %arg10[%get3A_1940] {strides = array<i32>} : memref<640xf32, #tpu.memory_space<vmem>>, vector<16xf32>,
    %add3A_1942 = arith.constant 1.000000e+00 : f32
    %add3A_1943 = vector.broadcast %add3A_1942 : f32 to vector<16xf32>
    %add3A_1944 = arith.addf %get3A_1941, %add3A_1943 : vector<16xf32>
    %bitcast3A_1945 = vector.bitcast %add3A_1944 : vector<16xf32> to vector<16xi32>
    %shift_right_arithmetic3A_1946 = arith.constant 1 : i32
    %shift_right_arithmetic3A_1947 = vector.broadcast %shift_right_arithmetic3A_1946 : i32 to vector<16xi32>
    %shift_right_arithmetic3A_1948 = arith.shrsi %bitcast3A_1945, %shift_right_arithmetic3A_1947 : vector<16xi32>
    %sub3A_1949 = arith.constant 1597463007 : i32
    %sub3A_1950 = vector.broadcast %sub3A_1949 : i32 to vector<16xi32>
    %sub3A_1951 = arith.subi %sub3A_1950, %shift_right_arithmetic3A_1948 : vector<16xi32>
    %bitcast3A_1952 = vector.bitcast %sub3A_1951 : vector<16xi32> to vector<16xf32>
    %mul3A_1953 = arith.constant 5.000000e-01 : f32
    %mul3A_1954 = vector.broadcast %mul3A_1953 : f32 to vector<16xf32>
    %mul3A_1955 = arith.mulf %mul3A_1954, %add3A_1944 : vector<16xf32>
    %mul3A_1956 = arith.mulf %mul3A_1955, %bitcast3A_1952 : vector<16xf32>
    %mul3A_1957 = arith.mulf %mul3A_1956, %bitcast3A_1952 : vector<16xf32>
    %sub3A_1958 = arith.constant 1.500000e+00 : f32
    %sub3A_1959 = vector.broadcast %sub3A_1958 : f32 to vector<16xf32>
    %sub3A_1960 = arith.subf %sub3A_1959, %mul3A_1957 : vector<16xf32>
    %mul3A_1961 = arith.mulf %bitcast3A_1952, %sub3A_1960 : vector<16xf32>
    %mul3A_1962 = arith.constant 5.000000e-01 : f32
    %mul3A_1963 = vector.broadcast %mul3A_1962 : f32 to vector<16xf32>
    %mul3A_1964 = arith.mulf %mul3A_1963, %add3A_1944 : vector<16xf32>
    %mul3A_1965 = arith.mulf %mul3A_1964, %mul3A_1961 : vector<16xf32>
    %mul3A_1966 = arith.mulf %mul3A_1965, %mul3A_1961 : vector<16xf32>
    %sub3A_1967 = arith.constant 1.500000e+00 : f32
    %sub3A_1968 = vector.broadcast %sub3A_1967 : f32 to vector<16xf32>
    %sub3A_1969 = arith.subf %sub3A_1968, %mul3A_1966 : vector<16xf32>
    %mul3A_1970 = arith.mulf %mul3A_1961, %sub3A_1969 : vector<16xf32>
    %mul3A_1971 = arith.constant 5.000000e-01 : f32
    %mul3A_1972 = vector.broadcast %mul3A_1971 : f32 to vector<16xf32>
    %mul3A_1973 = arith.mulf %mul3A_1972, %add3A_1944 : vector<16xf32>
    %mul3A_1974 = arith.mulf %mul3A_1973, %mul3A_1970 : vector<16xf32>
    %mul3A_1975 = arith.mulf %mul3A_1974, %mul3A_1970 : vector<16xf32>
    %sub3A_1976 = arith.constant 1.500000e+00 : f32
    %sub3A_1977 = vector.broadcast %sub3A_1976 : f32 to vector<16xf32>
    %sub3A_1978 = arith.subf %sub3A_1977, %mul3A_1975 : vector<16xf32>
    %mul3A_1979 = arith.mulf %mul3A_1970, %sub3A_1978 : vector<16xf32>
    %swap3A_1980 = arith.constant 560 : index
    %swap3A_1981 = tpu.vector_load %arg11[%swap3A_1980] {strides = array<i32>} : memref<640xf32, #tpu.memory_space<vmem>>, vector<16xf32>,
    tpu.vector_store %arg11[%swap3A_1980], %mul3A_1979 {strides = array<i32>} : memref<640xf32, #tpu.memory_space<vmem>>, vector<16xf32>,
    %get3A_1982 = arith.constant 576 : index
    %get3A_1983 = tpu.vector_load %arg10[%get3A_1982] {strides = array<i32>} : memref<640xf32, #tpu.memory_space<vmem>>, vector<16xf32>,
    %add3A_1984 = arith.constant 1.000000e+00 : f32
    %add3A_1985 = vector.broadcast %add3A_1984 : f32 to vector<16xf32>
    %add3A_1986 = arith.addf %get3A_1983, %add3A_1985 : vector<16xf32>
    %bitcast3A_1987 = vector.bitcast %add3A_1986 : vector<16xf32> to vector<16xi32>
    %shift_right_arithmetic3A_1988 = arith.constant 1 : i32
    %shift_right_arithmetic3A_1989 = vector.broadcast %shift_right_arithmetic3A_1988 : i32 to vector<16xi32>
    %shift_right_arithmetic3A_1990 = arith.shrsi %bitcast3A_1987, %shift_right_arithmetic3A_1989 : vector<16xi32>
    %sub3A_1991 = arith.constant 1597463007 : i32
    %sub3A_1992 = vector.broadcast %sub3A_1991 : i32 to vector<16xi32>
    %sub3A_1993 = arith.subi %sub3A_1992, %shift_right_arithmetic3A_1990 : vector<16xi32>
    %bitcast3A_1994 = vector.bitcast %sub3A_1993 : vector<16xi32> to vector<16xf32>
    %mul3A_1995 = arith.constant 5.000000e-01 : f32
    %mul3A_1996 = vector.broadcast %mul3A_1995 : f32 to vector<16xf32>
    %mul3A_1997 = arith.mulf %mul3A_1996, %add3A_1986 : vector<16xf32>
    %mul3A_1998 = arith.mulf %mul3A_1997, %bitcast3A_1994 : vector<16xf32>
    %mul3A_1999 = arith.mulf %mul3A_1998, %bitcast3A_1994 : vector<16xf32>
    %sub3A_2000 = arith.constant 1.500000e+00 : f32
    %sub3A_2001 = vector.broadcast %sub3A_2000 : f32 to vector<16xf32>
    %sub3A_2002 = arith.subf %sub3A_2001, %mul3A_1999 : vector<16xf32>
    %mul3A_2003 = arith.mulf %bitcast3A_1994, %sub3A_2002 : vector<16xf32>
    %mul3A_2004 = arith.constant 5.000000e-01 : f32
    %mul3A_2005 = vector.broadcast %mul3A_2004 : f32 to vector<16xf32>
    %mul3A_2006 = arith.mulf %mul3A_2005, %add3A_1986 : vector<16xf32>
    %mul3A_2007 = arith.mulf %mul3A_2006, %mul3A_2003 : vector<16xf32>
    %mul3A_2008 = arith.mulf %mul3A_2007, %mul3A_2003 : vector<16xf32>
    %sub3A_2009 = arith.constant 1.500000e+00 : f32
    %sub3A_2010 = vector.broadcast %sub3A_2009 : f32 to vector<16xf32>
    %sub3A_2011 = arith.subf %sub3A_2010, %mul3A_2008 : vector<16xf32>
    %mul3A_2012 = arith.mulf %mul3A_2003, %sub3A_2011 : vector<16xf32>
    %mul3A_2013 = arith.constant 5.000000e-01 : f32
    %mul3A_2014 = vector.broadcast %mul3A_2013 : f32 to vector<16xf32>
    %mul3A_2015 = arith.mulf %mul3A_2014, %add3A_1986 : vector<16xf32>
    %mul3A_2016 = arith.mulf %mul3A_2015, %mul3A_2012 : vector<16xf32>
    %mul3A_2017 = arith.mulf %mul3A_2016, %mul3A_2012 : vector<16xf32>
    %sub3A_2018 = arith.constant 1.500000e+00 : f32
    %sub3A_2019 = vector.broadcast %sub3A_2018 : f32 to vector<16xf32>
    %sub3A_2020 = arith.subf %sub3A_2019, %mul3A_2017 : vector<16xf32>
    %mul3A_2021 = arith.mulf %mul3A_2012, %sub3A_2020 : vector<16xf32>
    %swap3A_2022 = arith.constant 576 : index
    %swap3A_2023 = tpu.vector_load %arg11[%swap3A_2022] {strides = array<i32>} : memref<640xf32, #tpu.memory_space<vmem>>, vector<16xf32>,
    tpu.vector_store %arg11[%swap3A_2022], %mul3A_2021 {strides = array<i32>} : memref<640xf32, #tpu.memory_space<vmem>>, vector<16xf32>,
    %get3A_2024 = arith.constant 592 : index
    %get3A_2025 = tpu.vector_load %arg10[%get3A_2024] {strides = array<i32>} : memref<640xf32, #tpu.memory_space<vmem>>, vector<16xf32>,
    %add3A_2026 = arith.constant 1.000000e+00 : f32
    %add3A_2027 = vector.broadcast %add3A_2026 : f32 to vector<16xf32>
    %add3A_2028 = arith.addf %get3A_2025, %add3A_2027 : vector<16xf32>
    %bitcast3A_2029 = vector.bitcast %add3A_2028 : vector<16xf32> to vector<16xi32>
    %shift_right_arithmetic3A_2030 = arith.constant 1 : i32
    %shift_right_arithmetic3A_2031 = vector.broadcast %shift_right_arithmetic3A_2030 : i32 to vector<16xi32>
    %shift_right_arithmetic3A_2032 = arith.shrsi %bitcast3A_2029, %shift_right_arithmetic3A_2031 : vector<16xi32>
    %sub3A_2033 = arith.constant 1597463007 : i32
    %sub3A_2034 = vector.broadcast %sub3A_2033 : i32 to vector<16xi32>
    %sub3A_2035 = arith.subi %sub3A_2034, %shift_right_arithmetic3A_2032 : vector<16xi32>
    %bitcast3A_2036 = vector.bitcast %sub3A_2035 : vector<16xi32> to vector<16xf32>
    %mul3A_2037 = arith.constant 5.000000e-01 : f32
    %mul3A_2038 = vector.broadcast %mul3A_2037 : f32 to vector<16xf32>
    %mul3A_2039 = arith.mulf %mul3A_2038, %add3A_2028 : vector<16xf32>
    %mul3A_2040 = arith.mulf %mul3A_2039, %bitcast3A_2036 : vector<16xf32>
    %mul3A_2041 = arith.mulf %mul3A_2040, %bitcast3A_2036 : vector<16xf32>
    %sub3A_2042 = arith.constant 1.500000e+00 : f32
    %sub3A_2043 = vector.broadcast %sub3A_2042 : f32 to vector<16xf32>
    %sub3A_2044 = arith.subf %sub3A_2043, %mul3A_2041 : vector<16xf32>
    %mul3A_2045 = arith.mulf %bitcast3A_2036, %sub3A_2044 : vector<16xf32>
    %mul3A_2046 = arith.constant 5.000000e-01 : f32
    %mul3A_2047 = vector.broadcast %mul3A_2046 : f32 to vector<16xf32>
    %mul3A_2048 = arith.mulf %mul3A_2047, %add3A_2028 : vector<16xf32>
    %mul3A_2049 = arith.mulf %mul3A_2048, %mul3A_2045 : vector<16xf32>
    %mul3A_2050 = arith.mulf %mul3A_2049, %mul3A_2045 : vector<16xf32>
    %sub3A_2051 = arith.constant 1.500000e+00 : f32
    %sub3A_2052 = vector.broadcast %sub3A_2051 : f32 to vector<16xf32>
    %sub3A_2053 = arith.subf %sub3A_2052, %mul3A_2050 : vector<16xf32>
    %mul3A_2054 = arith.mulf %mul3A_2045, %sub3A_2053 : vector<16xf32>
    %mul3A_2055 = arith.constant 5.000000e-01 : f32
    %mul3A_2056 = vector.broadcast %mul3A_2055 : f32 to vector<16xf32>
    %mul3A_2057 = arith.mulf %mul3A_2056, %add3A_2028 : vector<16xf32>
    %mul3A_2058 = arith.mulf %mul3A_2057, %mul3A_2054 : vector<16xf32>
    %mul3A_2059 = arith.mulf %mul3A_2058, %mul3A_2054 : vector<16xf32>
    %sub3A_2060 = arith.constant 1.500000e+00 : f32
    %sub3A_2061 = vector.broadcast %sub3A_2060 : f32 to vector<16xf32>
    %sub3A_2062 = arith.subf %sub3A_2061, %mul3A_2059 : vector<16xf32>
    %mul3A_2063 = arith.mulf %mul3A_2054, %sub3A_2062 : vector<16xf32>
    %swap3A_2064 = arith.constant 592 : index
    %swap3A_2065 = tpu.vector_load %arg11[%swap3A_2064] {strides = array<i32>} : memref<640xf32, #tpu.memory_space<vmem>>, vector<16xf32>,
    tpu.vector_store %arg11[%swap3A_2064], %mul3A_2063 {strides = array<i32>} : memref<640xf32, #tpu.memory_space<vmem>>, vector<16xf32>,
    %get3A_2066 = arith.constant 608 : index
    %get3A_2067 = tpu.vector_load %arg10[%get3A_2066] {strides = array<i32>} : memref<640xf32, #tpu.memory_space<vmem>>, vector<16xf32>,
    %add3A_2068 = arith.constant 1.000000e+00 : f32
    %add3A_2069 = vector.broadcast %add3A_2068 : f32 to vector<16xf32>
    %add3A_2070 = arith.addf %get3A_2067, %add3A_2069 : vector<16xf32>
    %bitcast3A_2071 = vector.bitcast %add3A_2070 : vector<16xf32> to vector<16xi32>
    %shift_right_arithmetic3A_2072 = arith.constant 1 : i32
    %shift_right_arithmetic3A_2073 = vector.broadcast %shift_right_arithmetic3A_2072 : i32 to vector<16xi32>
    %shift_right_arithmetic3A_2074 = arith.shrsi %bitcast3A_2071, %shift_right_arithmetic3A_2073 : vector<16xi32>
    %sub3A_2075 = arith.constant 1597463007 : i32
    %sub3A_2076 = vector.broadcast %sub3A_2075 : i32 to vector<16xi32>
    %sub3A_2077 = arith.subi %sub3A_2076, %shift_right_arithmetic3A_2074 : vector<16xi32>
    %bitcast3A_2078 = vector.bitcast %sub3A_2077 : vector<16xi32> to vector<16xf32>
    %mul3A_2079 = arith.constant 5.000000e-01 : f32
    %mul3A_2080 = vector.broadcast %mul3A_2079 : f32 to vector<16xf32>
    %mul3A_2081 = arith.mulf %mul3A_2080, %add3A_2070 : vector<16xf32>
    %mul3A_2082 = arith.mulf %mul3A_2081, %bitcast3A_2078 : vector<16xf32>
    %mul3A_2083 = arith.mulf %mul3A_2082, %bitcast3A_2078 : vector<16xf32>
    %sub3A_2084 = arith.constant 1.500000e+00 : f32
    %sub3A_2085 = vector.broadcast %sub3A_2084 : f32 to vector<16xf32>
    %sub3A_2086 = arith.subf %sub3A_2085, %mul3A_2083 : vector<16xf32>
    %mul3A_2087 = arith.mulf %bitcast3A_2078, %sub3A_2086 : vector<16xf32>
    %mul3A_2088 = arith.constant 5.000000e-01 : f32
    %mul3A_2089 = vector.broadcast %mul3A_2088 : f32 to vector<16xf32>
    %mul3A_2090 = arith.mulf %mul3A_2089, %add3A_2070 : vector<16xf32>
    %mul3A_2091 = arith.mulf %mul3A_2090, %mul3A_2087 : vector<16xf32>
    %mul3A_2092 = arith.mulf %mul3A_2091, %mul3A_2087 : vector<16xf32>
    %sub3A_2093 = arith.constant 1.500000e+00 : f32
    %sub3A_2094 = vector.broadcast %sub3A_2093 : f32 to vector<16xf32>
    %sub3A_2095 = arith.subf %sub3A_2094, %mul3A_2092 : vector<16xf32>
    %mul3A_2096 = arith.mulf %mul3A_2087, %sub3A_2095 : vector<16xf32>
    %mul3A_2097 = arith.constant 5.000000e-01 : f32
    %mul3A_2098 = vector.broadcast %mul3A_2097 : f32 to vector<16xf32>
    %mul3A_2099 = arith.mulf %mul3A_2098, %add3A_2070 : vector<16xf32>
    %mul3A_2100 = arith.mulf %mul3A_2099, %mul3A_2096 : vector<16xf32>
    %mul3A_2101 = arith.mulf %mul3A_2100, %mul3A_2096 : vector<16xf32>
    %sub3A_2102 = arith.constant 1.500000e+00 : f32
    %sub3A_2103 = vector.broadcast %sub3A_2102 : f32 to vector<16xf32>
    %sub3A_2104 = arith.subf %sub3A_2103, %mul3A_2101 : vector<16xf32>
    %mul3A_2105 = arith.mulf %mul3A_2096, %sub3A_2104 : vector<16xf32>
    %swap3A_2106 = arith.constant 608 : index
    %swap3A_2107 = tpu.vector_load %arg11[%swap3A_2106] {strides = array<i32>} : memref<640xf32, #tpu.memory_space<vmem>>, vector<16xf32>,
    tpu.vector_store %arg11[%swap3A_2106], %mul3A_2105 {strides = array<i32>} : memref<640xf32, #tpu.memory_space<vmem>>, vector<16xf32>,
    %get3A_2108 = arith.constant 624 : index
    %get3A_2109 = tpu.vector_load %arg10[%get3A_2108] {strides = array<i32>} : memref<640xf32, #tpu.memory_space<vmem>>, vector<16xf32>,
    %add3A_2110 = arith.constant 1.000000e+00 : f32
    %add3A_2111 = vector.broadcast %add3A_2110 : f32 to vector<16xf32>
    %add3A_2112 = arith.addf %get3A_2109, %add3A_2111 : vector<16xf32>
    %bitcast3A_2113 = vector.bitcast %add3A_2112 : vector<16xf32> to vector<16xi32>
    %shift_right_arithmetic3A_2114 = arith.constant 1 : i32
    %shift_right_arithmetic3A_2115 = vector.broadcast %shift_right_arithmetic3A_2114 : i32 to vector<16xi32>
    %shift_right_arithmetic3A_2116 = arith.shrsi %bitcast3A_2113, %shift_right_arithmetic3A_2115 : vector<16xi32>
    %sub3A_2117 = arith.constant 1597463007 : i32
    %sub3A_2118 = vector.broadcast %sub3A_2117 : i32 to vector<16xi32>
    %sub3A_2119 = arith.subi %sub3A_2118, %shift_right_arithmetic3A_2116 : vector<16xi32>
    %bitcast3A_2120 = vector.bitcast %sub3A_2119 : vector<16xi32> to vector<16xf32>
    %mul3A_2121 = arith.constant 5.000000e-01 : f32
    %mul3A_2122 = vector.broadcast %mul3A_2121 : f32 to vector<16xf32>
    %mul3A_2123 = arith.mulf %mul3A_2122, %add3A_2112 : vector<16xf32>
    %mul3A_2124 = arith.mulf %mul3A_2123, %bitcast3A_2120 : vector<16xf32>
    %mul3A_2125 = arith.mulf %mul3A_2124, %bitcast3A_2120 : vector<16xf32>
    %sub3A_2126 = arith.constant 1.500000e+00 : f32
    %sub3A_2127 = vector.broadcast %sub3A_2126 : f32 to vector<16xf32>
    %sub3A_2128 = arith.subf %sub3A_2127, %mul3A_2125 : vector<16xf32>
    %mul3A_2129 = arith.mulf %bitcast3A_2120, %sub3A_2128 : vector<16xf32>
    %mul3A_2130 = arith.constant 5.000000e-01 : f32
    %mul3A_2131 = vector.broadcast %mul3A_2130 : f32 to vector<16xf32>
    %mul3A_2132 = arith.mulf %mul3A_2131, %add3A_2112 : vector<16xf32>
    %mul3A_2133 = arith.mulf %mul3A_2132, %mul3A_2129 : vector<16xf32>
    %mul3A_2134 = arith.mulf %mul3A_2133, %mul3A_2129 : vector<16xf32>
    %sub3A_2135 = arith.constant 1.500000e+00 : f32
    %sub3A_2136 = vector.broadcast %sub3A_2135 : f32 to vector<16xf32>
    %sub3A_2137 = arith.subf %sub3A_2136, %mul3A_2134 : vector<16xf32>
    %mul3A_2138 = arith.mulf %mul3A_2129, %sub3A_2137 : vector<16xf32>
    %mul3A_2139 = arith.constant 5.000000e-01 : f32
    %mul3A_2140 = vector.broadcast %mul3A_2139 : f32 to vector<16xf32>
    %mul3A_2141 = arith.mulf %mul3A_2140, %add3A_2112 : vector<16xf32>
    %mul3A_2142 = arith.mulf %mul3A_2141, %mul3A_2138 : vector<16xf32>
    %mul3A_2143 = arith.mulf %mul3A_2142, %mul3A_2138 : vector<16xf32>
    %sub3A_2144 = arith.constant 1.500000e+00 : f32
    %sub3A_2145 = vector.broadcast %sub3A_2144 : f32 to vector<16xf32>
    %sub3A_2146 = arith.subf %sub3A_2145, %mul3A_2143 : vector<16xf32>
    %mul3A_2147 = arith.mulf %mul3A_2138, %sub3A_2146 : vector<16xf32>
    %swap3A_2148 = arith.constant 624 : index
    %swap3A_2149 = tpu.vector_load %arg11[%swap3A_2148] {strides = array<i32>} : memref<640xf32, #tpu.memory_space<vmem>>, vector<16xf32>,
    tpu.vector_store %arg11[%swap3A_2148], %mul3A_2147 {strides = array<i32>} : memref<640xf32, #tpu.memory_space<vmem>>, vector<16xf32>,
    %scan3A_2150 = arith.constant 0 : i32
    %scan3A_2151 = arith.constant 0 : i32
    %scan3A_2152 = arith.constant 160 : i32
    %scan3A_2153 = arith.addi %scan3A_2151, %scan3A_2152 : i32
    %scan3A_2154 = arith.constant 1 : i32
    %scan3A_2155 = scf.for %scan3A_2373 = %scan3A_2151 to %scan3A_2153 step %scan3A_2154 iter_args(%scan3A_2374 = %scan3A_2150) -> (i32)  : i32 {
      %mul3A_2375 = arith.constant 4 : i32
      %mul3A_2376 = arith.muli %scan3A_2373, %mul3A_2375 : i32
      %add3A_2377 = arith.constant 0 : i32
      %add3A_2378 = arith.addi %mul3A_2376, %add3A_2377 : i32
      %broadcast_in_dim3A_2379 = vector.broadcast %add3A_2378 : i32 to vector<16xi32>
      %gather3A = tpu.vector_load_idx %arg11[%broadcast_in_dim3A_2379] : memref<640xf32, #tpu.memory_space<vmem>>[vector<16xi32>], vector<16xf32>,
      %get3A_2380 = arith.index_cast %add3A_2378 : i32 to index
      %get3A_2381 = arith.constant 0 : index
      %get3A_2382 = tpu.vector_load %arg13[%get3A_2380, %get3A_2381] {strides = array<i32>} : memref<640x16xf32, #tpu.memory_space<vmem>>, vector<16xf32>,
      %mul3A_2383 = arith.mulf %get3A_2382, %gather3A : vector<16xf32>
      %swap3A_2384 = arith.index_cast %add3A_2378 : i32 to index
      %swap3A_2385 = arith.constant 0 : index
      %swap3A_2386 = tpu.vector_load %arg14[%swap3A_2384, %swap3A_2385] {strides = array<i32>} : memref<640x16xf32, #tpu.memory_space<vmem>>, vector<16xf32>,
      tpu.vector_store %arg14[%swap3A_2384, %swap3A_2385], %mul3A_2383 {strides = array<i32>} : memref<640x16xf32, #tpu.memory_space<vmem>>, vector<16xf32>,
      %swap3A_2387 = arith.index_cast %add3A_2378 : i32 to index
      %swap3A_2388 = arith.constant 0 : index
      %swap3A_2389 = tpu.vector_load %arg15[%swap3A_2387, %swap3A_2388] {strides = array<i32>} : memref<640x16xf32, #tpu.memory_space<vmem>>, vector<16xf32>,
      tpu.vector_store %arg15[%swap3A_2387, %swap3A_2388], %gather3A {strides = array<i32>} : memref<640x16xf32, #tpu.memory_space<vmem>>, vector<16xf32>,
      %add3A_2390 = arith.constant 1 : i32
      %add3A_2391 = arith.addi %mul3A_2376, %add3A_2390 : i32
      %broadcast_in_dim3A_2392 = vector.broadcast %add3A_2391 : i32 to vector<16xi32>
      %gather3A_2393 = tpu.vector_load_idx %arg11[%broadcast_in_dim3A_2392] : memref<640xf32, #tpu.memory_space<vmem>>[vector<16xi32>], vector<16xf32>,
      %get3A_2394 = arith.index_cast %add3A_2391 : i32 to index
      %get3A_2395 = arith.constant 0 : index
      %get3A_2396 = tpu.vector_load %arg13[%get3A_2394, %get3A_2395] {strides = array<i32>} : memref<640x16xf32, #tpu.memory_space<vmem>>, vector<16xf32>,
      %mul3A_2397 = arith.mulf %get3A_2396, %gather3A_2393 : vector<16xf32>
      %swap3A_2398 = arith.index_cast %add3A_2391 : i32 to index
      %swap3A_2399 = arith.constant 0 : index
      %swap3A_2400 = tpu.vector_load %arg14[%swap3A_2398, %swap3A_2399] {strides = array<i32>} : memref<640x16xf32, #tpu.memory_space<vmem>>, vector<16xf32>,
      tpu.vector_store %arg14[%swap3A_2398, %swap3A_2399], %mul3A_2397 {strides = array<i32>} : memref<640x16xf32, #tpu.memory_space<vmem>>, vector<16xf32>,
      %swap3A_2401 = arith.index_cast %add3A_2391 : i32 to index
      %swap3A_2402 = arith.constant 0 : index
      %swap3A_2403 = tpu.vector_load %arg15[%swap3A_2401, %swap3A_2402] {strides = array<i32>} : memref<640x16xf32, #tpu.memory_space<vmem>>, vector<16xf32>,
      tpu.vector_store %arg15[%swap3A_2401, %swap3A_2402], %gather3A_2393 {strides = array<i32>} : memref<640x16xf32, #tpu.memory_space<vmem>>, vector<16xf32>,
      %add3A_2404 = arith.constant 2 : i32
      %add3A_2405 = arith.addi %mul3A_2376, %add3A_2404 : i32
      %broadcast_in_dim3A_2406 = vector.broadcast %add3A_2405 : i32 to vector<16xi32>
      %gather3A_2407 = tpu.vector_load_idx %arg11[%broadcast_in_dim3A_2406] : memref<640xf32, #tpu.memory_space<vmem>>[vector<16xi32>], vector<16xf32>,
      %get3A_2408 = arith.index_cast %add3A_2405 : i32 to index
      %get3A_2409 = arith.constant 0 : index
      %get3A_2410 = tpu.vector_load %arg13[%get3A_2408, %get3A_2409] {strides = array<i32>} : memref<640x16xf32, #tpu.memory_space<vmem>>, vector<16xf32>,
      %mul3A_2411 = arith.mulf %get3A_2410, %gather3A_2407 : vector<16xf32>
      %swap3A_2412 = arith.index_cast %add3A_2405 : i32 to index
      %swap3A_2413 = arith.constant 0 : index
      %swap3A_2414 = tpu.vector_load %arg14[%swap3A_2412, %swap3A_2413] {strides = array<i32>} : memref<640x16xf32, #tpu.memory_space<vmem>>, vector<16xf32>,
      tpu.vector_store %arg14[%swap3A_2412, %swap3A_2413], %mul3A_2411 {strides = array<i32>} : memref<640x16xf32, #tpu.memory_space<vmem>>, vector<16xf32>,
      %swap3A_2415 = arith.index_cast %add3A_2405 : i32 to index
      %swap3A_2416 = arith.constant 0 : index
      %swap3A_2417 = tpu.vector_load %arg15[%swap3A_2415, %swap3A_2416] {strides = array<i32>} : memref<640x16xf32, #tpu.memory_space<vmem>>, vector<16xf32>,
      tpu.vector_store %arg15[%swap3A_2415, %swap3A_2416], %gather3A_2407 {strides = array<i32>} : memref<640x16xf32, #tpu.memory_space<vmem>>, vector<16xf32>,
      %add3A_2418 = arith.constant 3 : i32
      %add3A_2419 = arith.addi %mul3A_2376, %add3A_2418 : i32
      %broadcast_in_dim3A_2420 = vector.broadcast %add3A_2419 : i32 to vector<16xi32>
      %gather3A_2421 = tpu.vector_load_idx %arg11[%broadcast_in_dim3A_2420] : memref<640xf32, #tpu.memory_space<vmem>>[vector<16xi32>], vector<16xf32>,
      %get3A_2422 = arith.index_cast %add3A_2419 : i32 to index
      %get3A_2423 = arith.constant 0 : index
      %get3A_2424 = tpu.vector_load %arg13[%get3A_2422, %get3A_2423] {strides = array<i32>} : memref<640x16xf32, #tpu.memory_space<vmem>>, vector<16xf32>,
      %mul3A_2425 = arith.mulf %get3A_2424, %gather3A_2421 : vector<16xf32>
      %swap3A_2426 = arith.index_cast %add3A_2419 : i32 to index
      %swap3A_2427 = arith.constant 0 : index
      %swap3A_2428 = tpu.vector_load %arg14[%swap3A_2426, %swap3A_2427] {strides = array<i32>} : memref<640x16xf32, #tpu.memory_space<vmem>>, vector<16xf32>,
      tpu.vector_store %arg14[%swap3A_2426, %swap3A_2427], %mul3A_2425 {strides = array<i32>} : memref<640x16xf32, #tpu.memory_space<vmem>>, vector<16xf32>,
      %swap3A_2429 = arith.index_cast %add3A_2419 : i32 to index
      %swap3A_2430 = arith.constant 0 : index
      %swap3A_2431 = tpu.vector_load %arg15[%swap3A_2429, %swap3A_2430] {strides = array<i32>} : memref<640x16xf32, #tpu.memory_space<vmem>>, vector<16xf32>,
      tpu.vector_store %arg15[%swap3A_2429, %swap3A_2430], %gather3A_2421 {strides = array<i32>} : memref<640x16xf32, #tpu.memory_space<vmem>>, vector<16xf32>,
      %scan3A_2432 = arith.constant 0 : i32
      scf.yield %scan3A_2432 : i32
    }
    %scan3A_2156 = arith.constant 160 : i32
    %mul3A_2157 = arith.constant 640 : i32
    %mul3A_2158 = arith.muli %arg1, %mul3A_2157 : i32
    "tpu.region"() ({
      %run_scoped3A = tpu.sem_alloc : memref<!tpu.dma_semaphore, #tpu.memory_space<semaphore_mem>>
      %dma_start3A_2373 = arith.constant 0 : i32
      %dma_start3A_2374 = tpu.memref_slice %arg21[%mul3A_2158, %dma_start3A_2373] : memref<10240x16xf32, #tpu.memory_space<vmem_shared>> -> memref<640x16xf32, #tpu.memory_space<vmem_shared>>
      %dma_start3A_2375 = arith.constant 0 : i32
      %dma_start3A_2376 = tpu.memref_slice %arg21[%mul3A_2158, %dma_start3A_2375] : memref<10240x16xf32, #tpu.memory_space<vmem_shared>> -> memref<640x16xf32, #tpu.memory_space<vmem_shared>>
      tpu.enqueue_dma source(%arg14 : memref<640x16xf32, #tpu.memory_space<vmem>>) target(%dma_start3A_2376 : memref<640x16xf32, #tpu.memory_space<vmem_shared>>) target_semaphore(%run_scoped3A : memref<!tpu.dma_semaphore, #tpu.memory_space<semaphore_mem>>)
      %dma_wait3A_2377 = arith.constant 0 : i32
      %dma_wait3A_2378 = tpu.memref_slice %arg21[%mul3A_2158, %dma_wait3A_2377] : memref<10240x16xf32, #tpu.memory_space<vmem_shared>> -> memref<640x16xf32, #tpu.memory_space<vmem_shared>>
      %dma_wait3A_2379 = arith.constant 0 : i32
      %dma_wait3A_2380 = tpu.memref_slice %arg21[%mul3A_2158, %dma_wait3A_2379] : memref<10240x16xf32, #tpu.memory_space<vmem_shared>> -> memref<640x16xf32, #tpu.memory_space<vmem_shared>>
      tpu.wait_dma2 semaphore(%run_scoped3A : memref<!tpu.dma_semaphore, #tpu.memory_space<semaphore_mem>>) src(%arg14 : memref<640x16xf32, #tpu.memory_space<vmem>>) dst(%dma_wait3A_2380 : memref<640x16xf32, #tpu.memory_space<vmem_shared>>)
      tpu.yield
    }) : () -> ()
    %eq3A = arith.constant 0 : i32
    %eq3A_2159 = arith.cmpi eq, %arg0, %eq3A : i32
    %convert_element_type3A_2160 = arith.extui %eq3A_2159 : i1 to i32
    %cond3A_2161 = arith.constant 0 : i32
    %cond3A_2162 = arith.cmpi ne, %convert_element_type3A_2160, %cond3A_2161 : i32
    scf.if %cond3A_2162 {
      %mul3A_2373 = arith.constant 640 : i32
      %mul3A_2374 = arith.muli %arg1, %mul3A_2373 : i32
      "tpu.region"() ({
        %run_scoped3A = tpu.sem_alloc : memref<!tpu.dma_semaphore, #tpu.memory_space<semaphore_mem>>
        %dma_start3A_2377 = arith.constant 0 : i32
        %dma_start3A_2378 = tpu.memref_slice %arg5[%mul3A_2374, %dma_start3A_2377] : memref<10240x16xf32, #tpu.memory_space<hbm>> -> memref<640x16xf32, #tpu.memory_space<hbm>>
        %dma_start3A_2379 = arith.constant 0 : i32
        %dma_start3A_2380 = tpu.memref_slice %arg5[%mul3A_2374, %dma_start3A_2379] : memref<10240x16xf32, #tpu.memory_space<hbm>> -> memref<640x16xf32, #tpu.memory_space<hbm>>
        tpu.enqueue_dma source(%arg14 : memref<640x16xf32, #tpu.memory_space<vmem>>) target(%dma_start3A_2380 : memref<640x16xf32, #tpu.memory_space<hbm>>) target_semaphore(%run_scoped3A : memref<!tpu.dma_semaphore, #tpu.memory_space<semaphore_mem>>)
        %dma_wait3A_2381 = arith.constant 0 : i32
        %dma_wait3A_2382 = tpu.memref_slice %arg5[%mul3A_2374, %dma_wait3A_2381] : memref<10240x16xf32, #tpu.memory_space<hbm>> -> memref<640x16xf32, #tpu.memory_space<hbm>>
        %dma_wait3A_2383 = arith.constant 0 : i32
        %dma_wait3A_2384 = tpu.memref_slice %arg5[%mul3A_2374, %dma_wait3A_2383] : memref<10240x16xf32, #tpu.memory_space<hbm>> -> memref<640x16xf32, #tpu.memory_space<hbm>>
        tpu.wait_dma2 semaphore(%run_scoped3A : memref<!tpu.dma_semaphore, #tpu.memory_space<semaphore_mem>>) src(%arg14 : memref<640x16xf32, #tpu.memory_space<vmem>>) dst(%dma_wait3A_2384 : memref<640x16xf32, #tpu.memory_space<hbm>>)
        tpu.yield
      }) : () -> ()
      %mul3A_2375 = arith.constant 640 : i32
      %mul3A_2376 = arith.muli %arg1, %mul3A_2375 : i32
      "tpu.region"() ({
        %run_scoped3A = tpu.sem_alloc : memref<!tpu.dma_semaphore, #tpu.memory_space<semaphore_mem>>
        %dma_start3A_2377 = arith.constant 0 : i32
        %dma_start3A_2378 = tpu.memref_slice %arg6[%mul3A_2376, %dma_start3A_2377] : memref<10240x16xf32, #tpu.memory_space<hbm>> -> memref<640x16xf32, #tpu.memory_space<hbm>>
        %dma_start3A_2379 = arith.constant 0 : i32
        %dma_start3A_2380 = tpu.memref_slice %arg6[%mul3A_2376, %dma_start3A_2379] : memref<10240x16xf32, #tpu.memory_space<hbm>> -> memref<640x16xf32, #tpu.memory_space<hbm>>
        tpu.enqueue_dma source(%arg15 : memref<640x16xf32, #tpu.memory_space<vmem>>) target(%dma_start3A_2380 : memref<640x16xf32, #tpu.memory_space<hbm>>) target_semaphore(%run_scoped3A : memref<!tpu.dma_semaphore, #tpu.memory_space<semaphore_mem>>)
        %dma_wait3A_2381 = arith.constant 0 : i32
        %dma_wait3A_2382 = tpu.memref_slice %arg6[%mul3A_2376, %dma_wait3A_2381] : memref<10240x16xf32, #tpu.memory_space<hbm>> -> memref<640x16xf32, #tpu.memory_space<hbm>>
        %dma_wait3A_2383 = arith.constant 0 : i32
        %dma_wait3A_2384 = tpu.memref_slice %arg6[%mul3A_2376, %dma_wait3A_2383] : memref<10240x16xf32, #tpu.memory_space<hbm>> -> memref<640x16xf32, #tpu.memory_space<hbm>>
        tpu.wait_dma2 semaphore(%run_scoped3A : memref<!tpu.dma_semaphore, #tpu.memory_space<semaphore_mem>>) src(%arg15 : memref<640x16xf32, #tpu.memory_space<vmem>>) dst(%dma_wait3A_2384 : memref<640x16xf32, #tpu.memory_space<hbm>>)
        tpu.yield
      }) : () -> ()
    } else {
    }
    %barrier3A_2163 = arith.constant 0 : index
    tpu.barrier barrier_id(%barrier3A_2163)
    %dma_start3A_2164 = arith.constant 0 : i32
    %dma_start3A_2165 = arith.constant 0 : i32
    %dma_start3A_2166 = arith.constant 0 : i32
    %dma_start3A_2167 = tpu.memref_slice %arg7[%dma_start3A_2164, %dma_start3A_2165, %dma_start3A_2166] : memref<79x2x128xi32, #tpu.memory_space<vmem>> -> memref<1x1x128xi32, #tpu.memory_space<vmem>>
    %dma_start3A_2168 = tpu.memref_squeeze %dma_start3A_2167 : memref<1x1x128xi32, #tpu.memory_space<vmem>> -> memref<128xi32, #tpu.memory_space<vmem>>
    %dma_start3A_2169 = arith.constant 0 : i32
    %dma_start3A_2170 = arith.constant 0 : i32
    %dma_start3A_2171 = tpu.memref_slice %arg21[%dma_start3A_2169, %dma_start3A_2170] : memref<10240x16xf32, #tpu.memory_space<vmem_shared>> -> memref<10240x16xf32, #tpu.memory_space<vmem_shared>>
    tpu.enqueue_indirect_dma source(%dma_start3A_2171 : memref<10240x16xf32, #tpu.memory_space<vmem_shared>>) target(%arg16 : memref<128x16xf32, #tpu.memory_space<vmem>>) offsets(%dma_start3A_2168 : memref<128xi32, #tpu.memory_space<vmem>>) semaphore(%arg23 : memref<!tpu.dma_semaphore, #tpu.memory_space<semaphore_mem>>)
    %dma_start3A_2172 = arith.constant 1 : i32
    %dma_start3A_2173 = arith.constant 0 : i32
    %dma_start3A_2174 = arith.constant 0 : i32
    %dma_start3A_2175 = tpu.memref_slice %arg7[%dma_start3A_2172, %dma_start3A_2173, %dma_start3A_2174] : memref<79x2x128xi32, #tpu.memory_space<vmem>> -> memref<1x1x128xi32, #tpu.memory_space<vmem>>
    %dma_start3A_2176 = tpu.memref_squeeze %dma_start3A_2175 : memref<1x1x128xi32, #tpu.memory_space<vmem>> -> memref<128xi32, #tpu.memory_space<vmem>>
    %dma_start3A_2177 = arith.constant 0 : i32
    %dma_start3A_2178 = arith.constant 0 : i32
    %dma_start3A_2179 = tpu.memref_slice %arg21[%dma_start3A_2177, %dma_start3A_2178] : memref<10240x16xf32, #tpu.memory_space<vmem_shared>> -> memref<10240x16xf32, #tpu.memory_space<vmem_shared>>
    tpu.enqueue_indirect_dma source(%dma_start3A_2179 : memref<10240x16xf32, #tpu.memory_space<vmem_shared>>) target(%arg17 : memref<128x16xf32, #tpu.memory_space<vmem>>) offsets(%dma_start3A_2176 : memref<128xi32, #tpu.memory_space<vmem>>) semaphore(%arg24 : memref<!tpu.dma_semaphore, #tpu.memory_space<semaphore_mem>>)
    %dma_start3A_2180 = arith.constant 2 : i32
    %dma_start3A_2181 = arith.constant 0 : i32
    %dma_start3A_2182 = arith.constant 0 : i32
    %dma_start3A_2183 = tpu.memref_slice %arg7[%dma_start3A_2180, %dma_start3A_2181, %dma_start3A_2182] : memref<79x2x128xi32, #tpu.memory_space<vmem>> -> memref<1x1x128xi32, #tpu.memory_space<vmem>>
    %dma_start3A_2184 = tpu.memref_squeeze %dma_start3A_2183 : memref<1x1x128xi32, #tpu.memory_space<vmem>> -> memref<128xi32, #tpu.memory_space<vmem>>
    %dma_start3A_2185 = arith.constant 0 : i32
    %dma_start3A_2186 = arith.constant 0 : i32
    %dma_start3A_2187 = tpu.memref_slice %arg21[%dma_start3A_2185, %dma_start3A_2186] : memref<10240x16xf32, #tpu.memory_space<vmem_shared>> -> memref<10240x16xf32, #tpu.memory_space<vmem_shared>>
    tpu.enqueue_indirect_dma source(%dma_start3A_2187 : memref<10240x16xf32, #tpu.memory_space<vmem_shared>>) target(%arg18 : memref<128x16xf32, #tpu.memory_space<vmem>>) offsets(%dma_start3A_2184 : memref<128xi32, #tpu.memory_space<vmem>>) semaphore(%arg25 : memref<!tpu.dma_semaphore, #tpu.memory_space<semaphore_mem>>)
    %dma_wait3A_2188 = arith.constant 0 : i32
    %dma_wait3A_2189 = arith.constant 0 : i32
    %dma_wait3A_2190 = arith.constant 0 : i32
    %dma_wait3A_2191 = tpu.memref_slice %arg7[%dma_wait3A_2188, %dma_wait3A_2189, %dma_wait3A_2190] : memref<79x2x128xi32, #tpu.memory_space<vmem>> -> memref<1x1x128xi32, #tpu.memory_space<vmem>>
    %dma_wait3A_2192 = tpu.memref_squeeze %dma_wait3A_2191 : memref<1x1x128xi32, #tpu.memory_space<vmem>> -> memref<128xi32, #tpu.memory_space<vmem>>
    %dma_wait3A_2193 = arith.constant 0 : i32
    %dma_wait3A_2194 = arith.constant 0 : i32
    %dma_wait3A_2195 = tpu.memref_slice %arg21[%dma_wait3A_2193, %dma_wait3A_2194] : memref<10240x16xf32, #tpu.memory_space<vmem_shared>> -> memref<10240x16xf32, #tpu.memory_space<vmem_shared>>
    tpu.wait_indirect_dma semaphore(%arg23 : memref<!tpu.dma_semaphore, #tpu.memory_space<semaphore_mem>>) src(%dma_wait3A_2195 : memref<10240x16xf32, #tpu.memory_space<vmem_shared>>) dst(%arg16 : memref<128x16xf32, #tpu.memory_space<vmem>>)
    %dma_start3A_2196 = arith.constant 0 : i32
    %dma_start3A_2197 = arith.constant 1 : i32
    %dma_start3A_2198 = arith.constant 0 : i32
    %dma_start3A_2199 = tpu.memref_slice %arg7[%dma_start3A_2196, %dma_start3A_2197, %dma_start3A_2198] : memref<79x2x128xi32, #tpu.memory_space<vmem>> -> memref<1x1x128xi32, #tpu.memory_space<vmem>>
    %dma_start3A_2200 = tpu.memref_squeeze %dma_start3A_2199 : memref<1x1x128xi32, #tpu.memory_space<vmem>> -> memref<128xi32, #tpu.memory_space<vmem>>
    %dma_start3A_2201 = arith.constant 0 : i32
    %dma_start3A_2202 = arith.constant 0 : i32
    %dma_start3A_2203 = tpu.memref_slice %arg22[%dma_start3A_2201, %dma_start3A_2202] : memref<10240x16xf32, #tpu.memory_space<vmem_shared>> -> memref<10240x16xf32, #tpu.memory_space<vmem_shared>>
    tpu.enqueue_indirect_dma source(%arg16 : memref<128x16xf32, #tpu.memory_space<vmem>>) target(%dma_start3A_2203 : memref<10240x16xf32, #tpu.memory_space<vmem_shared>>) offsets(%dma_start3A_2200 : memref<128xi32, #tpu.memory_space<vmem>>) semaphore(%arg27 : memref<!tpu.dma_semaphore, #tpu.memory_space<semaphore_mem>>) {add = true}
    %dma_start3A_2204 = arith.constant 3 : i32
    %dma_start3A_2205 = arith.constant 0 : i32
    %dma_start3A_2206 = arith.constant 0 : i32
    %dma_start3A_2207 = tpu.memref_slice %arg7[%dma_start3A_2204, %dma_start3A_2205, %dma_start3A_2206] : memref<79x2x128xi32, #tpu.memory_space<vmem>> -> memref<1x1x128xi32, #tpu.memory_space<vmem>>
    %dma_start3A_2208 = tpu.memref_squeeze %dma_start3A_2207 : memref<1x1x128xi32, #tpu.memory_space<vmem>> -> memref<128xi32, #tpu.memory_space<vmem>>
    %dma_start3A_2209 = arith.constant 0 : i32
    %dma_start3A_2210 = arith.constant 0 : i32
    %dma_start3A_2211 = tpu.memref_slice %arg21[%dma_start3A_2209, %dma_start3A_2210] : memref<10240x16xf32, #tpu.memory_space<vmem_shared>> -> memref<10240x16xf32, #tpu.memory_space<vmem_shared>>
    tpu.enqueue_indirect_dma source(%dma_start3A_2211 : memref<10240x16xf32, #tpu.memory_space<vmem_shared>>) target(%arg19 : memref<128x16xf32, #tpu.memory_space<vmem>>) offsets(%dma_start3A_2208 : memref<128xi32, #tpu.memory_space<vmem>>) semaphore(%arg26 : memref<!tpu.dma_semaphore, #tpu.memory_space<semaphore_mem>>)
    %dma_wait3A_2212 = arith.constant 1 : i32
    %dma_wait3A_2213 = arith.constant 0 : i32
    %dma_wait3A_2214 = arith.constant 0 : i32
    %dma_wait3A_2215 = tpu.memref_slice %arg7[%dma_wait3A_2212, %dma_wait3A_2213, %dma_wait3A_2214] : memref<79x2x128xi32, #tpu.memory_space<vmem>> -> memref<1x1x128xi32, #tpu.memory_space<vmem>>
    %dma_wait3A_2216 = tpu.memref_squeeze %dma_wait3A_2215 : memref<1x1x128xi32, #tpu.memory_space<vmem>> -> memref<128xi32, #tpu.memory_space<vmem>>
    %dma_wait3A_2217 = arith.constant 0 : i32
    %dma_wait3A_2218 = arith.constant 0 : i32
    %dma_wait3A_2219 = tpu.memref_slice %arg21[%dma_wait3A_2217, %dma_wait3A_2218] : memref<10240x16xf32, #tpu.memory_space<vmem_shared>> -> memref<10240x16xf32, #tpu.memory_space<vmem_shared>>
    tpu.wait_indirect_dma semaphore(%arg24 : memref<!tpu.dma_semaphore, #tpu.memory_space<semaphore_mem>>) src(%dma_wait3A_2219 : memref<10240x16xf32, #tpu.memory_space<vmem_shared>>) dst(%arg17 : memref<128x16xf32, #tpu.memory_space<vmem>>)
    %dma_start3A_2220 = arith.constant 1 : i32
    %dma_start3A_2221 = arith.constant 1 : i32
    %dma_start3A_2222 = arith.constant 0 : i32
    %dma_start3A_2223 = tpu.memref_slice %arg7[%dma_start3A_2220, %dma_start3A_2221, %dma_start3A_2222] : memref<79x2x128xi32, #tpu.memory_space<vmem>> -> memref<1x1x128xi32, #tpu.memory_space<vmem>>
    %dma_start3A_2224 = tpu.memref_squeeze %dma_start3A_2223 : memref<1x1x128xi32, #tpu.memory_space<vmem>> -> memref<128xi32, #tpu.memory_space<vmem>>
    %dma_start3A_2225 = arith.constant 0 : i32
    %dma_start3A_2226 = arith.constant 0 : i32
    %dma_start3A_2227 = tpu.memref_slice %arg22[%dma_start3A_2225, %dma_start3A_2226] : memref<10240x16xf32, #tpu.memory_space<vmem_shared>> -> memref<10240x16xf32, #tpu.memory_space<vmem_shared>>
    tpu.enqueue_indirect_dma source(%arg17 : memref<128x16xf32, #tpu.memory_space<vmem>>) target(%dma_start3A_2227 : memref<10240x16xf32, #tpu.memory_space<vmem_shared>>) offsets(%dma_start3A_2224 : memref<128xi32, #tpu.memory_space<vmem>>) semaphore(%arg28 : memref<!tpu.dma_semaphore, #tpu.memory_space<semaphore_mem>>) {add = true}
    %scan3A_2228 = arith.constant 0 : i32
    %scan3A_2229 = arith.constant 0 : i32
    %scan3A_2230 = arith.constant 18 : i32
    %scan3A_2231 = arith.addi %scan3A_2229, %scan3A_2230 : i32
    %scan3A_2232 = arith.constant 1 : i32
    %scan3A_2233 = scf.for %scan3A_2373 = %scan3A_2229 to %scan3A_2231 step %scan3A_2232 iter_args(%scan3A_2374 = %scan3A_2228) -> (i32)  : i32 {
      %mul3A_2375 = arith.constant 4 : i32
      %mul3A_2376 = arith.muli %scan3A_2373, %mul3A_2375 : i32
      %add3A_2377 = arith.constant 2 : i32
      %add3A_2378 = arith.addi %add3A_2377, %mul3A_2376 : i32
      %add3A_2379 = arith.constant 0 : i32
      %add3A_2380 = arith.addi %add3A_2378, %add3A_2379 : i32
      %sub3A_2381 = arith.constant 2 : i32
      %sub3A_2382 = arith.subi %add3A_2380, %sub3A_2381 : i32
      %dma_wait3A_2383 = arith.constant 1 : i32
      %dma_wait3A_2384 = arith.constant 0 : i32
      %dma_wait3A_2385 = tpu.memref_slice %arg7[%sub3A_2382, %dma_wait3A_2383, %dma_wait3A_2384] : memref<79x2x128xi32, #tpu.memory_space<vmem>> -> memref<1x1x128xi32, #tpu.memory_space<vmem>>
      %dma_wait3A_2386 = tpu.memref_squeeze %dma_wait3A_2385 : memref<1x1x128xi32, #tpu.memory_space<vmem>> -> memref<128xi32, #tpu.memory_space<vmem>>
      %dma_wait3A_2387 = arith.constant 0 : i32
      %dma_wait3A_2388 = arith.constant 0 : i32
      %dma_wait3A_2389 = tpu.memref_slice %arg22[%dma_wait3A_2387, %dma_wait3A_2388] : memref<10240x16xf32, #tpu.memory_space<vmem_shared>> -> memref<10240x16xf32, #tpu.memory_space<vmem_shared>>
      tpu.wait_indirect_dma semaphore(%arg27 : memref<!tpu.dma_semaphore, #tpu.memory_space<semaphore_mem>>) src(%arg16 : memref<128x16xf32, #tpu.memory_space<vmem>>) dst(%dma_wait3A_2389 : memref<10240x16xf32, #tpu.memory_space<vmem_shared>>)
      %add3A_2390 = arith.constant 2 : i32
      %add3A_2391 = arith.addi %add3A_2380, %add3A_2390 : i32
      %dma_start3A_2392 = arith.constant 0 : i32
      %dma_start3A_2393 = arith.constant 0 : i32
      %dma_start3A_2394 = tpu.memref_slice %arg7[%add3A_2391, %dma_start3A_2392, %dma_start3A_2393] : memref<79x2x128xi32, #tpu.memory_space<vmem>> -> memref<1x1x128xi32, #tpu.memory_space<vmem>>
      %dma_start3A_2395 = tpu.memref_squeeze %dma_start3A_2394 : memref<1x1x128xi32, #tpu.memory_space<vmem>> -> memref<128xi32, #tpu.memory_space<vmem>>
      %dma_start3A_2396 = arith.constant 0 : i32
      %dma_start3A_2397 = arith.constant 0 : i32
      %dma_start3A_2398 = tpu.memref_slice %arg21[%dma_start3A_2396, %dma_start3A_2397] : memref<10240x16xf32, #tpu.memory_space<vmem_shared>> -> memref<10240x16xf32, #tpu.memory_space<vmem_shared>>
      tpu.enqueue_indirect_dma source(%dma_start3A_2398 : memref<10240x16xf32, #tpu.memory_space<vmem_shared>>) target(%arg16 : memref<128x16xf32, #tpu.memory_space<vmem>>) offsets(%dma_start3A_2395 : memref<128xi32, #tpu.memory_space<vmem>>) semaphore(%arg23 : memref<!tpu.dma_semaphore, #tpu.memory_space<semaphore_mem>>)
      %dma_wait3A_2399 = arith.constant 0 : i32
      %dma_wait3A_2400 = arith.constant 0 : i32
      %dma_wait3A_2401 = tpu.memref_slice %arg7[%add3A_2380, %dma_wait3A_2399, %dma_wait3A_2400] : memref<79x2x128xi32, #tpu.memory_space<vmem>> -> memref<1x1x128xi32, #tpu.memory_space<vmem>>
      %dma_wait3A_2402 = tpu.memref_squeeze %dma_wait3A_2401 : memref<1x1x128xi32, #tpu.memory_space<vmem>> -> memref<128xi32, #tpu.memory_space<vmem>>
      %dma_wait3A_2403 = arith.constant 0 : i32
      %dma_wait3A_2404 = arith.constant 0 : i32
      %dma_wait3A_2405 = tpu.memref_slice %arg21[%dma_wait3A_2403, %dma_wait3A_2404] : memref<10240x16xf32, #tpu.memory_space<vmem_shared>> -> memref<10240x16xf32, #tpu.memory_space<vmem_shared>>
      tpu.wait_indirect_dma semaphore(%arg25 : memref<!tpu.dma_semaphore, #tpu.memory_space<semaphore_mem>>) src(%dma_wait3A_2405 : memref<10240x16xf32, #tpu.memory_space<vmem_shared>>) dst(%arg18 : memref<128x16xf32, #tpu.memory_space<vmem>>)
      %dma_start3A_2406 = arith.constant 1 : i32
      %dma_start3A_2407 = arith.constant 0 : i32
      %dma_start3A_2408 = tpu.memref_slice %arg7[%add3A_2380, %dma_start3A_2406, %dma_start3A_2407] : memref<79x2x128xi32, #tpu.memory_space<vmem>> -> memref<1x1x128xi32, #tpu.memory_space<vmem>>
      %dma_start3A_2409 = tpu.memref_squeeze %dma_start3A_2408 : memref<1x1x128xi32, #tpu.memory_space<vmem>> -> memref<128xi32, #tpu.memory_space<vmem>>
      %dma_start3A_2410 = arith.constant 0 : i32
      %dma_start3A_2411 = arith.constant 0 : i32
      %dma_start3A_2412 = tpu.memref_slice %arg22[%dma_start3A_2410, %dma_start3A_2411] : memref<10240x16xf32, #tpu.memory_space<vmem_shared>> -> memref<10240x16xf32, #tpu.memory_space<vmem_shared>>
      tpu.enqueue_indirect_dma source(%arg18 : memref<128x16xf32, #tpu.memory_space<vmem>>) target(%dma_start3A_2412 : memref<10240x16xf32, #tpu.memory_space<vmem_shared>>) offsets(%dma_start3A_2409 : memref<128xi32, #tpu.memory_space<vmem>>) semaphore(%arg29 : memref<!tpu.dma_semaphore, #tpu.memory_space<semaphore_mem>>) {add = true}
      %add3A_2413 = arith.constant 1 : i32
      %add3A_2414 = arith.addi %add3A_2378, %add3A_2413 : i32
      %sub3A_2415 = arith.constant 2 : i32
      %sub3A_2416 = arith.subi %add3A_2414, %sub3A_2415 : i32
      %dma_wait3A_2417 = arith.constant 1 : i32
      %dma_wait3A_2418 = arith.constant 0 : i32
      %dma_wait3A_2419 = tpu.memref_slice %arg7[%sub3A_2416, %dma_wait3A_2417, %dma_wait3A_2418] : memref<79x2x128xi32, #tpu.memory_space<vmem>> -> memref<1x1x128xi32, #tpu.memory_space<vmem>>
      %dma_wait3A_2420 = tpu.memref_squeeze %dma_wait3A_2419 : memref<1x1x128xi32, #tpu.memory_space<vmem>> -> memref<128xi32, #tpu.memory_space<vmem>>
      %dma_wait3A_2421 = arith.constant 0 : i32
      %dma_wait3A_2422 = arith.constant 0 : i32
      %dma_wait3A_2423 = tpu.memref_slice %arg22[%dma_wait3A_2421, %dma_wait3A_2422] : memref<10240x16xf32, #tpu.memory_space<vmem_shared>> -> memref<10240x16xf32, #tpu.memory_space<vmem_shared>>
      tpu.wait_indirect_dma semaphore(%arg28 : memref<!tpu.dma_semaphore, #tpu.memory_space<semaphore_mem>>) src(%arg17 : memref<128x16xf32, #tpu.memory_space<vmem>>) dst(%dma_wait3A_2423 : memref<10240x16xf32, #tpu.memory_space<vmem_shared>>)
      %add3A_2424 = arith.constant 2 : i32
      %add3A_2425 = arith.addi %add3A_2414, %add3A_2424 : i32
      %dma_start3A_2426 = arith.constant 0 : i32
      %dma_start3A_2427 = arith.constant 0 : i32
      %dma_start3A_2428 = tpu.memref_slice %arg7[%add3A_2425, %dma_start3A_2426, %dma_start3A_2427] : memref<79x2x128xi32, #tpu.memory_space<vmem>> -> memref<1x1x128xi32, #tpu.memory_space<vmem>>
      %dma_start3A_2429 = tpu.memref_squeeze %dma_start3A_2428 : memref<1x1x128xi32, #tpu.memory_space<vmem>> -> memref<128xi32, #tpu.memory_space<vmem>>
      %dma_start3A_2430 = arith.constant 0 : i32
      %dma_start3A_2431 = arith.constant 0 : i32
      %dma_start3A_2432 = tpu.memref_slice %arg21[%dma_start3A_2430, %dma_start3A_2431] : memref<10240x16xf32, #tpu.memory_space<vmem_shared>> -> memref<10240x16xf32, #tpu.memory_space<vmem_shared>>
      tpu.enqueue_indirect_dma source(%dma_start3A_2432 : memref<10240x16xf32, #tpu.memory_space<vmem_shared>>) target(%arg17 : memref<128x16xf32, #tpu.memory_space<vmem>>) offsets(%dma_start3A_2429 : memref<128xi32, #tpu.memory_space<vmem>>) semaphore(%arg24 : memref<!tpu.dma_semaphore, #tpu.memory_space<semaphore_mem>>)
      %dma_wait3A_2433 = arith.constant 0 : i32
      %dma_wait3A_2434 = arith.constant 0 : i32
      %dma_wait3A_2435 = tpu.memref_slice %arg7[%add3A_2414, %dma_wait3A_2433, %dma_wait3A_2434] : memref<79x2x128xi32, #tpu.memory_space<vmem>> -> memref<1x1x128xi32, #tpu.memory_space<vmem>>
      %dma_wait3A_2436 = tpu.memref_squeeze %dma_wait3A_2435 : memref<1x1x128xi32, #tpu.memory_space<vmem>> -> memref<128xi32, #tpu.memory_space<vmem>>
      %dma_wait3A_2437 = arith.constant 0 : i32
      %dma_wait3A_2438 = arith.constant 0 : i32
      %dma_wait3A_2439 = tpu.memref_slice %arg21[%dma_wait3A_2437, %dma_wait3A_2438] : memref<10240x16xf32, #tpu.memory_space<vmem_shared>> -> memref<10240x16xf32, #tpu.memory_space<vmem_shared>>
      tpu.wait_indirect_dma semaphore(%arg26 : memref<!tpu.dma_semaphore, #tpu.memory_space<semaphore_mem>>) src(%dma_wait3A_2439 : memref<10240x16xf32, #tpu.memory_space<vmem_shared>>) dst(%arg19 : memref<128x16xf32, #tpu.memory_space<vmem>>)
      %dma_start3A_2440 = arith.constant 1 : i32
      %dma_start3A_2441 = arith.constant 0 : i32
      %dma_start3A_2442 = tpu.memref_slice %arg7[%add3A_2414, %dma_start3A_2440, %dma_start3A_2441] : memref<79x2x128xi32, #tpu.memory_space<vmem>> -> memref<1x1x128xi32, #tpu.memory_space<vmem>>
      %dma_start3A_2443 = tpu.memref_squeeze %dma_start3A_2442 : memref<1x1x128xi32, #tpu.memory_space<vmem>> -> memref<128xi32, #tpu.memory_space<vmem>>
      %dma_start3A_2444 = arith.constant 0 : i32
      %dma_start3A_2445 = arith.constant 0 : i32
      %dma_start3A_2446 = tpu.memref_slice %arg22[%dma_start3A_2444, %dma_start3A_2445] : memref<10240x16xf32, #tpu.memory_space<vmem_shared>> -> memref<10240x16xf32, #tpu.memory_space<vmem_shared>>
      tpu.enqueue_indirect_dma source(%arg19 : memref<128x16xf32, #tpu.memory_space<vmem>>) target(%dma_start3A_2446 : memref<10240x16xf32, #tpu.memory_space<vmem_shared>>) offsets(%dma_start3A_2443 : memref<128xi32, #tpu.memory_space<vmem>>) semaphore(%arg30 : memref<!tpu.dma_semaphore, #tpu.memory_space<semaphore_mem>>) {add = true}
      %add3A_2447 = arith.constant 2 : i32
      %add3A_2448 = arith.addi %add3A_2378, %add3A_2447 : i32
      %sub3A_2449 = arith.constant 2 : i32
      %sub3A_2450 = arith.subi %add3A_2448, %sub3A_2449 : i32
      %dma_wait3A_2451 = arith.constant 1 : i32
      %dma_wait3A_2452 = arith.constant 0 : i32
      %dma_wait3A_2453 = tpu.memref_slice %arg7[%sub3A_2450, %dma_wait3A_2451, %dma_wait3A_2452] : memref<79x2x128xi32, #tpu.memory_space<vmem>> -> memref<1x1x128xi32, #tpu.memory_space<vmem>>
      %dma_wait3A_2454 = tpu.memref_squeeze %dma_wait3A_2453 : memref<1x1x128xi32, #tpu.memory_space<vmem>> -> memref<128xi32, #tpu.memory_space<vmem>>
      %dma_wait3A_2455 = arith.constant 0 : i32
      %dma_wait3A_2456 = arith.constant 0 : i32
      %dma_wait3A_2457 = tpu.memref_slice %arg22[%dma_wait3A_2455, %dma_wait3A_2456] : memref<10240x16xf32, #tpu.memory_space<vmem_shared>> -> memref<10240x16xf32, #tpu.memory_space<vmem_shared>>
      tpu.wait_indirect_dma semaphore(%arg29 : memref<!tpu.dma_semaphore, #tpu.memory_space<semaphore_mem>>) src(%arg18 : memref<128x16xf32, #tpu.memory_space<vmem>>) dst(%dma_wait3A_2457 : memref<10240x16xf32, #tpu.memory_space<vmem_shared>>)
      %add3A_2458 = arith.constant 2 : i32
      %add3A_2459 = arith.addi %add3A_2448, %add3A_2458 : i32
      %dma_start3A_2460 = arith.constant 0 : i32
      %dma_start3A_2461 = arith.constant 0 : i32
      %dma_start3A_2462 = tpu.memref_slice %arg7[%add3A_2459, %dma_start3A_2460, %dma_start3A_2461] : memref<79x2x128xi32, #tpu.memory_space<vmem>> -> memref<1x1x128xi32, #tpu.memory_space<vmem>>
      %dma_start3A_2463 = tpu.memref_squeeze %dma_start3A_2462 : memref<1x1x128xi32, #tpu.memory_space<vmem>> -> memref<128xi32, #tpu.memory_space<vmem>>
      %dma_start3A_2464 = arith.constant 0 : i32
      %dma_start3A_2465 = arith.constant 0 : i32
      %dma_start3A_2466 = tpu.memref_slice %arg21[%dma_start3A_2464, %dma_start3A_2465] : memref<10240x16xf32, #tpu.memory_space<vmem_shared>> -> memref<10240x16xf32, #tpu.memory_space<vmem_shared>>
      tpu.enqueue_indirect_dma source(%dma_start3A_2466 : memref<10240x16xf32, #tpu.memory_space<vmem_shared>>) target(%arg18 : memref<128x16xf32, #tpu.memory_space<vmem>>) offsets(%dma_start3A_2463 : memref<128xi32, #tpu.memory_space<vmem>>) semaphore(%arg25 : memref<!tpu.dma_semaphore, #tpu.memory_space<semaphore_mem>>)
      %dma_wait3A_2467 = arith.constant 0 : i32
      %dma_wait3A_2468 = arith.constant 0 : i32
      %dma_wait3A_2469 = tpu.memref_slice %arg7[%add3A_2448, %dma_wait3A_2467, %dma_wait3A_2468] : memref<79x2x128xi32, #tpu.memory_space<vmem>> -> memref<1x1x128xi32, #tpu.memory_space<vmem>>
      %dma_wait3A_2470 = tpu.memref_squeeze %dma_wait3A_2469 : memref<1x1x128xi32, #tpu.memory_space<vmem>> -> memref<128xi32, #tpu.memory_space<vmem>>
      %dma_wait3A_2471 = arith.constant 0 : i32
      %dma_wait3A_2472 = arith.constant 0 : i32
      %dma_wait3A_2473 = tpu.memref_slice %arg21[%dma_wait3A_2471, %dma_wait3A_2472] : memref<10240x16xf32, #tpu.memory_space<vmem_shared>> -> memref<10240x16xf32, #tpu.memory_space<vmem_shared>>
      tpu.wait_indirect_dma semaphore(%arg23 : memref<!tpu.dma_semaphore, #tpu.memory_space<semaphore_mem>>) src(%dma_wait3A_2473 : memref<10240x16xf32, #tpu.memory_space<vmem_shared>>) dst(%arg16 : memref<128x16xf32, #tpu.memory_space<vmem>>)
      %dma_start3A_2474 = arith.constant 1 : i32
      %dma_start3A_2475 = arith.constant 0 : i32
      %dma_start3A_2476 = tpu.memref_slice %arg7[%add3A_2448, %dma_start3A_2474, %dma_start3A_2475] : memref<79x2x128xi32, #tpu.memory_space<vmem>> -> memref<1x1x128xi32, #tpu.memory_space<vmem>>
      %dma_start3A_2477 = tpu.memref_squeeze %dma_start3A_2476 : memref<1x1x128xi32, #tpu.memory_space<vmem>> -> memref<128xi32, #tpu.memory_space<vmem>>
      %dma_start3A_2478 = arith.constant 0 : i32
      %dma_start3A_2479 = arith.constant 0 : i32
      %dma_start3A_2480 = tpu.memref_slice %arg22[%dma_start3A_2478, %dma_start3A_2479] : memref<10240x16xf32, #tpu.memory_space<vmem_shared>> -> memref<10240x16xf32, #tpu.memory_space<vmem_shared>>
      tpu.enqueue_indirect_dma source(%arg16 : memref<128x16xf32, #tpu.memory_space<vmem>>) target(%dma_start3A_2480 : memref<10240x16xf32, #tpu.memory_space<vmem_shared>>) offsets(%dma_start3A_2477 : memref<128xi32, #tpu.memory_space<vmem>>) semaphore(%arg27 : memref<!tpu.dma_semaphore, #tpu.memory_space<semaphore_mem>>) {add = true}
      %add3A_2481 = arith.constant 3 : i32
      %add3A_2482 = arith.addi %add3A_2378, %add3A_2481 : i32
      %sub3A_2483 = arith.constant 2 : i32
      %sub3A_2484 = arith.subi %add3A_2482, %sub3A_2483 : i32
      %dma_wait3A_2485 = arith.constant 1 : i32
      %dma_wait3A_2486 = arith.constant 0 : i32
      %dma_wait3A_2487 = tpu.memref_slice %arg7[%sub3A_2484, %dma_wait3A_2485, %dma_wait3A_2486] : memref<79x2x128xi32, #tpu.memory_space<vmem>> -> memref<1x1x128xi32, #tpu.memory_space<vmem>>
      %dma_wait3A_2488 = tpu.memref_squeeze %dma_wait3A_2487 : memref<1x1x128xi32, #tpu.memory_space<vmem>> -> memref<128xi32, #tpu.memory_space<vmem>>
      %dma_wait3A_2489 = arith.constant 0 : i32
      %dma_wait3A_2490 = arith.constant 0 : i32
      %dma_wait3A_2491 = tpu.memref_slice %arg22[%dma_wait3A_2489, %dma_wait3A_2490] : memref<10240x16xf32, #tpu.memory_space<vmem_shared>> -> memref<10240x16xf32, #tpu.memory_space<vmem_shared>>
      tpu.wait_indirect_dma semaphore(%arg30 : memref<!tpu.dma_semaphore, #tpu.memory_space<semaphore_mem>>) src(%arg19 : memref<128x16xf32, #tpu.memory_space<vmem>>) dst(%dma_wait3A_2491 : memref<10240x16xf32, #tpu.memory_space<vmem_shared>>)
      %add3A_2492 = arith.constant 2 : i32
      %add3A_2493 = arith.addi %add3A_2482, %add3A_2492 : i32
      %dma_start3A_2494 = arith.constant 0 : i32
      %dma_start3A_2495 = arith.constant 0 : i32
      %dma_start3A_2496 = tpu.memref_slice %arg7[%add3A_2493, %dma_start3A_2494, %dma_start3A_2495] : memref<79x2x128xi32, #tpu.memory_space<vmem>> -> memref<1x1x128xi32, #tpu.memory_space<vmem>>
      %dma_start3A_2497 = tpu.memref_squeeze %dma_start3A_2496 : memref<1x1x128xi32, #tpu.memory_space<vmem>> -> memref<128xi32, #tpu.memory_space<vmem>>
      %dma_start3A_2498 = arith.constant 0 : i32
      %dma_start3A_2499 = arith.constant 0 : i32
      %dma_start3A_2500 = tpu.memref_slice %arg21[%dma_start3A_2498, %dma_start3A_2499] : memref<10240x16xf32, #tpu.memory_space<vmem_shared>> -> memref<10240x16xf32, #tpu.memory_space<vmem_shared>>
      tpu.enqueue_indirect_dma source(%dma_start3A_2500 : memref<10240x16xf32, #tpu.memory_space<vmem_shared>>) target(%arg19 : memref<128x16xf32, #tpu.memory_space<vmem>>) offsets(%dma_start3A_2497 : memref<128xi32, #tpu.memory_space<vmem>>) semaphore(%arg26 : memref<!tpu.dma_semaphore, #tpu.memory_space<semaphore_mem>>)
      %dma_wait3A_2501 = arith.constant 0 : i32
      %dma_wait3A_2502 = arith.constant 0 : i32
      %dma_wait3A_2503 = tpu.memref_slice %arg7[%add3A_2482, %dma_wait3A_2501, %dma_wait3A_2502] : memref<79x2x128xi32, #tpu.memory_space<vmem>> -> memref<1x1x128xi32, #tpu.memory_space<vmem>>
      %dma_wait3A_2504 = tpu.memref_squeeze %dma_wait3A_2503 : memref<1x1x128xi32, #tpu.memory_space<vmem>> -> memref<128xi32, #tpu.memory_space<vmem>>
      %dma_wait3A_2505 = arith.constant 0 : i32
      %dma_wait3A_2506 = arith.constant 0 : i32
      %dma_wait3A_2507 = tpu.memref_slice %arg21[%dma_wait3A_2505, %dma_wait3A_2506] : memref<10240x16xf32, #tpu.memory_space<vmem_shared>> -> memref<10240x16xf32, #tpu.memory_space<vmem_shared>>
      tpu.wait_indirect_dma semaphore(%arg24 : memref<!tpu.dma_semaphore, #tpu.memory_space<semaphore_mem>>) src(%dma_wait3A_2507 : memref<10240x16xf32, #tpu.memory_space<vmem_shared>>) dst(%arg17 : memref<128x16xf32, #tpu.memory_space<vmem>>)
      %dma_start3A_2508 = arith.constant 1 : i32
      %dma_start3A_2509 = arith.constant 0 : i32
      %dma_start3A_2510 = tpu.memref_slice %arg7[%add3A_2482, %dma_start3A_2508, %dma_start3A_2509] : memref<79x2x128xi32, #tpu.memory_space<vmem>> -> memref<1x1x128xi32, #tpu.memory_space<vmem>>
      %dma_start3A_2511 = tpu.memref_squeeze %dma_start3A_2510 : memref<1x1x128xi32, #tpu.memory_space<vmem>> -> memref<128xi32, #tpu.memory_space<vmem>>
      %dma_start3A_2512 = arith.constant 0 : i32
      %dma_start3A_2513 = arith.constant 0 : i32
      %dma_start3A_2514 = tpu.memref_slice %arg22[%dma_start3A_2512, %dma_start3A_2513] : memref<10240x16xf32, #tpu.memory_space<vmem_shared>> -> memref<10240x16xf32, #tpu.memory_space<vmem_shared>>
      tpu.enqueue_indirect_dma source(%arg17 : memref<128x16xf32, #tpu.memory_space<vmem>>) target(%dma_start3A_2514 : memref<10240x16xf32, #tpu.memory_space<vmem_shared>>) offsets(%dma_start3A_2511 : memref<128xi32, #tpu.memory_space<vmem>>) semaphore(%arg28 : memref<!tpu.dma_semaphore, #tpu.memory_space<semaphore_mem>>) {add = true}
      %scan3A_2515 = arith.constant 0 : i32
      scf.yield %scan3A_2515 : i32
    }
    %scan3A_2234 = arith.constant 18 : i32
    %dma_wait3A_2235 = arith.constant 72 : i32
    %dma_wait3A_2236 = arith.constant 1 : i32
    %dma_wait3A_2237 = arith.constant 0 : i32
    %dma_wait3A_2238 = tpu.memref_slice %arg7[%dma_wait3A_2235, %dma_wait3A_2236, %dma_wait3A_2237] : memref<79x2x128xi32, #tpu.memory_space<vmem>> -> memref<1x1x128xi32, #tpu.memory_space<vmem>>
    %dma_wait3A_2239 = tpu.memref_squeeze %dma_wait3A_2238 : memref<1x1x128xi32, #tpu.memory_space<vmem>> -> memref<128xi32, #tpu.memory_space<vmem>>
    %dma_wait3A_2240 = arith.constant 0 : i32
    %dma_wait3A_2241 = arith.constant 0 : i32
    %dma_wait3A_2242 = tpu.memref_slice %arg22[%dma_wait3A_2240, %dma_wait3A_2241] : memref<10240x16xf32, #tpu.memory_space<vmem_shared>> -> memref<10240x16xf32, #tpu.memory_space<vmem_shared>>
    tpu.wait_indirect_dma semaphore(%arg27 : memref<!tpu.dma_semaphore, #tpu.memory_space<semaphore_mem>>) src(%arg16 : memref<128x16xf32, #tpu.memory_space<vmem>>) dst(%dma_wait3A_2242 : memref<10240x16xf32, #tpu.memory_space<vmem_shared>>)
    %dma_start3A_2243 = arith.constant 76 : i32
    %dma_start3A_2244 = arith.constant 0 : i32
    %dma_start3A_2245 = arith.constant 0 : i32
    %dma_start3A_2246 = tpu.memref_slice %arg7[%dma_start3A_2243, %dma_start3A_2244, %dma_start3A_2245] : memref<79x2x128xi32, #tpu.memory_space<vmem>> -> memref<1x1x128xi32, #tpu.memory_space<vmem>>
    %dma_start3A_2247 = tpu.memref_squeeze %dma_start3A_2246 : memref<1x1x128xi32, #tpu.memory_space<vmem>> -> memref<128xi32, #tpu.memory_space<vmem>>
    %dma_start3A_2248 = arith.constant 0 : i32
    %dma_start3A_2249 = arith.constant 0 : i32
    %dma_start3A_2250 = tpu.memref_slice %arg21[%dma_start3A_2248, %dma_start3A_2249] : memref<10240x16xf32, #tpu.memory_space<vmem_shared>> -> memref<10240x16xf32, #tpu.memory_space<vmem_shared>>
    tpu.enqueue_indirect_dma source(%dma_start3A_2250 : memref<10240x16xf32, #tpu.memory_space<vmem_shared>>) target(%arg16 : memref<128x16xf32, #tpu.memory_space<vmem>>) offsets(%dma_start3A_2247 : memref<128xi32, #tpu.memory_space<vmem>>) semaphore(%arg23 : memref<!tpu.dma_semaphore, #tpu.memory_space<semaphore_mem>>)
    %dma_wait3A_2251 = arith.constant 74 : i32
    %dma_wait3A_2252 = arith.constant 0 : i32
    %dma_wait3A_2253 = arith.constant 0 : i32
    %dma_wait3A_2254 = tpu.memref_slice %arg7[%dma_wait3A_2251, %dma_wait3A_2252, %dma_wait3A_2253] : memref<79x2x128xi32, #tpu.memory_space<vmem>> -> memref<1x1x128xi32, #tpu.memory_space<vmem>>
    %dma_wait3A_2255 = tpu.memref_squeeze %dma_wait3A_2254 : memref<1x1x128xi32, #tpu.memory_space<vmem>> -> memref<128xi32, #tpu.memory_space<vmem>>
    %dma_wait3A_2256 = arith.constant 0 : i32
    %dma_wait3A_2257 = arith.constant 0 : i32
    %dma_wait3A_2258 = tpu.memref_slice %arg21[%dma_wait3A_2256, %dma_wait3A_2257] : memref<10240x16xf32, #tpu.memory_space<vmem_shared>> -> memref<10240x16xf32, #tpu.memory_space<vmem_shared>>
    tpu.wait_indirect_dma semaphore(%arg25 : memref<!tpu.dma_semaphore, #tpu.memory_space<semaphore_mem>>) src(%dma_wait3A_2258 : memref<10240x16xf32, #tpu.memory_space<vmem_shared>>) dst(%arg18 : memref<128x16xf32, #tpu.memory_space<vmem>>)
    %dma_start3A_2259 = arith.constant 74 : i32
    %dma_start3A_2260 = arith.constant 1 : i32
    %dma_start3A_2261 = arith.constant 0 : i32
    %dma_start3A_2262 = tpu.memref_slice %arg7[%dma_start3A_2259, %dma_start3A_2260, %dma_start3A_2261] : memref<79x2x128xi32, #tpu.memory_space<vmem>> -> memref<1x1x128xi32, #tpu.memory_space<vmem>>
    %dma_start3A_2263 = tpu.memref_squeeze %dma_start3A_2262 : memref<1x1x128xi32, #tpu.memory_space<vmem>> -> memref<128xi32, #tpu.memory_space<vmem>>
    %dma_start3A_2264 = arith.constant 0 : i32
    %dma_start3A_2265 = arith.constant 0 : i32
    %dma_start3A_2266 = tpu.memref_slice %arg22[%dma_start3A_2264, %dma_start3A_2265] : memref<10240x16xf32, #tpu.memory_space<vmem_shared>> -> memref<10240x16xf32, #tpu.memory_space<vmem_shared>>
    tpu.enqueue_indirect_dma source(%arg18 : memref<128x16xf32, #tpu.memory_space<vmem>>) target(%dma_start3A_2266 : memref<10240x16xf32, #tpu.memory_space<vmem_shared>>) offsets(%dma_start3A_2263 : memref<128xi32, #tpu.memory_space<vmem>>) semaphore(%arg29 : memref<!tpu.dma_semaphore, #tpu.memory_space<semaphore_mem>>) {add = true}
    %dma_wait3A_2267 = arith.constant 73 : i32
    %dma_wait3A_2268 = arith.constant 1 : i32
    %dma_wait3A_2269 = arith.constant 0 : i32
    %dma_wait3A_2270 = tpu.memref_slice %arg7[%dma_wait3A_2267, %dma_wait3A_2268, %dma_wait3A_2269] : memref<79x2x128xi32, #tpu.memory_space<vmem>> -> memref<1x1x128xi32, #tpu.memory_space<vmem>>
    %dma_wait3A_2271 = tpu.memref_squeeze %dma_wait3A_2270 : memref<1x1x128xi32, #tpu.memory_space<vmem>> -> memref<128xi32, #tpu.memory_space<vmem>>
    %dma_wait3A_2272 = arith.constant 0 : i32
    %dma_wait3A_2273 = arith.constant 0 : i32
    %dma_wait3A_2274 = tpu.memref_slice %arg22[%dma_wait3A_2272, %dma_wait3A_2273] : memref<10240x16xf32, #tpu.memory_space<vmem_shared>> -> memref<10240x16xf32, #tpu.memory_space<vmem_shared>>
    tpu.wait_indirect_dma semaphore(%arg28 : memref<!tpu.dma_semaphore, #tpu.memory_space<semaphore_mem>>) src(%arg17 : memref<128x16xf32, #tpu.memory_space<vmem>>) dst(%dma_wait3A_2274 : memref<10240x16xf32, #tpu.memory_space<vmem_shared>>)
    %dma_start3A_2275 = arith.constant 77 : i32
    %dma_start3A_2276 = arith.constant 0 : i32
    %dma_start3A_2277 = arith.constant 0 : i32
    %dma_start3A_2278 = tpu.memref_slice %arg7[%dma_start3A_2275, %dma_start3A_2276, %dma_start3A_2277] : memref<79x2x128xi32, #tpu.memory_space<vmem>> -> memref<1x1x128xi32, #tpu.memory_space<vmem>>
    %dma_start3A_2279 = tpu.memref_squeeze %dma_start3A_2278 : memref<1x1x128xi32, #tpu.memory_space<vmem>> -> memref<128xi32, #tpu.memory_space<vmem>>
    %dma_start3A_2280 = arith.constant 0 : i32
    %dma_start3A_2281 = arith.constant 0 : i32
    %dma_start3A_2282 = tpu.memref_slice %arg21[%dma_start3A_2280, %dma_start3A_2281] : memref<10240x16xf32, #tpu.memory_space<vmem_shared>> -> memref<10240x16xf32, #tpu.memory_space<vmem_shared>>
    tpu.enqueue_indirect_dma source(%dma_start3A_2282 : memref<10240x16xf32, #tpu.memory_space<vmem_shared>>) target(%arg17 : memref<128x16xf32, #tpu.memory_space<vmem>>) offsets(%dma_start3A_2279 : memref<128xi32, #tpu.memory_space<vmem>>) semaphore(%arg24 : memref<!tpu.dma_semaphore, #tpu.memory_space<semaphore_mem>>)
    %dma_wait3A_2283 = arith.constant 75 : i32
    %dma_wait3A_2284 = arith.constant 0 : i32
    %dma_wait3A_2285 = arith.constant 0 : i32
    %dma_wait3A_2286 = tpu.memref_slice %arg7[%dma_wait3A_2283, %dma_wait3A_2284, %dma_wait3A_2285] : memref<79x2x128xi32, #tpu.memory_space<vmem>> -> memref<1x1x128xi32, #tpu.memory_space<vmem>>
    %dma_wait3A_2287 = tpu.memref_squeeze %dma_wait3A_2286 : memref<1x1x128xi32, #tpu.memory_space<vmem>> -> memref<128xi32, #tpu.memory_space<vmem>>
    %dma_wait3A_2288 = arith.constant 0 : i32
    %dma_wait3A_2289 = arith.constant 0 : i32
    %dma_wait3A_2290 = tpu.memref_slice %arg21[%dma_wait3A_2288, %dma_wait3A_2289] : memref<10240x16xf32, #tpu.memory_space<vmem_shared>> -> memref<10240x16xf32, #tpu.memory_space<vmem_shared>>
    tpu.wait_indirect_dma semaphore(%arg26 : memref<!tpu.dma_semaphore, #tpu.memory_space<semaphore_mem>>) src(%dma_wait3A_2290 : memref<10240x16xf32, #tpu.memory_space<vmem_shared>>) dst(%arg19 : memref<128x16xf32, #tpu.memory_space<vmem>>)
    %dma_start3A_2291 = arith.constant 75 : i32
    %dma_start3A_2292 = arith.constant 1 : i32
    %dma_start3A_2293 = arith.constant 0 : i32
    %dma_start3A_2294 = tpu.memref_slice %arg7[%dma_start3A_2291, %dma_start3A_2292, %dma_start3A_2293] : memref<79x2x128xi32, #tpu.memory_space<vmem>> -> memref<1x1x128xi32, #tpu.memory_space<vmem>>
    %dma_start3A_2295 = tpu.memref_squeeze %dma_start3A_2294 : memref<1x1x128xi32, #tpu.memory_space<vmem>> -> memref<128xi32, #tpu.memory_space<vmem>>
    %dma_start3A_2296 = arith.constant 0 : i32
    %dma_start3A_2297 = arith.constant 0 : i32
    %dma_start3A_2298 = tpu.memref_slice %arg22[%dma_start3A_2296, %dma_start3A_2297] : memref<10240x16xf32, #tpu.memory_space<vmem_shared>> -> memref<10240x16xf32, #tpu.memory_space<vmem_shared>>
    tpu.enqueue_indirect_dma source(%arg19 : memref<128x16xf32, #tpu.memory_space<vmem>>) target(%dma_start3A_2298 : memref<10240x16xf32, #tpu.memory_space<vmem_shared>>) offsets(%dma_start3A_2295 : memref<128xi32, #tpu.memory_space<vmem>>) semaphore(%arg30 : memref<!tpu.dma_semaphore, #tpu.memory_space<semaphore_mem>>) {add = true}
    %dma_wait3A_2299 = arith.constant 74 : i32
    %dma_wait3A_2300 = arith.constant 1 : i32
    %dma_wait3A_2301 = arith.constant 0 : i32
    %dma_wait3A_2302 = tpu.memref_slice %arg7[%dma_wait3A_2299, %dma_wait3A_2300, %dma_wait3A_2301] : memref<79x2x128xi32, #tpu.memory_space<vmem>> -> memref<1x1x128xi32, #tpu.memory_space<vmem>>
    %dma_wait3A_2303 = tpu.memref_squeeze %dma_wait3A_2302 : memref<1x1x128xi32, #tpu.memory_space<vmem>> -> memref<128xi32, #tpu.memory_space<vmem>>
    %dma_wait3A_2304 = arith.constant 0 : i32
    %dma_wait3A_2305 = arith.constant 0 : i32
    %dma_wait3A_2306 = tpu.memref_slice %arg22[%dma_wait3A_2304, %dma_wait3A_2305] : memref<10240x16xf32, #tpu.memory_space<vmem_shared>> -> memref<10240x16xf32, #tpu.memory_space<vmem_shared>>
    tpu.wait_indirect_dma semaphore(%arg29 : memref<!tpu.dma_semaphore, #tpu.memory_space<semaphore_mem>>) src(%arg18 : memref<128x16xf32, #tpu.memory_space<vmem>>) dst(%dma_wait3A_2306 : memref<10240x16xf32, #tpu.memory_space<vmem_shared>>)
    %dma_wait3A_2307 = arith.constant 76 : i32
    %dma_wait3A_2308 = arith.constant 0 : i32
    %dma_wait3A_2309 = arith.constant 0 : i32
    %dma_wait3A_2310 = tpu.memref_slice %arg7[%dma_wait3A_2307, %dma_wait3A_2308, %dma_wait3A_2309] : memref<79x2x128xi32, #tpu.memory_space<vmem>> -> memref<1x1x128xi32, #tpu.memory_space<vmem>>
    %dma_wait3A_2311 = tpu.memref_squeeze %dma_wait3A_2310 : memref<1x1x128xi32, #tpu.memory_space<vmem>> -> memref<128xi32, #tpu.memory_space<vmem>>
    %dma_wait3A_2312 = arith.constant 0 : i32
    %dma_wait3A_2313 = arith.constant 0 : i32
    %dma_wait3A_2314 = tpu.memref_slice %arg21[%dma_wait3A_2312, %dma_wait3A_2313] : memref<10240x16xf32, #tpu.memory_space<vmem_shared>> -> memref<10240x16xf32, #tpu.memory_space<vmem_shared>>
    tpu.wait_indirect_dma semaphore(%arg23 : memref<!tpu.dma_semaphore, #tpu.memory_space<semaphore_mem>>) src(%dma_wait3A_2314 : memref<10240x16xf32, #tpu.memory_space<vmem_shared>>) dst(%arg16 : memref<128x16xf32, #tpu.memory_space<vmem>>)
    %dma_start3A_2315 = arith.constant 76 : i32
    %dma_start3A_2316 = arith.constant 1 : i32
    %dma_start3A_2317 = arith.constant 0 : i32
    %dma_start3A_2318 = tpu.memref_slice %arg7[%dma_start3A_2315, %dma_start3A_2316, %dma_start3A_2317] : memref<79x2x128xi32, #tpu.memory_space<vmem>> -> memref<1x1x128xi32, #tpu.memory_space<vmem>>
    %dma_start3A_2319 = tpu.memref_squeeze %dma_start3A_2318 : memref<1x1x128xi32, #tpu.memory_space<vmem>> -> memref<128xi32, #tpu.memory_space<vmem>>
    %dma_start3A_2320 = arith.constant 0 : i32
    %dma_start3A_2321 = arith.constant 0 : i32
    %dma_start3A_2322 = tpu.memref_slice %arg22[%dma_start3A_2320, %dma_start3A_2321] : memref<10240x16xf32, #tpu.memory_space<vmem_shared>> -> memref<10240x16xf32, #tpu.memory_space<vmem_shared>>
    tpu.enqueue_indirect_dma source(%arg16 : memref<128x16xf32, #tpu.memory_space<vmem>>) target(%dma_start3A_2322 : memref<10240x16xf32, #tpu.memory_space<vmem_shared>>) offsets(%dma_start3A_2319 : memref<128xi32, #tpu.memory_space<vmem>>) semaphore(%arg27 : memref<!tpu.dma_semaphore, #tpu.memory_space<semaphore_mem>>) {add = true}
    %dma_wait3A_2323 = arith.constant 75 : i32
    %dma_wait3A_2324 = arith.constant 1 : i32
    %dma_wait3A_2325 = arith.constant 0 : i32
    %dma_wait3A_2326 = tpu.memref_slice %arg7[%dma_wait3A_2323, %dma_wait3A_2324, %dma_wait3A_2325] : memref<79x2x128xi32, #tpu.memory_space<vmem>> -> memref<1x1x128xi32, #tpu.memory_space<vmem>>
    %dma_wait3A_2327 = tpu.memref_squeeze %dma_wait3A_2326 : memref<1x1x128xi32, #tpu.memory_space<vmem>> -> memref<128xi32, #tpu.memory_space<vmem>>
    %dma_wait3A_2328 = arith.constant 0 : i32
    %dma_wait3A_2329 = arith.constant 0 : i32
    %dma_wait3A_2330 = tpu.memref_slice %arg22[%dma_wait3A_2328, %dma_wait3A_2329] : memref<10240x16xf32, #tpu.memory_space<vmem_shared>> -> memref<10240x16xf32, #tpu.memory_space<vmem_shared>>
    tpu.wait_indirect_dma semaphore(%arg30 : memref<!tpu.dma_semaphore, #tpu.memory_space<semaphore_mem>>) src(%arg19 : memref<128x16xf32, #tpu.memory_space<vmem>>) dst(%dma_wait3A_2330 : memref<10240x16xf32, #tpu.memory_space<vmem_shared>>)
    %dma_wait3A_2331 = arith.constant 77 : i32
    %dma_wait3A_2332 = arith.constant 0 : i32
    %dma_wait3A_2333 = arith.constant 0 : i32
    %dma_wait3A_2334 = tpu.memref_slice %arg7[%dma_wait3A_2331, %dma_wait3A_2332, %dma_wait3A_2333] : memref<79x2x128xi32, #tpu.memory_space<vmem>> -> memref<1x1x128xi32, #tpu.memory_space<vmem>>
    %dma_wait3A_2335 = tpu.memref_squeeze %dma_wait3A_2334 : memref<1x1x128xi32, #tpu.memory_space<vmem>> -> memref<128xi32, #tpu.memory_space<vmem>>
    %dma_wait3A_2336 = arith.constant 0 : i32
    %dma_wait3A_2337 = arith.constant 0 : i32
    %dma_wait3A_2338 = tpu.memref_slice %arg21[%dma_wait3A_2336, %dma_wait3A_2337] : memref<10240x16xf32, #tpu.memory_space<vmem_shared>> -> memref<10240x16xf32, #tpu.memory_space<vmem_shared>>
    tpu.wait_indirect_dma semaphore(%arg24 : memref<!tpu.dma_semaphore, #tpu.memory_space<semaphore_mem>>) src(%dma_wait3A_2338 : memref<10240x16xf32, #tpu.memory_space<vmem_shared>>) dst(%arg17 : memref<128x16xf32, #tpu.memory_space<vmem>>)
    %dma_start3A_2339 = arith.constant 77 : i32
    %dma_start3A_2340 = arith.constant 1 : i32
    %dma_start3A_2341 = arith.constant 0 : i32
    %dma_start3A_2342 = tpu.memref_slice %arg7[%dma_start3A_2339, %dma_start3A_2340, %dma_start3A_2341] : memref<79x2x128xi32, #tpu.memory_space<vmem>> -> memref<1x1x128xi32, #tpu.memory_space<vmem>>
    %dma_start3A_2343 = tpu.memref_squeeze %dma_start3A_2342 : memref<1x1x128xi32, #tpu.memory_space<vmem>> -> memref<128xi32, #tpu.memory_space<vmem>>
    %dma_start3A_2344 = arith.constant 0 : i32
    %dma_start3A_2345 = arith.constant 0 : i32
    %dma_start3A_2346 = tpu.memref_slice %arg22[%dma_start3A_2344, %dma_start3A_2345] : memref<10240x16xf32, #tpu.memory_space<vmem_shared>> -> memref<10240x16xf32, #tpu.memory_space<vmem_shared>>
    tpu.enqueue_indirect_dma source(%arg17 : memref<128x16xf32, #tpu.memory_space<vmem>>) target(%dma_start3A_2346 : memref<10240x16xf32, #tpu.memory_space<vmem_shared>>) offsets(%dma_start3A_2343 : memref<128xi32, #tpu.memory_space<vmem>>) semaphore(%arg28 : memref<!tpu.dma_semaphore, #tpu.memory_space<semaphore_mem>>) {add = true}
    %dma_wait3A_2347 = arith.constant 76 : i32
    %dma_wait3A_2348 = arith.constant 1 : i32
    %dma_wait3A_2349 = arith.constant 0 : i32
    %dma_wait3A_2350 = tpu.memref_slice %arg7[%dma_wait3A_2347, %dma_wait3A_2348, %dma_wait3A_2349] : memref<79x2x128xi32, #tpu.memory_space<vmem>> -> memref<1x1x128xi32, #tpu.memory_space<vmem>>
    %dma_wait3A_2351 = tpu.memref_squeeze %dma_wait3A_2350 : memref<1x1x128xi32, #tpu.memory_space<vmem>> -> memref<128xi32, #tpu.memory_space<vmem>>
    %dma_wait3A_2352 = arith.constant 0 : i32
    %dma_wait3A_2353 = arith.constant 0 : i32
    %dma_wait3A_2354 = tpu.memref_slice %arg22[%dma_wait3A_2352, %dma_wait3A_2353] : memref<10240x16xf32, #tpu.memory_space<vmem_shared>> -> memref<10240x16xf32, #tpu.memory_space<vmem_shared>>
    tpu.wait_indirect_dma semaphore(%arg27 : memref<!tpu.dma_semaphore, #tpu.memory_space<semaphore_mem>>) src(%arg16 : memref<128x16xf32, #tpu.memory_space<vmem>>) dst(%dma_wait3A_2354 : memref<10240x16xf32, #tpu.memory_space<vmem_shared>>)
    %dma_wait3A_2355 = arith.constant 77 : i32
    %dma_wait3A_2356 = arith.constant 1 : i32
    %dma_wait3A_2357 = arith.constant 0 : i32
    %dma_wait3A_2358 = tpu.memref_slice %arg7[%dma_wait3A_2355, %dma_wait3A_2356, %dma_wait3A_2357] : memref<79x2x128xi32, #tpu.memory_space<vmem>> -> memref<1x1x128xi32, #tpu.memory_space<vmem>>
    %dma_wait3A_2359 = tpu.memref_squeeze %dma_wait3A_2358 : memref<1x1x128xi32, #tpu.memory_space<vmem>> -> memref<128xi32, #tpu.memory_space<vmem>>
    %dma_wait3A_2360 = arith.constant 0 : i32
    %dma_wait3A_2361 = arith.constant 0 : i32
    %dma_wait3A_2362 = tpu.memref_slice %arg22[%dma_wait3A_2360, %dma_wait3A_2361] : memref<10240x16xf32, #tpu.memory_space<vmem_shared>> -> memref<10240x16xf32, #tpu.memory_space<vmem_shared>>
    tpu.wait_indirect_dma semaphore(%arg28 : memref<!tpu.dma_semaphore, #tpu.memory_space<semaphore_mem>>) src(%arg17 : memref<128x16xf32, #tpu.memory_space<vmem>>) dst(%dma_wait3A_2362 : memref<10240x16xf32, #tpu.memory_space<vmem_shared>>)
    %lt3A_2363 = arith.constant 4 : i32
    %lt3A_2364 = arith.cmpi slt, %add3A, %lt3A_2363 : i32
    %convert_element_type3A_2365 = arith.extui %lt3A_2364 : i1 to i32
    %cond3A_2366 = arith.constant 0 : i32
    %cond3A_2367 = arith.cmpi ne, %convert_element_type3A_2365, %cond3A_2366 : i32
    scf.if %cond3A_2367 {
      %run_scoped3A = arith.constant 78 : i32
      %run_scoped3A_2373 = arith.constant 0 : i32
      "tpu.region"() ({
        %run_scoped3A_2376 = tpu.sem_alloc : memref<!tpu.dma_semaphore, #tpu.memory_space<semaphore_mem>>
        %dma_start3A_2377 = arith.constant 0 : i32
        %dma_start3A_2378 = tpu.memref_slice %arg7[%run_scoped3A, %run_scoped3A_2373, %dma_start3A_2377] : memref<79x2x128xi32, #tpu.memory_space<vmem>> -> memref<1x1x128xi32, #tpu.memory_space<vmem>>
        %dma_start3A_2379 = tpu.memref_squeeze %dma_start3A_2378 : memref<1x1x128xi32, #tpu.memory_space<vmem>> -> memref<128xi32, #tpu.memory_space<vmem>>
        %dma_start3A_2380 = arith.constant 0 : i32
        %dma_start3A_2381 = arith.constant 0 : i32
        %dma_start3A_2382 = tpu.memref_slice %arg21[%dma_start3A_2380, %dma_start3A_2381] : memref<10240x16xf32, #tpu.memory_space<vmem_shared>> -> memref<10240x16xf32, #tpu.memory_space<vmem_shared>>
        tpu.enqueue_indirect_dma source(%dma_start3A_2382 : memref<10240x16xf32, #tpu.memory_space<vmem_shared>>) target(%arg16 : memref<128x16xf32, #tpu.memory_space<vmem>>) offsets(%dma_start3A_2379 : memref<128xi32, #tpu.memory_space<vmem>>) semaphore(%run_scoped3A_2376 : memref<!tpu.dma_semaphore, #tpu.memory_space<semaphore_mem>>)
        %dma_wait3A_2383 = arith.constant 0 : i32
        %dma_wait3A_2384 = tpu.memref_slice %arg7[%run_scoped3A, %run_scoped3A_2373, %dma_wait3A_2383] : memref<79x2x128xi32, #tpu.memory_space<vmem>> -> memref<1x1x128xi32, #tpu.memory_space<vmem>>
        %dma_wait3A_2385 = tpu.memref_squeeze %dma_wait3A_2384 : memref<1x1x128xi32, #tpu.memory_space<vmem>> -> memref<128xi32, #tpu.memory_space<vmem>>
        %dma_wait3A_2386 = arith.constant 0 : i32
        %dma_wait3A_2387 = arith.constant 0 : i32
        %dma_wait3A_2388 = tpu.memref_slice %arg21[%dma_wait3A_2386, %dma_wait3A_2387] : memref<10240x16xf32, #tpu.memory_space<vmem_shared>> -> memref<10240x16xf32, #tpu.memory_space<vmem_shared>>
        tpu.wait_indirect_dma semaphore(%run_scoped3A_2376 : memref<!tpu.dma_semaphore, #tpu.memory_space<semaphore_mem>>) src(%dma_wait3A_2388 : memref<10240x16xf32, #tpu.memory_space<vmem_shared>>) dst(%arg16 : memref<128x16xf32, #tpu.memory_space<vmem>>)
        tpu.yield
      }) : () -> ()
      %run_scoped3A_2374 = arith.constant 78 : i32
      %run_scoped3A_2375 = arith.constant 1 : i32
      "tpu.region"() ({
        %run_scoped3A_2376 = tpu.sem_alloc : memref<!tpu.dma_semaphore, #tpu.memory_space<semaphore_mem>>
        %dma_start3A_2377 = arith.constant 0 : i32
        %dma_start3A_2378 = tpu.memref_slice %arg7[%run_scoped3A_2374, %run_scoped3A_2375, %dma_start3A_2377] : memref<79x2x128xi32, #tpu.memory_space<vmem>> -> memref<1x1x128xi32, #tpu.memory_space<vmem>>
        %dma_start3A_2379 = tpu.memref_squeeze %dma_start3A_2378 : memref<1x1x128xi32, #tpu.memory_space<vmem>> -> memref<128xi32, #tpu.memory_space<vmem>>
        %dma_start3A_2380 = arith.constant 0 : i32
        %dma_start3A_2381 = arith.constant 0 : i32
        %dma_start3A_2382 = tpu.memref_slice %arg22[%dma_start3A_2380, %dma_start3A_2381] : memref<10240x16xf32, #tpu.memory_space<vmem_shared>> -> memref<10240x16xf32, #tpu.memory_space<vmem_shared>>
        tpu.enqueue_indirect_dma source(%arg16 : memref<128x16xf32, #tpu.memory_space<vmem>>) target(%dma_start3A_2382 : memref<10240x16xf32, #tpu.memory_space<vmem_shared>>) offsets(%dma_start3A_2379 : memref<128xi32, #tpu.memory_space<vmem>>) semaphore(%run_scoped3A_2376 : memref<!tpu.dma_semaphore, #tpu.memory_space<semaphore_mem>>) {add = true}
        %dma_wait3A_2383 = arith.constant 0 : i32
        %dma_wait3A_2384 = tpu.memref_slice %arg7[%run_scoped3A_2374, %run_scoped3A_2375, %dma_wait3A_2383] : memref<79x2x128xi32, #tpu.memory_space<vmem>> -> memref<1x1x128xi32, #tpu.memory_space<vmem>>
        %dma_wait3A_2385 = tpu.memref_squeeze %dma_wait3A_2384 : memref<1x1x128xi32, #tpu.memory_space<vmem>> -> memref<128xi32, #tpu.memory_space<vmem>>
        %dma_wait3A_2386 = arith.constant 0 : i32
        %dma_wait3A_2387 = arith.constant 0 : i32
        %dma_wait3A_2388 = tpu.memref_slice %arg22[%dma_wait3A_2386, %dma_wait3A_2387] : memref<10240x16xf32, #tpu.memory_space<vmem_shared>> -> memref<10240x16xf32, #tpu.memory_space<vmem_shared>>
        tpu.wait_indirect_dma semaphore(%run_scoped3A_2376 : memref<!tpu.dma_semaphore, #tpu.memory_space<semaphore_mem>>) src(%arg16 : memref<128x16xf32, #tpu.memory_space<vmem>>) dst(%dma_wait3A_2388 : memref<10240x16xf32, #tpu.memory_space<vmem_shared>>)
        tpu.yield
      }) : () -> ()
    } else {
    }
    %barrier3A_2368 = arith.constant 0 : index
    tpu.barrier barrier_id(%barrier3A_2368)
    %mul3A_2369 = arith.constant 640 : i32
    %mul3A_2370 = arith.muli %arg1, %mul3A_2369 : i32
    %mul3A_2371 = arith.constant 640 : i32
    %mul3A_2372 = arith.muli %arg1, %mul3A_2371 : i32
    "tpu.region"() ({
      %run_scoped3A = tpu.sem_alloc : memref<!tpu.dma_semaphore, #tpu.memory_space<semaphore_mem>>
      %dma_start3A_2373 = arith.constant 0 : i32
      %dma_start3A_2374 = tpu.memref_slice %arg4[%arg0, %mul3A_2372, %dma_start3A_2373] : memref<2x10240x16xf32, #tpu.memory_space<hbm>> -> memref<1x640x16xf32, #tpu.memory_space<hbm>>
      %dma_start3A_2375 = tpu.memref_squeeze %dma_start3A_2374 : memref<1x640x16xf32, #tpu.memory_space<hbm>> -> memref<640x16xf32, #tpu.memory_space<hbm>>
      %dma_start3A_2376 = arith.constant 0 : i32
      %dma_start3A_2377 = tpu.memref_slice %arg22[%mul3A_2370, %dma_start3A_2376] : memref<10240x16xf32, #tpu.memory_space<vmem_shared>> -> memref<640x16xf32, #tpu.memory_space<vmem_shared>>
      tpu.enqueue_dma source(%dma_start3A_2377 : memref<640x16xf32, #tpu.memory_space<vmem_shared>>) target(%dma_start3A_2375 : memref<640x16xf32, #tpu.memory_space<hbm>>) target_semaphore(%run_scoped3A : memref<!tpu.dma_semaphore, #tpu.memory_space<semaphore_mem>>)
      %dma_wait3A_2378 = arith.constant 0 : i32
      %dma_wait3A_2379 = tpu.memref_slice %arg4[%arg0, %mul3A_2372, %dma_wait3A_2378] : memref<2x10240x16xf32, #tpu.memory_space<hbm>> -> memref<1x640x16xf32, #tpu.memory_space<hbm>>
      %dma_wait3A_2380 = tpu.memref_squeeze %dma_wait3A_2379 : memref<1x640x16xf32, #tpu.memory_space<hbm>> -> memref<640x16xf32, #tpu.memory_space<hbm>>
      %dma_wait3A_2381 = arith.constant 0 : i32
      %dma_wait3A_2382 = tpu.memref_slice %arg22[%mul3A_2370, %dma_wait3A_2381] : memref<10240x16xf32, #tpu.memory_space<vmem_shared>> -> memref<640x16xf32, #tpu.memory_space<vmem_shared>>
      tpu.wait_dma2 semaphore(%run_scoped3A : memref<!tpu.dma_semaphore, #tpu.memory_space<semaphore_mem>>) src(%dma_wait3A_2382 : memref<640x16xf32, #tpu.memory_space<vmem_shared>>) dst(%dma_wait3A_2380 : memref<640x16xf32, #tpu.memory_space<hbm>>)
      tpu.yield
    }) : () -> ()
    return
  }
}

module attributes {stable_mosaic.version = 14 : i64} {
  func.func @_tc1_body(%arg0: memref<10000x128xf32, #tpu.memory_space<vmem>>, %arg1: memref<128x128xf32, #tpu.memory_space<vmem>>, %arg2: memref<10240x128xf32, #tpu.memory_space<vmem>>) attributes {dimension_semantics = [], scalar_prefetch = 0 : i64, scratch_operands = 0 : i64, tpu.core_type = #tpu.core_type<tc>} {
    %get3A = arith.constant 0 : index
    %get3A_0 = arith.constant 0 : index
    %get3A_1 = vector.load %arg0[%get3A, %get3A_0] : memref<10000x128xf32, #tpu.memory_space<vmem>>, vector<10000x128xf32>
    %get3A_2 = arith.constant 0 : index
    %get3A_3 = arith.constant 0 : index
    %get3A_4 = vector.load %arg1[%get3A_2, %get3A_3] : memref<128x128xf32, #tpu.memory_space<vmem>>, vector<128x128xf32>
    %dot_general3A = arith.constant dense<0.000000e+00> : vector<10000x128xf32>
    %dot_general3A_5 = tpu.matmul %get3A_1, %get3A_4, %dot_general3A {dimension_numbers = #tpu.dot_dimension_numbers<[1], [0], [0], [1], [0, 0, 1, 1], [], []>, precision = #tpu.contract_precision<fp32>, transpose_lhs_hint = false} : vector<10000x128xf32>, vector<128x128xf32>, vector<10000x128xf32> -> vector<10000x128xf32>
    %swap3A = arith.constant 0 : index
    %swap3A_6 = arith.constant 0 : index
    %swap3A_7 = vector.load %arg2[%swap3A, %swap3A_6] : memref<10240x128xf32, #tpu.memory_space<vmem>>, vector<10000x128xf32>
    tpu.vector_store %arg2[%swap3A, %swap3A_6], %dot_general3A_5 {strides = array<i32>} : memref<10240x128xf32, #tpu.memory_space<vmem>>, vector<10000x128xf32>,
    %broadcast_in_dim3A = arith.constant 0.000000e+00 : f32
    %broadcast_in_dim3A_8 = vector.broadcast %broadcast_in_dim3A : f32 to vector<240x128xf32>
    %swap3A_9 = arith.constant 10000 : index
    %swap3A_10 = arith.constant 0 : index
    %swap3A_11 = vector.load %arg2[%swap3A_9, %swap3A_10] : memref<10240x128xf32, #tpu.memory_space<vmem>>, vector<240x128xf32>
    tpu.vector_store %arg2[%swap3A_9, %swap3A_10], %broadcast_in_dim3A_8 {strides = array<i32>} : memref<10240x128xf32, #tpu.memory_space<vmem>>, vector<240x128xf32>,
    return
  }
}

module attributes {stable_mosaic.version = 14 : i64} {
  func.func @_tc2_body(%arg0: memref<2560x128xf32, #tpu.memory_space<vmem>>, %arg1: memref<1280x128xf32, #tpu.memory_space<vmem>>, %arg2: memref<1280x128xf32, #tpu.memory_space<vmem>>, %arg3: memref<1x128xf32, #tpu.memory_space<vmem>>, %arg4: memref<128x128xf32, #tpu.memory_space<vmem>>, %arg5: memref<1280x128xf32, #tpu.memory_space<vmem>>) attributes {dimension_semantics = [], scalar_prefetch = 0 : i64, scratch_operands = 0 : i64, tpu.core_type = #tpu.core_type<tc>} {
    %get3A = arith.constant 0 : index
    %get3A_0 = arith.constant 0 : index
    %get3A_1 = vector.load %arg0[%get3A, %get3A_0] : memref<2560x128xf32, #tpu.memory_space<vmem>>, vector<1280x128xf32>
    %get3A_2 = arith.constant 1280 : index
    %get3A_3 = arith.constant 0 : index
    %get3A_4 = vector.load %arg0[%get3A_2, %get3A_3] : memref<2560x128xf32, #tpu.memory_space<vmem>>, vector<1280x128xf32>
    %add3A = arith.addf %get3A_1, %get3A_4 : vector<1280x128xf32>
    %get3A_5 = arith.constant 0 : index
    %get3A_6 = arith.constant 0 : index
    %get3A_7 = vector.load %arg1[%get3A_5, %get3A_6] : memref<1280x128xf32, #tpu.memory_space<vmem>>, vector<1280x128xf32>
    %add3A_8 = arith.addf %add3A, %get3A_7 : vector<1280x128xf32>
    %get3A_9 = arith.constant 0 : index
    %get3A_10 = arith.constant 0 : index
    %get3A_11 = vector.load %arg2[%get3A_9, %get3A_10] : memref<1280x128xf32, #tpu.memory_space<vmem>>, vector<1280x128xf32>
    %mul3A = arith.mulf %get3A_11, %add3A_8 : vector<1280x128xf32>
    %get3A_12 = arith.constant 0 : index
    %get3A_13 = arith.constant 0 : index
    %get3A_14 = vector.load %arg3[%get3A_12, %get3A_13] : memref<1x128xf32, #tpu.memory_space<vmem>>, vector<1x128xf32>
    %add3A_15 = vector.broadcast %get3A_14 : vector<1x128xf32> to vector<1280x128xf32>
    %add3A_16 = arith.addf %mul3A, %add3A_15 : vector<1280x128xf32>
    %max3A = arith.constant 0.000000e+00 : f32
    %max3A_17 = vector.broadcast %max3A : f32 to vector<1280x128xf32>
    %max3A_18 = arith.maximumf %add3A_16, %max3A_17 : vector<1280x128xf32>
    %get3A_19 = arith.constant 0 : index
    %get3A_20 = arith.constant 0 : index
    %get3A_21 = vector.load %arg4[%get3A_19, %get3A_20] : memref<128x128xf32, #tpu.memory_space<vmem>>, vector<128x128xf32>
    %dot_general3A = arith.constant dense<0.000000e+00> : vector<1280x128xf32>
    %dot_general3A_22 = tpu.matmul %max3A_18, %get3A_21, %dot_general3A {dimension_numbers = #tpu.dot_dimension_numbers<[1], [0], [0], [1], [0, 0, 1, 1], [], []>, precision = #tpu.contract_precision<fp32>, transpose_lhs_hint = false} : vector<1280x128xf32>, vector<128x128xf32>, vector<1280x128xf32> -> vector<1280x128xf32>
    %get3A_23 = arith.constant 0 : index
    %get3A_24 = arith.constant 0 : index
    %get3A_25 = vector.load %arg2[%get3A_23, %get3A_24] : memref<1280x128xf32, #tpu.memory_space<vmem>>, vector<1280x128xf32>
    %mul3A_26 = arith.mulf %dot_general3A_22, %get3A_25 : vector<1280x128xf32>
    %swap3A = arith.constant 0 : index
    %swap3A_27 = arith.constant 0 : index
    %swap3A_28 = vector.load %arg5[%swap3A, %swap3A_27] : memref<1280x128xf32, #tpu.memory_space<vmem>>, vector<1280x128xf32>
    tpu.vector_store %arg5[%swap3A, %swap3A_27], %mul3A_26 {strides = array<i32>} : memref<1280x128xf32, #tpu.memory_space<vmem>>, vector<1280x128xf32>,
    return
  }
}

module attributes {stable_mosaic.version = 14 : i64} {
  func.func @_tc3_body(%arg0: memref<2560x128xf32, #tpu.memory_space<vmem>>, %arg1: memref<1280x128xf32, #tpu.memory_space<vmem>>, %arg2: memref<1280x128xf32, #tpu.memory_space<vmem>>, %arg3: memref<1x128xf32, #tpu.memory_space<vmem>>, %arg4: memref<128x128xf32, #tpu.memory_space<vmem>>, %arg5: memref<1280x128xf32, #tpu.memory_space<vmem>>) attributes {dimension_semantics = [], scalar_prefetch = 0 : i64, scratch_operands = 0 : i64, tpu.core_type = #tpu.core_type<tc>} {
    %get3A = arith.constant 0 : index
    %get3A_0 = arith.constant 0 : index
    %get3A_1 = vector.load %arg2[%get3A, %get3A_0] : memref<1280x128xf32, #tpu.memory_space<vmem>>, vector<1280x128xf32>
    %get3A_2 = arith.constant 0 : index
    %get3A_3 = arith.constant 0 : index
    %get3A_4 = vector.load %arg0[%get3A_2, %get3A_3] : memref<2560x128xf32, #tpu.memory_space<vmem>>, vector<1280x128xf32>
    %get3A_5 = arith.constant 1280 : index
    %get3A_6 = arith.constant 0 : index
    %get3A_7 = vector.load %arg0[%get3A_5, %get3A_6] : memref<2560x128xf32, #tpu.memory_space<vmem>>, vector<1280x128xf32>
    %add3A = arith.addf %get3A_4, %get3A_7 : vector<1280x128xf32>
    %get3A_8 = arith.constant 0 : index
    %get3A_9 = arith.constant 0 : index
    %get3A_10 = vector.load %arg1[%get3A_8, %get3A_9] : memref<1280x128xf32, #tpu.memory_space<vmem>>, vector<1280x128xf32>
    %add3A_11 = arith.addf %add3A, %get3A_10 : vector<1280x128xf32>
    %mul3A = arith.mulf %get3A_1, %add3A_11 : vector<1280x128xf32>
    %get3A_12 = arith.constant 0 : index
    %get3A_13 = arith.constant 0 : index
    %get3A_14 = vector.load %arg3[%get3A_12, %get3A_13] : memref<1x128xf32, #tpu.memory_space<vmem>>, vector<1x128xf32>
    %add3A_15 = vector.broadcast %get3A_14 : vector<1x128xf32> to vector<1280x128xf32>
    %add3A_16 = arith.addf %mul3A, %add3A_15 : vector<1280x128xf32>
    %iota3A = tpu.iota {dimensions = array<i32: 1>} : vector<1280x128xi32>
    %jit3A = arith.constant 16 : i32
    %eq3A = arith.constant 0 : i32
    %eq3A_17 = arith.cmpi eq, %jit3A, %eq3A : i32
    %jit3A_18 = arith.constant 1 : i32
    %select_n3A = arith.select %eq3A_17, %jit3A_18, %jit3A : i32
    %rem3A = vector.broadcast %select_n3A : i32 to vector<1280x128xi32>
    %rem3A_19 = arith.remsi %iota3A, %rem3A : vector<1280x128xi32>
    %ne3A = arith.constant 0 : i32
    %ne3A_20 = vector.broadcast %ne3A : i32 to vector<1280x128xi32>
    %ne3A_21 = arith.cmpi ne, %rem3A_19, %ne3A_20 : vector<1280x128xi32>
    %lt3A = arith.constant 0 : i32
    %lt3A_22 = vector.broadcast %lt3A : i32 to vector<1280x128xi32>
    %lt3A_23 = arith.cmpi slt, %rem3A_19, %lt3A_22 : vector<1280x128xi32>
    %lt3A_24 = arith.constant 0 : i32
    %lt3A_25 = arith.cmpi slt, %select_n3A, %lt3A_24 : i32
    %ne3A_26 = vector.broadcast %lt3A_25 : i1 to vector<1280x128xi1>
    %ne3A_27 = vector.broadcast %ne3A_26 : vector<1280x128xi1> to vector<1280x128xi1>
    %ne3A_28 = arith.xori %lt3A_23, %ne3A_27 : vector<1280x128xi1>
    %and3A = arith.andi %ne3A_28, %ne3A_21 : vector<1280x128xi1>
    %add3A_29 = vector.broadcast %select_n3A : i32 to vector<1280x128xi32>
    %add3A_30 = arith.addi %rem3A_19, %add3A_29 : vector<1280x128xi32>
    %select_n3A_31 = arith.select %and3A, %add3A_30, %rem3A_19 : vector<1280x128xi1>, vector<1280x128xi32>
    %lt3A_32 = arith.constant 10 : i32
    %lt3A_33 = vector.broadcast %lt3A_32 : i32 to vector<1280x128xi32>
    %lt3A_34 = arith.cmpi slt, %select_n3A_31, %lt3A_33 : vector<1280x128xi32>
    %jit3A_35 = arith.constant 0xFF800000 : f32
    %broadcast_in_dim3A = vector.broadcast %jit3A_35 : f32 to vector<1280x128xf32>
    %select_n3A_36 = arith.select %lt3A_34, %add3A_16, %broadcast_in_dim3A : vector<1280x128xi1>, vector<1280x128xf32>
    %reduce_max3A = arith.constant dense<0xFF800000> : vector<1280xf32>
    %reduce_max3A_37 = vector.multi_reduction <maximumf>, %select_n3A_36, %reduce_max3A [1] : vector<1280x128xf32> to vector<1280xf32>
    %broadcast_in_dim3A_38 = vector.shape_cast %reduce_max3A_37 : vector<1280xf32> to vector<1280x1xf32>
    %sub3A = vector.broadcast %broadcast_in_dim3A_38 : vector<1280x1xf32> to vector<1280x128xf32>
    %sub3A_39 = arith.subf %add3A_16, %sub3A : vector<1280x128xf32>
    %exp3A = math.exp %sub3A_39 : vector<1280x128xf32>
    %jit3A_40 = arith.constant 0.000000e+00 : f32
    %broadcast_in_dim3A_41 = vector.broadcast %jit3A_40 : f32 to vector<1280x128xf32>
    %select_n3A_42 = arith.select %lt3A_34, %exp3A, %broadcast_in_dim3A_41 : vector<1280x128xi1>, vector<1280x128xf32>
    %get3A_43 = arith.constant 0 : index
    %get3A_44 = arith.constant 0 : index
    %get3A_45 = vector.load %arg4[%get3A_43, %get3A_44] : memref<128x128xf32, #tpu.memory_space<vmem>>, vector<128x128xf32>
    %dot_general3A = arith.constant dense<0.000000e+00> : vector<1280x128xf32>
    %dot_general3A_46 = tpu.matmul %select_n3A_42, %get3A_45, %dot_general3A {dimension_numbers = #tpu.dot_dimension_numbers<[1], [0], [0], [1], [0, 0, 1, 1], [], []>, precision = #tpu.contract_precision<fp32>, transpose_lhs_hint = false} : vector<1280x128xf32>, vector<128x128xf32>, vector<1280x128xf32> -> vector<1280x128xf32>
    %log3A = math.log %dot_general3A_46 : vector<1280x128xf32>
    %sub3A_47 = arith.subf %sub3A_39, %log3A : vector<1280x128xf32>
    %swap3A = arith.constant 0 : index
    %swap3A_48 = arith.constant 0 : index
    %swap3A_49 = vector.load %arg5[%swap3A, %swap3A_48] : memref<1280x128xf32, #tpu.memory_space<vmem>>, vector<1280x128xf32>
    tpu.vector_store %arg5[%swap3A, %swap3A_48], %sub3A_47 {strides = array<i32>} : memref<1280x128xf32, #tpu.memory_space<vmem>>, vector<1280x128xf32>,
    return
  }
}

</mosaic_0001>

<sc_bundles>
// kernel: kernel.10.cloned.1.call-start
scs
__scs_entry_jumppad:
0x0: {  	(pc) =	sbr.rel $0x88, $3  }
0x1: {  	(tag) =	ssettag $0x0;
	lr =	simm.s32 $0x1  }
0x2: {  	[smem:$0x3F9B] =	sst lr;
	_ =	strace $0xD0000000  }
0x3: {  	_ = 	snop  }
0x4: {  	_ = 	snop  }
0x5: {  	_ = 	snop  }
0x6: {  	_ = 	snop  }
0x7: {  	_ = 	snop  }
__scs_overlays_trampoline_lowered:
0x8: {  	[smem:$0x3FAA] =	sst s0  }
0x9: {  	[smem:$0x3FAB] =	sst s1  }
0xa: {  	[smem:$0x3FAC] =	sst s2  }
0xb: {  	[smem:$0x3FAD] =	sst s3  }
0xc: {  	[smem:$0x3FAE] =	sst s4  }
0xd: {  	[smem:$0x3FAF] =	sst s5  }
0xe: {  	[smem:$0x3FB0] =	sst s6  }
0xf: {  	[smem:$0x3FB1] =	sst s7  }
0x10: {  	[smem:$0x3FB2] =	sst s8  }
0x11: {  	[smem:$0x3FB3] =	sst s9;
	s0 =	simm.s32 @!p0 $0x0  }
0x12: {  	s1 =	sld [smem:$0x3F99];
	s0 =	simm.s32 @p0 $0x1  }
0x13: {  	[smem:$0x3FB4] =	sst s0;
	s0 =	simm.s32 @!p1 $0x0  }
0x14: {  	s2 =	sld [smem:$0x3F98];
	s0 =	simm.s32 @p1 $0x1  }
0x15: {  	[smem:$0x3FB5] =	sst s0;
	s0 =	simm.s32 @!p2 $0x0  }
0x16: {  	s3 =	sld [smem:$0x3FDB];
	s0 =	simm.s32 @p2 $0x1  }
0x17: {  	s4 =	simm.s32 $0x1BF5;
	[smem:$0x3FB7] =	sst s0  }
0x18: {  	s0 =	sld [smem:$0x3F9A];
	_ =	swait.ge [sflag:s4], $0x0  }
0x19: {  	s7 =	sld [smem:$0x3F9B]  }
0x1a: {  	s8 =	sadd.s32 $0xFFFFE003, lr  }
0x1b: {  	s9 =	sadd.s32 $0xFFFFFEF7, lr;
	s5 =	simm.s32 $0xFFFFFFFF;
	p2 =	slt.u32 s8, $0xFFFFF086  }
0x1c: {  	p1 =	slt.u32 s9, $0xF7A;
	s5 =	simm.s32 @!p2 $0x0  }
0x1d: {  	s5 =	simm.s32 @p1 $0x1;
	p0 =	seq.s32 s7, s2  }
0x1e: {  	s7 =	smul.u32 @!p0 $0xF7A, s2;
	p2 =	seq.s32 @!p0 s5, $0x0  }
0x1f: {  	s9 =	smul.u32 $0xF7A, s1;
	s8 =	simm.s32 @!p0 $0x1BF5;
	p2 =	por !p2, p0  }
0x20: {  	[sflag:s8] =	ssyncset.s32 @!p0 $0xFFFFF086;
	s6 =	sadd.s32 @!p0 s3, s7;
	s7 =	simm.s32 @!p0 $0x108  }
0x21: {  	s3 =	sadd.s32 s3, s9;
	s6 =	sadd.s32 @!p0 $0x88, s6;
	s7 =	simm.s32 @p2 $0x1082  }
0x22: {  	[simem:s7], [sflag:s8] =	dma.local @!p0 [hbm:s6], $0xF7A  }
0x23: {  	s9 =	sor.u32 $0xD0000000, s2;
	s6 =	simm.s32 $0x108;
	_ =	swait.ge @!p0 [sflag:s8], $0x0  }
0x24: {  	s3 =	sadd.s32 $0x88, s3;
	s6 =	simm.s32 @!p1 $0x1082;
	[sflag:s4] =	ssyncset.s32 $0xFFFFF086  }
0x25: {  	[simem:s6], [sflag:s4] =	dma.local [hbm:s3], $0xF7A  }
0x26: {  	[smem:$0x3F9B] =	sst s1;
	(tag) =	ssettag s2;
	_ =	strace s9  }
0x27: {  	s1 =	sld [smem:$0x3FAB]  }
0x28: {  	s2 =	sld [smem:$0x3FAC]  }
0x29: {  	s4 =	sld [smem:$0x3FAE]  }
0x2a: {  	p0 =	seq.s32 s5, $0x0;
	s5 =	sld [smem:$0x3FAF]  }
0x2b: {  	s6 =	sld [smem:$0x3FB0]  }
0x2c: {  	s7 =	sld [smem:$0x3FB1]  }
0x2d: {  	s3 =	simm.s32 $0x108;
	s8 =	sld [smem:$0x3FB2]  }
0x2e: {  	s3 =	simm.s32 @!p0 $0x1082;
	s9 =	sld [smem:$0x3FB3]  }
0x2f: {  	lr =	sadd.s32 s0, s3;
	s0 =	sld [smem:$0x3FAA]  }
0x30: {  	s3 =	sld [smem:$0x3FAD]  }
0x31: {  	[smem:$0x3FB6] =	sst s10  }
0x32: {  	s10 =	sld [smem:$0x3FB4];
	_ =	sdelay $0x3  }
0x33: {  	p0 =	seq.s32 s10, $0x1;
	s10 =	sld [smem:$0x3FB6];
	_ =	sdelay $0x3  }
0x34: {  	[smem:$0x3FB6] =	sst s10  }
0x35: {  	s10 =	sld [smem:$0x3FB5];
	_ =	sdelay $0x3  }
0x36: {  	p1 =	seq.s32 s10, $0x1;
	s10 =	sld [smem:$0x3FB6];
	_ =	sdelay $0x3  }
0x37: {  	[smem:$0x3FB6] =	sst s10  }
0x38: {  	s10 =	sld [smem:$0x3FB7]  }
0x39: {  	_ = 	snop;
	(pc) =	sbr.ind lr, $3  }
0x3a: {  	_ = 	snop  }
0x3b: {  	_ = 	snop  }
0x3c: {  	p2 =	seq.s32 s10, $0x1;
	s10 =	sld [smem:$0x3FB6]  }
0x3d: {  	_ =	shalt  }
0x3e: {  	_ =	shalt  }
0x3f: {  	_ =	shalt  }
0x40: {  	_ =	shalt  }
0x41: {  	_ =	shalt  }
0x42: {  	_ =	shalt  }
0x43: {  	_ =	shalt  }
0x44: {  	_ =	shalt  }
0x45: {  	_ =	shalt  }
0x46: {  	_ =	shalt  }
0x47: {  	_ =	shalt  }
0x48: {  	_ =	shalt  }
0x49: {  	_ =	shalt  }
0x4a: {  	_ =	shalt  }
0x4b: {  	_ =	shalt  }
0x4c: {  	_ =	shalt  }
0x4d: {  	_ =	shalt  }
0x4e: {  	_ =	shalt  }
0x4f: {  	_ =	shalt  }
0x50: {  	_ =	shalt  }
0x51: {  	_ =	shalt  }
0x52: {  	_ =	shalt  }
0x53: {  	_ =	shalt  }
0x54: {  	_ =	shalt  }
0x55: {  	_ =	shalt  }
0x56: {  	_ =	shalt  }
0x57: {  	_ =	shalt  }
0x58: {  	_ =	shalt  }
0x59: {  	_ =	shalt  }
0x5a: {  	_ =	shalt  }
0x5b: {  	_ =	shalt  }
0x5c: {  	_ =	shalt  }
0x5d: {  	_ =	shalt  }
0x5e: {  	_ =	shalt  }
0x5f: {  	_ =	shalt  }
0x60: {  	_ =	shalt  }
0x61: {  	_ =	shalt  }
0x62: {  	_ =	shalt  }
0x63: {  	_ =	shalt  }
0x64: {  	_ =	shalt  }
0x65: {  	_ =	shalt  }
0x66: {  	_ =	shalt  }
0x67: {  	_ =	shalt  }
0x68: {  	_ =	shalt  }
0x69: {  	_ =	shalt  }
0x6a: {  	_ =	shalt  }
0x6b: {  	_ =	shalt  }
0x6c: {  	_ =	shalt  }
0x6d: {  	_ =	shalt  }
0x6e: {  	_ =	shalt  }
0x6f: {  	_ =	shalt  }
0x70: {  	_ =	shalt  }
0x71: {  	_ =	shalt  }
0x72: {  	_ =	shalt  }
0x73: {  	_ =	shalt  }
0x74: {  	_ =	shalt  }
0x75: {  	_ =	shalt  }
0x76: {  	_ =	shalt  }
0x77: {  	_ =	shalt  }
0x78: {  	_ =	shalt  }
0x79: {  	_ =	shalt  }
0x7a: {  	_ =	shalt  }
0x7b: {  	_ =	shalt  }
0x7c: {  	_ =	shalt  }
0x7d: {  	_ =	shalt  }
0x7e: {  	_ =	shalt  }
0x7f: {  	_ =	shalt  }
0x80: {  	_ =	shalt  }
0x81: {  	_ =	shalt  }
0x82: {  	_ =	shalt  }
0x83: {  	_ =	shalt  }
0x84: {  	_ =	shalt  }
0x85: {  	_ =	shalt  }
0x86: {  	_ =	shalt  }
0x87: {  	_ =	shalt  }
.Lfunc_end0:
.L_simem_size_0:
called_computation.1_lowered:
.L_overlay_start_0:
0x88: {  	s2 =	sld [smem:$0x3FD9]  }
0x89: {  	s3 =	sld [smem:$0x3FFE];
	_ =	sdelay $0x1  }
0x8a: {  	s1 =	srdreg.scid  }
0x8b: {  	s0 =	sand.u32 $0x1, s1  }
0x8c: {  	s17 =	sshll.u32 s0, $0xA;
	s2 =	sadd.s32 s3, s2  }
0x8d: {  	s2 =	sadd.s32 s2, s17  }
0x8e: {  	[smem:$0x3FC2] =	sst s2  }
0x8f: {  	_ = 	snop  }
0x90: {  	s2 =	sld [smem:$0x3FC8];
	(tm) =	ssettm $0x1  }
0x91: {  	s18 =	sld [smem:$0x3FFB];
	_ =	sdelay $0x3  }
0x92: {  	_ =	strace s18  }
0x93: {  	s3 =	sld [smem:$0x3FFC];
	_ =	sdelay $0x3  }
0x94: {  	_ =	strace s3  }
0x95: {  	s3 =	sld [smem:$0x3FFD];
	_ =	sdelay $0x3  }
0x96: {  	_ =	strace s3  }
0x97: {  	_ =	strace $0x8FFFFFFF  }
0x98: {  	s19 =	sld [smem:$0x3FDB];
	_ =	sdelay $0x1  }
0x99: {  	s4 =	simm.s32 $_scs_section_size  }
0x9a: {  	s5 =	simm.s32 $_size__tile_overlayer_lowered;
	s6 =	simm.s32 $_tile_overlayer_lowered  }
0x9b: {  	s22 =	simm.s32 $0x1BFF;
	s21 =	sshll.u32 s6, $0x1;
	s3 =	sadd.s32 s4, s19  }
0x9c: {  	s7 =	simm.s32 $0x0;
	s20 =	sshll.u32 s5, $0x1;
	s5 =	sadd.s32 s21, s3  }
0x9d: {  	[timem:s7], [sflag:s22] =	dma.local [hbm:s5], s20  }
0x9e: {  	_ =	swait.ge [sflag:s22], s20  }
0x9f: {  	s4 =	ssub.s32 $0x0, s20;
	[sflag:s22] =	ssyncset.done $0x0  }
0xa0: {  	[sflag:s22] =	ssyncadd.s32 s4;
	_ =	sdelay $0x1  }
0xa1: {  	s23 =	simm.s32 $0x1B8B  }
0xa2: {  	_ =	swait.ge [sflag:s23], $0x1  }
0xa3: {  	[sflag:s23] =	ssyncset.done $0x0  }
0xa4: {  	s25 =	simm.s32 $0x1B8E;
	s24 =	sld [smem:$0x3FFE];
	[sflag:s23] =	ssyncadd.s32 $0xFFFFFFFF  }
0xa5: {  	s26 =	simm.s32 $execute0_lowered;
	[smem:$0x3FD2] =	sst s25  }
0xa6: {  	s5 =	sshll.u32 s26, $0x1;
	_ =	strace $0x80000049;
	[dreg:$0x1] =	wrdreg $0xFFFFFFFF  }
0xa7: {  	s28 =	simm.s32 $_size_execute0_lowered;
	s3 =	sadd.s32 s3, s5;
	[dreg:$0x0] =	wrdreg $0x0  }
0xa8: {  	s5 =	sshll.u32 s28, $0x1;
	[dreg:$0x2] =	wrdreg s3  }
0xa9: {  	[dreg:$0x3] =	wrdreg s5  }
0xaa: {  	[dreg:$0x4] =	wrdreg $0xC0  }
0xab: {  	_ =	task [dreg:s7], $0x5FFFF  }
0xac: {  	[dreg:$0x1] =	wrdreg $0xFFFFFFFF  }
0xad: {  	[dreg:$0x0] =	wrdreg $0x60  }
0xae: {  	[dreg:$0x2] =	wrdreg s2  }
0xaf: {  	[dreg:$0x3] =	wrdreg s24  }
0xb0: {  	[dreg:$0x4] =	wrdreg $0xBF000  }
0xb1: {  	[dreg:$0x5] =	wrdreg $0x97000  }
0xb2: {  	[dreg:$0x6] =	wrdreg $0x9  }
0xb3: {  	_ =	task.clear_ibuf [dreg:s7], $0x7FFFF;
	_ =	strace $0x90000049  }
0xb4: {  	s29 =	simm.s32 $0x9;
	_ =	strace $0x8000004B  }
0xb5: {  	_ =	swait.ge [sflag:s29], $0x1  }
0xb6: {  	[sflag:s29] =	ssyncadd.s32 $0xFFFFFFFF  }
0xb7: {  	_ =	strace $0x9000004B  }
0xb8: {  	_ =	sfence  }
0xb9: {  	s30 =	sld [smem:$0x0];
	_ =	sdelay $0x2  }
0xba: {  	s31 =	sshll.u32 s1, $0xD;
	s1 =	sshrl.u32 s1, $0x2  }
0xbb: {  	s3 =	sand.u32 $0x4000, s31;
	s1 =	sadd.s32 s1, s30  }
0xbc: {  	s0 =	sor.u32 s3, s0;
	s1 =	sshll.u32 s1, $0x11  }
0xbd: {  	s0 =	sor.u32 s1, s0  }
0xbe: {  	s0 =	sadd.s32 $0x8F2B, s0  }
0xbf: {  	[sflag:s0] =	ssyncadd.remote.s32 $0x1  }
0xc0: {  	_ =	sfence.sel $0xFFFF  }
0xc1: {  	[dreg:$0x0] =	wrdreg $0xFFFFFFFF;
	(pc) =	sbr.abs _section_cstart, $3  }
0xc2: {  	[dreg:$0x1] =	wrdreg $0xFFFFFFFF  }
0xc3: {  	_ =	task.clear_ibuf [dreg:s7], $0x2FFFF;
	_ =	strace $0x9FFFFFFF  }
0xc4: {  	(tm) =	ssettm $0x7FFFFFFF  }
0xc5: {  	_ =	shalt  }
tec
execute0_lowered:
.L_overlay_start_1:
0x0: {  	(tag) =	ssettag $0x1  }
0x1: {  	s0 =	rddreg [dreg:$0x0]  }
0x2: {  	s1 =	rddreg [dreg:$0x1]  }
0x3: {  	s2 =	rddreg [dreg:$0x2]  }
0x4: {  	s12 =	stileid.u32;
	s4 =	srdreg.scid  }
0x5: {  	s3 =	rddreg [dreg:$0x3];
	s6 =	simm.s32 $0x0;
	s15 =	simm.s32 $0x80  }
0x6: {  	s16 =	simm.s32 $0x4F00;
	s18 =	simm.s32 $0x5700;
	s20 =	simm.s32 $0x5F00  }
0x7: {  	s21 =	simm.s32 $0x1;
	s28 =	simm.s32 $0x3;
	s29 =	simm.s32 $0x6  }
0x8: {  	s30 =	simm.s32 $0x4;
	s31 =	simm.s32 $0x7;
	s19 =	simm.s32 $0x4C80  }
0x9: {  	s8 =	smul.u32 $0x2800, s12;
	s4 =	sand.u32 $0x1, s4;
	[smem:$0x7FF] =	sst s6  }
0xa: {  	s7 =	sshll.u32 s12, $0x5;
	s26 =	sshll.u32 s12, $0x6;
	s5 =	smul.u32 $0x28000, s4  }
0xb: {  	_ =	strace $0x8000004A;
	s23 =	sshll.u32 s4, $0x4;
	s4 =	ssub.s32 $0x2, s4  }
0xc: {  	s7 =	sadd.s32 s7, s0;
	s13 =	sor.u32 $0x1C09, s26;
	s26 =	simm.s32 $0x5  }
0xd: {  	s22 =	sshrl.u32 s8, $0x3;
	s11 =	sor.u32 s12, s23;
	s24 =	sshrl.u32 s4, $0x1  }
0xe: {  	s7 =	sadd.s32 $0x13800, s7;
	s25 =	sadd.s32 s8, s3;
	s12 =	simm.s32 $0x9  }
0xf: {  	s23 =	simm.s32 $0x6700;
	s5 =	sadd.s32 s8, s5;
	s9 =	sadd.s32 s22, s1  }
0x10: {  	s6 =	smul.u32 $0x9C0, s11;
	s4 =	ssub.s32 s4, s24;
	p0 =	sgt.u32 s11, $0x3  }
0x11: {  	s14 =	sshrl.u32 s25, $0x3;
	s24 =	simm.s32 $0x2;
	s22 =	simm.s32 $0x4D80  }
0x12: {  	s25 =	simm.s32 $0x0;
	s5 =	sshrl.u32 s5, $0x3;
	s10 =	smax.u32 s4, $0x1  }
0x13: {  	s1 =	sadd.s32 s5, s1;
	s5 =	sadd.s32 s8, s2;
	s6 =	sadd.s32 s0, s6  }
0x14: {  	v0 =	vimm.f32 $0.0e+00;
	s8 =	sadd.s32 $0x2400, s9;
	s9 =	sadd.s32 $0x7400, s1;
	s1 =	simm.s32 $0x8  }
.LBB2_1:
0x15: {  	s0 =	simm.s32 $0x40;
	s4 =	simm.s32 $0x0  }
.LBB2_2:
0x16: {  	p1 =	sne.s32 s0, $0x9FC0;
	[tilespmem:s4+$0x6F00] =	vst v0;
	s4 =	smov.u32 s0;
	s0 =	sadd.s32 $0x40, s0  }
.Ltmp0:
0x17: {  	(pc) =	sbr.rel @p1 .LBB2_2-.Ltmp0, $2  }
0x18: {  	_ =	sdelay $0x2  }
0x19: {  	s4 =	sshra.s32 s4, $0x2  }
0x1a: {  	[tilespmem:s4+$0x6F00] =	vst v0;
	s0 =	simm.s32 $0x6F00  }
0x1b: {  	[spmem:s5] =	stream.linear.scatter [tilespmem:s0], [sflag:$0x9], $0x2800, $0x38;
	[tilespmem:$0xE700] =	vst v63  }
0x1c: {  	_ =	swait.ge [sflag:s12], $0x2800  }
0x1d: {  	[sflag:s12] =	ssyncset.done $0x0  }
0x1e: {  	s17 =	simm.s32 $0x0;
	[sflag:s12] =	ssyncadd.s32 $0xFFFFD800  }
0x1f: {  	[tilespmem:s17], [sflag:$0x9] =	stream.linear.gather [hbm4b:s6+s17], $0x4E00, $0x38;
	[tilespmem:$0xE700] =	vst v63  }
0x20: {  	_ =	swait.ge [sflag:s12], $0x4E00  }
0x21: {  	[sflag:s12] =	ssyncset.done $0x0  }
0x22: {  	s4 =	simm.s32 @!p0 $0x4E00;
	s0 =	simm.s32 @!p0 $0x0;
	[sflag:s12] =	ssyncadd.s32 $0xFFFFB200  }
0x23: {  	[tilespmem:s4], [sflag:$0x9] =	stream.linear.gather @!p0 [hbm4b:s7+s0], $0x100, $0x38;
	[tilespmem:$0xE700] =	vst v63  }
0x24: {  	s0 =	simm.s32 @!p0 $0x9  }
0x25: {  	_ =	swait.ge @!p0 [sflag:s0], $0x100  }
0x26: {  	[sflag:s0] =	ssyncset.done @!p0 $0x0  }
0x27: {  	[sflag:s0] =	ssyncadd.s32 @!p0 $0xFFFFFF00  }
0x28: {  	[spmem:s14], [sflag:s13] =	dma.local [hbm:s8], $0x500  }
0x29: {  	_ =	swait.ge [sflag:s12], $0x500  }
0x2a: {  	[sflag:s12] =	ssyncset.done $0x0  }
0x2b: {  	[sflag:s12] =	ssyncadd.s32 $0xFFFFFB00  }
0x2c: {  	s4 =	simm.s32 $0x0;
	[bflag:$0x0] =	sbarrier.arrive $0xFFFF  }
0x2d: {  	[tilespmem:s16], [sflag:$0x1] =	stream.indirect.gather [spmem:s3], $0x10, s4, s15, $0xb8;
	[tilespmem:$0xE700] =	vst v63  }
0x2e: {  	s11 =	simm.s32 $0x100  }
0x2f: {  	[tilespmem:s18], [sflag:$0x2] =	stream.indirect.gather [spmem:s3], $0x10, s11, s15, $0xb8;
	[tilespmem:$0xE700] =	vst v63  }
0x30: {  	s17 =	simm.s32 $0x200  }
0x31: {  	[tilespmem:s20], [sflag:$0x3] =	stream.indirect.gather [spmem:s3], $0x10, s17, s15, $0xb8;
	[tilespmem:$0xE700] =	vst v63  }
0x32: {  	_ =	swait.ge [sflag:s21], $0x800  }
0x33: {  	[sflag:s21] =	ssyncset.done $0x0  }
0x34: {  	[sflag:s21] =	ssyncadd.s32 $0xFFFFF800  }
0x35: {  	[spmem:s2] =	stream.indirect.scatter.add.f32 [tilespmem:s16], [sflag:$0x5], $0x10, s15, s15, $0xb8;
	[tilespmem:$0xE700] =	vst v63  }
0x36: {  	s4 =	simm.s32 $0x300  }
0x37: {  	[tilespmem:s23], [sflag:$0x4] =	stream.indirect.gather [spmem:s3], $0x10, s4, s15, $0xb8;
	[tilespmem:$0xE700] =	vst v63  }
0x38: {  	_ =	swait.ge [sflag:s24], $0x800  }
0x39: {  	[sflag:s24] =	ssyncset.done $0x0  }
0x3a: {  	s11 =	simm.s32 $0x180;
	[sflag:s24] =	ssyncadd.s32 $0xFFFFF800  }
0x3b: {  	[spmem:s2] =	stream.indirect.scatter.add.f32 [tilespmem:s18], [sflag:$0x6], $0x10, s11, s15, $0xb8;
	[tilespmem:$0xE700] =	vst v63  }
0x3c: {  	_ =	swait.ge [sflag:s26], $0x800  }
0x3d: {  	[sflag:s26] =	ssyncset.done $0x0  }
0x3e: {  	s17 =	simm.s32 $0x400;
	[sflag:s26] =	ssyncadd.s32 $0xFFFFF800  }
0x3f: {  	[tilespmem:s16], [sflag:$0x1] =	stream.indirect.gather [spmem:s3], $0x10, s17, s15, $0xb8;
	[tilespmem:$0xE700] =	vst v63  }
0x40: {  	_ =	swait.ge [sflag:s28], $0x800  }
0x41: {  	[sflag:s28] =	ssyncset.done $0x0  }
0x42: {  	s4 =	simm.s32 $0x280;
	[sflag:s28] =	ssyncadd.s32 $0xFFFFF800  }
0x43: {  	[spmem:s2] =	stream.indirect.scatter.add.f32 [tilespmem:s20], [sflag:$0x7], $0x10, s4, s15, $0xb8;
	[tilespmem:$0xE700] =	vst v63  }
0x44: {  	_ =	swait.ge [sflag:s29], $0x800  }
0x45: {  	[sflag:s29] =	ssyncset.done $0x0  }
0x46: {  	s11 =	simm.s32 $0x500;
	[sflag:s29] =	ssyncadd.s32 $0xFFFFF800  }
0x47: {  	[tilespmem:s18], [sflag:$0x2] =	stream.indirect.gather [spmem:s3], $0x10, s11, s15, $0xb8;
	[tilespmem:$0xE700] =	vst v63  }
0x48: {  	_ =	swait.ge [sflag:s30], $0x800  }
0x49: {  	[sflag:s30] =	ssyncset.done $0x0  }
0x4a: {  	s17 =	simm.s32 $0x380;
	[sflag:s30] =	ssyncadd.s32 $0xFFFFF800  }
0x4b: {  	[spmem:s2] =	stream.indirect.scatter.add.f32 [tilespmem:s23], [sflag:$0x8], $0x10, s17, s15, $0xb8;
	[tilespmem:$0xE700] =	vst v63  }
0x4c: {  	_ =	swait.ge [sflag:s31], $0x800  }
0x4d: {  	[sflag:s31] =	ssyncset.done $0x0  }
0x4e: {  	s4 =	simm.s32 $0x600;
	[sflag:s31] =	ssyncadd.s32 $0xFFFFF800  }
0x4f: {  	[tilespmem:s20], [sflag:$0x3] =	stream.indirect.gather [spmem:s3], $0x10, s4, s15, $0xb8;
	[tilespmem:$0xE700] =	vst v63  }
0x50: {  	_ =	swait.ge [sflag:s21], $0x800  }
0x51: {  	[sflag:s21] =	ssyncset.done $0x0  }
0x52: {  	s11 =	simm.s32 $0x480;
	[sflag:s21] =	ssyncadd.s32 $0xFFFFF800  }
0x53: {  	[spmem:s2] =	stream.indirect.scatter.add.f32 [tilespmem:s16], [sflag:$0x5], $0x10, s11, s15, $0xb8;
	[tilespmem:$0xE700] =	vst v63  }
0x54: {  	_ =	swait.ge [sflag:s1], $0x800  }
0x55: {  	[sflag:s1] =	ssyncset.done $0x0  }
0x56: {  	s17 =	simm.s32 $0x700;
	[sflag:s1] =	ssyncadd.s32 $0xFFFFF800  }
0x57: {  	[tilespmem:s23], [sflag:$0x4] =	stream.indirect.gather [spmem:s3], $0x10, s17, s15, $0xb8;
	[tilespmem:$0xE700] =	vst v63  }
0x58: {  	_ =	swait.ge [sflag:s24], $0x800  }
0x59: {  	[sflag:s24] =	ssyncset.done $0x0  }
0x5a: {  	s0 =	simm.s32 $0x1000;
	s4 =	simm.s32 $0x580;
	[sflag:s24] =	ssyncadd.s32 $0xFFFFF800  }
.LBB2_4:
0x5b: {  	[spmem:s2] =	stream.indirect.scatter.add.f32 [tilespmem:s18], [sflag:$0x6], $0x10, s4, s15, $0xb8;
	[tilespmem:$0xE700] =	vst v63  }
0x5c: {  	s4 =	smov.u32 s0  }
0x5d: {  	p1 =	sne.s32 s0, $0x11000;
	s0 =	sadd.s32 $0x1000, s0;
	_ =	swait.ge [sflag:s26], $0x800  }
0x5e: {  	s4 =	sshra.s32 s4, $0x2;
	[sflag:s26] =	ssyncset.done $0x0  }
0x5f: {  	s11 =	sadd.s32 $0x400, s4;
	[sflag:s26] =	ssyncadd.s32 $0xFFFFF800  }
0x60: {  	[tilespmem:s16], [sflag:$0x1] =	stream.indirect.gather [spmem:s3], $0x10, s11, s15, $0xb8;
	[tilespmem:$0xE700] =	vst v63  }
0x61: {  	_ =	swait.ge [sflag:s28], $0x800  }
0x62: {  	[sflag:s28] =	ssyncset.done $0x0  }
0x63: {  	s11 =	sadd.s32 $0x280, s4;
	[sflag:s28] =	ssyncadd.s32 $0xFFFFF800  }
0x64: {  	[spmem:s2] =	stream.indirect.scatter.add.f32 [tilespmem:s20], [sflag:$0x7], $0x10, s11, s15, $0xb8;
	[tilespmem:$0xE700] =	vst v63  }
0x65: {  	_ =	swait.ge [sflag:s29], $0x800  }
0x66: {  	[sflag:s29] =	ssyncset.done $0x0  }
0x67: {  	s11 =	sadd.s32 $0x500, s4;
	[sflag:s29] =	ssyncadd.s32 $0xFFFFF800  }
0x68: {  	[tilespmem:s18], [sflag:$0x2] =	stream.indirect.gather [spmem:s3], $0x10, s11, s15, $0xb8;
	[tilespmem:$0xE700] =	vst v63  }
0x69: {  	_ =	swait.ge [sflag:s30], $0x800  }
0x6a: {  	[sflag:s30] =	ssyncset.done $0x0  }
0x6b: {  	s11 =	sadd.s32 $0x380, s4;
	[sflag:s30] =	ssyncadd.s32 $0xFFFFF800  }
0x6c: {  	[spmem:s2] =	stream.indirect.scatter.add.f32 [tilespmem:s23], [sflag:$0x8], $0x10, s11, s15, $0xb8;
	[tilespmem:$0xE700] =	vst v63  }
0x6d: {  	_ =	swait.ge [sflag:s31], $0x800  }
0x6e: {  	[sflag:s31] =	ssyncset.done $0x0  }
0x6f: {  	s11 =	sadd.s32 $0x600, s4;
	[sflag:s31] =	ssyncadd.s32 $0xFFFFF800  }
0x70: {  	[tilespmem:s20], [sflag:$0x3] =	stream.indirect.gather [spmem:s3], $0x10, s11, s15, $0xb8;
	[tilespmem:$0xE700] =	vst v63  }
0x71: {  	_ =	swait.ge [sflag:s21], $0x800  }
0x72: {  	[sflag:s21] =	ssyncset.done $0x0  }
0x73: {  	s11 =	sadd.s32 $0x480, s4;
	[sflag:s21] =	ssyncadd.s32 $0xFFFFF800  }
0x74: {  	[spmem:s2] =	stream.indirect.scatter.add.f32 [tilespmem:s16], [sflag:$0x5], $0x10, s11, s15, $0xb8;
	[tilespmem:$0xE700] =	vst v63  }
0x75: {  	_ =	swait.ge [sflag:s1], $0x800  }
0x76: {  	[sflag:s1] =	ssyncset.done $0x0  }
.Ltmp1:
0x77: {  	s11 =	sadd.s32 $0x700, s4;
	[sflag:s1] =	ssyncadd.s32 $0xFFFFF800;
	(pc) =	sbr.rel @p1 .LBB2_4-.Ltmp1, $4  }
0x78: {  	[tilespmem:s23], [sflag:$0x4] =	stream.indirect.gather [spmem:s3], $0x10, s11, s15, $0xb8;
	[tilespmem:$0xE700] =	vst v63  }
0x79: {  	_ =	swait.ge [sflag:s24], $0x800  }
0x7a: {  	[sflag:s24] =	ssyncset.done $0x0  }
0x7b: {  	s4 =	sadd.s32 $0x580, s4;
	[sflag:s24] =	ssyncadd.s32 $0xFFFFF800  }
0x7c: {  	[spmem:s2] =	stream.indirect.scatter.add.f32 [tilespmem:s18], [sflag:$0x6], $0x10, s4, s15, $0xb8;
	[tilespmem:$0xE700] =	vst v63  }
0x7d: {  	_ =	swait.ge [sflag:s26], $0x800  }
0x7e: {  	[sflag:s26] =	ssyncset.done $0x0  }
0x7f: {  	s0 =	simm.s32 $0x4C00;
	[sflag:s26] =	ssyncadd.s32 $0xFFFFF800  }
0x80: {  	[tilespmem:s16], [sflag:$0x1] =	stream.indirect.gather [spmem:s3], $0x10, s0, s15, $0xb8;
	[tilespmem:$0xE700] =	vst v63  }
0x81: {  	_ =	swait.ge [sflag:s28], $0x800  }
0x82: {  	[sflag:s28] =	ssyncset.done $0x0  }
0x83: {  	s17 =	simm.s32 $0x4A80;
	[sflag:s28] =	ssyncadd.s32 $0xFFFFF800  }
0x84: {  	[spmem:s2] =	stream.indirect.scatter.add.f32 [tilespmem:s20], [sflag:$0x7], $0x10, s17, s15, $0xb8;
	[tilespmem:$0xE700] =	vst v63  }
0x85: {  	_ =	swait.ge [sflag:s29], $0x800  }
0x86: {  	[sflag:s29] =	ssyncset.done $0x0  }
0x87: {  	s4 =	simm.s32 $0x4D00;
	[sflag:s29] =	ssyncadd.s32 $0xFFFFF800  }
0x88: {  	[tilespmem:s18], [sflag:$0x2] =	stream.indirect.gather [spmem:s3], $0x10, s4, s15, $0xb8;
	[tilespmem:$0xE700] =	vst v63  }
0x89: {  	_ =	swait.ge [sflag:s30], $0x800  }
0x8a: {  	[sflag:s30] =	ssyncset.done $0x0  }
0x8b: {  	s11 =	simm.s32 $0x4B80;
	[sflag:s30] =	ssyncadd.s32 $0xFFFFF800  }
0x8c: {  	[spmem:s2] =	stream.indirect.scatter.add.f32 [tilespmem:s23], [sflag:$0x8], $0x10, s11, s15, $0xb8;
	[tilespmem:$0xE700] =	vst v63  }
0x8d: {  	_ =	swait.ge [sflag:s31], $0x800  }
0x8e: {  	[sflag:s31] =	ssyncset.done $0x0  }
0x8f: {  	[sflag:s31] =	ssyncadd.s32 $0xFFFFF800  }
0x90: {  	_ =	swait.ge [sflag:s21], $0x800  }
0x91: {  	[sflag:s21] =	ssyncset.done $0x0  }
0x92: {  	[sflag:s21] =	ssyncadd.s32 $0xFFFFF800  }
0x93: {  	[spmem:s2] =	stream.indirect.scatter.add.f32 [tilespmem:s16], [sflag:$0x5], $0x10, s19, s15, $0xb8;
	[tilespmem:$0xE700] =	vst v63  }
0x94: {  	_ =	swait.ge [sflag:s1], $0x800  }
0x95: {  	[sflag:s1] =	ssyncset.done $0x0  }
0x96: {  	[sflag:s1] =	ssyncadd.s32 $0xFFFFF800  }
0x97: {  	_ =	swait.ge [sflag:s24], $0x800  }
0x98: {  	[sflag:s24] =	ssyncset.done $0x0  }
0x99: {  	[sflag:s24] =	ssyncadd.s32 $0xFFFFF800  }
0x9a: {  	[spmem:s2] =	stream.indirect.scatter.add.f32 [tilespmem:s18], [sflag:$0x6], $0x10, s22, s15, $0xb8;
	[tilespmem:$0xE700] =	vst v63  }
0x9b: {  	_ =	swait.ge [sflag:s26], $0x800  }
0x9c: {  	[sflag:s26] =	ssyncset.done $0x0  }
0x9d: {  	[sflag:s26] =	ssyncadd.s32 $0xFFFFF800  }
0x9e: {  	_ =	swait.ge [sflag:s29], $0x800  }
0x9f: {  	s0 =	simm.s32 @!p0 $0x80;
	[sflag:s29] =	ssyncset.done $0x0  }
0xa0: {  	s4 =	simm.s32 @!p0 $0x4E00;
	s11 =	simm.s32 @!p0 $0x4F00;
	[sflag:s29] =	ssyncadd.s32 $0xFFFFF800  }
0xa1: {  	[tilespmem:s11], [sflag:$0x9] =	stream.indirect.gather @!p0 [spmem:s3], $0x10, s4, s0, $0xb8;
	[tilespmem:$0xE700] =	vst v63  }
0xa2: {  	s4 =	simm.s32 @!p0 $0x9  }
0xa3: {  	_ =	swait.ge @!p0 [sflag:s4], $0x800  }
0xa4: {  	[sflag:s4] =	ssyncset.done @!p0 $0x0  }
0xa5: {  	s17 =	simm.s32 @!p0 $0x4E80;
	[sflag:s4] =	ssyncadd.s32 @!p0 $0xFFFFF800  }
0xa6: {  	[spmem:s2] =	stream.indirect.scatter.add.f32 @!p0 [tilespmem:s11], [sflag:$0x9], $0x10, s17, s0, $0xb8;
	[tilespmem:$0xE700] =	vst v63  }
0xa7: {  	_ =	swait.ge @!p0 [sflag:s4], $0x800  }
0xa8: {  	s25 =	sadd.s32 $0x1, s25;
	[sflag:s4] =	ssyncset.done @!p0 $0x0  }
0xa9: {  	p1 =	sne.s32 s25, s10;
	[sflag:s4] =	ssyncadd.s32 @!p0 $0xFFFFF800  }
.Ltmp2:
0xaa: {  	s17 =	sshrl.u32 s5, $0x3;
	[bflag:$0x0] =	sbarrier.arrive $0xFFFF;
	(pc) =	sbr.rel @p1 .LBB2_1-.Ltmp2, $4  }
0xab: {  	[hbm:s9], [sflag:s13] =	dma.local [spmem:s17], $0x500  }
0xac: {  	_ =	swait.ge [sflag:s12], $0x500  }
0xad: {  	[sflag:s12] =	ssyncset.done $0x0  }
0xae: {  	[sflag:s12] =	ssyncadd.s32 $0xFFFFFB00  }
0xaf: {  	_ =	sfence.sel $0x180000  }
0xb0: {  	[bflag:$0x0] =	sbarrier.arrive $0xFFFF  }
0xb1: {  	_ =	strace $0x9000004A  }
0xb2: {  	s0 =	stileid.u32;
	[bflag:$0x2] =	sbarrier.arrive $0xFFFF  }
0xb3: {  	p0 =	sne.s32 s0, $0x0;
	s0 =	rddreg [dreg:$0x4]  }
0xb4: {  	s0 =	sadd.s32 @!p0 $0x100000, s0  }
0xb5: {  	[sflag:s0] =	ssyncadd.tile.s32 @!p0 $0x1;
	_ =	shalt  }
.Lfunc_end2:
_tile_overlayer_lowered:
.L_overlay_start_2:
0xb6: {  	(tag) =	ssettag $0x2  }
0xb7: {  	s0 =	rddreg [dreg:$0x0];
	s2 =	stileid.u32  }
0xb8: {  	s1 =	rddreg [dreg:$0x1];
	p0 =	sne.s32 s2, $0x0  }
0xb9: {  	s3 =	rddreg [dreg:$0x2];
	[bflag:$0x3] =	sbarrier.arrive $0xFFFF;
	s2 =	simm.s32 @!p0 $0x1C09  }
0xba: {  	[timem:s3], [sflag:s2] =	dma.local @!p0 [hbm:s0], s1  }
0xbb: {  	s0 =	simm.s32 @!p0 $0x9  }
0xbc: {  	_ =	swait.ge @!p0 [sflag:s0], s1  }
0xbd: {  	s1 =	ssub.s32 @!p0 $0x0, s1;
	[sflag:s0] =	ssyncset.done @!p0 $0x0  }
0xbe: {  	[sflag:s0] =	ssyncadd.s32 @!p0 s1  }
0xbf: {  	[bflag:$0x3] =	sbarrier.arrive $0xFFFF  }
0xc0: {  	_ =	shalt  }

// kernel: kernel.7.cloned.1.call-start
scs
__scs_entry_jumppad:
0x0: {  	(pc) =	sbr.rel $0x88, $3  }
0x1: {  	(tag) =	ssettag $0x0;
	lr =	simm.s32 $0x1  }
0x2: {  	[smem:$0x3F9B] =	sst lr;
	_ =	strace $0xD0000000  }
0x3: {  	_ = 	snop  }
0x4: {  	_ = 	snop  }
0x5: {  	_ = 	snop  }
0x6: {  	_ = 	snop  }
0x7: {  	_ = 	snop  }
__scs_overlays_trampoline_lowered:
0x8: {  	[smem:$0x3FAA] =	sst s0  }
0x9: {  	[smem:$0x3FAB] =	sst s1  }
0xa: {  	[smem:$0x3FAC] =	sst s2  }
0xb: {  	[smem:$0x3FAD] =	sst s3  }
0xc: {  	[smem:$0x3FAE] =	sst s4  }
0xd: {  	[smem:$0x3FAF] =	sst s5  }
0xe: {  	[smem:$0x3FB0] =	sst s6  }
0xf: {  	[smem:$0x3FB1] =	sst s7  }
0x10: {  	[smem:$0x3FB2] =	sst s8  }
0x11: {  	[smem:$0x3FB3] =	sst s9;
	s0 =	simm.s32 @!p0 $0x0  }
0x12: {  	s1 =	sld [smem:$0x3F99];
	s0 =	simm.s32 @p0 $0x1  }
0x13: {  	[smem:$0x3FB4] =	sst s0;
	s0 =	simm.s32 @!p1 $0x0  }
0x14: {  	s2 =	sld [smem:$0x3F98];
	s0 =	simm.s32 @p1 $0x1  }
0x15: {  	[smem:$0x3FB5] =	sst s0;
	s0 =	simm.s32 @!p2 $0x0  }
0x16: {  	s3 =	sld [smem:$0x3FDB];
	s0 =	simm.s32 @p2 $0x1  }
0x17: {  	s4 =	simm.s32 $0x1BF5;
	[smem:$0x3FB7] =	sst s0  }
0x18: {  	s0 =	sld [smem:$0x3F9A];
	_ =	swait.ge [sflag:s4], $0x0  }
0x19: {  	s7 =	sld [smem:$0x3F9B]  }
0x1a: {  	s8 =	sadd.s32 $0xFFFFE003, lr  }
0x1b: {  	s9 =	sadd.s32 $0xFFFFFEF7, lr;
	s5 =	simm.s32 $0xFFFFFFFF;
	p2 =	slt.u32 s8, $0xFFFFF086  }
0x1c: {  	p1 =	slt.u32 s9, $0xF7A;
	s5 =	simm.s32 @!p2 $0x0  }
0x1d: {  	s5 =	simm.s32 @p1 $0x1;
	p0 =	seq.s32 s7, s2  }
0x1e: {  	s7 =	smul.u32 @!p0 $0xF7A, s2;
	p2 =	seq.s32 @!p0 s5, $0x0  }
0x1f: {  	s9 =	smul.u32 $0xF7A, s1;
	s8 =	simm.s32 @!p0 $0x1BF5;
	p2 =	por !p2, p0  }
0x20: {  	[sflag:s8] =	ssyncset.s32 @!p0 $0xFFFFF086;
	s6 =	sadd.s32 @!p0 s3, s7;
	s7 =	simm.s32 @!p0 $0x108  }
0x21: {  	s3 =	sadd.s32 s3, s9;
	s6 =	sadd.s32 @!p0 $0x88, s6;
	s7 =	simm.s32 @p2 $0x1082  }
0x22: {  	[simem:s7], [sflag:s8] =	dma.local @!p0 [hbm:s6], $0xF7A  }
0x23: {  	s9 =	sor.u32 $0xD0000000, s2;
	s6 =	simm.s32 $0x108;
	_ =	swait.ge @!p0 [sflag:s8], $0x0  }
0x24: {  	s3 =	sadd.s32 $0x88, s3;
	s6 =	simm.s32 @!p1 $0x1082;
	[sflag:s4] =	ssyncset.s32 $0xFFFFF086  }
0x25: {  	[simem:s6], [sflag:s4] =	dma.local [hbm:s3], $0xF7A  }
0x26: {  	[smem:$0x3F9B] =	sst s1;
	(tag) =	ssettag s2;
	_ =	strace s9  }
0x27: {  	s1 =	sld [smem:$0x3FAB]  }
0x28: {  	s2 =	sld [smem:$0x3FAC]  }
0x29: {  	s4 =	sld [smem:$0x3FAE]  }
0x2a: {  	p0 =	seq.s32 s5, $0x0;
	s5 =	sld [smem:$0x3FAF]  }
0x2b: {  	s6 =	sld [smem:$0x3FB0]  }
0x2c: {  	s7 =	sld [smem:$0x3FB1]  }
0x2d: {  	s3 =	simm.s32 $0x108;
	s8 =	sld [smem:$0x3FB2]  }
0x2e: {  	s3 =	simm.s32 @!p0 $0x1082;
	s9 =	sld [smem:$0x3FB3]  }
0x2f: {  	lr =	sadd.s32 s0, s3;
	s0 =	sld [smem:$0x3FAA]  }
0x30: {  	s3 =	sld [smem:$0x3FAD]  }
0x31: {  	[smem:$0x3FB6] =	sst s10  }
0x32: {  	s10 =	sld [smem:$0x3FB4];
	_ =	sdelay $0x3  }
0x33: {  	p0 =	seq.s32 s10, $0x1;
	s10 =	sld [smem:$0x3FB6];
	_ =	sdelay $0x3  }
0x34: {  	[smem:$0x3FB6] =	sst s10  }
0x35: {  	s10 =	sld [smem:$0x3FB5];
	_ =	sdelay $0x3  }
0x36: {  	p1 =	seq.s32 s10, $0x1;
	s10 =	sld [smem:$0x3FB6];
	_ =	sdelay $0x3  }
0x37: {  	[smem:$0x3FB6] =	sst s10  }
0x38: {  	s10 =	sld [smem:$0x3FB7]  }
0x39: {  	_ = 	snop;
	(pc) =	sbr.ind lr, $3  }
0x3a: {  	_ = 	snop  }
0x3b: {  	_ = 	snop  }
0x3c: {  	p2 =	seq.s32 s10, $0x1;
	s10 =	sld [smem:$0x3FB6]  }
0x3d: {  	_ =	shalt  }
0x3e: {  	_ =	shalt  }
0x3f: {  	_ =	shalt  }
0x40: {  	_ =	shalt  }
0x41: {  	_ =	shalt  }
0x42: {  	_ =	shalt  }
0x43: {  	_ =	shalt  }
0x44: {  	_ =	shalt  }
0x45: {  	_ =	shalt  }
0x46: {  	_ =	shalt  }
0x47: {  	_ =	shalt  }
0x48: {  	_ =	shalt  }
0x49: {  	_ =	shalt  }
0x4a: {  	_ =	shalt  }
0x4b: {  	_ =	shalt  }
0x4c: {  	_ =	shalt  }
0x4d: {  	_ =	shalt  }
0x4e: {  	_ =	shalt  }
0x4f: {  	_ =	shalt  }
0x50: {  	_ =	shalt  }
0x51: {  	_ =	shalt  }
0x52: {  	_ =	shalt  }
0x53: {  	_ =	shalt  }
0x54: {  	_ =	shalt  }
0x55: {  	_ =	shalt  }
0x56: {  	_ =	shalt  }
0x57: {  	_ =	shalt  }
0x58: {  	_ =	shalt  }
0x59: {  	_ =	shalt  }
0x5a: {  	_ =	shalt  }
0x5b: {  	_ =	shalt  }
0x5c: {  	_ =	shalt  }
0x5d: {  	_ =	shalt  }
0x5e: {  	_ =	shalt  }
0x5f: {  	_ =	shalt  }
0x60: {  	_ =	shalt  }
0x61: {  	_ =	shalt  }
0x62: {  	_ =	shalt  }
0x63: {  	_ =	shalt  }
0x64: {  	_ =	shalt  }
0x65: {  	_ =	shalt  }
0x66: {  	_ =	shalt  }
0x67: {  	_ =	shalt  }
0x68: {  	_ =	shalt  }
0x69: {  	_ =	shalt  }
0x6a: {  	_ =	shalt  }
0x6b: {  	_ =	shalt  }
0x6c: {  	_ =	shalt  }
0x6d: {  	_ =	shalt  }
0x6e: {  	_ =	shalt  }
0x6f: {  	_ =	shalt  }
0x70: {  	_ =	shalt  }
0x71: {  	_ =	shalt  }
0x72: {  	_ =	shalt  }
0x73: {  	_ =	shalt  }
0x74: {  	_ =	shalt  }
0x75: {  	_ =	shalt  }
0x76: {  	_ =	shalt  }
0x77: {  	_ =	shalt  }
0x78: {  	_ =	shalt  }
0x79: {  	_ =	shalt  }
0x7a: {  	_ =	shalt  }
0x7b: {  	_ =	shalt  }
0x7c: {  	_ =	shalt  }
0x7d: {  	_ =	shalt  }
0x7e: {  	_ =	shalt  }
0x7f: {  	_ =	shalt  }
0x80: {  	_ =	shalt  }
0x81: {  	_ =	shalt  }
0x82: {  	_ =	shalt  }
0x83: {  	_ =	shalt  }
0x84: {  	_ =	shalt  }
0x85: {  	_ =	shalt  }
0x86: {  	_ =	shalt  }
0x87: {  	_ =	shalt  }
.Lfunc_end0:
.L_simem_size_0:
called_computation_lowered:
.L_overlay_start_0:
0x88: {  	s2 =	sld [smem:$0x3FD9]  }
0x89: {  	s3 =	sld [smem:$0x3FFE];
	_ =	sdelay $0x1  }
0x8a: {  	s1 =	srdreg.scid  }
0x8b: {  	s0 =	sand.u32 $0x1, s1  }
0x8c: {  	s17 =	sshll.u32 s0, $0xA;
	s2 =	sadd.s32 s3, s2  }
0x8d: {  	s2 =	sadd.s32 s2, s17  }
0x8e: {  	[smem:$0x3FC2] =	sst s2  }
0x8f: {  	_ = 	snop  }
0x90: {  	s2 =	sld [smem:$0x3FC8];
	(tm) =	ssettm $0x1  }
0x91: {  	s18 =	sld [smem:$0x3FFB];
	_ =	sdelay $0x3  }
0x92: {  	_ =	strace s18  }
0x93: {  	s3 =	sld [smem:$0x3FFC];
	_ =	sdelay $0x3  }
0x94: {  	_ =	strace s3  }
0x95: {  	s3 =	sld [smem:$0x3FFD];
	_ =	sdelay $0x3  }
0x96: {  	_ =	strace s3  }
0x97: {  	_ =	strace $0x8FFFFFFF  }
0x98: {  	s19 =	sld [smem:$0x3FDB];
	_ =	sdelay $0x1  }
0x99: {  	s4 =	simm.s32 $_scs_section_size  }
0x9a: {  	s5 =	simm.s32 $_size__tile_overlayer_lowered;
	s6 =	simm.s32 $_tile_overlayer_lowered  }
0x9b: {  	s22 =	simm.s32 $0x1BFF;
	s21 =	sshll.u32 s6, $0x1;
	s3 =	sadd.s32 s4, s19  }
0x9c: {  	s7 =	simm.s32 $0x0;
	s20 =	sshll.u32 s5, $0x1;
	s5 =	sadd.s32 s21, s3  }
0x9d: {  	[timem:s7], [sflag:s22] =	dma.local [hbm:s5], s20  }
0x9e: {  	_ =	swait.ge [sflag:s22], s20  }
0x9f: {  	s4 =	ssub.s32 $0x0, s20;
	[sflag:s22] =	ssyncset.done $0x0  }
0xa0: {  	[sflag:s22] =	ssyncadd.s32 s4;
	_ =	sdelay $0x1  }
0xa1: {  	s23 =	simm.s32 $0x1B8B  }
0xa2: {  	_ =	swait.ge [sflag:s23], $0x1  }
0xa3: {  	[sflag:s23] =	ssyncset.done $0x0  }
0xa4: {  	s25 =	simm.s32 $0x1B8E;
	s24 =	sld [smem:$0x3FFE];
	[sflag:s23] =	ssyncadd.s32 $0xFFFFFFFF  }
0xa5: {  	s26 =	simm.s32 $execute0_lowered;
	[smem:$0x3FD2] =	sst s25  }
0xa6: {  	s5 =	sshll.u32 s26, $0x1;
	_ =	strace $0x80000046;
	[dreg:$0x1] =	wrdreg $0xFFFFFFFF  }
0xa7: {  	s28 =	simm.s32 $_size_execute0_lowered;
	s3 =	sadd.s32 s3, s5;
	[dreg:$0x0] =	wrdreg $0x0  }
0xa8: {  	s5 =	sshll.u32 s28, $0x1;
	[dreg:$0x2] =	wrdreg s3  }
0xa9: {  	[dreg:$0x3] =	wrdreg s5  }
0xaa: {  	[dreg:$0x4] =	wrdreg $0xC0  }
0xab: {  	_ =	task [dreg:s7], $0x5FFFF  }
0xac: {  	[dreg:$0x1] =	wrdreg $0xFFFFFFFF  }
0xad: {  	[dreg:$0x0] =	wrdreg $0x60  }
0xae: {  	[dreg:$0x2] =	wrdreg s2  }
0xaf: {  	[dreg:$0x3] =	wrdreg s24  }
0xb0: {  	[dreg:$0x4] =	wrdreg $0x163800  }
0xb1: {  	[dreg:$0x5] =	wrdreg $0x18E000  }
0xb2: {  	[dreg:$0x6] =	wrdreg $0x166000  }
0xb3: {  	[dreg:$0x7] =	wrdreg $0x9  }
0xb4: {  	_ =	task.clear_ibuf [dreg:s7], $0x8FFFF;
	_ =	strace $0x90000046  }
0xb5: {  	s29 =	simm.s32 $0x9;
	_ =	strace $0x80000048  }
0xb6: {  	_ =	swait.ge [sflag:s29], $0x1  }
0xb7: {  	[sflag:s29] =	ssyncadd.s32 $0xFFFFFFFF  }
0xb8: {  	_ =	strace $0x90000048  }
0xb9: {  	_ =	sfence  }
0xba: {  	s30 =	sld [smem:$0x0];
	_ =	sdelay $0x2  }
0xbb: {  	s31 =	sshll.u32 s1, $0xD;
	s1 =	sshrl.u32 s1, $0x2  }
0xbc: {  	s3 =	sand.u32 $0x4000, s31;
	s1 =	sadd.s32 s1, s30  }
0xbd: {  	s0 =	sor.u32 s3, s0;
	s1 =	sshll.u32 s1, $0x11  }
0xbe: {  	s0 =	sor.u32 s1, s0  }
0xbf: {  	s0 =	sadd.s32 $0x8F2B, s0  }
0xc0: {  	[sflag:s0] =	ssyncadd.remote.s32 $0x1  }
0xc1: {  	_ =	sfence.sel $0xFFFF  }
0xc2: {  	[dreg:$0x0] =	wrdreg $0xFFFFFFFF;
	(pc) =	sbr.abs _section_cstart, $3  }
0xc3: {  	[dreg:$0x1] =	wrdreg $0xFFFFFFFF  }
0xc4: {  	_ =	task.clear_ibuf [dreg:s7], $0x2FFFF;
	_ =	strace $0x9FFFFFFF  }
0xc5: {  	(tm) =	ssettm $0x7FFFFFFF  }
tec
execute0_lowered:
.L_overlay_start_1:
0x0: {  	(tag) =	ssettag $0x1  }
0x1: {  	s0 =	rddreg [dreg:$0x0]  }
0x2: {  	s1 =	rddreg [dreg:$0x1];
	s17 =	stileid.u32  }
0x3: {  	s3 =	srdreg.scid;
	s2 =	rddreg [dreg:$0x2]  }
0x4: {  	s4 =	rddreg [dreg:$0x4];
	s7 =	simm.s32 $0x0;
	s28 =	simm.s32 $0x14380  }
0x5: {  	s30 =	simm.s32 $0x14B80;
	s29 =	simm.s32 $0x15B80;
	s31 =	simm.s32 $0x2  }
0x6: {  	s5 =	smul.u32 $0x2800, s17;
	s8 =	sand.u32 $0x1, s3;
	s3 =	rddreg [dreg:$0x3]  }
0x7: {  	[smem:$0x7FF] =	sst s7;
	s11 =	smul.u32 $0xA00, s17;
	s20 =	sshll.u32 s17, $0x5  }
0x8: {  	s6 =	smul.u32 $0x28000, s8;
	_ =	strace $0x80000047;
	s14 =	ssub.s32 $0x2, s8  }
0x9: {  	s12 =	sshll.u32 s8, $0x4;
	p2 =	sne.s32 s8, $0x0;
	s8 =	simm.s32 $0x7  }
0xa: {  	s9 =	sadd.s32 s5, s1;
	s13 =	sshrl.u32 s5, $0x3;
	s15 =	sshrl.u32 s14, $0x1  }
0xb: {  	s16 =	sshrl.u32 s11, $0x2;
	s18 =	ssub.s32 s17, s12;
	s7 =	sadd.s32 s5, s3  }
0xc: {  	s22 =	sadd.s32 s5, s4;
	s6 =	sadd.s32 s5, s6;
	s21 =	sadd.s32 $0x2400, s9  }
0xd: {  	[dreg:$0xb] =	wrdreg s22;
	p1 =	sgt.s32 s18, $0xFFFFFFF3;
	s22 =	simm.s32 $0xA100  }
0xe: {  	s5 =	simm.s32 $0x6;
	s9 =	simm.s32 $0x0;
	s6 =	sshrl.u32 s6, $0x3  }
0xf: {  	[dreg:$0xa] =	wrdreg s21;
	s21 =	simm.s32 $0x9;
	s10 =	sadd.s32 s6, s1  }
0x10: {  	s1 =	sadd.s32 s13, s1;
	s13 =	ssub.s32 s14, s15;
	s14 =	sor.u32 s17, s12  }
0x11: {  	s6 =	sadd.s32 s16, s2;
	s15 =	smul.u32 $0x9C0, s18;
	s16 =	sshll.u32 s18, $0x8  }
0x12: {  	s18 =	simm.s32 $0x4;
	s19 =	smul.u32 $0x9C0, s14;
	s16 =	sadd.s32 $0x9D000, s16  }
0x13: {  	s23 =	sadd.s32 $0x34400, s1;
	s24 =	sadd.s32 $0x39400, s1;
	s25 =	sadd.s32 $0x2A400, s10  }
0x14: {  	s26 =	smax.u32 s13, $0x1;
	s13 =	simm.s32 $0x9E80;
	[dreg:$0xc] =	wrdreg s23  }
0x15: {  	p0 =	sgt.u32 s14, $0x3;
	s14 =	simm.s32 $0x180;
	[dreg:$0xd] =	wrdreg s24  }
0x16: {  	s1 =	simm.s32 $0x15380;
	s15 =	sadd.s32 s15, s0;
	[dreg:$0xe] =	wrdreg s25  }
0x17: {  	s16 =	sshrl.u32 s16, $0x3;
	[dreg:$0xf] =	wrdreg s26;
	s23 =	simm.s32 $0x80  }
0x18: {  	s25 =	simm.s32 $0x9E00;
	s24 =	simm.s32 $0x5;
	s12 =	sadd.s32 s0, s19  }
0x19: {  	s26 =	simm.s32 $0x8;
	s15 =	sadd.s32 $0x9C00, s15;
	[dreg:$0x6] =	wrdreg s12  }
0x1a: {  	s12 =	sadd.s32 s20, s0;
	[dreg:$0x7] =	wrdreg s15;
	s0 =	sadd.s32 s0, s16  }
0x1b: {  	s19 =	simm.s32 $0xA;
	s12 =	sadd.s32 $0x13800, s12;
	[dreg:$0x9] =	wrdreg s0  }
0x1c: {  	v0 =	vimm.f32 $0.0e+00;
	v1 =	vimm.f32 $1.000000000e+00;
	s20 =	simm.s32 $0x1;
	s0 =	simm.s32 $0x3;
	[dreg:$0x8] =	wrdreg s12  }
.LBB2_1:
0x1d: {  	[tilespmem:$0x9E80] =	vst v0  }
0x1e: {  	[tilespmem:$0x9E90] =	vst v0  }
0x1f: {  	[tilespmem:$0x9EA0] =	vst v0  }
0x20: {  	[tilespmem:$0x9EB0] =	vst v0  }
0x21: {  	[tilespmem:$0x9EC0] =	vst v0  }
0x22: {  	[tilespmem:$0x9ED0] =	vst v0  }
0x23: {  	[tilespmem:$0x9EE0] =	vst v0  }
0x24: {  	[tilespmem:$0x9EF0] =	vst v0  }
0x25: {  	[tilespmem:$0x9F00] =	vst v0  }
0x26: {  	[tilespmem:$0x9F10] =	vst v0  }
0x27: {  	[tilespmem:$0x9F20] =	vst v0  }
0x28: {  	[tilespmem:$0x9F30] =	vst v0  }
0x29: {  	[tilespmem:$0x9F40] =	vst v0  }
0x2a: {  	[tilespmem:$0x9F50] =	vst v0  }
0x2b: {  	[tilespmem:$0x9F60] =	vst v0  }
0x2c: {  	[tilespmem:$0x9F70] =	vst v0  }
0x2d: {  	[tilespmem:$0x9F80] =	vst v0  }
0x2e: {  	[tilespmem:$0x9F90] =	vst v0  }
0x2f: {  	[tilespmem:$0x9FA0] =	vst v0  }
0x30: {  	[tilespmem:$0x9FB0] =	vst v0  }
0x31: {  	[tilespmem:$0x9FC0] =	vst v0  }
0x32: {  	[tilespmem:$0x9FD0] =	vst v0  }
0x33: {  	[tilespmem:$0x9FE0] =	vst v0  }
0x34: {  	[tilespmem:$0x9FF0] =	vst v0  }
0x35: {  	[tilespmem:$0xA000] =	vst v0  }
0x36: {  	[tilespmem:$0xA010] =	vst v0  }
0x37: {  	[tilespmem:$0xA020] =	vst v0  }
0x38: {  	[tilespmem:$0xA030] =	vst v0  }
0x39: {  	[tilespmem:$0xA040] =	vst v0  }
0x3a: {  	[tilespmem:$0xA050] =	vst v0  }
0x3b: {  	[tilespmem:$0xA060] =	vst v0  }
0x3c: {  	[tilespmem:$0xA070] =	vst v0  }
0x3d: {  	[tilespmem:$0xA080] =	vst v0  }
0x3e: {  	[tilespmem:$0xA090] =	vst v0  }
0x3f: {  	[tilespmem:$0xA0A0] =	vst v0  }
0x40: {  	[tilespmem:$0xA0B0] =	vst v0  }
0x41: {  	[tilespmem:$0xA0C0] =	vst v0  }
0x42: {  	[tilespmem:$0xA0D0] =	vst v0  }
0x43: {  	[tilespmem:$0xA0E0] =	vst v0  }
0x44: {  	[tilespmem:$0xA0F0] =	vst v0  }
0x45: {  	[tilespmem:$0x9E00] =	vst v1  }
0x46: {  	[tilespmem:$0x9E10] =	vst v1  }
0x47: {  	[tilespmem:$0x9E20] =	vst v1  }
0x48: {  	[tilespmem:$0x9E30] =	vst v1  }
0x49: {  	[tilespmem:$0x9E40] =	vst v1  }
0x4a: {  	[tilespmem:$0x9E50] =	vst v1  }
0x4b: {  	[tilespmem:$0x9E60] =	vst v1  }
0x4c: {  	[tilespmem:$0x9E70] =	vst v1  }
0x4d: {  	[spmem:s6] =	stream.linear.scatter [tilespmem:s13], [sflag:$0xA], $0x280, $0x38;
	[tilespmem:$0x1B600] =	vst v63  }
0x4e: {  	_ =	swait.ge [sflag:s19], $0x280  }
0x4f: {  	[sflag:s19] =	ssyncset.done $0x0  }
0x50: {  	s10 =	simm.s32 $0x40;
	s11 =	simm.s32 $0x0;
	[sflag:s19] =	ssyncadd.s32 $0xFFFFFD80  }
.LBB2_2:
0x51: {  	p3 =	sne.s32 s10, $0x9FC0;
	[tilespmem:s11+$0xA380] =	vst v0;
	s11 =	smov.u32 s10;
	s10 =	sadd.s32 $0x40, s10  }
.Ltmp0:
0x52: {  	(pc) =	sbr.rel @p3 .LBB2_2-.Ltmp0, $2  }
0x53: {  	_ =	sdelay $0x2  }
0x54: {  	s11 =	sshra.s32 s11, $0x2  }
0x55: {  	[tilespmem:s11+$0xA380] =	vst v0;
	s10 =	simm.s32 $0xA380  }
0x56: {  	[spmem:s7] =	stream.linear.scatter [tilespmem:s10], [sflag:$0xA], $0x2800, $0x38;
	[tilespmem:$0x1B600] =	vst v63  }
0x57: {  	_ =	swait.ge [sflag:s19], $0x2800  }
0x58: {  	[sflag:s19] =	ssyncset.done $0x0  }
0x59: {  	s15 =	simm.s32 $0x0;
	s16 =	rddreg [dreg:$0x6];
	[sflag:s19] =	ssyncadd.s32 $0xFFFFD800  }
0x5a: {  	[tilespmem:s15], [sflag:$0xA] =	stream.linear.gather [hbm4b:s16+s15], $0x4E00, $0x38;
	[tilespmem:$0x1B600] =	vst v63  }
0x5b: {  	_ =	swait.ge [sflag:s19], $0x4E00  }
0x5c: {  	[sflag:s19] =	ssyncset.done $0x0  }
0x5d: {  	s12 =	simm.s32 $0x4F00;
	s17 =	rddreg [dreg:$0x7];
	[sflag:s19] =	ssyncadd.s32 $0xFFFFB200  }
0x5e: {  	[tilespmem:s12], [sflag:$0xA] =	stream.linear.gather [hbm4b:s17+s15], $0x4E00, $0x38;
	[tilespmem:$0x1B600] =	vst v63  }
0x5f: {  	_ =	swait.ge [sflag:s19], $0x4E00  }
0x60: {  	s11 =	simm.s32 @!p0 $0x4E00;
	[sflag:s19] =	ssyncset.done $0x0  }
0x61: {  	s10 =	simm.s32 @!p0 $0x0;
	s12 =	rddreg [dreg:$0x8];
	[sflag:s19] =	ssyncadd.s32 $0xFFFFB200  }
0x62: {  	[tilespmem:s11], [sflag:$0xA] =	stream.linear.gather @!p0 [hbm4b:s12+s10], $0x100, $0x38;
	[tilespmem:$0x1B600] =	vst v63  }
0x63: {  	s10 =	simm.s32 @!p0 $0xA  }
0x64: {  	_ =	swait.ge @!p0 [sflag:s10], $0x100  }
0x65: {  	s11 =	simm.s32 @!p1 $0x9D00;
	[sflag:s10] =	ssyncset.done @!p0 $0x0  }
0x66: {  	s12 =	rddreg [dreg:$0x9];
	[sflag:s10] =	ssyncadd.s32 @!p0 $0xFFFFFF00;
	s10 =	simm.s32 @!p1 $0x0  }
0x67: {  	[tilespmem:s11], [sflag:$0xA] =	stream.linear.gather @!p1 [hbm4b:s12+s10], $0x100, $0x38;
	[tilespmem:$0x1B600] =	vst v63  }
0x68: {  	s10 =	simm.s32 @!p1 $0xA  }
0x69: {  	_ =	swait.ge @!p1 [sflag:s10], $0x100  }
0x6a: {  	s16 =	simm.s32 $0x10;
	[sflag:s10] =	ssyncset.done @!p1 $0x0  }
0x6b: {  	s17 =	simm.s32 $0xCB80;
	s15 =	rddreg [dreg:$0xa];
	[sflag:s10] =	ssyncadd.s32 @!p1 $0xFFFFFF00  }
0x6c: {  	[tilespmem:s17], [sflag:$0xA] =	stream.strided.gather [hbm4b:s15+s16], $0x2800, s23, s16, $0x38;
	[tilespmem:$0x1B600] =	vst v63  }
0x6d: {  	_ =	swait.ge [sflag:s19], $0x2800  }
0x6e: {  	[sflag:s19] =	ssyncset.done $0x0  }
0x6f: {  	[sflag:s19] =	ssyncadd.s32 $0xFFFFD800  }
0x70: {  	[bflag:$0x0] =	sbarrier.arrive $0xFFFF  }
0x71: {  	[spmem:s2] =	stream.indirect.scatter.add.f32 [tilespmem:s25], [sflag:$0x9], $0x1, s23, s23, $0xb8;
	[tilespmem:$0x1B600] =	vst v63  }
0x72: {  	_ = 	snop  }
0x73: {  	[spmem:s2] =	stream.indirect.scatter.add.f32 [tilespmem:s25], [sflag:$0x9], $0x1, s14, s23, $0xb8;
	[tilespmem:$0x1B600] =	vst v63  }
0x74: {  	s11 =	simm.s32 $0x280  }
0x75: {  	[spmem:s2] =	stream.indirect.scatter.add.f32 [tilespmem:s25], [sflag:$0x9], $0x1, s11, s23, $0xb8;
	[tilespmem:$0x1B600] =	vst v63  }
0x76: {  	s12 =	simm.s32 $0x380  }
0x77: {  	[spmem:s2] =	stream.indirect.scatter.add.f32 [tilespmem:s25], [sflag:$0x9], $0x1, s12, s23, $0xb8;
	[tilespmem:$0x1B600] =	vst v63  }
0x78: {  	s14 =	simm.s32 $0x480  }
0x79: {  	[spmem:s2] =	stream.indirect.scatter.add.f32 [tilespmem:s25], [sflag:$0x9], $0x1, s14, s23, $0xb8;
	[tilespmem:$0x1B600] =	vst v63  }
0x7a: {  	s15 =	simm.s32 $0x580  }
0x7b: {  	[spmem:s2] =	stream.indirect.scatter.add.f32 [tilespmem:s25], [sflag:$0x9], $0x1, s15, s23, $0xb8;
	[tilespmem:$0x1B600] =	vst v63  }
0x7c: {  	s16 =	simm.s32 $0x680  }
0x7d: {  	[spmem:s2] =	stream.indirect.scatter.add.f32 [tilespmem:s25], [sflag:$0x9], $0x1, s16, s23, $0xb8;
	[tilespmem:$0x1B600] =	vst v63  }
0x7e: {  	s17 =	simm.s32 $0x780  }
0x7f: {  	[spmem:s2] =	stream.indirect.scatter.add.f32 [tilespmem:s25], [sflag:$0x9], $0x1, s17, s23, $0xb8;
	[tilespmem:$0x1B600] =	vst v63  }
0x80: {  	_ =	swait.ge [sflag:s21], $0x80  }
0x81: {  	[sflag:s21] =	ssyncset.done $0x0  }
0x82: {  	s10 =	simm.s32 $0x2600;
	s11 =	simm.s32 $0x880;
	[sflag:s21] =	ssyncadd.s32 $0xFFFFFF80  }
.LBB2_4:
0x83: {  	[spmem:s2] =	stream.indirect.scatter.add.f32 [tilespmem:s25], [sflag:$0x9], $0x1, s11, s23, $0xb8;
	[tilespmem:$0x1B600] =	vst v63  }
0x84: {  	s11 =	smov.u32 s10;
	p3 =	sne.s32 s10, $0x13600  }
.Ltmp1:
0x85: {  	s10 =	sadd.s32 $0x400, s10;
	(pc) =	sbr.rel @p3 .LBB2_4-.Ltmp1, $4  }
0x86: {  	_ = 	snop  }
0x87: {  	_ =	swait.ge [sflag:s21], $0x80  }
0x88: {  	[sflag:s21] =	ssyncset.done $0x0  }
0x89: {  	s11 =	sshra.s32 s11, $0x2;
	[sflag:s21] =	ssyncadd.s32 $0xFFFFFF80  }
0x8a: {  	[spmem:s2] =	stream.indirect.scatter.add.f32 [tilespmem:s25], [sflag:$0x9], $0x1, s11, s23, $0xb8;
	[tilespmem:$0x1B600] =	vst v63  }
0x8b: {  	s10 =	simm.s32 @!p0 $0x80;
	s11 =	simm.s32 @!p0 $0x4E80;
	s12 =	simm.s32 @!p0 $0x9E00  }
0x8c: {  	[spmem:s2] =	stream.indirect.scatter.add.f32 @!p0 [tilespmem:s12], [sflag:$0x9], $0x1, s11, s10, $0xb8;
	[tilespmem:$0x1B600] =	vst v63  }
0x8d: {  	_ =	swait.ge [sflag:s21], $0x80  }
0x8e: {  	[sflag:s21] =	ssyncset.done $0x0  }
0x8f: {  	[sflag:s21] =	ssyncadd.s32 $0xFFFFFF80  }
0x90: {  	_ =	swait.ge [sflag:s21], $0x80  }
0x91: {  	[sflag:s21] =	ssyncset.done $0x0  }
0x92: {  	[sflag:s21] =	ssyncadd.s32 $0xFFFFFF80  }
0x93: {  	_ =	swait.ge [sflag:s21], $0x80  }
0x94: {  	[sflag:s21] =	ssyncset.done $0x0  }
0x95: {  	[sflag:s21] =	ssyncadd.s32 $0xFFFFFF80  }
0x96: {  	_ =	swait.ge [sflag:s21], $0x80  }
0x97: {  	[sflag:s21] =	ssyncset.done $0x0  }
0x98: {  	[sflag:s21] =	ssyncadd.s32 $0xFFFFFF80  }
0x99: {  	_ =	swait.ge [sflag:s21], $0x80  }
0x9a: {  	[sflag:s21] =	ssyncset.done $0x0  }
0x9b: {  	[sflag:s21] =	ssyncadd.s32 $0xFFFFFF80  }
0x9c: {  	_ =	swait.ge [sflag:s21], $0x80  }
0x9d: {  	[sflag:s21] =	ssyncset.done $0x0  }
0x9e: {  	[sflag:s21] =	ssyncadd.s32 $0xFFFFFF80  }
0x9f: {  	_ =	swait.ge [sflag:s21], $0x80  }
0xa0: {  	[sflag:s21] =	ssyncset.done $0x0  }
0xa1: {  	[sflag:s21] =	ssyncadd.s32 $0xFFFFFF80  }
0xa2: {  	_ =	swait.ge [sflag:s21], $0x80  }
0xa3: {  	[sflag:s21] =	ssyncset.done $0x0  }
0xa4: {  	s10 =	simm.s32 @!p0 $0x9;
	[sflag:s21] =	ssyncadd.s32 $0xFFFFFF80  }
0xa5: {  	_ =	swait.ge @!p0 [sflag:s10], $0x80  }
0xa6: {  	[sflag:s10] =	ssyncset.done @!p0 $0x0  }
0xa7: {  	s16 =	simm.s32 $0x4F80;
	[sflag:s10] =	ssyncadd.s32 @!p0 $0xFFFFFF80  }
0xa8: {  	[spmem:s2] =	stream.indirect.scatter.add.f32 [tilespmem:s25], [sflag:$0x9], $0x1, s16, s23, $0xb8;
	[tilespmem:$0x1B600] =	vst v63  }
0xa9: {  	s17 =	simm.s32 $0x5080  }
0xaa: {  	[spmem:s2] =	stream.indirect.scatter.add.f32 [tilespmem:s25], [sflag:$0x9], $0x1, s17, s23, $0xb8;
	[tilespmem:$0x1B600] =	vst v63  }
0xab: {  	s11 =	simm.s32 $0x5180  }
0xac: {  	[spmem:s2] =	stream.indirect.scatter.add.f32 [tilespmem:s25], [sflag:$0x9], $0x1, s11, s23, $0xb8;
	[tilespmem:$0x1B600] =	vst v63  }
0xad: {  	s12 =	simm.s32 $0x5280  }
0xae: {  	[spmem:s2] =	stream.indirect.scatter.add.f32 [tilespmem:s25], [sflag:$0x9], $0x1, s12, s23, $0xb8;
	[tilespmem:$0x1B600] =	vst v63  }
0xaf: {  	s14 =	simm.s32 $0x5380  }
0xb0: {  	[spmem:s2] =	stream.indirect.scatter.add.f32 [tilespmem:s25], [sflag:$0x9], $0x1, s14, s23, $0xb8;
	[tilespmem:$0x1B600] =	vst v63  }
0xb1: {  	s15 =	simm.s32 $0x5480  }
0xb2: {  	[spmem:s2] =	stream.indirect.scatter.add.f32 [tilespmem:s25], [sflag:$0x9], $0x1, s15, s23, $0xb8;
	[tilespmem:$0x1B600] =	vst v63  }
0xb3: {  	s16 =	simm.s32 $0x5580  }
0xb4: {  	[spmem:s2] =	stream.indirect.scatter.add.f32 [tilespmem:s25], [sflag:$0x9], $0x1, s16, s23, $0xb8;
	[tilespmem:$0x1B600] =	vst v63  }
0xb5: {  	s17 =	simm.s32 $0x5680  }
0xb6: {  	[spmem:s2] =	stream.indirect.scatter.add.f32 [tilespmem:s25], [sflag:$0x9], $0x1, s17, s23, $0xb8;
	[tilespmem:$0x1B600] =	vst v63  }
0xb7: {  	_ =	swait.ge [sflag:s21], $0x80  }
0xb8: {  	[sflag:s21] =	ssyncset.done $0x0  }
0xb9: {  	s10 =	simm.s32 $0x2600;
	s11 =	simm.s32 $0x5780;
	[sflag:s21] =	ssyncadd.s32 $0xFFFFFF80  }
.LBB2_6:
0xba: {  	[spmem:s2] =	stream.indirect.scatter.add.f32 [tilespmem:s25], [sflag:$0x9], $0x1, s11, s23, $0xb8;
	[tilespmem:$0x1B600] =	vst v63  }
0xbb: {  	s11 =	smov.u32 s10;
	p3 =	sne.s32 s10, $0x13600  }
.Ltmp2:
0xbc: {  	s10 =	sadd.s32 $0x400, s10;
	(pc) =	sbr.rel @p3 .LBB2_6-.Ltmp2, $4  }
0xbd: {  	_ = 	snop  }
0xbe: {  	_ =	swait.ge [sflag:s21], $0x80  }
0xbf: {  	s11 =	sshra.s32 s11, $0x2;
	[sflag:s21] =	ssyncset.done $0x0  }
0xc0: {  	s11 =	sadd.s32 $0x4F00, s11;
	[sflag:s21] =	ssyncadd.s32 $0xFFFFFF80  }
0xc1: {  	[spmem:s2] =	stream.indirect.scatter.add.f32 [tilespmem:s25], [sflag:$0x9], $0x1, s11, s23, $0xb8;
	[tilespmem:$0x1B600] =	vst v63  }
0xc2: {  	s10 =	simm.s32 @!p1 $0x80;
	s11 =	simm.s32 @!p1 $0x9D80;
	s12 =	simm.s32 @!p1 $0x9E00  }
0xc3: {  	[spmem:s2] =	stream.indirect.scatter.add.f32 @!p1 [tilespmem:s12], [sflag:$0x9], $0x1, s11, s10, $0xb8;
	[tilespmem:$0x1B600] =	vst v63  }
0xc4: {  	_ =	swait.ge [sflag:s21], $0x80  }
0xc5: {  	[sflag:s21] =	ssyncset.done $0x0  }
0xc6: {  	[sflag:s21] =	ssyncadd.s32 $0xFFFFFF80  }
0xc7: {  	_ =	swait.ge [sflag:s21], $0x80  }
0xc8: {  	[sflag:s21] =	ssyncset.done $0x0  }
0xc9: {  	[sflag:s21] =	ssyncadd.s32 $0xFFFFFF80  }
0xca: {  	_ =	swait.ge [sflag:s21], $0x80  }
0xcb: {  	[sflag:s21] =	ssyncset.done $0x0  }
0xcc: {  	[sflag:s21] =	ssyncadd.s32 $0xFFFFFF80  }
0xcd: {  	_ =	swait.ge [sflag:s21], $0x80  }
0xce: {  	[sflag:s21] =	ssyncset.done $0x0  }
0xcf: {  	[sflag:s21] =	ssyncadd.s32 $0xFFFFFF80  }
0xd0: {  	_ =	swait.ge [sflag:s21], $0x80  }
0xd1: {  	[sflag:s21] =	ssyncset.done $0x0  }
0xd2: {  	[sflag:s21] =	ssyncadd.s32 $0xFFFFFF80  }
0xd3: {  	_ =	swait.ge [sflag:s21], $0x80  }
0xd4: {  	[sflag:s21] =	ssyncset.done $0x0  }
0xd5: {  	[sflag:s21] =	ssyncadd.s32 $0xFFFFFF80  }
0xd6: {  	_ =	swait.ge [sflag:s21], $0x80  }
0xd7: {  	[sflag:s21] =	ssyncset.done $0x0  }
0xd8: {  	[sflag:s21] =	ssyncadd.s32 $0xFFFFFF80  }
0xd9: {  	_ =	swait.ge [sflag:s21], $0x80  }
0xda: {  	[sflag:s21] =	ssyncset.done $0x0  }
0xdb: {  	s10 =	simm.s32 @!p1 $0x9;
	[sflag:s21] =	ssyncadd.s32 $0xFFFFFF80  }
0xdc: {  	_ =	swait.ge @!p1 [sflag:s10], $0x80  }
0xdd: {  	[sflag:s10] =	ssyncset.done @!p1 $0x0  }
0xde: {  	[sflag:s10] =	ssyncadd.s32 @!p1 $0xFFFFFF80  }
0xdf: {  	[bflag:$0x0] =	sbarrier.arrive $0xFFFF  }
0xe0: {  	[tilespmem:s13], [sflag:$0xA] =	stream.linear.gather [spmem:s6], $0x280, $0x38;
	[tilespmem:$0x1B600] =	vst v63  }
0xe1: {  	_ =	swait.ge [sflag:s19], $0x280  }
0xe2: {  	[sflag:s19] =	ssyncset.done $0x0  }
0xe3: {  	[sflag:s19] =	ssyncadd.s32 $0xFFFFFD80  }
0xe4: {  	v2 =	vld [tilespmem:$0x9E80]  }
0xe5: {  	v3 =	vld [tilespmem:$0x9E90]  }
0xe6: {  	v5 =	vld [tilespmem:$0x9EA0];
	_ =	sdelay $0x3  }
0xe7: {  	v2 =	vadd.f32 $1.000000000e+00, v2  }
0xe8: {  	v3 =	vadd.f32 $1.000000000e+00, v3;
	v5 =	vadd.f32 $1.000000000e+00, v5  }
0xe9: {  	v4 =	vshra.s32 v2, $0x1;
	v2 =	vmul.f32 $5.000000000e-01, v2  }
0xea: {  	v7 =	vshra.s32 v3, $0x1;
	v3 =	vmul.f32 $5.000000000e-01, v3;
	v9 =	vshra.s32 v5, $0x1  }
0xeb: {  	v5 =	vmul.f32 $5.000000000e-01, v5;
	v4 =	vsub.s32 $0x5F3759DF, v4;
	v7 =	vsub.s32 $0x5F3759DF, v7  }
0xec: {  	v19 =	vsub.s32 $0x5F3759DF, v9;
	v6 =	vmul.f32 v4, v2;
	v8 =	vmul.f32 v7, v3  }
0xed: {  	v20 =	vld [tilespmem:$0x9EB0];
	v9 =	vmul.f32 v19, v5  }
0xee: {  	v6 =	vmul.f32 v4, v6;
	v8 =	vmul.f32 v7, v8  }
0xef: {  	v11 =	vld [tilespmem:$0x9EC0];
	v9 =	vmul.f32 v19, v9  }
0xf0: {  	v15 =	vld [tilespmem:$0x9ED0];
	v6 =	vsub.f32 $1.500000000e+00, v6;
	v18 =	vsub.f32 $1.500000000e+00, v8  }
0xf1: {  	v9 =	vsub.f32 $1.500000000e+00, v9  }
0xf2: {  	v4 =	vmul.f32 v4, v6;
	v6 =	vmul.f32 v7, v18;
	v7 =	vadd.f32 $1.000000000e+00, v20;
	v20 =	vld [tilespmem:$0x9F10]  }
0xf3: {  	v8 =	vmul.f32 v19, v9  }
0xf4: {  	v10 =	vmul.f32 v4, v2;
	v12 =	vmul.f32 v6, v3  }
0xf5: {  	v22 =	vadd.f32 $1.000000000e+00, v11;
	v27 =	vadd.f32 $1.000000000e+00, v15;
	v23 =	vmul.f32 v8, v5  }
0xf6: {  	v24 =	vshra.s32 v7, $0x1;
	v10 =	vmul.f32 v10, v4;
	v12 =	vmul.f32 v12, v6  }
0xf7: {  	v7 =	vmul.f32 $5.000000000e-01, v7;
	v11 =	vmul.f32 v23, v8;
	v48 =	vadd.f32 $1.000000000e+00, v20  }
0xf8: {  	v10 =	vsub.f32 $1.500000000e+00, v10;
	v21 =	vsub.f32 $1.500000000e+00, v12;
	v12 =	vsub.s32 $0x5F3759DF, v24  }
0xf9: {  	v29 =	vmul.f32 $5.000000000e-01, v27;
	v14 =	vmul.f32 v12, v7  }
0xfa: {  	v30 =	vld [tilespmem:$0x9EE0];
	v11 =	vsub.f32 $1.500000000e+00, v11;
	v52 =	vmul.f32 $5.000000000e-01, v48;
	v4 =	vmul.f32 v10, v4  }
0xfb: {  	v13 =	vshra.s32 v22, $0x1;
	v10 =	vmul.f32 $5.000000000e-01, v22;
	v6 =	vmul.f32 v21, v6  }
0xfc: {  	v13 =	vsub.s32 $0x5F3759DF, v13;
	v8 =	vmul.f32 v11, v8;
	v14 =	vmul.f32 v12, v14  }
0xfd: {  	v25 =	vmul.f32 v13, v10;
	v2 =	vmul.f32 v4, v2  }
0xfe: {  	v3 =	vmul.f32 v6, v3;
	v5 =	vmul.f32 v8, v5;
	v26 =	vsub.f32 $1.500000000e+00, v14  }
0xff: {  	v14 =	vadd.f32 $1.000000000e+00, v30;
	v9 =	vmul.f32 v13, v25;
	v2 =	vmul.f32 v2, v4  }
0x100: {  	v28 =	vshra.s32 v27, $0x1;
	v3 =	vmul.f32 v3, v6;
	v5 =	vmul.f32 v5, v8  }
0x101: {  	v11 =	vmul.f32 v12, v26;
	v12 =	vsub.s32 $0x5F3759DF, v28;
	v35 =	vshra.s32 v14, $0x1  }
0x102: {  	v34 =	vld [tilespmem:$0x9EF0];
	v14 =	vmul.f32 $5.000000000e-01, v14;
	v9 =	vsub.f32 $1.500000000e+00, v9;
	v17 =	vmul.f32 v12, v29  }
0x103: {  	v37 =	vld [tilespmem:$0x9F00];
	v2 =	vsub.f32 $1.500000000e+00, v2;
	v3 =	vsub.f32 $1.500000000e+00, v3;
	v31 =	vmul.f32 v11, v7  }
0x104: {  	v5 =	vsub.f32 $1.500000000e+00, v5;
	v9 =	vmul.f32 v13, v9;
	v17 =	vmul.f32 v12, v17  }
0x105: {  	v36 =	vsub.s32 $0x5F3759DF, v35;
	v2 =	vmul.f32 v2, v4;
	v15 =	vmul.f32 v31, v11  }
0x106: {  	v4 =	vmul.f32 v3, v6;
	v16 =	vmul.f32 v9, v10;
	v33 =	vsub.f32 $1.500000000e+00, v17  }
0x107: {  	v3 =	vmul.f32 v5, v8;
	v32 =	vsub.f32 $1.500000000e+00, v15;
	v15 =	vadd.f32 $1.000000000e+00, v34  }
0x108: {  	v16 =	vmul.f32 v16, v9;
	v8 =	vmul.f32 v12, v33;
	v12 =	vadd.f32 $1.000000000e+00, v37  }
0x109: {  	v6 =	vmul.f32 v32, v11;
	v11 =	vmul.f32 v36, v14;
	v39 =	vshra.s32 v15, $0x1  }
0x10a: {  	v15 =	vmul.f32 $5.000000000e-01, v15;
	v5 =	vsub.f32 $1.500000000e+00, v16;
	v38 =	vmul.f32 v8, v29  }
0x10b: {  	v17 =	vsub.s32 $0x5F3759DF, v39;
	v7 =	vmul.f32 v6, v7;
	v11 =	vmul.f32 v36, v11  }
0x10c: {  	v41 =	vshra.s32 v12, $0x1;
	v5 =	vmul.f32 v5, v9;
	v16 =	vmul.f32 v38, v8  }
0x10d: {  	v40 =	vmul.f32 v17, v15;
	v7 =	vmul.f32 v7, v6;
	v11 =	vsub.f32 $1.500000000e+00, v11  }
0x10e: {  	v12 =	vmul.f32 $5.000000000e-01, v12;
	v10 =	vmul.f32 v5, v10;
	v16 =	vsub.f32 $1.500000000e+00, v16  }
0x10f: {  	v45 =	vld [tilespmem:$0x9F20];
	v9 =	vmul.f32 v36, v11;
	v11 =	vmul.f32 v17, v40;
	v7 =	vsub.f32 $1.500000000e+00, v7  }
0x110: {  	v53 =	vld [tilespmem:$0x9F30];
	v10 =	vmul.f32 v10, v5;
	v8 =	vmul.f32 v16, v8;
	v16 =	vsub.s32 $0x5F3759DF, v41  }
0x111: {  	v51 =	vshra.s32 v48, $0x1;
	v18 =	vmul.f32 v9, v14;
	v19 =	vmul.f32 v16, v12  }
0x112: {  	v11 =	vsub.f32 $1.500000000e+00, v11;
	v6 =	vmul.f32 v7, v6;
	v13 =	vmul.f32 v8, v29  }
0x113: {  	v10 =	vsub.f32 $1.500000000e+00, v10;
	v18 =	vmul.f32 v18, v9;
	v19 =	vmul.f32 v16, v19  }
0x114: {  	v11 =	vmul.f32 v17, v11;
	v17 =	vadd.f32 $1.000000000e+00, v45;
	v13 =	vmul.f32 v13, v8  }
0x115: {  	v29 =	vld [tilespmem:$0x9F40];
	v5 =	vmul.f32 v10, v5;
	v10 =	vadd.f32 $1.000000000e+00, v53;
	v42 =	vsub.f32 $1.500000000e+00, v18  }
0x116: {  	v44 =	vsub.f32 $1.500000000e+00, v19;
	v46 =	vmul.f32 v11, v15;
	v18 =	vsub.s32 $0x5F3759DF, v51  }
0x117: {  	v55 =	vshra.s32 v17, $0x1;
	v17 =	vmul.f32 $5.000000000e-01, v17;
	v54 =	vmul.f32 v18, v52  }
0x118: {  	v43 =	vsub.f32 $1.500000000e+00, v13;
	v22 =	vmul.f32 $5.000000000e-01, v10;
	v9 =	vmul.f32 v42, v9  }
0x119: {  	v34 =	vld [tilespmem:$0x9F50];
	v58 =	vshra.s32 v10, $0x1;
	v47 =	vmul.f32 v16, v44;
	v50 =	vmul.f32 v46, v11  }
0x11a: {  	v61 =	vsub.s32 $0x5F3759DF, v58;
	v35 =	vadd.f32 $1.000000000e+00, v29;
	v20 =	vmul.f32 v18, v54  }
0x11b: {  	v49 =	vmul.f32 v9, v14;
	v16 =	vmul.f32 v47, v12;
	v14 =	vsub.f32 $1.500000000e+00, v50  }
0x11c: {  	v7 =	vmul.f32 v43, v8;
	v28 =	vmul.f32 v61, v22;
	v56 =	vsub.f32 $1.500000000e+00, v20  }
0x11d: {  	v16 =	vmul.f32 v16, v47;
	v11 =	vmul.f32 v14, v11;
	v14 =	vsub.s32 $0x5F3759DF, v55  }
0x11e: {  	v30 =	vmul.f32 v61, v28;
	v20 =	vadd.f32 $1.000000000e+00, v34;
	v21 =	vmul.f32 v14, v17  }
0x11f: {  	v13 =	vmul.f32 v49, v9;
	v60 =	vmul.f32 v18, v56;
	v16 =	vsub.f32 $1.500000000e+00, v16  }
0x120: {  	v41 =	vshra.s32 v20, $0x1;
	v15 =	vmul.f32 v11, v15;
	v57 =	vmul.f32 v14, v21  }
0x121: {  	v20 =	vmul.f32 $5.000000000e-01, v20;
	v13 =	vsub.f32 $1.500000000e+00, v13;
	v16 =	vmul.f32 v16, v47  }
0x122: {  	v24 =	vmul.f32 v60, v52;
	v62 =	vmul.f32 v15, v11;
	v63 =	vsub.f32 $1.500000000e+00, v57  }
0x123: {  	v10 =	vmul.f32 v13, v9;
	v15 =	vsub.f32 $1.500000000e+00, v30;
	v59 =	vmul.f32 v16, v12  }
0x124: {  	v21 =	vsub.s32 $0x5F3759DF, v41;
	v32 =	vmul.f32 v24, v60;
	v14 =	vmul.f32 v14, v63  }
0x125: {  	v8 =	vsub.f32 $1.500000000e+00, v62;
	v15 =	vmul.f32 v61, v15;
	v23 =	vmul.f32 v59, v16  }
0x126: {  	v38 =	vld [tilespmem:$0x9F60];
	v42 =	vmul.f32 v21, v20;
	v13 =	vsub.f32 $1.500000000e+00, v32;
	v33 =	vmul.f32 v14, v17  }
0x127: {  	v8 =	vmul.f32 v8, v11;
	v18 =	vmul.f32 v15, v22;
	v31 =	vsub.f32 $1.500000000e+00, v23  }
0x128: {  	v25 =	vld [tilespmem:$0x9F70];
	v12 =	vmul.f32 v13, v60;
	v11 =	vmul.f32 v33, v14  }
0x129: {  	v36 =	vshra.s32 v35, $0x1;
	v9 =	vmul.f32 v31, v16;
	v16 =	vmul.f32 $5.000000000e-01, v35  }
0x12a: {  	v13 =	vsub.s32 $0x5F3759DF, v36;
	v39 =	vmul.f32 v18, v15;
	v11 =	vsub.f32 $1.500000000e+00, v11  }
0x12b: {  	v43 =	vadd.f32 $1.000000000e+00, v38;
	v37 =	vmul.f32 v13, v16  }
0x12c: {  	v44 =	vmul.f32 v21, v42;
	v11 =	vmul.f32 v11, v14;
	v14 =	vsub.f32 $1.500000000e+00, v39  }
0x12d: {  	v51 =	vadd.f32 $1.000000000e+00, v25;
	v19 =	vmul.f32 v12, v52;
	v40 =	vmul.f32 v13, v37  }
0x12e: {  	v23 =	vshra.s32 v43, $0x1;
	v17 =	vmul.f32 v11, v17;
	v14 =	vmul.f32 v14, v15  }
0x12f: {  	v57 =	vld [tilespmem:$0x9F90];
	v19 =	vmul.f32 v19, v12;
	v15 =	vmul.f32 $5.000000000e-01, v43;
	v18 =	vsub.f32 $1.500000000e+00, v40  }
0x130: {  	v23 =	vsub.s32 $0x5F3759DF, v23;
	v17 =	vmul.f32 v17, v11;
	v22 =	vmul.f32 v14, v22  }
0x131: {  	v54 =	vshra.s32 v51, $0x1;
	v26 =	vmul.f32 v23, v15;
	v18 =	vmul.f32 v13, v18  }
0x132: {  	v32 =	vld [tilespmem:$0x9FA0];
	v19 =	vsub.f32 $1.500000000e+00, v19;
	v13 =	vsub.f32 $1.500000000e+00, v44;
	v22 =	vmul.f32 v22, v14  }
0x133: {  	v52 =	vld [tilespmem:$0x9F80];
	v17 =	vsub.f32 $1.500000000e+00, v17;
	v47 =	vmul.f32 v23, v26;
	v45 =	vmul.f32 v18, v16  }
0x134: {  	v26 =	vadd.f32 $1.000000000e+00, v57;
	v21 =	vmul.f32 v21, v13;
	v13 =	vmul.f32 v19, v12  }
0x135: {  	v19 =	vmul.f32 $5.000000000e-01, v51;
	v46 =	vsub.f32 $1.500000000e+00, v22;
	v12 =	vmul.f32 v17, v11  }
0x136: {  	v50 =	vsub.f32 $1.500000000e+00, v47;
	v63 =	vshra.s32 v26, $0x1;
	v26 =	vmul.f32 $5.000000000e-01, v26  }
0x137: {  	v38 =	vadd.f32 $1.000000000e+00, v32;
	v24 =	vmul.f32 v45, v18;
	v49 =	vmul.f32 v21, v20  }
0x138: {  	v58 =	vadd.f32 $1.000000000e+00, v52;
	v11 =	vmul.f32 v46, v14;
	v14 =	vmul.f32 v23, v50  }
0x139: {  	v23 =	vsub.s32 $0x5F3759DF, v54;
	v48 =	vsub.f32 $1.500000000e+00, v24;
	v53 =	vmul.f32 v49, v21  }
0x13a: {  	v43 =	vmul.f32 $5.000000000e-01, v38;
	v29 =	vsub.s32 $0x5F3759DF, v63;
	v56 =	vmul.f32 v23, v19  }
0x13b: {  	v34 =	vmul.f32 v29, v26;
	v17 =	vmul.f32 v48, v18;
	v18 =	vsub.f32 $1.500000000e+00, v53  }
0x13c: {  	v30 =	vld [tilespmem:$0x9FD0];
	v61 =	vshra.s32 v58, $0x1;
	v55 =	vmul.f32 v14, v15;
	v60 =	vmul.f32 v23, v56  }
0x13d: {  	v25 =	vsub.s32 $0x5F3759DF, v61;
	v18 =	vmul.f32 v18, v21;
	v21 =	vmul.f32 $5.000000000e-01, v58  }
0x13e: {  	v41 =	vld [tilespmem:$0x9FB0];
	v59 =	vmul.f32 v55, v14;
	v16 =	vmul.f32 v17, v16;
	v24 =	vsub.f32 $1.500000000e+00, v60  }
0x13f: {  	v42 =	vshra.s32 v38, $0x1;
	v36 =	vmul.f32 v29, v34;
	v27 =	vmul.f32 v25, v21  }
0x140: {  	v22 =	vsub.f32 $1.500000000e+00, v59;
	v16 =	vmul.f32 v16, v17;
	v23 =	vmul.f32 v23, v24  }
0x141: {  	v57 =	vadd.f32 $1.000000000e+00, v30;
	v20 =	vmul.f32 v18, v20;
	v62 =	vmul.f32 v25, v27  }
0x142: {  	v22 =	vmul.f32 v22, v14;
	v16 =	vsub.f32 $1.500000000e+00, v16;
	v28 =	vmul.f32 v23, v19  }
0x143: {  	v20 =	vmul.f32 v20, v18;
	v27 =	vadd.f32 $1.000000000e+00, v41;
	v33 =	vsub.f32 $1.500000000e+00, v62  }
0x144: {  	v50 =	vld [tilespmem:$0x9FC0];
	v14 =	vmul.f32 v16, v17;
	v28 =	vmul.f32 v28, v23;
	v16 =	vsub.f32 $1.500000000e+00, v36  }
0x145: {  	v58 =	vld [tilespmem:$0x9FE0];
	v15 =	vmul.f32 v22, v15;
	v49 =	vshra.s32 v27, $0x1;
	v25 =	vmul.f32 v25, v33  }
0x146: {  	v27 =	vmul.f32 $5.000000000e-01, v27;
	v37 =	vsub.f32 $1.500000000e+00, v28;
	v45 =	vmul.f32 v29, v16  }
0x147: {  	v20 =	vsub.f32 $1.500000000e+00, v20;
	v35 =	vmul.f32 v15, v22;
	v40 =	vmul.f32 v25, v21  }
0x148: {  	v17 =	vmul.f32 v37, v23;
	v23 =	vsub.s32 $0x5F3759DF, v42;
	v47 =	vmul.f32 v45, v26  }
0x149: {  	v54 =	vadd.f32 $1.000000000e+00, v50;
	v15 =	vmul.f32 v20, v18;
	v46 =	vmul.f32 v23, v43  }
0x14a: {  	v30 =	vadd.f32 $1.000000000e+00, v58;
	v44 =	vmul.f32 v40, v25;
	v20 =	vmul.f32 v47, v45  }
0x14b: {  	v39 =	vsub.f32 $1.500000000e+00, v35;
	v19 =	vmul.f32 v17, v19;
	v48 =	vmul.f32 v23, v46  }
0x14c: {  	v63 =	vmul.f32 $5.000000000e-01, v30;
	v18 =	vsub.f32 $1.500000000e+00, v44;
	v20 =	vsub.f32 $1.500000000e+00, v20  }
0x14d: {  	v16 =	vmul.f32 v39, v22;
	v19 =	vmul.f32 v19, v17;
	v22 =	vsub.f32 $1.500000000e+00, v48  }
0x14e: {  	v18 =	vmul.f32 v18, v25;
	v25 =	vsub.s32 $0x5F3759DF, v49;
	v20 =	vmul.f32 v20, v45  }
0x14f: {  	v31 =	vshra.s32 v57, $0x1;
	v22 =	vmul.f32 v23, v22;
	v51 =	vmul.f32 v25, v27  }
0x150: {  	v29 =	vshra.s32 v54, $0x1;
	v21 =	vmul.f32 v18, v21;
	v53 =	vmul.f32 v20, v26  }
0x151: {  	v19 =	vsub.f32 $1.500000000e+00, v19;
	v26 =	vmul.f32 $5.000000000e-01, v54;
	v23 =	vmul.f32 v25, v51  }
0x152: {  	v32 =	vld [tilespmem:$0x9FF0];
	v55 =	vsub.s32 $0x5F3759DF, v29;
	v52 =	vmul.f32 v22, v43;
	v21 =	vmul.f32 v21, v18  }
0x153: {  	v29 =	vmul.f32 $5.000000000e-01, v57;
	v17 =	vmul.f32 v19, v17;
	v23 =	vsub.f32 $1.500000000e+00, v23  }
0x154: {  	v56 =	vmul.f32 v55, v26;
	v24 =	vmul.f32 v52, v22;
	v21 =	vsub.f32 $1.500000000e+00, v21  }
0x155: {  	v31 =	vsub.s32 $0x5F3759DF, v31;
	v19 =	vmul.f32 v53, v20;
	v23 =	vmul.f32 v25, v23  }
0x156: {  	v24 =	vsub.f32 $1.500000000e+00, v24;
	v18 =	vmul.f32 v21, v18;
	v21 =	vmul.f32 v55, v56  }
0x157: {  	v32 =	vadd.f32 $1.000000000e+00, v32;
	v36 =	vld [tilespmem:$0xA000];
	v61 =	vmul.f32 v31, v29;
	v59 =	vmul.f32 v23, v27  }
0x158: {  	v19 =	vsub.f32 $1.500000000e+00, v19;
	v22 =	vmul.f32 v24, v22;
	v60 =	vsub.f32 $1.500000000e+00, v21  }
0x159: {  	v62 =	vshra.s32 v30, $0x1;
	v37 =	vld [tilespmem:$0xA040];
	v21 =	vmul.f32 v31, v61;
	v24 =	vmul.f32 v59, v23  }
0x15a: {  	v42 =	vshra.s32 v32, $0x1;
	v19 =	vmul.f32 v19, v20;
	v20 =	vmul.f32 v55, v60  }
0x15b: {  	v32 =	vmul.f32 $5.000000000e-01, v32;
	v21 =	vsub.f32 $1.500000000e+00, v21;
	v24 =	vsub.f32 $1.500000000e+00, v24  }
0x15c: {  	v49 =	vadd.f32 $1.000000000e+00, v36;
	v28 =	vmul.f32 v22, v43;
	v40 =	vmul.f32 v20, v26  }
0x15d: {  	v59 =	vld [tilespmem:$0xA030];
	v31 =	vmul.f32 v31, v21;
	v23 =	vmul.f32 v24, v23;
	v24 =	vsub.s32 $0x5F3759DF, v62  }
0x15e: {  	v37 =	vadd.f32 $1.000000000e+00, v37;
	v28 =	vmul.f32 v28, v22;
	v33 =	vmul.f32 v24, v63  }
0x15f: {  	v51 =	vshra.s32 v49, $0x1;
	v30 =	vmul.f32 v40, v20;
	v34 =	vmul.f32 v31, v29  }
0x160: {  	v28 =	vsub.f32 $1.500000000e+00, v28;
	v27 =	vmul.f32 v23, v27;
	v41 =	vmul.f32 v24, v33  }
0x161: {  	v56 =	vld [tilespmem:$0xA020];
	v30 =	vsub.f32 $1.500000000e+00, v30;
	v33 =	vsub.s32 $0x5F3759DF, v42;
	v43 =	vmul.f32 v34, v31  }
0x162: {  	v36 =	vadd.f32 $1.000000000e+00, v59;
	v27 =	vmul.f32 v27, v23;
	v35 =	vmul.f32 v33, v32  }
0x163: {  	v50 =	vld [tilespmem:$0xA010];
	v21 =	vsub.f32 $1.500000000e+00, v41;
	v30 =	vmul.f32 v30, v20;
	v46 =	vsub.f32 $1.500000000e+00, v43  }
0x164: {  	v41 =	vshra.s32 v36, $0x1;
	v36 =	vmul.f32 $5.000000000e-01, v36;
	v44 =	vmul.f32 v33, v35  }
0x165: {  	v27 =	vsub.f32 $1.500000000e+00, v27;
	v24 =	vmul.f32 v24, v21;
	v21 =	vmul.f32 v28, v22  }
0x166: {  	v61 =	vadd.f32 $1.000000000e+00, v56;
	v45 =	vmul.f32 v30, v26;
	v26 =	vmul.f32 v46, v31  }
0x167: {  	v28 =	vmul.f32 $5.000000000e-01, v49;
	v20 =	vmul.f32 v27, v23;
	v48 =	vsub.f32 $1.500000000e+00, v44  }
0x168: {  	v31 =	vadd.f32 $1.000000000e+00, v50;
	v47 =	vmul.f32 v24, v63;
	v22 =	vmul.f32 v45, v30  }
0x169: {  	v29 =	vmul.f32 v26, v29;
	v27 =	vmul.f32 v33, v48;
	v33 =	vsub.s32 $0x5F3759DF, v51  }
0x16a: {  	v46 =	vshra.s32 v37, $0x1;
	v23 =	vmul.f32 v47, v24;
	v53 =	vmul.f32 v33, v28  }
0x16b: {  	v57 =	vshra.s32 v31, $0x1;
	v31 =	vmul.f32 $5.000000000e-01, v31;
	v52 =	vmul.f32 v27, v32  }
0x16c: {  	v22 =	vsub.f32 $1.500000000e+00, v22;
	v23 =	vsub.f32 $1.500000000e+00, v23;
	v55 =	vmul.f32 v33, v53  }
0x16d: {  	v35 =	vsub.s32 $0x5F3759DF, v57;
	v29 =	vmul.f32 v29, v26;
	v54 =	vmul.f32 v52, v27  }
0x16e: {  	v22 =	vmul.f32 v22, v30;
	v24 =	vmul.f32 v23, v24;
	v30 =	vsub.f32 $1.500000000e+00, v55  }
0x16f: {  	v37 =	vmul.f32 $5.000000000e-01, v37;
	v58 =	vmul.f32 v35, v31;
	v23 =	vsub.f32 $1.500000000e+00, v54  }
0x170: {  	v29 =	vsub.f32 $1.500000000e+00, v29;
	v25 =	vmul.f32 v24, v63;
	v30 =	vmul.f32 v33, v30  }
0x171: {  	v34 =	vshra.s32 v61, $0x1;
	v45 =	vld [tilespmem:$0xA050];
	v33 =	vmul.f32 v35, v58;
	v27 =	vmul.f32 v23, v27  }
0x172: {  	v34 =	vsub.s32 $0x5F3759DF, v34;
	v23 =	vmul.f32 v29, v26;
	v29 =	vmul.f32 $5.000000000e-01, v61  }
0x173: {  	v38 =	vsub.s32 $0x5F3759DF, v41;
	v25 =	vmul.f32 v25, v24;
	v62 =	vmul.f32 v30, v28  }
0x174: {  	v44 =	vmul.f32 v38, v36;
	v33 =	vsub.f32 $1.500000000e+00, v33;
	v60 =	vmul.f32 v27, v32  }
0x175: {  	v63 =	vmul.f32 v34, v29;
	v25 =	vsub.f32 $1.500000000e+00, v25;
	v32 =	vmul.f32 v62, v30  }
0x176: {  	v33 =	vmul.f32 v35, v33;
	v35 =	vadd.f32 $1.000000000e+00, v45;
	v26 =	vmul.f32 v60, v27  }
0x177: {  	v40 =	vmul.f32 v34, v63;
	v24 =	vmul.f32 v25, v24  }
0x178: {  	v32 =	vsub.f32 $1.500000000e+00, v32;
	v42 =	vmul.f32 v33, v31;
	v48 =	vshra.s32 v35, $0x1  }
0x179: {  	v35 =	vmul.f32 $5.000000000e-01, v35;
	v26 =	vsub.f32 $1.500000000e+00, v26;
	v43 =	vsub.f32 $1.500000000e+00, v40  }
0x17a: {  	v30 =	vmul.f32 v32, v30;
	v32 =	vmul.f32 v42, v33  }
0x17b: {  	v25 =	vmul.f32 v26, v27;
	v26 =	vmul.f32 v34, v43;
	v34 =	vsub.s32 $0x5F3759DF, v46  }
0x17c: {  	v27 =	vmul.f32 v38, v44;
	v32 =	vsub.f32 $1.500000000e+00, v32;
	v47 =	vmul.f32 v34, v37  }
0x17d: {  	v52 =	vld [tilespmem:$0xA060];
	v28 =	vmul.f32 v30, v28;
	v39 =	vmul.f32 v26, v29  }
0x17e: {  	v61 =	vld [tilespmem:$0xA080];
	v27 =	vsub.f32 $1.500000000e+00, v27;
	v32 =	vmul.f32 v32, v33;
	v33 =	vmul.f32 v34, v47  }
0x17f: {  	v28 =	vmul.f32 v28, v30;
	v39 =	vmul.f32 v39, v26  }
0x180: {  	v27 =	vmul.f32 v38, v27;
	v38 =	vsub.s32 $0x5F3759DF, v48;
	v33 =	vsub.f32 $1.500000000e+00, v33  }
0x181: {  	v31 =	vmul.f32 v32, v31;
	v41 =	vmul.f32 v38, v35;
	v39 =	vsub.f32 $1.500000000e+00, v39  }
0x182: {  	v60 =	vadd.f32 $1.000000000e+00, v52;
	v40 =	vmul.f32 v27, v36;
	v33 =	vmul.f32 v34, v33  }
0x183: {  	v45 =	vadd.f32 $1.000000000e+00, v61;
	v50 =	vmul.f32 v38, v41;
	v39 =	vmul.f32 v39, v26  }
0x184: {  	v63 =	vshra.s32 v60, $0x1;
	v49 =	vmul.f32 v40, v27;
	v51 =	vmul.f32 v33, v37  }
0x185: {  	v31 =	vmul.f32 v31, v32;
	v34 =	vsub.f32 $1.500000000e+00, v50;
	v29 =	vmul.f32 v39, v29  }
0x186: {  	v58 =	vld [tilespmem:$0xA070];
	v28 =	vsub.f32 $1.500000000e+00, v28;
	v26 =	vsub.f32 $1.500000000e+00, v49;
	v54 =	vmul.f32 v51, v33  }
0x187: {  	v53 =	vsub.f32 $1.500000000e+00, v31;
	v55 =	vmul.f32 v38, v34;
	v29 =	vmul.f32 v29, v39  }
0x188: {  	v28 =	vmul.f32 v28, v30;
	v42 =	vmul.f32 v26, v27;
	v57 =	vsub.f32 $1.500000000e+00, v54  }
0x189: {  	v26 =	vmul.f32 v53, v32;
	v34 =	vmul.f32 v55, v35;
	v29 =	vsub.f32 $1.500000000e+00, v29  }
0x18a: {  	v48 =	vshra.s32 v45, $0x1;
	v56 =	vmul.f32 v42, v36;
	v32 =	vmul.f32 v57, v33  }
0x18b: {  	v47 =	vld [tilespmem:$0xA090];
	v36 =	vadd.f32 $1.000000000e+00, v58;
	v62 =	vmul.f32 v34, v55;
	v27 =	vmul.f32 v29, v39  }
0x18c: {  	v34 =	vsub.s32 $0x5F3759DF, v63;
	v59 =	vmul.f32 v56, v42;
	v39 =	vmul.f32 $5.000000000e-01, v60  }
0x18d: {  	v46 =	vshra.s32 v36, $0x1;
	v36 =	vmul.f32 $5.000000000e-01, v36;
	v43 =	vmul.f32 v32, v37  }
0x18e: {  	v52 =	vld [tilespmem:$0xA0A0];
	v33 =	vsub.f32 $1.500000000e+00, v62;
	v38 =	vsub.s32 $0x5F3759DF, v46;
	v44 =	vmul.f32 v34, v39  }
0x18f: {  	v29 =	vsub.f32 $1.500000000e+00, v59;
	v49 =	vmul.f32 v38, v36;
	v30 =	vmul.f32 v43, v32  }
0x190: {  	v40 =	vadd.f32 $1.000000000e+00, v47;
	v31 =	vmul.f32 v33, v55;
	v33 =	vmul.f32 $5.000000000e-01, v45  }
0x191: {  	v41 =	vsub.s32 $0x5F3759DF, v48;
	v29 =	vmul.f32 v29, v42;
	v37 =	vmul.f32 v34, v44  }
0x192: {  	v50 =	vmul.f32 v38, v49;
	v44 =	vshra.s32 v40, $0x1;
	v40 =	vmul.f32 $5.000000000e-01, v40  }
0x193: {  	v42 =	vadd.f32 $1.000000000e+00, v52;
	v30 =	vsub.f32 $1.500000000e+00, v30;
	v35 =	vmul.f32 v31, v35  }
0x194: {  	v46 =	vld [tilespmem:$0xA0B0];
	v43 =	vmul.f32 v41, v33;
	v54 =	vsub.s32 $0x5F3759DF, v44;
	v37 =	vsub.f32 $1.500000000e+00, v37  }
0x195: {  	v55 =	vmul.f32 v54, v40;
	v47 =	vshra.s32 v42, $0x1;
	v42 =	vmul.f32 $5.000000000e-01, v42  }
0x196: {  	v30 =	vmul.f32 v30, v32;
	v51 =	vmul.f32 v41, v43  }
0x197: {  	v47 =	vsub.s32 $0x5F3759DF, v47;
	v34 =	vmul.f32 v34, v37;
	v37 =	vsub.f32 $1.500000000e+00, v50  }
0x198: {  	v35 =	vmul.f32 v35, v31;
	v58 =	vmul.f32 v47, v42;
	v32 =	vsub.f32 $1.500000000e+00, v51  }
0x199: {  	v61 =	vadd.f32 $1.000000000e+00, v46;
	v50 =	vld [tilespmem:$0xA0C0];
	v53 =	vmul.f32 v34, v39;
	v37 =	vmul.f32 v38, v37  }
0x19a: {  	v32 =	vmul.f32 v41, v32;
	v41 =	vmul.f32 v54, v55  }
0x19b: {  	v63 =	vshra.s32 v61, $0x1;
	v43 =	vmul.f32 v53, v34;
	v56 =	vmul.f32 v37, v36  }
0x19c: {  	v35 =	vsub.f32 $1.500000000e+00, v35;
	v60 =	vmul.f32 v47, v58;
	v45 =	vmul.f32 v32, v33  }
0x19d: {  	v41 =	vsub.f32 $1.500000000e+00, v41;
	v43 =	vsub.f32 $1.500000000e+00, v43;
	v44 =	vmul.f32 v56, v37  }
0x19e: {  	v31 =	vmul.f32 v35, v31;
	v56 =	vadd.f32 $1.000000000e+00, v50;
	v45 =	vmul.f32 v45, v32  }
0x19f: {  	v53 =	vld [tilespmem:$0xA0D0];
	v38 =	vmul.f32 v54, v41;
	v57 =	vsub.f32 $1.500000000e+00, v44;
	v34 =	vmul.f32 v43, v34  }
0x1a0: {  	v43 =	vmul.f32 $5.000000000e-01, v61;
	v44 =	vsub.s32 $0x5F3759DF, v63;
	v61 =	vmul.f32 $5.000000000e-01, v56  }
0x1a1: {  	v59 =	vsub.f32 $1.500000000e+00, v45;
	v62 =	vmul.f32 v38, v40;
	v35 =	vmul.f32 v57, v37  }
0x1a2: {  	v37 =	vsub.f32 $1.500000000e+00, v60;
	v39 =	vmul.f32 v34, v39;
	v48 =	vmul.f32 v44, v43  }
0x1a3: {  	v60 =	vshra.s32 v56, $0x1;
	v32 =	vmul.f32 v59, v32;
	v41 =	vmul.f32 v62, v38  }
0x1a4: {  	v62 =	vadd.f32 $1.000000000e+00, v53;
	v37 =	vmul.f32 v47, v37;
	v39 =	vmul.f32 v39, v34  }
0x1a5: {  	[tilespmem:$0xA170] =	vst v8;
	v8 =	vsub.s32 $0x5F3759DF, v60;
	v36 =	vmul.f32 v35, v36;
	v45 =	vmul.f32 v44, v48  }
0x1a6: {  	[tilespmem:$0xA180] =	vst v9;
	v41 =	vsub.f32 $1.500000000e+00, v41;
	v33 =	vmul.f32 v32, v33;
	v9 =	vmul.f32 $5.000000000e-01, v62  }
0x1a7: {  	[tilespmem:$0xA110] =	vst v4;
	v57 =	vld [tilespmem:$0xA0E0];
	v49 =	vmul.f32 v37, v42;
	v4 =	vmul.f32 v36, v35;
	v51 =	vsub.f32 $1.500000000e+00, v45  }
0x1a8: {  	[tilespmem:$0xA100] =	vst v2;
	v59 =	vld [tilespmem:$0xA0F0];
	v2 =	vsub.f32 $1.500000000e+00, v39;
	v38 =	vmul.f32 v41, v38;
	v33 =	vmul.f32 v33, v32  }
0x1a9: {  	[tilespmem:$0xA120] =	vst v3;
	v39 =	vmul.f32 v49, v37;
	v4 =	vsub.f32 $1.500000000e+00, v4;
	v52 =	vmul.f32 v44, v51  }
0x1aa: {  	[tilespmem:$0xA140] =	vst v5;
	v2 =	vmul.f32 v2, v34;
	v3 =	vmul.f32 v38, v40;
	v5 =	vsub.f32 $1.500000000e+00, v33  }
0x1ab: {  	[tilespmem:$0xA130] =	vst v6;
	v54 =	vsub.f32 $1.500000000e+00, v39;
	v4 =	vmul.f32 v4, v35;
	v55 =	vmul.f32 v52, v43  }
0x1ac: {  	[tilespmem:$0xA150] =	vst v7;
	v39 =	vadd.f32 $1.000000000e+00, v57;
	v3 =	vmul.f32 v3, v38;
	v5 =	vmul.f32 v5, v32  }
0x1ad: {  	[tilespmem:$0xA160] =	vst v10;
	v32 =	vadd.f32 $1.000000000e+00, v59;
	v58 =	vmul.f32 v54, v37;
	v7 =	vmul.f32 v55, v52  }
0x1ae: {  	[tilespmem:$0xA190] =	vst v13;
	v37 =	vmul.f32 v8, v61;
	v35 =	vmul.f32 $5.000000000e-01, v39;
	v3 =	vsub.f32 $1.500000000e+00, v3  }
0x1af: {  	[tilespmem:$0xA1A0] =	vst v12;
	v45 =	vshra.s32 v32, $0x1;
	v32 =	vmul.f32 $5.000000000e-01, v32;
	v63 =	vmul.f32 v58, v42  }
0x1b0: {  	[tilespmem:$0xA1B0] =	vst v11;
	v7 =	vsub.f32 $1.500000000e+00, v7;
	v3 =	vmul.f32 v3, v38;
	v38 =	vshra.s32 v62, $0x1  }
0x1b1: {  	[tilespmem:$0xA1C0] =	vst v14;
	v40 =	vmul.f32 v8, v37;
	v42 =	vshra.s32 v39, $0x1;
	v12 =	vsub.s32 $0x5F3759DF, v38  }
0x1b2: {  	[tilespmem:$0xA1D0] =	vst v15;
	v34 =	vsub.s32 $0x5F3759DF, v45;
	v44 =	vsub.s32 $0x5F3759DF, v42;
	v41 =	vmul.f32 v12, v9  }
0x1b3: {  	[tilespmem:$0xA1E0] =	vst v16;
	v47 =	vmul.f32 v34, v32;
	v46 =	vmul.f32 v44, v35  }
0x1b4: {  	[tilespmem:$0xA1F0] =	vst v17;
	v6 =	vmul.f32 v7, v52;
	v14 =	vmul.f32 v12, v41  }
0x1b5: {  	[tilespmem:$0xA200] =	vst v18;
	v11 =	vsub.f32 $1.500000000e+00, v40;
	v16 =	vmul.f32 v44, v46  }
0x1b6: {  	[tilespmem:$0xA210] =	vst v19;
	v7 =	vmul.f32 v34, v47;
	v48 =	vmul.f32 v6, v43;
	v14 =	vsub.f32 $1.500000000e+00, v14  }
0x1b7: {  	[tilespmem:$0xA220] =	vst v21;
	v13 =	vmul.f32 v63, v58;
	v8 =	vmul.f32 v8, v11;
	v50 =	vsub.f32 $1.500000000e+00, v16  }
0x1b8: {  	[tilespmem:$0xA230] =	vst v20;
	v7 =	vsub.f32 $1.500000000e+00, v7;
	v51 =	vmul.f32 v48, v6;
	v49 =	vmul.f32 v12, v14  }
0x1b9: {  	[tilespmem:$0xA240] =	vst v22;
	v52 =	vmul.f32 v8, v61;
	v12 =	vmul.f32 v44, v50  }
0x1ba: {  	[tilespmem:$0xA250] =	vst v23;
	v7 =	vmul.f32 v34, v7;
	v53 =	vmul.f32 v49, v9  }
0x1bb: {  	[tilespmem:$0xA260] =	vst v24;
	v15 =	vmul.f32 v52, v8;
	v54 =	vmul.f32 v12, v35  }
0x1bc: {  	[tilespmem:$0xA270] =	vst v25;
	v55 =	vmul.f32 v7, v32;
	v16 =	vmul.f32 v53, v49  }
0x1bd: {  	[tilespmem:$0xA280] =	vst v28;
	v13 =	vsub.f32 $1.500000000e+00, v13;
	v15 =	vsub.f32 $1.500000000e+00, v15;
	v17 =	vmul.f32 v54, v12  }
0x1be: {  	[tilespmem:$0xA290] =	vst v26;
	v14 =	vsub.f32 $1.500000000e+00, v51;
	v18 =	vmul.f32 v55, v7;
	v16 =	vsub.f32 $1.500000000e+00, v16  }
0x1bf: {  	[tilespmem:$0xA2A0] =	vst v27;
	v10 =	vmul.f32 v13, v58;
	v8 =	vmul.f32 v15, v8;
	v56 =	vsub.f32 $1.500000000e+00, v17  }
0x1c0: {  	[tilespmem:$0xA2B0] =	vst v29;
	v6 =	vmul.f32 v14, v6;
	v57 =	vsub.f32 $1.500000000e+00, v18;
	v11 =	vmul.f32 v16, v49  }
0x1c1: {  	[tilespmem:$0xA2C0] =	vst v30;
	v58 =	vmul.f32 v8, v61;
	v12 =	vmul.f32 v56, v12  }
0x1c2: {  	[tilespmem:$0xA2D0] =	vst v31;
	v7 =	vmul.f32 v57, v7;
	v9 =	vmul.f32 v11, v9  }
0x1c3: {  	[tilespmem:$0xA2E0] =	vst v2;
	v2 =	vmul.f32 v58, v8;
	v59 =	vmul.f32 v12, v35  }
0x1c4: {  	s13 =	simm.s32 $0x0;
	[tilespmem:$0xA2F0] =	vst v4;
	v60 =	vmul.f32 v7, v32;
	v4 =	vmul.f32 v9, v11  }
0x1c5: {  	[tilespmem:$0xA300] =	vst v5;
	v61 =	vmov s13;
	v2 =	vsub.f32 $1.500000000e+00, v2;
	v5 =	vmul.f32 v59, v12  }
0x1c6: {  	[tilespmem:$0xA310] =	vst v3;
	v62 =	vand.u32 $0xFFFFFFFC, v61;
	v3 =	vsub.f32 $1.500000000e+00, v4;
	v4 =	vmul.f32 v60, v7  }
0x1c7: {  	[tilespmem:$0xA320] =	vst v10;
	v63 =	vbroadcast v62, $0x0;
	v2 =	vmul.f32 v2, v8;
	v5 =	vsub.f32 $1.500000000e+00, v5  }
0x1c8: {  	[tilespmem:$0xA330] =	vst v6;
	v3 =	vmul.f32 v3, v11;
	v4 =	vsub.f32 $1.500000000e+00, v4  }
0x1c9: {  	[tilespmem:$0xA340] =	vst v2;
	v2 =	vmul.f32 v5, v12  }
0x1ca: {  	[tilespmem:$0xA350] =	vst v3;
	v3 =	vmul.f32 v4, v7  }
0x1cb: {  	[tilespmem:$0xA360] =	vst v2  }
0x1cc: {  	[tilespmem:$0xA370] =	vst v3  }
0x1cd: {  	s10 =	simm.s32 $0xCBA0;
	v2 =	vld.idx.msk [tilespmem:v63+s22+$0x0], $0xffff  }
0x1ce: {  	s14 =	simm.s32 $0x1;
	v3 =	vld [tilespmem:s10+$0xFFFFFFE0]  }
0x1cf: {  	v4 =	vmov s14  }
0x1d0: {  	v4 =	vand.u32 $0xFFFFFFFD, v4  }
0x1d1: {  	v4 =	vbroadcast v4, $0x0;
	_ =	sdelay $0x1  }
0x1d2: {  	v3 =	vmul.f32 v3, v2  }
0x1d3: {  	s11 =	simm.s32 $0xF3A0  }
0x1d4: {  	s14 =	simm.s32 $0x11BA0;
	[tilespmem:s11+$0xFFFFFFE0] =	vst v3  }
0x1d5: {  	[tilespmem:s14+$0xFFFFFFE0] =	vst v2  }
0x1d6: {  	v2 =	vld.idx.msk [tilespmem:v4+s22+$0x0], $0xffff  }
0x1d7: {  	s15 =	simm.s32 $0x2;
	v3 =	vld [tilespmem:s10+$0xFFFFFFF0]  }
0x1d8: {  	v4 =	vmov s15  }
0x1d9: {  	v4 =	vand.u32 $0xFFFFFFFE, v4  }
0x1da: {  	v4 =	vbroadcast v4, $0x0;
	_ =	sdelay $0x1  }
0x1db: {  	v3 =	vmul.f32 v3, v2;
	_ =	sdelay $0x1  }
0x1dc: {  	[tilespmem:s11+$0xFFFFFFF0] =	vst v3  }
0x1dd: {  	[tilespmem:s14+$0xFFFFFFF0] =	vst v2  }
0x1de: {  	v2 =	vld.idx.msk [tilespmem:v4+s22+$0x0], $0xffff  }
0x1df: {  	v3 =	vld [tilespmem:s10+$0x0];
	_ =	sdelay $0x2  }
0x1e0: {  	s16 =	simm.s32 $0x3  }
0x1e1: {  	v4 =	vmov s16  }
0x1e2: {  	v3 =	vmul.f32 v3, v2;
	_ =	sdelay $0x1  }
0x1e3: {  	[tilespmem:s11+$0x0] =	vst v3  }
0x1e4: {  	[tilespmem:s14+$0x0] =	vst v2  }
0x1e5: {  	v2 =	vld.idx.msk [tilespmem:v4+s22+$0x0], $0xffff  }
0x1e6: {  	v3 =	vld [tilespmem:s10+$0x10];
	_ =	sdelay $0x2  }
0x1e7: {  	s17 =	simm.s32 $0x4  }
0x1e8: {  	v4 =	vmov s17  }
0x1e9: {  	v5 =	vmul.f32 v3, v2;
	v3 =	vand.u32 $0xFFFFFFFC, v4  }
0x1ea: {  	v3 =	vbroadcast v3, $0x0;
	_ =	sdelay $0x2  }
0x1eb: {  	s12 =	simm.s32 $0x11BE0;
	s13 =	simm.s32 $0x7;
	s15 =	simm.s32 $0xB;
	[tilespmem:s11+$0x10] =	vst v5  }
.LBB2_8:
0x1ec: {  	s10 =	sadd.s32 $0x40, s10;
	s11 =	sadd.s32 $0x40, s11  }
0x1ed: {  	[tilespmem:s14+$0x10] =	vst v2;
	s17 =	smov.u32 s15;
	s16 =	sadd.s32 $0x4, s15;
	s14 =	smov.u32 s12  }
0x1ee: {  	p3 =	sne.s32 s15, $0x27F;
	v2 =	vld.idx.msk [tilespmem:v3+s22+$0x0], $0xffff  }
0x1ef: {  	s15 =	sadd.s32 $0xFFFFFFFE, s13;
	v3 =	vld [tilespmem:s10+$0xFFFFFFE0]  }
0x1f0: {  	v4 =	vmov s15  }
0x1f1: {  	v4 =	vand.u32 $0xFFFFFFFD, v4  }
0x1f2: {  	v4 =	vbroadcast v4, $0x0;
	_ =	sdelay $0x1  }
0x1f3: {  	v3 =	vmul.f32 v3, v2;
	_ =	sdelay $0x1  }
0x1f4: {  	[tilespmem:s11+$0xFFFFFFE0] =	vst v3  }
0x1f5: {  	[tilespmem:s12+$0xFFFFFFE0] =	vst v2  }
0x1f6: {  	v2 =	vld.idx.msk [tilespmem:v4+s22+$0x0], $0xffff  }
0x1f7: {  	s15 =	sadd.s32 $0xFFFFFFFF, s13;
	v3 =	vld [tilespmem:s10+$0xFFFFFFF0]  }
0x1f8: {  	v4 =	vmov s15  }
0x1f9: {  	v4 =	vand.u32 $0xFFFFFFFE, v4  }
0x1fa: {  	v4 =	vbroadcast v4, $0x0;
	_ =	sdelay $0x1  }
0x1fb: {  	v3 =	vmul.f32 v3, v2;
	_ =	sdelay $0x1  }
0x1fc: {  	[tilespmem:s11+$0xFFFFFFF0] =	vst v3  }
0x1fd: {  	[tilespmem:s12+$0xFFFFFFF0] =	vst v2  }
0x1fe: {  	v2 =	vld.idx.msk [tilespmem:v4+s22+$0x0], $0xffff  }
0x1ff: {  	v3 =	vld [tilespmem:s10+$0x0];
	_ =	sdelay $0x3  }
0x200: {  	v4 =	vmov s13;
	s13 =	smov.u32 s17  }
0x201: {  	v3 =	vmul.f32 v3, v2;
	_ =	sdelay $0x1  }
0x202: {  	[tilespmem:s11+$0x0] =	vst v3  }
0x203: {  	[tilespmem:s12+$0x0] =	vst v2  }
0x204: {  	v2 =	vld.idx.msk [tilespmem:v4+s22+$0x0], $0xffff  }
0x205: {  	s15 =	sadd.s32 $0xFFFFFFFD, s13;
	v4 =	vld [tilespmem:s10+$0x10]  }
0x206: {  	v3 =	vmov s15  }
0x207: {  	v3 =	vand.u32 $0xFFFFFFFC, v3  }
.Ltmp3:
0x208: {  	v3 =	vbroadcast v3, $0x0;
	(pc) =	sbr.rel @p3 .LBB2_8-.Ltmp3, $3  }
0x209: {  	_ = 	snop  }
0x20a: {  	v4 =	vmul.f32 v4, v2;
	_ =	sdelay $0x1  }
0x20b: {  	s15 =	smov.u32 s16;
	s12 =	sadd.s32 $0x40, s12;
	[tilespmem:s11+$0x10] =	vst v4  }
0x20c: {  	_ =	sdelay $0x2  }
0x20d: {  	[tilespmem:s14+$0x10] =	vst v2  }
0x20e: {  	s10 =	sadd.s32 $0x40, s10;
	v2 =	vld.idx.msk [tilespmem:v3+s22+$0x0], $0xffff  }
0x20f: {  	s16 =	sadd.s32 $0xFFFFFFFE, s13;
	v3 =	vld [tilespmem:s10+$0xFFFFFFE0]  }
0x210: {  	v4 =	vmov s16  }
0x211: {  	v4 =	vand.u32 $0xFFFFFFFD, v4  }
0x212: {  	v4 =	vbroadcast v4, $0x0;
	_ =	sdelay $0x1  }
0x213: {  	v3 =	vmul.f32 v3, v2  }
0x214: {  	s11 =	sadd.s32 $0x40, s11  }
0x215: {  	[tilespmem:s11+$0xFFFFFFE0] =	vst v3  }
0x216: {  	[tilespmem:s12+$0xFFFFFFE0] =	vst v2  }
0x217: {  	v2 =	vld.idx.msk [tilespmem:v4+s22+$0x0], $0xffff  }
0x218: {  	s17 =	sadd.s32 $0xFFFFFFFF, s13;
	v3 =	vld [tilespmem:s10+$0xFFFFFFF0]  }
0x219: {  	v62 =	vmov s17  }
0x21a: {  	v4 =	vand.u32 $0xFFFFFFFE, v62  }
0x21b: {  	v4 =	vbroadcast v4, $0x0;
	_ =	sdelay $0x1  }
0x21c: {  	v3 =	vmul.f32 v3, v2;
	_ =	sdelay $0x1  }
0x21d: {  	[tilespmem:s11+$0xFFFFFFF0] =	vst v3  }
0x21e: {  	[tilespmem:s12+$0xFFFFFFF0] =	vst v2  }
0x21f: {  	v2 =	vld.idx.msk [tilespmem:v4+s22+$0x0], $0xffff  }
0x220: {  	v3 =	vld [tilespmem:s10+$0x0];
	_ =	sdelay $0x3  }
0x221: {  	v63 =	vmov s13  }
0x222: {  	v3 =	vmul.f32 v3, v2;
	_ =	sdelay $0x1  }
0x223: {  	[tilespmem:s11+$0x0] =	vst v3  }
0x224: {  	[tilespmem:s12+$0x0] =	vst v2  }
0x225: {  	v2 =	vld.idx.msk [tilespmem:v63+s22+$0x0], $0xffff  }
0x226: {  	v3 =	vld [tilespmem:s10+$0x10];
	_ =	sdelay $0x4  }
0x227: {  	v3 =	vmul.f32 v3, v2;
	_ =	sdelay $0x1  }
0x228: {  	[tilespmem:s11+$0x10] =	vst v3  }
0x229: {  	s11 =	rddreg [dreg:$0xb];
	[tilespmem:s12+$0x10] =	vst v2;
	s12 =	simm.s32 $0xF380  }
0x22a: {  	[spmem:s11] =	stream.linear.scatter [tilespmem:s12], [sflag:$0xA], $0x2800, $0x38;
	[tilespmem:$0x1B600] =	vst v63  }
0x22b: {  	_ =	swait.ge [sflag:s19], $0x2800  }
0x22c: {  	s10 =	simm.s32 @!p2 $0x0;
	[sflag:s19] =	ssyncset.done $0x0  }
0x22d: {  	s11 =	simm.s32 @!p2 $0xF380;
	s12 =	rddreg [dreg:$0xc];
	[sflag:s19] =	ssyncadd.s32 $0xFFFFD800  }
0x22e: {  	[hbm4b:s12+s10] =	stream.linear.scatter @!p2 [tilespmem:s11], [sflag:$0xA], $0x2800, $0x38;
	[tilespmem:$0x1B600] =	vst v63  }
0x22f: {  	s11 =	simm.s32 @!p2 $0xA  }
0x230: {  	_ =	swait.ge @!p2 [sflag:s11], $0x2800  }
0x231: {  	[sflag:s11] =	ssyncset.done @!p2 $0x0  }
0x232: {  	s12 =	simm.s32 @!p2 $0x11B80;
	s13 =	rddreg [dreg:$0xd];
	[sflag:s11] =	ssyncadd.s32 @!p2 $0xFFFFD800  }
0x233: {  	[hbm4b:s13+s10] =	stream.linear.scatter @!p2 [tilespmem:s12], [sflag:$0xA], $0x2800, $0x38;
	[tilespmem:$0x1B600] =	vst v63  }
0x234: {  	_ =	swait.ge @!p2 [sflag:s11], $0x2800  }
0x235: {  	[sflag:s11] =	ssyncset.done @!p2 $0x0  }
0x236: {  	[sflag:s11] =	ssyncadd.s32 @!p2 $0xFFFFD800  }
0x237: {  	s13 =	simm.s32 $0x0;
	[bflag:$0x0] =	sbarrier.arrive $0xFFFF  }
0x238: {  	[tilespmem:s28], [sflag:$0x1] =	stream.indirect.gather [spmem:s4], $0x10, s13, s23, $0xb8;
	[tilespmem:$0x1B600] =	vst v63  }
0x239: {  	s14 =	simm.s32 $0x100  }
0x23a: {  	[tilespmem:s30], [sflag:$0x2] =	stream.indirect.gather [spmem:s4], $0x10, s14, s23, $0xb8;
	[tilespmem:$0x1B600] =	vst v63  }
0x23b: {  	s15 =	simm.s32 $0x200  }
0x23c: {  	[tilespmem:s1], [sflag:$0x3] =	stream.indirect.gather [spmem:s4], $0x10, s15, s23, $0xb8;
	[tilespmem:$0x1B600] =	vst v63  }
0x23d: {  	_ =	swait.ge [sflag:s20], $0x800  }
0x23e: {  	[sflag:s20] =	ssyncset.done $0x0  }
0x23f: {  	[sflag:s20] =	ssyncadd.s32 $0xFFFFF800  }
0x240: {  	[spmem:s3] =	stream.indirect.scatter.add.f32 [tilespmem:s28], [sflag:$0x5], $0x10, s23, s23, $0xb8;
	[tilespmem:$0x1B600] =	vst v63  }
0x241: {  	s16 =	simm.s32 $0x300  }
0x242: {  	[tilespmem:s29], [sflag:$0x4] =	stream.indirect.gather [spmem:s4], $0x10, s16, s23, $0xb8;
	[tilespmem:$0x1B600] =	vst v63  }
0x243: {  	_ =	swait.ge [sflag:s31], $0x800  }
0x244: {  	[sflag:s31] =	ssyncset.done $0x0  }
0x245: {  	s14 =	simm.s32 $0x180;
	[sflag:s31] =	ssyncadd.s32 $0xFFFFF800  }
0x246: {  	[spmem:s3] =	stream.indirect.scatter.add.f32 [tilespmem:s30], [sflag:$0x6], $0x10, s14, s23, $0xb8;
	[tilespmem:$0x1B600] =	vst v63  }
0x247: {  	_ =	swait.ge [sflag:s24], $0x800  }
0x248: {  	[sflag:s24] =	ssyncset.done $0x0  }
0x249: {  	s17 =	simm.s32 $0x400;
	[sflag:s24] =	ssyncadd.s32 $0xFFFFF800  }
0x24a: {  	[tilespmem:s28], [sflag:$0x1] =	stream.indirect.gather [spmem:s4], $0x10, s17, s23, $0xb8;
	[tilespmem:$0x1B600] =	vst v63  }
0x24b: {  	_ =	swait.ge [sflag:s0], $0x800  }
0x24c: {  	[sflag:s0] =	ssyncset.done $0x0  }
0x24d: {  	s11 =	simm.s32 $0x280;
	[sflag:s0] =	ssyncadd.s32 $0xFFFFF800  }
0x24e: {  	[spmem:s3] =	stream.indirect.scatter.add.f32 [tilespmem:s1], [sflag:$0x7], $0x10, s11, s23, $0xb8;
	[tilespmem:$0x1B600] =	vst v63  }
0x24f: {  	_ =	swait.ge [sflag:s5], $0x800  }
0x250: {  	[sflag:s5] =	ssyncset.done $0x0  }
0x251: {  	s12 =	simm.s32 $0x500;
	[sflag:s5] =	ssyncadd.s32 $0xFFFFF800  }
0x252: {  	[tilespmem:s30], [sflag:$0x2] =	stream.indirect.gather [spmem:s4], $0x10, s12, s23, $0xb8;
	[tilespmem:$0x1B600] =	vst v63  }
0x253: {  	_ =	swait.ge [sflag:s18], $0x800  }
0x254: {  	[sflag:s18] =	ssyncset.done $0x0  }
0x255: {  	s13 =	simm.s32 $0x380;
	[sflag:s18] =	ssyncadd.s32 $0xFFFFF800  }
0x256: {  	[spmem:s3] =	stream.indirect.scatter.add.f32 [tilespmem:s29], [sflag:$0x8], $0x10, s13, s23, $0xb8;
	[tilespmem:$0x1B600] =	vst v63  }
0x257: {  	_ =	swait.ge [sflag:s8], $0x800  }
0x258: {  	[sflag:s8] =	ssyncset.done $0x0  }
0x259: {  	s15 =	simm.s32 $0x600;
	[sflag:s8] =	ssyncadd.s32 $0xFFFFF800  }
0x25a: {  	[tilespmem:s1], [sflag:$0x3] =	stream.indirect.gather [spmem:s4], $0x10, s15, s23, $0xb8;
	[tilespmem:$0x1B600] =	vst v63  }
0x25b: {  	_ =	swait.ge [sflag:s20], $0x800  }
0x25c: {  	[sflag:s20] =	ssyncset.done $0x0  }
0x25d: {  	s16 =	simm.s32 $0x480;
	[sflag:s20] =	ssyncadd.s32 $0xFFFFF800  }
0x25e: {  	[spmem:s3] =	stream.indirect.scatter.add.f32 [tilespmem:s28], [sflag:$0x5], $0x10, s16, s23, $0xb8;
	[tilespmem:$0x1B600] =	vst v63  }
0x25f: {  	_ =	swait.ge [sflag:s26], $0x800  }
0x260: {  	[sflag:s26] =	ssyncset.done $0x0  }
0x261: {  	s17 =	simm.s32 $0x700;
	[sflag:s26] =	ssyncadd.s32 $0xFFFFF800  }
0x262: {  	[tilespmem:s29], [sflag:$0x4] =	stream.indirect.gather [spmem:s4], $0x10, s17, s23, $0xb8;
	[tilespmem:$0x1B600] =	vst v63  }
0x263: {  	_ =	swait.ge [sflag:s31], $0x800  }
0x264: {  	[sflag:s31] =	ssyncset.done $0x0  }
0x265: {  	s10 =	simm.s32 $0x1000;
	s11 =	simm.s32 $0x580;
	[sflag:s31] =	ssyncadd.s32 $0xFFFFF800  }
.LBB2_10:
0x266: {  	[spmem:s3] =	stream.indirect.scatter.add.f32 [tilespmem:s30], [sflag:$0x6], $0x10, s11, s23, $0xb8;
	[tilespmem:$0x1B600] =	vst v63  }
0x267: {  	s11 =	smov.u32 s10  }
0x268: {  	p3 =	sne.s32 s10, $0x11000;
	s10 =	sadd.s32 $0x1000, s10;
	_ =	swait.ge [sflag:s24], $0x800  }
0x269: {  	s11 =	sshra.s32 s11, $0x2;
	[sflag:s24] =	ssyncset.done $0x0  }
0x26a: {  	s12 =	sadd.s32 $0x400, s11;
	[sflag:s24] =	ssyncadd.s32 $0xFFFFF800  }
0x26b: {  	[tilespmem:s28], [sflag:$0x1] =	stream.indirect.gather [spmem:s4], $0x10, s12, s23, $0xb8;
	[tilespmem:$0x1B600] =	vst v63  }
0x26c: {  	_ =	swait.ge [sflag:s0], $0x800  }
0x26d: {  	[sflag:s0] =	ssyncset.done $0x0  }
0x26e: {  	s12 =	sadd.s32 $0x280, s11;
	[sflag:s0] =	ssyncadd.s32 $0xFFFFF800  }
0x26f: {  	[spmem:s3] =	stream.indirect.scatter.add.f32 [tilespmem:s1], [sflag:$0x7], $0x10, s12, s23, $0xb8;
	[tilespmem:$0x1B600] =	vst v63  }
0x270: {  	_ =	swait.ge [sflag:s5], $0x800  }
0x271: {  	[sflag:s5] =	ssyncset.done $0x0  }
0x272: {  	s12 =	sadd.s32 $0x500, s11;
	[sflag:s5] =	ssyncadd.s32 $0xFFFFF800  }
0x273: {  	[tilespmem:s30], [sflag:$0x2] =	stream.indirect.gather [spmem:s4], $0x10, s12, s23, $0xb8;
	[tilespmem:$0x1B600] =	vst v63  }
0x274: {  	_ =	swait.ge [sflag:s18], $0x800  }
0x275: {  	[sflag:s18] =	ssyncset.done $0x0  }
0x276: {  	s12 =	sadd.s32 $0x380, s11;
	[sflag:s18] =	ssyncadd.s32 $0xFFFFF800  }
0x277: {  	[spmem:s3] =	stream.indirect.scatter.add.f32 [tilespmem:s29], [sflag:$0x8], $0x10, s12, s23, $0xb8;
	[tilespmem:$0x1B600] =	vst v63  }
0x278: {  	_ =	swait.ge [sflag:s8], $0x800  }
0x279: {  	[sflag:s8] =	ssyncset.done $0x0  }
0x27a: {  	s12 =	sadd.s32 $0x600, s11;
	[sflag:s8] =	ssyncadd.s32 $0xFFFFF800  }
0x27b: {  	[tilespmem:s1], [sflag:$0x3] =	stream.indirect.gather [spmem:s4], $0x10, s12, s23, $0xb8;
	[tilespmem:$0x1B600] =	vst v63  }
0x27c: {  	_ =	swait.ge [sflag:s20], $0x800  }
0x27d: {  	[sflag:s20] =	ssyncset.done $0x0  }
0x27e: {  	s12 =	sadd.s32 $0x480, s11;
	[sflag:s20] =	ssyncadd.s32 $0xFFFFF800  }
0x27f: {  	[spmem:s3] =	stream.indirect.scatter.add.f32 [tilespmem:s28], [sflag:$0x5], $0x10, s12, s23, $0xb8;
	[tilespmem:$0x1B600] =	vst v63  }
0x280: {  	_ =	swait.ge [sflag:s26], $0x800  }
0x281: {  	[sflag:s26] =	ssyncset.done $0x0  }
.Ltmp4:
0x282: {  	s12 =	sadd.s32 $0x700, s11;
	[sflag:s26] =	ssyncadd.s32 $0xFFFFF800;
	(pc) =	sbr.rel @p3 .LBB2_10-.Ltmp4, $4  }
0x283: {  	[tilespmem:s29], [sflag:$0x4] =	stream.indirect.gather [spmem:s4], $0x10, s12, s23, $0xb8;
	[tilespmem:$0x1B600] =	vst v63  }
0x284: {  	_ =	swait.ge [sflag:s31], $0x800  }
0x285: {  	[sflag:s31] =	ssyncset.done $0x0  }
0x286: {  	s11 =	sadd.s32 $0x580, s11;
	[sflag:s31] =	ssyncadd.s32 $0xFFFFF800  }
0x287: {  	[spmem:s3] =	stream.indirect.scatter.add.f32 [tilespmem:s30], [sflag:$0x6], $0x10, s11, s23, $0xb8;
	[tilespmem:$0x1B600] =	vst v63  }
0x288: {  	_ =	swait.ge [sflag:s24], $0x800  }
0x289: {  	[sflag:s24] =	ssyncset.done $0x0  }
0x28a: {  	s10 =	simm.s32 $0x4C00;
	[sflag:s24] =	ssyncadd.s32 $0xFFFFF800  }
0x28b: {  	[tilespmem:s28], [sflag:$0x1] =	stream.indirect.gather [spmem:s4], $0x10, s10, s23, $0xb8;
	[tilespmem:$0x1B600] =	vst v63  }
0x28c: {  	_ =	swait.ge [sflag:s0], $0x800  }
0x28d: {  	[sflag:s0] =	ssyncset.done $0x0  }
0x28e: {  	s15 =	simm.s32 $0x4A80;
	[sflag:s0] =	ssyncadd.s32 $0xFFFFF800  }
0x28f: {  	[spmem:s3] =	stream.indirect.scatter.add.f32 [tilespmem:s1], [sflag:$0x7], $0x10, s15, s23, $0xb8;
	[tilespmem:$0x1B600] =	vst v63  }
0x290: {  	_ =	swait.ge [sflag:s5], $0x800  }
0x291: {  	[sflag:s5] =	ssyncset.done $0x0  }
0x292: {  	s16 =	simm.s32 $0x4D00;
	[sflag:s5] =	ssyncadd.s32 $0xFFFFF800  }
0x293: {  	[tilespmem:s30], [sflag:$0x2] =	stream.indirect.gather [spmem:s4], $0x10, s16, s23, $0xb8;
	[tilespmem:$0x1B600] =	vst v63  }
0x294: {  	_ =	swait.ge [sflag:s18], $0x800  }
0x295: {  	[sflag:s18] =	ssyncset.done $0x0  }
0x296: {  	s17 =	simm.s32 $0x4B80;
	[sflag:s18] =	ssyncadd.s32 $0xFFFFF800  }
0x297: {  	[spmem:s3] =	stream.indirect.scatter.add.f32 [tilespmem:s29], [sflag:$0x8], $0x10, s17, s23, $0xb8;
	[tilespmem:$0x1B600] =	vst v63  }
0x298: {  	_ =	swait.ge [sflag:s8], $0x800  }
0x299: {  	[sflag:s8] =	ssyncset.done $0x0  }
0x29a: {  	[sflag:s8] =	ssyncadd.s32 $0xFFFFF800  }
0x29b: {  	_ =	swait.ge [sflag:s20], $0x800  }
0x29c: {  	[sflag:s20] =	ssyncset.done $0x0  }
0x29d: {  	s11 =	simm.s32 $0x4C80;
	[sflag:s20] =	ssyncadd.s32 $0xFFFFF800  }
0x29e: {  	[spmem:s3] =	stream.indirect.scatter.add.f32 [tilespmem:s28], [sflag:$0x5], $0x10, s11, s23, $0xb8;
	[tilespmem:$0x1B600] =	vst v63  }
0x29f: {  	_ =	swait.ge [sflag:s26], $0x800  }
0x2a0: {  	[sflag:s26] =	ssyncset.done $0x0  }
0x2a1: {  	[sflag:s26] =	ssyncadd.s32 $0xFFFFF800  }
0x2a2: {  	_ =	swait.ge [sflag:s31], $0x800  }
0x2a3: {  	[sflag:s31] =	ssyncset.done $0x0  }
0x2a4: {  	s12 =	simm.s32 $0x4D80;
	[sflag:s31] =	ssyncadd.s32 $0xFFFFF800  }
0x2a5: {  	[spmem:s3] =	stream.indirect.scatter.add.f32 [tilespmem:s30], [sflag:$0x6], $0x10, s12, s23, $0xb8;
	[tilespmem:$0x1B600] =	vst v63  }
0x2a6: {  	_ =	swait.ge [sflag:s24], $0x800  }
0x2a7: {  	[sflag:s24] =	ssyncset.done $0x0  }
0x2a8: {  	[sflag:s24] =	ssyncadd.s32 $0xFFFFF800  }
0x2a9: {  	_ =	swait.ge [sflag:s5], $0x800  }
0x2aa: {  	s10 =	simm.s32 @!p0 $0x80;
	[sflag:s5] =	ssyncset.done $0x0  }
0x2ab: {  	s11 =	simm.s32 @!p0 $0x4E00;
	s12 =	simm.s32 @!p0 $0x14380;
	[sflag:s5] =	ssyncadd.s32 $0xFFFFF800  }
0x2ac: {  	[tilespmem:s12], [sflag:$0xA] =	stream.indirect.gather @!p0 [spmem:s4], $0x10, s11, s10, $0xb8;
	[tilespmem:$0x1B600] =	vst v63  }
0x2ad: {  	s11 =	simm.s32 @!p0 $0xA  }
0x2ae: {  	_ =	swait.ge @!p0 [sflag:s11], $0x800  }
0x2af: {  	[sflag:s11] =	ssyncset.done @!p0 $0x0  }
0x2b0: {  	s13 =	simm.s32 @!p0 $0x4E80;
	[sflag:s11] =	ssyncadd.s32 @!p0 $0xFFFFF800  }
0x2b1: {  	[spmem:s3] =	stream.indirect.scatter.add.f32 @!p0 [tilespmem:s12], [sflag:$0xA], $0x10, s13, s10, $0xb8;
	[tilespmem:$0x1B600] =	vst v63  }
0x2b2: {  	_ =	swait.ge @!p0 [sflag:s11], $0x800  }
0x2b3: {  	[sflag:s11] =	ssyncset.done @!p0 $0x0  }
0x2b4: {  	s13 =	stileid.u32;
	[sflag:s11] =	ssyncadd.s32 @!p0 $0xFFFFF800  }
0x2b5: {  	s10 =	sshll.u32 s13, $0x6;
	[bflag:$0x0] =	sbarrier.arrive $0xFFFF  }
0x2b6: {  	s15 =	sshrl.u32 s7, $0x3;
	s10 =	sor.u32 $0x1C0A, s10;
	s16 =	rddreg [dreg:$0xe]  }
0x2b7: {  	[hbm:s16], [sflag:s10] =	dma.local [spmem:s15], $0x500  }
0x2b8: {  	_ =	swait.ge [sflag:s19], $0x500  }
0x2b9: {  	s9 =	sadd.s32 $0x1, s9;
	s17 =	rddreg [dreg:$0xf]  }
0x2ba: {  	p3 =	sne.s32 s9, s17  }
.Ltmp5:
0x2bb: {  	_ = 	snop;
	(pc) =	sbr.rel @p3 .LBB2_1-.Ltmp5, $3  }
0x2bc: {  	_ =	sdelay $0x1  }
0x2bd: {  	[sflag:s19] =	ssyncset.done $0x0  }
0x2be: {  	s13 =	simm.s32 $0x9E80;
	[sflag:s19] =	ssyncadd.s32 $0xFFFFFB00  }
0x2bf: {  	_ =	sfence.sel $0x180000  }
0x2c0: {  	[bflag:$0x0] =	sbarrier.arrive $0xFFFF  }
0x2c1: {  	_ =	strace $0x90000047  }
0x2c2: {  	s0 =	stileid.u32;
	[bflag:$0x2] =	sbarrier.arrive $0xFFFF  }
0x2c3: {  	p0 =	sne.s32 s0, $0x0;
	s0 =	rddreg [dreg:$0x5]  }
0x2c4: {  	s0 =	sadd.s32 @!p0 $0x100000, s0  }
0x2c5: {  	[sflag:s0] =	ssyncadd.tile.s32 @!p0 $0x1;
	_ =	shalt  }
.Lfunc_end2:
_tile_overlayer_lowered:
.L_overlay_start_2:
0x2c6: {  	(tag) =	ssettag $0x2  }
0x2c7: {  	s0 =	rddreg [dreg:$0x0];
	s2 =	stileid.u32  }
0x2c8: {  	s1 =	rddreg [dreg:$0x1];
	p0 =	sne.s32 s2, $0x0  }
0x2c9: {  	s3 =	rddreg [dreg:$0x2];
	[bflag:$0x3] =	sbarrier.arrive $0xFFFF;
	s2 =	simm.s32 @!p0 $0x1C0A  }
0x2ca: {  	[timem:s3], [sflag:s2] =	dma.local @!p0 [hbm:s0], s1  }
0x2cb: {  	s0 =	simm.s32 @!p0 $0xA  }
0x2cc: {  	_ =	swait.ge @!p0 [sflag:s0], s1  }
0x2cd: {  	s1 =	ssub.s32 @!p0 $0x0, s1;
	[sflag:s0] =	ssyncset.done @!p0 $0x0  }
0x2ce: {  	[sflag:s0] =	ssyncadd.s32 @!p0 s1  }
0x2cf: {  	[bflag:$0x3] =	sbarrier.arrive $0xFFFF  }
0x2d0: {  	_ =	shalt  }

</sc_bundles>
